<compile_context>
chip_gen: v7x
topology: tpu7x:2x2x1
jax: 0.10.2.dev20260603
libtpu: 0.0.44.dev20260713+nightly
codegen_flags: <defaults>
</compile_context>

<pallas_src>
import functools

import jax
import jax.numpy as jnp
from jax import lax
from jax.experimental import pallas as pl
from jax.experimental.pallas import tpu as pltpu
from jax.experimental.pallas import tpu_sc as plsc

_L = 16


def _sc_dots(center, target, negr, v_pack, u_pack, B, K, D, H, nw, nc):
    bpw = B // nw
    S = 8
    nsub = bpw // S
    spk = S * K
    gpk = spk // _L
    gsizes = []
    rem = spk
    while rem > 0:
        gsizes.append(min(128, rem))
        rem -= gsizes[-1]
    nchunk = D // _L
    Dp = 2 * D

    mesh = plsc.VectorSubcoreMesh(core_axis_name="c", subcore_axis_name="s")

    @functools.partial(
        pl.kernel,
        mesh=mesh,
        compiler_params=pltpu.CompilerParams(needs_layout_passes=False),
        out_type=[
            jax.ShapeDtypeStruct((B,), jnp.float32),
            jax.ShapeDtypeStruct((B * K,), jnp.float32),
        ],
        scratch_types=[
            pltpu.VMEM((bpw,), jnp.int32),
            pltpu.VMEM((bpw + _L,), jnp.int32),
            pltpu.VMEM((bpw,), jnp.int32),
            pltpu.VMEM((bpw + _L,), jnp.int32),
            pltpu.VMEM((bpw * K,), jnp.int32),
            pltpu.VMEM((bpw * K + _L,), jnp.int32),
            pltpu.VMEM((bpw, Dp), jnp.float32),
            pltpu.VMEM((bpw, Dp), jnp.float32),
            pltpu.VMEM((spk, Dp), jnp.float32),
            pltpu.VMEM((spk, Dp), jnp.float32),
            pltpu.VMEM((spk, _L), jnp.float32),
            pltpu.VMEM((bpw,), jnp.float32),
            pltpu.VMEM((spk,), jnp.float32),
            pltpu.VMEM((spk,), jnp.float32),
            pltpu.SemaphoreType.DMA,
            pltpu.SemaphoreType.DMA,
            pltpu.SemaphoreType.DMA,
            pltpu.SemaphoreType.DMA,
            pltpu.SemaphoreType.DMA,
            pltpu.SemaphoreType.DMA,
        ],
    )
    def sc_kernel(center_hbm, target_hbm, negr_hbm, vemb_hbm, uemb_hbm,
                  pos_hbm, negout_hbm,
                  cidx, cpar, tidx, tpar, nidx, npar,
                  vrows, urows, nrows0, nrows1,
                  accb, posd, negd0, negd1,
                  semi, semv, semu, semn0, semn1, semd):
        nrows = (nrows0, nrows1)
        negd = (negd0, negd1)
        nsem = (semn0, semn1)
        wid = lax.axis_index("s") * nc + lax.axis_index("c")
        base = wid * bpw
        lane = lax.iota(jnp.int32, _L)

        def split_idx(idx_ref, par_ref, n):
            def it(i, carry):
                v = idx_ref[pl.ds(i * _L, _L)]
                hi = v >= H
                par_ref[pl.ds(i * _L, _L)] = jnp.where(hi, D, 0)
                idx_ref[pl.ds(i * _L, _L)] = jnp.where(hi, v - H, v)
                return carry
            lax.fori_loop(0, n // _L, it, 0)

        hc = pltpu.async_copy(center_hbm.at[pl.ds(base, bpw)], cidx, semi)
        ht = pltpu.async_copy(target_hbm.at[pl.ds(base, bpw)], tidx, semi)
        hn_idx = pltpu.async_copy(
            negr_hbm.at[pl.ds(base * K, bpw * K)], nidx, semi)
        hc.wait()
        ht.wait()
        split_idx(cidx, cpar, bpw)
        split_idx(tidx, tpar, bpw)
        hv = pltpu.async_copy(vemb_hbm.at[cidx], vrows, semv)
        hu = pltpu.async_copy(uemb_hbm.at[tidx], urows, semu)
        hn_idx.wait()
        split_idx(nidx, npar, bpw * K)

        def fire_neg_gathers(t, slot):
            off = 0
            for g in gsizes:
                pltpu.async_copy(
                    uemb_hbm.at[nidx.at[pl.ds(t * spk + off, g)]],
                    nrows[slot].at[pl.ds(off, g)],
                    nsem[slot])
                off += g

        def drain_neg_gathers(slot):
            off = 0
            for g in gsizes:
                pltpu.make_async_copy(
                    uemb_hbm.at[pl.ds(0, g)],
                    nrows[slot].at[pl.ds(off, g)],
                    nsem[slot]).wait()
                off += g

        fire_neg_gathers(0, 0)

        def reduce_groups(ngroups, out_ref):
            def group(g, carry):
                rowi = lane + g * _L
                tot = plsc.load_gather(accb, [rowi, jnp.zeros((_L,), jnp.int32)])
                for l in range(1, _L):
                    tot = tot + plsc.load_gather(
                        accb, [rowi, jnp.full((_L,), l, jnp.int32)])
                out_ref[pl.ds(g * _L, _L)] = tot
                return carry
            lax.fori_loop(0, ngroups, group, 0)

        hv.wait()
        hu.wait()

        def pos_row(r, carry):
            cb = cpar[pl.ds(r, _L)][0]
            tb = tpar[pl.ds(r, _L)][0]
            acc = (urows[r, pl.ds(tb, _L)] * vrows[r, pl.ds(cb, _L)])
            for c in range(1, nchunk):
                acc = acc + (urows[r, pl.ds(tb + c * _L, _L)]
                             * vrows[r, pl.ds(cb + c * _L, _L)])
            accb[r, :] = acc
            return carry
        lax.fori_loop(0, bpw, pos_row, 0)
        reduce_groups(bpw // _L, posd)
        pltpu.sync_copy(posd, pos_hbm.at[pl.ds(base, bpw)])

        def half(t, slot):
            @pl.when(t + 1 < nsub)
            def _():
                fire_neg_gathers(t + 1, 1 - slot)
            drain_neg_gathers(slot)

            @pl.when(t >= 2)
            def _():
                pltpu.make_async_copy(
                    negd[slot], negout_hbm.at[pl.ds(base * K, spk)],
                    semd).wait()

            def neg_row(j, carry):
                rr = t * S + j
                cb = cpar[pl.ds(rr, _L)][0]
                vc = [vrows[rr, pl.ds(cb + c * _L, _L)] for c in range(nchunk)]
                parv = [npar[pl.ds((t * S + j) * K + 16 * u, _L)]
                        for u in range((K + _L - 1) // _L)]
                for k in range(K):
                    row = j * K + k
                    nb = parv[k // _L][k % _L]
                    acc = nrows[slot][row, pl.ds(nb, _L)] * vc[0]
                    for c in range(1, nchunk):
                        acc = acc + (nrows[slot][row, pl.ds(nb + c * _L, _L)]
                                     * vc[c])
                    accb[row, :] = acc
                return carry
            lax.fori_loop(0, S, neg_row, 0)

            reduce_groups(gpk, negd[slot])
            pltpu.async_copy(
                negd[slot],
                negout_hbm.at[pl.ds((base + t * S) * K, spk)],
                semd)

        def pair(s2, carry):
            half(2 * s2, 0)
            half(2 * s2 + 1, 1)
            return carry
        lax.fori_loop(0, nsub // 2, pair, 0)

        for _ in range(2):
            pltpu.make_async_copy(
                negd[0], negout_hbm.at[pl.ds(base * K, spk)], semd).wait()

    return sc_kernel(center, target, negr, v_pack, u_pack)


def _tc_loss(pos2d, neg2d, B):
    def body(pos_ref, neg_ref, o_ref):
        lp = jax.nn.log_sigmoid(pos_ref[...])
        ln = jax.nn.log_sigmoid(-neg_ref[...])
        o_ref[0, 0] = -(jnp.sum(lp) + jnp.sum(ln)) / jnp.float32(B)

    out = pl.pallas_call(
        body,
        out_shape=jax.ShapeDtypeStruct((1, 1), jnp.float32),
        out_specs=pl.BlockSpec(memory_space=pltpu.SMEM),
    )(pos2d, neg2d)
    return out[0, 0]


def kernel(center, target, negative, v_emb, u_emb):
    B = center.shape[0]
    V, D = v_emb.shape
    K = negative.shape[1]

    info = plsc.get_sparse_core_info()
    nc, ns = info.num_cores, info.num_subcores
    nw = nc * ns

    center = center.astype(jnp.int32)
    target = target.astype(jnp.int32)
    negr = negative.astype(jnp.int32).reshape(B * K)

    H = V
    v_pack = jnp.pad(v_emb, ((0, 0), (0, D)))
    u_pack = jnp.pad(u_emb, ((0, 0), (0, D)))

    pos, negdots = _sc_dots(center, target, negr, v_pack, u_pack,
                            B, K, D, H, nw, nc)

    pos2d = pos.reshape(B // 128, 128)
    neg2d = negdots.reshape(B * K // 128, 128)
    return _tc_loss(pos2d, neg2d, B)

# --- scband reference (transcript-rebuilt; emitter-appended) ---
"""Pipeline reference for scband-word2-vec-neg-56538949485312 (READ-ONLY COPY).

The authoritative reference and input builder live on the scoring server;
editing this copy changes nothing except your own understanding.
"""

import jax, jax.numpy as jnp
import numpy as np

V_SIZE = 1000000
EMB_DIM = 64
BATCH = 4096
N_NEG = 20


def setup_inputs(seed: int = 0) -> dict:
    key = jax.random.key(seed)
    k1, k2, k3, k4, k5 = jax.random.split(key, 5)
    center = jax.random.randint(k1, (BATCH,), 0, V_SIZE, dtype=jnp.int64) if jax.config.jax_enable_x64 else jax.random.randint(k1, (BATCH,), 0, V_SIZE).astype(jnp.int32)
    target = jax.random.randint(k2, (BATCH,), 0, V_SIZE).astype(center.dtype)
    negative = jax.random.randint(k3, (BATCH, N_NEG), 0, V_SIZE).astype(center.dtype)
    v_emb = jax.random.normal(k4, (V_SIZE, EMB_DIM), dtype=jnp.float32)
    u_emb = jax.random.normal(k5, (V_SIZE, EMB_DIM), dtype=jnp.float32)
    return {"center": center, "target": target, "negative": negative, "v_emb": v_emb, "u_emb": u_emb}


def reference(center, target, negative, v_emb, u_emb):
    B = center.shape[0]
    # v_embeddings(center).view(B, 1, -1)
    v = jnp.take(v_emb, center, axis=0).reshape(B, 1, -1)
    # u_embeddings(target).view(B, 1, -1)
    u = jnp.take(u_emb, target, axis=0).reshape(B, 1, -1)
    # -u_embeddings(negative)  -> [B, K, D]
    n = -jnp.take(u_emb, negative, axis=0)
    # bmm(u, v^T).view(B, -1) -> [B, 1]
    pos = jnp.matmul(u, jnp.swapaxes(v, 1, 2)).reshape(B, -1)
    # bmm(n, v^T).squeeze(2) -> [B, K]
    neg = jnp.squeeze(jnp.matmul(n, jnp.swapaxes(v, 1, 2)), axis=2)
    # Note: [B,1] + [B] broadcasts to [B,B], exactly as in the torch module
    loss = -jnp.mean(jax.nn.log_sigmoid(pos) + jnp.sum(jax.nn.log_sigmoid(neg), axis=1))
    return loss

if __name__ == "__main__":
    import jax
    _d = setup_inputs()
    print(jax.jit(kernel)(*tuple(_d.values())))

</pallas_src>

<mosaic_0001>
#map = affine_map<(d0, d1) -> (0)>
#map1 = affine_map<(d0, d1) -> (0, 0)>
module attributes {stable_mosaic.version = 14 : i64} {
  func.func @sc_kernel(%arg0: i32, %arg1: i32, %arg2: memref<4096xi32, #tpu.memory_space<hbm>>, %arg3: memref<4096xi32, #tpu.memory_space<hbm>>, %arg4: memref<81920xi32, #tpu.memory_space<hbm>>, %arg5: memref<1000000x128xf32, #tpu.memory_space<hbm>>, %arg6: memref<1000000x128xf32, #tpu.memory_space<hbm>>, %arg7: memref<4096xf32, #tpu.memory_space<hbm>>, %arg8: memref<81920xf32, #tpu.memory_space<hbm>>, %arg9: memref<128xi32, #tpu.memory_space<vmem>>, %arg10: memref<144xi32, #tpu.memory_space<vmem>>, %arg11: memref<128xi32, #tpu.memory_space<vmem>>, %arg12: memref<144xi32, #tpu.memory_space<vmem>>, %arg13: memref<2560xi32, #tpu.memory_space<vmem>>, %arg14: memref<2576xi32, #tpu.memory_space<vmem>>, %arg15: memref<128x128xf32, #tpu.memory_space<vmem>>, %arg16: memref<128x128xf32, #tpu.memory_space<vmem>>, %arg17: memref<160x128xf32, #tpu.memory_space<vmem>>, %arg18: memref<160x128xf32, #tpu.memory_space<vmem>>, %arg19: memref<160x16xf32, #tpu.memory_space<vmem>>, %arg20: memref<128xf32, #tpu.memory_space<vmem>>, %arg21: memref<160xf32, #tpu.memory_space<vmem>>, %arg22: memref<160xf32, #tpu.memory_space<vmem>>, %arg23: memref<!tpu.dma_semaphore, #tpu.memory_space<semaphore_mem>>, %arg24: memref<!tpu.dma_semaphore, #tpu.memory_space<semaphore_mem>>, %arg25: memref<!tpu.dma_semaphore, #tpu.memory_space<semaphore_mem>>, %arg26: memref<!tpu.dma_semaphore, #tpu.memory_space<semaphore_mem>>, %arg27: memref<!tpu.dma_semaphore, #tpu.memory_space<semaphore_mem>>, %arg28: memref<!tpu.dma_semaphore, #tpu.memory_space<semaphore_mem>>) attributes {dimension_semantics = [#tpu.dimension_semantics<core_parallel>, #tpu.dimension_semantics<subcore_parallel>], iteration_bounds = array<i64: 2, 16>, scalar_prefetch = 0 : i64, scratch_operands = 20 : i64, tpu.core_type = #tpu.core_type<sc_vector_subcore>, window_params = [{transform_indices = #map}, {transform_indices = #map}, {transform_indices = #map}, {transform_indices = #map1}, {transform_indices = #map1}, {transform_indices = #map}, {transform_indices = #map}]} {
    %mul3A = arith.constant 2 : i32
    %mul3A_0 = arith.muli %arg1, %mul3A : i32
    %add3A = arith.addi %mul3A_0, %arg0 : i32
    %mul3A_1 = arith.constant 128 : i32
    %mul3A_2 = arith.muli %add3A, %mul3A_1 : i32
    %iota3A = tpu.iota {dimensions = array<i32: 0>} : vector<16xi32>
    %dma_start3A = tpu.memref_slice %arg2[%mul3A_2] : memref<4096xi32, #tpu.memory_space<hbm>> -> memref<128xi32, #tpu.memory_space<hbm>>
    %dma_start3A_3 = tpu.memref_slice %arg2[%mul3A_2] : memref<4096xi32, #tpu.memory_space<hbm>> -> memref<128xi32, #tpu.memory_space<hbm>>
    tpu.enqueue_dma source(%dma_start3A_3 : memref<128xi32, #tpu.memory_space<hbm>>) target(%arg9 : memref<128xi32, #tpu.memory_space<vmem>>) target_semaphore(%arg23 : memref<!tpu.dma_semaphore, #tpu.memory_space<semaphore_mem>>)
    %dma_start3A_4 = tpu.memref_slice %arg3[%mul3A_2] : memref<4096xi32, #tpu.memory_space<hbm>> -> memref<128xi32, #tpu.memory_space<hbm>>
    %dma_start3A_5 = tpu.memref_slice %arg3[%mul3A_2] : memref<4096xi32, #tpu.memory_space<hbm>> -> memref<128xi32, #tpu.memory_space<hbm>>
    tpu.enqueue_dma source(%dma_start3A_5 : memref<128xi32, #tpu.memory_space<hbm>>) target(%arg11 : memref<128xi32, #tpu.memory_space<vmem>>) target_semaphore(%arg23 : memref<!tpu.dma_semaphore, #tpu.memory_space<semaphore_mem>>)
    %mul3A_6 = arith.constant 20 : i32
    %mul3A_7 = arith.muli %mul3A_2, %mul3A_6 : i32
    %dma_start3A_8 = tpu.memref_slice %arg4[%mul3A_7] : memref<81920xi32, #tpu.memory_space<hbm>> -> memref<2560xi32, #tpu.memory_space<hbm>>
    %dma_start3A_9 = tpu.memref_slice %arg4[%mul3A_7] : memref<81920xi32, #tpu.memory_space<hbm>> -> memref<2560xi32, #tpu.memory_space<hbm>>
    tpu.enqueue_dma source(%dma_start3A_9 : memref<2560xi32, #tpu.memory_space<hbm>>) target(%arg13 : memref<2560xi32, #tpu.memory_space<vmem>>) target_semaphore(%arg23 : memref<!tpu.dma_semaphore, #tpu.memory_space<semaphore_mem>>)
    %dma_wait3A = tpu.memref_slice %arg2[%mul3A_2] : memref<4096xi32, #tpu.memory_space<hbm>> -> memref<128xi32, #tpu.memory_space<hbm>>
    %dma_wait3A_10 = tpu.memref_slice %arg2[%mul3A_2] : memref<4096xi32, #tpu.memory_space<hbm>> -> memref<128xi32, #tpu.memory_space<hbm>>
    tpu.wait_dma2 semaphore(%arg23 : memref<!tpu.dma_semaphore, #tpu.memory_space<semaphore_mem>>) src(%dma_wait3A_10 : memref<128xi32, #tpu.memory_space<hbm>>) dst(%arg9 : memref<128xi32, #tpu.memory_space<vmem>>)
    %dma_wait3A_11 = tpu.memref_slice %arg3[%mul3A_2] : memref<4096xi32, #tpu.memory_space<hbm>> -> memref<128xi32, #tpu.memory_space<hbm>>
    %dma_wait3A_12 = tpu.memref_slice %arg3[%mul3A_2] : memref<4096xi32, #tpu.memory_space<hbm>> -> memref<128xi32, #tpu.memory_space<hbm>>
    tpu.wait_dma2 semaphore(%arg23 : memref<!tpu.dma_semaphore, #tpu.memory_space<semaphore_mem>>) src(%dma_wait3A_12 : memref<128xi32, #tpu.memory_space<hbm>>) dst(%arg11 : memref<128xi32, #tpu.memory_space<vmem>>)
    %scan3A = arith.constant 0 : i32
    %scan3A_13 = arith.constant 0 : i32
    %scan3A_14 = arith.constant 8 : i32
    %scan3A_15 = arith.addi %scan3A_13, %scan3A_14 : i32
    %scan3A_16 = arith.constant 1 : i32
    scf.for %scan3A_86 = %scan3A_13 to %scan3A_15 step %scan3A_16  : i32 {
      %mul3A_87 = arith.constant 16 : i32
      %mul3A_88 = arith.muli %scan3A_86, %mul3A_87 : i32
      %get3A = arith.index_cast %mul3A_88 : i32 to index
      %get3A_89 = tpu.vector_load %arg9[%get3A] {strides = array<i32>} : memref<128xi32, #tpu.memory_space<vmem>>, vector<16xi32>,
      %ge3A = arith.constant 1000000 : i32
      %ge3A_90 = vector.broadcast %ge3A : i32 to vector<16xi32>
      %ge3A_91 = arith.cmpi sge, %get3A_89, %ge3A_90 : vector<16xi32>
      %jit3A = arith.constant 64 : i32
      %jit3A_92 = arith.constant 0 : i32
      %broadcast_in_dim3A = vector.broadcast %jit3A : i32 to vector<16xi32>
      %broadcast_in_dim3A_93 = vector.broadcast %jit3A_92 : i32 to vector<16xi32>
      %select_n3A = arith.select %ge3A_91, %broadcast_in_dim3A, %broadcast_in_dim3A_93 : vector<16xi1>, vector<16xi32>
      %mul3A_94 = arith.constant 16 : i32
      %mul3A_95 = arith.muli %scan3A_86, %mul3A_94 : i32
      %swap3A = arith.index_cast %mul3A_95 : i32 to index
      %swap3A_96 = tpu.vector_load %arg10[%swap3A] {strides = array<i32>} : memref<144xi32, #tpu.memory_space<vmem>>, vector<16xi32>,
      tpu.vector_store %arg10[%swap3A], %select_n3A {strides = array<i32>} : memref<144xi32, #tpu.memory_space<vmem>>, vector<16xi32>,
      %sub3A = arith.constant 1000000 : i32
      %sub3A_97 = vector.broadcast %sub3A : i32 to vector<16xi32>
      %sub3A_98 = arith.subi %get3A_89, %sub3A_97 : vector<16xi32>
      %select_n3A_99 = arith.select %ge3A_91, %sub3A_98, %get3A_89 : vector<16xi1>, vector<16xi32>
      %mul3A_100 = arith.constant 16 : i32
      %mul3A_101 = arith.muli %scan3A_86, %mul3A_100 : i32
      %swap3A_102 = arith.index_cast %mul3A_101 : i32 to index
      %swap3A_103 = tpu.vector_load %arg9[%swap3A_102] {strides = array<i32>} : memref<128xi32, #tpu.memory_space<vmem>>, vector<16xi32>,
      tpu.vector_store %arg9[%swap3A_102], %select_n3A_99 {strides = array<i32>} : memref<128xi32, #tpu.memory_space<vmem>>, vector<16xi32>,
    }
    %scan3A_17 = arith.constant 8 : i32
    %scan3A_18 = arith.constant 0 : i32
    %scan3A_19 = arith.constant 0 : i32
    %scan3A_20 = arith.constant 8 : i32
    %scan3A_21 = arith.addi %scan3A_19, %scan3A_20 : i32
    %scan3A_22 = arith.constant 1 : i32
    scf.for %scan3A_86 = %scan3A_19 to %scan3A_21 step %scan3A_22  : i32 {
      %mul3A_87 = arith.constant 16 : i32
      %mul3A_88 = arith.muli %scan3A_86, %mul3A_87 : i32
      %get3A = arith.index_cast %mul3A_88 : i32 to index
      %get3A_89 = tpu.vector_load %arg11[%get3A] {strides = array<i32>} : memref<128xi32, #tpu.memory_space<vmem>>, vector<16xi32>,
      %ge3A = arith.constant 1000000 : i32
      %ge3A_90 = vector.broadcast %ge3A : i32 to vector<16xi32>
      %ge3A_91 = arith.cmpi sge, %get3A_89, %ge3A_90 : vector<16xi32>
      %jit3A = arith.constant 64 : i32
      %jit3A_92 = arith.constant 0 : i32
      %broadcast_in_dim3A = vector.broadcast %jit3A : i32 to vector<16xi32>
      %broadcast_in_dim3A_93 = vector.broadcast %jit3A_92 : i32 to vector<16xi32>
      %select_n3A = arith.select %ge3A_91, %broadcast_in_dim3A, %broadcast_in_dim3A_93 : vector<16xi1>, vector<16xi32>
      %mul3A_94 = arith.constant 16 : i32
      %mul3A_95 = arith.muli %scan3A_86, %mul3A_94 : i32
      %swap3A = arith.index_cast %mul3A_95 : i32 to index
      %swap3A_96 = tpu.vector_load %arg12[%swap3A] {strides = array<i32>} : memref<144xi32, #tpu.memory_space<vmem>>, vector<16xi32>,
      tpu.vector_store %arg12[%swap3A], %select_n3A {strides = array<i32>} : memref<144xi32, #tpu.memory_space<vmem>>, vector<16xi32>,
      %sub3A = arith.constant 1000000 : i32
      %sub3A_97 = vector.broadcast %sub3A : i32 to vector<16xi32>
      %sub3A_98 = arith.subi %get3A_89, %sub3A_97 : vector<16xi32>
      %select_n3A_99 = arith.select %ge3A_91, %sub3A_98, %get3A_89 : vector<16xi1>, vector<16xi32>
      %mul3A_100 = arith.constant 16 : i32
      %mul3A_101 = arith.muli %scan3A_86, %mul3A_100 : i32
      %swap3A_102 = arith.index_cast %mul3A_101 : i32 to index
      %swap3A_103 = tpu.vector_load %arg11[%swap3A_102] {strides = array<i32>} : memref<128xi32, #tpu.memory_space<vmem>>, vector<16xi32>,
      tpu.vector_store %arg11[%swap3A_102], %select_n3A_99 {strides = array<i32>} : memref<128xi32, #tpu.memory_space<vmem>>, vector<16xi32>,
    }
    %scan3A_23 = arith.constant 8 : i32
    %dma_start3A_24 = arith.constant 0 : i32
    %dma_start3A_25 = arith.constant 0 : i32
    %dma_start3A_26 = tpu.memref_slice %arg5[%dma_start3A_24, %dma_start3A_25] : memref<1000000x128xf32, #tpu.memory_space<hbm>> -> memref<1000000x128xf32, #tpu.memory_space<hbm>>
    tpu.enqueue_indirect_dma source(%dma_start3A_26 : memref<1000000x128xf32, #tpu.memory_space<hbm>>) target(%arg15 : memref<128x128xf32, #tpu.memory_space<vmem>>) offsets(%arg9 : memref<128xi32, #tpu.memory_space<vmem>>) semaphore(%arg24 : memref<!tpu.dma_semaphore, #tpu.memory_space<semaphore_mem>>)
    %dma_start3A_27 = arith.constant 0 : i32
    %dma_start3A_28 = arith.constant 0 : i32
    %dma_start3A_29 = tpu.memref_slice %arg6[%dma_start3A_27, %dma_start3A_28] : memref<1000000x128xf32, #tpu.memory_space<hbm>> -> memref<1000000x128xf32, #tpu.memory_space<hbm>>
    tpu.enqueue_indirect_dma source(%dma_start3A_29 : memref<1000000x128xf32, #tpu.memory_space<hbm>>) target(%arg16 : memref<128x128xf32, #tpu.memory_space<vmem>>) offsets(%arg11 : memref<128xi32, #tpu.memory_space<vmem>>) semaphore(%arg25 : memref<!tpu.dma_semaphore, #tpu.memory_space<semaphore_mem>>)
    %dma_wait3A_30 = tpu.memref_slice %arg4[%mul3A_7] : memref<81920xi32, #tpu.memory_space<hbm>> -> memref<2560xi32, #tpu.memory_space<hbm>>
    %dma_wait3A_31 = tpu.memref_slice %arg4[%mul3A_7] : memref<81920xi32, #tpu.memory_space<hbm>> -> memref<2560xi32, #tpu.memory_space<hbm>>
    tpu.wait_dma2 semaphore(%arg23 : memref<!tpu.dma_semaphore, #tpu.memory_space<semaphore_mem>>) src(%dma_wait3A_31 : memref<2560xi32, #tpu.memory_space<hbm>>) dst(%arg13 : memref<2560xi32, #tpu.memory_space<vmem>>)
    %scan3A_32 = arith.constant 0 : i32
    %scan3A_33 = arith.constant 0 : i32
    %scan3A_34 = arith.constant 160 : i32
    %scan3A_35 = arith.addi %scan3A_33, %scan3A_34 : i32
    %scan3A_36 = arith.constant 1 : i32
    scf.for %scan3A_86 = %scan3A_33 to %scan3A_35 step %scan3A_36  : i32 {
      %mul3A_87 = arith.constant 16 : i32
      %mul3A_88 = arith.muli %scan3A_86, %mul3A_87 : i32
      %get3A = arith.index_cast %mul3A_88 : i32 to index
      %get3A_89 = tpu.vector_load %arg13[%get3A] {strides = array<i32>} : memref<2560xi32, #tpu.memory_space<vmem>>, vector<16xi32>,
      %ge3A = arith.constant 1000000 : i32
      %ge3A_90 = vector.broadcast %ge3A : i32 to vector<16xi32>
      %ge3A_91 = arith.cmpi sge, %get3A_89, %ge3A_90 : vector<16xi32>
      %jit3A = arith.constant 64 : i32
      %jit3A_92 = arith.constant 0 : i32
      %broadcast_in_dim3A = vector.broadcast %jit3A : i32 to vector<16xi32>
      %broadcast_in_dim3A_93 = vector.broadcast %jit3A_92 : i32 to vector<16xi32>
      %select_n3A = arith.select %ge3A_91, %broadcast_in_dim3A, %broadcast_in_dim3A_93 : vector<16xi1>, vector<16xi32>
      %mul3A_94 = arith.constant 16 : i32
      %mul3A_95 = arith.muli %scan3A_86, %mul3A_94 : i32
      %swap3A = arith.index_cast %mul3A_95 : i32 to index
      %swap3A_96 = tpu.vector_load %arg14[%swap3A] {strides = array<i32>} : memref<2576xi32, #tpu.memory_space<vmem>>, vector<16xi32>,
      tpu.vector_store %arg14[%swap3A], %select_n3A {strides = array<i32>} : memref<2576xi32, #tpu.memory_space<vmem>>, vector<16xi32>,
      %sub3A = arith.constant 1000000 : i32
      %sub3A_97 = vector.broadcast %sub3A : i32 to vector<16xi32>
      %sub3A_98 = arith.subi %get3A_89, %sub3A_97 : vector<16xi32>
      %select_n3A_99 = arith.select %ge3A_91, %sub3A_98, %get3A_89 : vector<16xi1>, vector<16xi32>
      %mul3A_100 = arith.constant 16 : i32
      %mul3A_101 = arith.muli %scan3A_86, %mul3A_100 : i32
      %swap3A_102 = arith.index_cast %mul3A_101 : i32 to index
      %swap3A_103 = tpu.vector_load %arg13[%swap3A_102] {strides = array<i32>} : memref<2560xi32, #tpu.memory_space<vmem>>, vector<16xi32>,
      tpu.vector_store %arg13[%swap3A_102], %select_n3A_99 {strides = array<i32>} : memref<2560xi32, #tpu.memory_space<vmem>>, vector<16xi32>,
    }
    %scan3A_37 = arith.constant 160 : i32
    %dma_start3A_38 = arith.constant 0 : i32
    %dma_start3A_39 = arith.constant 0 : i32
    %dma_start3A_40 = tpu.memref_slice %arg17[%dma_start3A_38, %dma_start3A_39] : memref<160x128xf32, #tpu.memory_space<vmem>> -> memref<128x128xf32, #tpu.memory_space<vmem>>
    %dma_start3A_41 = arith.constant 0 : i32
    %dma_start3A_42 = tpu.memref_slice %arg13[%dma_start3A_41] : memref<2560xi32, #tpu.memory_space<vmem>> -> memref<128xi32, #tpu.memory_space<vmem>>
    %dma_start3A_43 = arith.constant 0 : i32
    %dma_start3A_44 = arith.constant 0 : i32
    %dma_start3A_45 = tpu.memref_slice %arg6[%dma_start3A_43, %dma_start3A_44] : memref<1000000x128xf32, #tpu.memory_space<hbm>> -> memref<1000000x128xf32, #tpu.memory_space<hbm>>
    tpu.enqueue_indirect_dma source(%dma_start3A_45 : memref<1000000x128xf32, #tpu.memory_space<hbm>>) target(%dma_start3A_40 : memref<128x128xf32, #tpu.memory_space<vmem>>) offsets(%dma_start3A_42 : memref<128xi32, #tpu.memory_space<vmem>>) semaphore(%arg26 : memref<!tpu.dma_semaphore, #tpu.memory_space<semaphore_mem>>)
    %dma_start3A_46 = arith.constant 128 : i32
    %dma_start3A_47 = arith.constant 0 : i32
    %dma_start3A_48 = tpu.memref_slice %arg17[%dma_start3A_46, %dma_start3A_47] : memref<160x128xf32, #tpu.memory_space<vmem>> -> memref<32x128xf32, #tpu.memory_space<vmem>>
    %dma_start3A_49 = arith.constant 128 : i32
    %dma_start3A_50 = tpu.memref_slice %arg13[%dma_start3A_49] : memref<2560xi32, #tpu.memory_space<vmem>> -> memref<32xi32, #tpu.memory_space<vmem>>
    %dma_start3A_51 = arith.constant 0 : i32
    %dma_start3A_52 = arith.constant 0 : i32
    %dma_start3A_53 = tpu.memref_slice %arg6[%dma_start3A_51, %dma_start3A_52] : memref<1000000x128xf32, #tpu.memory_space<hbm>> -> memref<1000000x128xf32, #tpu.memory_space<hbm>>
    tpu.enqueue_indirect_dma source(%dma_start3A_53 : memref<1000000x128xf32, #tpu.memory_space<hbm>>) target(%dma_start3A_48 : memref<32x128xf32, #tpu.memory_space<vmem>>) offsets(%dma_start3A_50 : memref<32xi32, #tpu.memory_space<vmem>>) semaphore(%arg26 : memref<!tpu.dma_semaphore, #tpu.memory_space<semaphore_mem>>)
    %dma_wait3A_54 = arith.constant 0 : i32
    %dma_wait3A_55 = arith.constant 0 : i32
    %dma_wait3A_56 = tpu.memref_slice %arg5[%dma_wait3A_54, %dma_wait3A_55] : memref<1000000x128xf32, #tpu.memory_space<hbm>> -> memref<1000000x128xf32, #tpu.memory_space<hbm>>
    tpu.wait_indirect_dma semaphore(%arg24 : memref<!tpu.dma_semaphore, #tpu.memory_space<semaphore_mem>>) src(%dma_wait3A_56 : memref<1000000x128xf32, #tpu.memory_space<hbm>>) dst(%arg15 : memref<128x128xf32, #tpu.memory_space<vmem>>)
    %dma_wait3A_57 = arith.constant 0 : i32
    %dma_wait3A_58 = arith.constant 0 : i32
    %dma_wait3A_59 = tpu.memref_slice %arg6[%dma_wait3A_57, %dma_wait3A_58] : memref<1000000x128xf32, #tpu.memory_space<hbm>> -> memref<1000000x128xf32, #tpu.memory_space<hbm>>
    tpu.wait_indirect_dma semaphore(%arg25 : memref<!tpu.dma_semaphore, #tpu.memory_space<semaphore_mem>>) src(%dma_wait3A_59 : memref<1000000x128xf32, #tpu.memory_space<hbm>>) dst(%arg16 : memref<128x128xf32, #tpu.memory_space<vmem>>)
    %scan3A_60 = arith.constant 0 : i32
    %scan3A_61 = arith.constant 0 : i32
    %scan3A_62 = arith.constant 128 : i32
    %scan3A_63 = arith.addi %scan3A_61, %scan3A_62 : i32
    %scan3A_64 = arith.constant 1 : i32
    scf.for %scan3A_86 = %scan3A_61 to %scan3A_63 step %scan3A_64  : i32 {
      %get3A = arith.index_cast %scan3A_86 : i32 to index
      %get3A_87 = tpu.vector_load %arg10[%get3A] {strides = array<i32>} : memref<144xi32, #tpu.memory_space<vmem>>, vector<16xi32>,
      %slice3A = vector.extract_strided_slice %get3A_87 {offsets = [0], sizes = [1], strides = [1]} : vector<16xi32> to vector<1xi32>
      %squeeze3A = vector.extract %slice3A[0] : i32 from vector<1xi32>
      %get3A_88 = arith.index_cast %scan3A_86 : i32 to index
      %get3A_89 = tpu.vector_load %arg12[%get3A_88] {strides = array<i32>} : memref<144xi32, #tpu.memory_space<vmem>>, vector<16xi32>,
      %slice3A_90 = vector.extract_strided_slice %get3A_89 {offsets = [0], sizes = [1], strides = [1]} : vector<16xi32> to vector<1xi32>
      %squeeze3A_91 = vector.extract %slice3A_90[0] : i32 from vector<1xi32>
      %get3A_92 = arith.index_cast %scan3A_86 : i32 to index
      %get3A_93 = arith.index_cast %squeeze3A_91 : i32 to index
      %get3A_94 = tpu.vector_load %arg16[%get3A_92, %get3A_93] {strides = array<i32>} : memref<128x128xf32, #tpu.memory_space<vmem>>, vector<16xf32>,
      %get3A_95 = arith.index_cast %scan3A_86 : i32 to index
      %get3A_96 = arith.index_cast %squeeze3A : i32 to index
      %get3A_97 = tpu.vector_load %arg15[%get3A_95, %get3A_96] {strides = array<i32>} : memref<128x128xf32, #tpu.memory_space<vmem>>, vector<16xf32>,
      %mul3A_98 = arith.mulf %get3A_94, %get3A_97 : vector<16xf32>
      %add3A_99 = arith.constant 16 : i32
      %add3A_100 = arith.addi %squeeze3A_91, %add3A_99 : i32
      %get3A_101 = arith.index_cast %scan3A_86 : i32 to index
      %get3A_102 = arith.index_cast %add3A_100 : i32 to index
      %get3A_103 = tpu.vector_load %arg16[%get3A_101, %get3A_102] {strides = array<i32>} : memref<128x128xf32, #tpu.memory_space<vmem>>, vector<16xf32>,
      %add3A_104 = arith.constant 16 : i32
      %add3A_105 = arith.addi %squeeze3A, %add3A_104 : i32
      %get3A_106 = arith.index_cast %scan3A_86 : i32 to index
      %get3A_107 = arith.index_cast %add3A_105 : i32 to index
      %get3A_108 = tpu.vector_load %arg15[%get3A_106, %get3A_107] {strides = array<i32>} : memref<128x128xf32, #tpu.memory_space<vmem>>, vector<16xf32>,
      %mul3A_109 = arith.mulf %get3A_103, %get3A_108 : vector<16xf32>
      %add3A_110 = arith.addf %mul3A_98, %mul3A_109 : vector<16xf32>
      %add3A_111 = arith.constant 32 : i32
      %add3A_112 = arith.addi %squeeze3A_91, %add3A_111 : i32
      %get3A_113 = arith.index_cast %scan3A_86 : i32 to index
      %get3A_114 = arith.index_cast %add3A_112 : i32 to index
      %get3A_115 = tpu.vector_load %arg16[%get3A_113, %get3A_114] {strides = array<i32>} : memref<128x128xf32, #tpu.memory_space<vmem>>, vector<16xf32>,
      %add3A_116 = arith.constant 32 : i32
      %add3A_117 = arith.addi %squeeze3A, %add3A_116 : i32
      %get3A_118 = arith.index_cast %scan3A_86 : i32 to index
      %get3A_119 = arith.index_cast %add3A_117 : i32 to index
      %get3A_120 = tpu.vector_load %arg15[%get3A_118, %get3A_119] {strides = array<i32>} : memref<128x128xf32, #tpu.memory_space<vmem>>, vector<16xf32>,
      %mul3A_121 = arith.mulf %get3A_115, %get3A_120 : vector<16xf32>
      %add3A_122 = arith.addf %add3A_110, %mul3A_121 : vector<16xf32>
      %add3A_123 = arith.constant 48 : i32
      %add3A_124 = arith.addi %squeeze3A_91, %add3A_123 : i32
      %get3A_125 = arith.index_cast %scan3A_86 : i32 to index
      %get3A_126 = arith.index_cast %add3A_124 : i32 to index
      %get3A_127 = tpu.vector_load %arg16[%get3A_125, %get3A_126] {strides = array<i32>} : memref<128x128xf32, #tpu.memory_space<vmem>>, vector<16xf32>,
      %add3A_128 = arith.constant 48 : i32
      %add3A_129 = arith.addi %squeeze3A, %add3A_128 : i32
      %get3A_130 = arith.index_cast %scan3A_86 : i32 to index
      %get3A_131 = arith.index_cast %add3A_129 : i32 to index
      %get3A_132 = tpu.vector_load %arg15[%get3A_130, %get3A_131] {strides = array<i32>} : memref<128x128xf32, #tpu.memory_space<vmem>>, vector<16xf32>,
      %mul3A_133 = arith.mulf %get3A_127, %get3A_132 : vector<16xf32>
      %add3A_134 = arith.addf %add3A_122, %mul3A_133 : vector<16xf32>
      %swap3A = arith.index_cast %scan3A_86 : i32 to index
      %swap3A_135 = arith.constant 0 : index
      %swap3A_136 = tpu.vector_load %arg19[%swap3A, %swap3A_135] {strides = array<i32>} : memref<160x16xf32, #tpu.memory_space<vmem>>, vector<16xf32>,
      tpu.vector_store %arg19[%swap3A, %swap3A_135], %add3A_134 {strides = array<i32>} : memref<160x16xf32, #tpu.memory_space<vmem>>, vector<16xf32>,
    }
    %scan3A_65 = arith.constant 128 : i32
    %scan3A_66 = arith.constant 0 : i32
    %scan3A_67 = arith.constant 0 : i32
    %scan3A_68 = arith.constant 8 : i32
    %scan3A_69 = arith.addi %scan3A_67, %scan3A_68 : i32
    %scan3A_70 = arith.constant 1 : i32
    scf.for %scan3A_86 = %scan3A_67 to %scan3A_69 step %scan3A_70  : i32 {
      %mul3A_87 = arith.constant 16 : i32
      %mul3A_88 = arith.muli %scan3A_86, %mul3A_87 : i32
      %add3A_89 = vector.broadcast %mul3A_88 : i32 to vector<16xi32>
      %add3A_90 = arith.addi %iota3A, %add3A_89 : vector<16xi32>
      %broadcast_in_dim3A = arith.constant 0 : i32
      %broadcast_in_dim3A_91 = vector.broadcast %broadcast_in_dim3A : i32 to vector<16xi32>
      %gather3A = tpu.vector_load_idx %arg19[%add3A_90, %broadcast_in_dim3A_91] : memref<160x16xf32, #tpu.memory_space<vmem>>[vector<16xi32>, vector<16xi32>], vector<16xf32>,
      %broadcast_in_dim3A_92 = arith.constant 1 : i32
      %broadcast_in_dim3A_93 = vector.broadcast %broadcast_in_dim3A_92 : i32 to vector<16xi32>
      %gather3A_94 = tpu.vector_load_idx %arg19[%add3A_90, %broadcast_in_dim3A_93] : memref<160x16xf32, #tpu.memory_space<vmem>>[vector<16xi32>, vector<16xi32>], vector<16xf32>,
      %add3A_95 = arith.addf %gather3A, %gather3A_94 : vector<16xf32>
      %broadcast_in_dim3A_96 = arith.constant 2 : i32
      %broadcast_in_dim3A_97 = vector.broadcast %broadcast_in_dim3A_96 : i32 to vector<16xi32>
      %gather3A_98 = tpu.vector_load_idx %arg19[%add3A_90, %broadcast_in_dim3A_97] : memref<160x16xf32, #tpu.memory_space<vmem>>[vector<16xi32>, vector<16xi32>], vector<16xf32>,
      %add3A_99 = arith.addf %add3A_95, %gather3A_98 : vector<16xf32>
      %broadcast_in_dim3A_100 = arith.constant 3 : i32
      %broadcast_in_dim3A_101 = vector.broadcast %broadcast_in_dim3A_100 : i32 to vector<16xi32>
      %gather3A_102 = tpu.vector_load_idx %arg19[%add3A_90, %broadcast_in_dim3A_101] : memref<160x16xf32, #tpu.memory_space<vmem>>[vector<16xi32>, vector<16xi32>], vector<16xf32>,
      %add3A_103 = arith.addf %add3A_99, %gather3A_102 : vector<16xf32>
      %broadcast_in_dim3A_104 = arith.constant 4 : i32
      %broadcast_in_dim3A_105 = vector.broadcast %broadcast_in_dim3A_104 : i32 to vector<16xi32>
      %gather3A_106 = tpu.vector_load_idx %arg19[%add3A_90, %broadcast_in_dim3A_105] : memref<160x16xf32, #tpu.memory_space<vmem>>[vector<16xi32>, vector<16xi32>], vector<16xf32>,
      %add3A_107 = arith.addf %add3A_103, %gather3A_106 : vector<16xf32>
      %broadcast_in_dim3A_108 = arith.constant 5 : i32
      %broadcast_in_dim3A_109 = vector.broadcast %broadcast_in_dim3A_108 : i32 to vector<16xi32>
      %gather3A_110 = tpu.vector_load_idx %arg19[%add3A_90, %broadcast_in_dim3A_109] : memref<160x16xf32, #tpu.memory_space<vmem>>[vector<16xi32>, vector<16xi32>], vector<16xf32>,
      %add3A_111 = arith.addf %add3A_107, %gather3A_110 : vector<16xf32>
      %broadcast_in_dim3A_112 = arith.constant 6 : i32
      %broadcast_in_dim3A_113 = vector.broadcast %broadcast_in_dim3A_112 : i32 to vector<16xi32>
      %gather3A_114 = tpu.vector_load_idx %arg19[%add3A_90, %broadcast_in_dim3A_113] : memref<160x16xf32, #tpu.memory_space<vmem>>[vector<16xi32>, vector<16xi32>], vector<16xf32>,
      %add3A_115 = arith.addf %add3A_111, %gather3A_114 : vector<16xf32>
      %broadcast_in_dim3A_116 = arith.constant 7 : i32
      %broadcast_in_dim3A_117 = vector.broadcast %broadcast_in_dim3A_116 : i32 to vector<16xi32>
      %gather3A_118 = tpu.vector_load_idx %arg19[%add3A_90, %broadcast_in_dim3A_117] : memref<160x16xf32, #tpu.memory_space<vmem>>[vector<16xi32>, vector<16xi32>], vector<16xf32>,
      %add3A_119 = arith.addf %add3A_115, %gather3A_118 : vector<16xf32>
      %broadcast_in_dim3A_120 = arith.constant 8 : i32
      %broadcast_in_dim3A_121 = vector.broadcast %broadcast_in_dim3A_120 : i32 to vector<16xi32>
      %gather3A_122 = tpu.vector_load_idx %arg19[%add3A_90, %broadcast_in_dim3A_121] : memref<160x16xf32, #tpu.memory_space<vmem>>[vector<16xi32>, vector<16xi32>], vector<16xf32>,
      %add3A_123 = arith.addf %add3A_119, %gather3A_122 : vector<16xf32>
      %broadcast_in_dim3A_124 = arith.constant 9 : i32
      %broadcast_in_dim3A_125 = vector.broadcast %broadcast_in_dim3A_124 : i32 to vector<16xi32>
      %gather3A_126 = tpu.vector_load_idx %arg19[%add3A_90, %broadcast_in_dim3A_125] : memref<160x16xf32, #tpu.memory_space<vmem>>[vector<16xi32>, vector<16xi32>], vector<16xf32>,
      %add3A_127 = arith.addf %add3A_123, %gather3A_126 : vector<16xf32>
      %broadcast_in_dim3A_128 = arith.constant 10 : i32
      %broadcast_in_dim3A_129 = vector.broadcast %broadcast_in_dim3A_128 : i32 to vector<16xi32>
      %gather3A_130 = tpu.vector_load_idx %arg19[%add3A_90, %broadcast_in_dim3A_129] : memref<160x16xf32, #tpu.memory_space<vmem>>[vector<16xi32>, vector<16xi32>], vector<16xf32>,
      %add3A_131 = arith.addf %add3A_127, %gather3A_130 : vector<16xf32>
      %broadcast_in_dim3A_132 = arith.constant 11 : i32
      %broadcast_in_dim3A_133 = vector.broadcast %broadcast_in_dim3A_132 : i32 to vector<16xi32>
      %gather3A_134 = tpu.vector_load_idx %arg19[%add3A_90, %broadcast_in_dim3A_133] : memref<160x16xf32, #tpu.memory_space<vmem>>[vector<16xi32>, vector<16xi32>], vector<16xf32>,
      %add3A_135 = arith.addf %add3A_131, %gather3A_134 : vector<16xf32>
      %broadcast_in_dim3A_136 = arith.constant 12 : i32
      %broadcast_in_dim3A_137 = vector.broadcast %broadcast_in_dim3A_136 : i32 to vector<16xi32>
      %gather3A_138 = tpu.vector_load_idx %arg19[%add3A_90, %broadcast_in_dim3A_137] : memref<160x16xf32, #tpu.memory_space<vmem>>[vector<16xi32>, vector<16xi32>], vector<16xf32>,
      %add3A_139 = arith.addf %add3A_135, %gather3A_138 : vector<16xf32>
      %broadcast_in_dim3A_140 = arith.constant 13 : i32
      %broadcast_in_dim3A_141 = vector.broadcast %broadcast_in_dim3A_140 : i32 to vector<16xi32>
      %gather3A_142 = tpu.vector_load_idx %arg19[%add3A_90, %broadcast_in_dim3A_141] : memref<160x16xf32, #tpu.memory_space<vmem>>[vector<16xi32>, vector<16xi32>], vector<16xf32>,
      %add3A_143 = arith.addf %add3A_139, %gather3A_142 : vector<16xf32>
      %broadcast_in_dim3A_144 = arith.constant 14 : i32
      %broadcast_in_dim3A_145 = vector.broadcast %broadcast_in_dim3A_144 : i32 to vector<16xi32>
      %gather3A_146 = tpu.vector_load_idx %arg19[%add3A_90, %broadcast_in_dim3A_145] : memref<160x16xf32, #tpu.memory_space<vmem>>[vector<16xi32>, vector<16xi32>], vector<16xf32>,
      %add3A_147 = arith.addf %add3A_143, %gather3A_146 : vector<16xf32>
      %broadcast_in_dim3A_148 = arith.constant 15 : i32
      %broadcast_in_dim3A_149 = vector.broadcast %broadcast_in_dim3A_148 : i32 to vector<16xi32>
      %gather3A_150 = tpu.vector_load_idx %arg19[%add3A_90, %broadcast_in_dim3A_149] : memref<160x16xf32, #tpu.memory_space<vmem>>[vector<16xi32>, vector<16xi32>], vector<16xf32>,
      %add3A_151 = arith.addf %add3A_147, %gather3A_150 : vector<16xf32>
      %mul3A_152 = arith.constant 16 : i32
      %mul3A_153 = arith.muli %scan3A_86, %mul3A_152 : i32
      %swap3A = arith.index_cast %mul3A_153 : i32 to index
      %swap3A_154 = tpu.vector_load %arg20[%swap3A] {strides = array<i32>} : memref<128xf32, #tpu.memory_space<vmem>>, vector<16xf32>,
      tpu.vector_store %arg20[%swap3A], %add3A_151 {strides = array<i32>} : memref<128xf32, #tpu.memory_space<vmem>>, vector<16xf32>,
    }
    %scan3A_71 = arith.constant 8 : i32
    "tpu.region"() ({
      %run_scoped3A = tpu.sem_alloc : memref<!tpu.dma_semaphore, #tpu.memory_space<semaphore_mem>>
      %dma_start3A_86 = tpu.memref_slice %arg7[%mul3A_2] : memref<4096xf32, #tpu.memory_space<hbm>> -> memref<128xf32, #tpu.memory_space<hbm>>
      %dma_start3A_87 = tpu.memref_slice %arg7[%mul3A_2] : memref<4096xf32, #tpu.memory_space<hbm>> -> memref<128xf32, #tpu.memory_space<hbm>>
      tpu.enqueue_dma source(%arg20 : memref<128xf32, #tpu.memory_space<vmem>>) target(%dma_start3A_87 : memref<128xf32, #tpu.memory_space<hbm>>) target_semaphore(%run_scoped3A : memref<!tpu.dma_semaphore, #tpu.memory_space<semaphore_mem>>)
      %dma_wait3A_88 = tpu.memref_slice %arg7[%mul3A_2] : memref<4096xf32, #tpu.memory_space<hbm>> -> memref<128xf32, #tpu.memory_space<hbm>>
      %dma_wait3A_89 = tpu.memref_slice %arg7[%mul3A_2] : memref<4096xf32, #tpu.memory_space<hbm>> -> memref<128xf32, #tpu.memory_space<hbm>>
      tpu.wait_dma2 semaphore(%run_scoped3A : memref<!tpu.dma_semaphore, #tpu.memory_space<semaphore_mem>>) src(%arg20 : memref<128xf32, #tpu.memory_space<vmem>>) dst(%dma_wait3A_89 : memref<128xf32, #tpu.memory_space<hbm>>)
      tpu.yield
    }) : () -> ()
    %scan3A_72 = arith.constant 0 : i32
    %scan3A_73 = arith.constant 0 : i32
    %scan3A_74 = arith.constant 8 : i32
    %scan3A_75 = arith.addi %scan3A_73, %scan3A_74 : i32
    %scan3A_76 = arith.constant 1 : i32
    scf.for %scan3A_86 = %scan3A_73 to %scan3A_75 step %scan3A_76  : i32 {
      %mul3A_87 = arith.constant 2 : i32
      %mul3A_88 = arith.muli %mul3A_87, %scan3A_86 : i32
      %add3A_89 = arith.constant 1 : i32
      %add3A_90 = arith.addi %mul3A_88, %add3A_89 : i32
      %lt3A = arith.constant 16 : i32
      %lt3A_91 = arith.cmpi slt, %add3A_90, %lt3A : i32
      %convert_element_type3A = arith.extui %lt3A_91 : i1 to i32
      %cond3A = arith.constant 0 : i32
      %cond3A_92 = arith.cmpi ne, %convert_element_type3A, %cond3A : i32
      scf.if %cond3A_92 {
        %add3A_199 = arith.constant 1 : i32
        %add3A_200 = arith.addi %mul3A_88, %add3A_199 : i32
        %mul3A_201 = arith.constant 160 : i32
        %mul3A_202 = arith.muli %add3A_200, %mul3A_201 : i32
        %add3A_203 = arith.constant 0 : i32
        %add3A_204 = arith.addi %mul3A_202, %add3A_203 : i32
        %dma_start3A_205 = arith.constant 0 : i32
        %dma_start3A_206 = arith.constant 0 : i32
        %dma_start3A_207 = tpu.memref_slice %arg18[%dma_start3A_205, %dma_start3A_206] : memref<160x128xf32, #tpu.memory_space<vmem>> -> memref<128x128xf32, #tpu.memory_space<vmem>>
        %dma_start3A_208 = tpu.memref_slice %arg13[%add3A_204] : memref<2560xi32, #tpu.memory_space<vmem>> -> memref<128xi32, #tpu.memory_space<vmem>>
        %dma_start3A_209 = arith.constant 0 : i32
        %dma_start3A_210 = arith.constant 0 : i32
        %dma_start3A_211 = tpu.memref_slice %arg6[%dma_start3A_209, %dma_start3A_210] : memref<1000000x128xf32, #tpu.memory_space<hbm>> -> memref<1000000x128xf32, #tpu.memory_space<hbm>>
        tpu.enqueue_indirect_dma source(%dma_start3A_211 : memref<1000000x128xf32, #tpu.memory_space<hbm>>) target(%dma_start3A_207 : memref<128x128xf32, #tpu.memory_space<vmem>>) offsets(%dma_start3A_208 : memref<128xi32, #tpu.memory_space<vmem>>) semaphore(%arg27 : memref<!tpu.dma_semaphore, #tpu.memory_space<semaphore_mem>>)
        %mul3A_212 = arith.constant 160 : i32
        %mul3A_213 = arith.muli %add3A_200, %mul3A_212 : i32
        %add3A_214 = arith.constant 128 : i32
        %add3A_215 = arith.addi %mul3A_213, %add3A_214 : i32
        %dma_start3A_216 = arith.constant 128 : i32
        %dma_start3A_217 = arith.constant 0 : i32
        %dma_start3A_218 = tpu.memref_slice %arg18[%dma_start3A_216, %dma_start3A_217] : memref<160x128xf32, #tpu.memory_space<vmem>> -> memref<32x128xf32, #tpu.memory_space<vmem>>
        %dma_start3A_219 = tpu.memref_slice %arg13[%add3A_215] : memref<2560xi32, #tpu.memory_space<vmem>> -> memref<32xi32, #tpu.memory_space<vmem>>
        %dma_start3A_220 = arith.constant 0 : i32
        %dma_start3A_221 = arith.constant 0 : i32
        %dma_start3A_222 = tpu.memref_slice %arg6[%dma_start3A_220, %dma_start3A_221] : memref<1000000x128xf32, #tpu.memory_space<hbm>> -> memref<1000000x128xf32, #tpu.memory_space<hbm>>
        tpu.enqueue_indirect_dma source(%dma_start3A_222 : memref<1000000x128xf32, #tpu.memory_space<hbm>>) target(%dma_start3A_218 : memref<32x128xf32, #tpu.memory_space<vmem>>) offsets(%dma_start3A_219 : memref<32xi32, #tpu.memory_space<vmem>>) semaphore(%arg27 : memref<!tpu.dma_semaphore, #tpu.memory_space<semaphore_mem>>)
      } else {
      }
      %dma_wait3A_93 = arith.constant 0 : i32
      %dma_wait3A_94 = arith.constant 0 : i32
      %dma_wait3A_95 = tpu.memref_slice %arg17[%dma_wait3A_93, %dma_wait3A_94] : memref<160x128xf32, #tpu.memory_space<vmem>> -> memref<128x128xf32, #tpu.memory_space<vmem>>
      %dma_wait3A_96 = arith.constant 0 : i32
      %dma_wait3A_97 = arith.constant 0 : i32
      %dma_wait3A_98 = tpu.memref_slice %arg6[%dma_wait3A_96, %dma_wait3A_97] : memref<1000000x128xf32, #tpu.memory_space<hbm>> -> memref<128x128xf32, #tpu.memory_space<hbm>>
      %dma_wait3A_99 = arith.constant 0 : i32
      %dma_wait3A_100 = arith.constant 0 : i32
      %dma_wait3A_101 = tpu.memref_slice %arg17[%dma_wait3A_99, %dma_wait3A_100] : memref<160x128xf32, #tpu.memory_space<vmem>> -> memref<128x128xf32, #tpu.memory_space<vmem>>
      %dma_wait3A_102 = arith.constant 0 : i32
      %dma_wait3A_103 = arith.constant 0 : i32
      %dma_wait3A_104 = tpu.memref_slice %arg6[%dma_wait3A_102, %dma_wait3A_103] : memref<1000000x128xf32, #tpu.memory_space<hbm>> -> memref<128x128xf32, #tpu.memory_space<hbm>>
      tpu.wait_dma2 semaphore(%arg26 : memref<!tpu.dma_semaphore, #tpu.memory_space<semaphore_mem>>) src(%dma_wait3A_104 : memref<128x128xf32, #tpu.memory_space<hbm>>) dst(%dma_wait3A_101 : memref<128x128xf32, #tpu.memory_space<vmem>>)
      %dma_wait3A_105 = arith.constant 128 : i32
      %dma_wait3A_106 = arith.constant 0 : i32
      %dma_wait3A_107 = tpu.memref_slice %arg17[%dma_wait3A_105, %dma_wait3A_106] : memref<160x128xf32, #tpu.memory_space<vmem>> -> memref<32x128xf32, #tpu.memory_space<vmem>>
      %dma_wait3A_108 = arith.constant 0 : i32
      %dma_wait3A_109 = arith.constant 0 : i32
      %dma_wait3A_110 = tpu.memref_slice %arg6[%dma_wait3A_108, %dma_wait3A_109] : memref<1000000x128xf32, #tpu.memory_space<hbm>> -> memref<32x128xf32, #tpu.memory_space<hbm>>
      %dma_wait3A_111 = arith.constant 128 : i32
      %dma_wait3A_112 = arith.constant 0 : i32
      %dma_wait3A_113 = tpu.memref_slice %arg17[%dma_wait3A_111, %dma_wait3A_112] : memref<160x128xf32, #tpu.memory_space<vmem>> -> memref<32x128xf32, #tpu.memory_space<vmem>>
      %dma_wait3A_114 = arith.constant 0 : i32
      %dma_wait3A_115 = arith.constant 0 : i32
      %dma_wait3A_116 = tpu.memref_slice %arg6[%dma_wait3A_114, %dma_wait3A_115] : memref<1000000x128xf32, #tpu.memory_space<hbm>> -> memref<32x128xf32, #tpu.memory_space<hbm>>
      tpu.wait_dma2 semaphore(%arg26 : memref<!tpu.dma_semaphore, #tpu.memory_space<semaphore_mem>>) src(%dma_wait3A_116 : memref<32x128xf32, #tpu.memory_space<hbm>>) dst(%dma_wait3A_113 : memref<32x128xf32, #tpu.memory_space<vmem>>)
      %ge3A = arith.constant 2 : i32
      %ge3A_117 = arith.cmpi sge, %mul3A_88, %ge3A : i32
      %convert_element_type3A_118 = arith.extui %ge3A_117 : i1 to i32
      %cond3A_119 = arith.constant 0 : i32
      %cond3A_120 = arith.cmpi ne, %convert_element_type3A_118, %cond3A_119 : i32
      scf.if %cond3A_120 {
        %mul3A_199 = arith.constant 20 : i32
        %mul3A_200 = arith.muli %mul3A_2, %mul3A_199 : i32
        %dma_wait3A_201 = tpu.memref_slice %arg8[%mul3A_200] : memref<81920xf32, #tpu.memory_space<hbm>> -> memref<160xf32, #tpu.memory_space<hbm>>
        %dma_wait3A_202 = tpu.memref_slice %arg8[%mul3A_200] : memref<81920xf32, #tpu.memory_space<hbm>> -> memref<160xf32, #tpu.memory_space<hbm>>
        tpu.wait_dma2 semaphore(%arg28 : memref<!tpu.dma_semaphore, #tpu.memory_space<semaphore_mem>>) src(%arg21 : memref<160xf32, #tpu.memory_space<vmem>>) dst(%dma_wait3A_202 : memref<160xf32, #tpu.memory_space<hbm>>)
      } else {
      }
      %scan3A_121 = arith.constant 0 : i32
      %scan3A_122 = arith.constant 0 : i32
      %scan3A_123 = arith.constant 8 : i32
      %scan3A_124 = arith.addi %scan3A_122, %scan3A_123 : i32
      %scan3A_125 = arith.constant 1 : i32
      scf.for %scan3A_199 = %scan3A_122 to %scan3A_124 step %scan3A_125  : i32 {
        %mul3A_200 = arith.constant 8 : i32
        %mul3A_201 = arith.muli %mul3A_88, %mul3A_200 : i32
        %add3A_202 = arith.addi %mul3A_201, %scan3A_199 : i32
        %get3A = arith.index_cast %add3A_202 : i32 to index
        %get3A_203 = tpu.vector_load %arg10[%get3A] {strides = array<i32>} : memref<144xi32, #tpu.memory_space<vmem>>, vector<16xi32>,
        %slice3A = vector.extract_strided_slice %get3A_203 {offsets = [0], sizes = [1], strides = [1]} : vector<16xi32> to vector<1xi32>
        %squeeze3A = vector.extract %slice3A[0] : i32 from vector<1xi32>
        %add3A_204 = arith.constant 0 : i32
        %add3A_205 = arith.addi %squeeze3A, %add3A_204 : i32
        %get3A_206 = arith.index_cast %add3A_202 : i32 to index
        %get3A_207 = arith.index_cast %add3A_205 : i32 to index
        %get3A_208 = tpu.vector_load %arg15[%get3A_206, %get3A_207] {strides = array<i32>} : memref<128x128xf32, #tpu.memory_space<vmem>>, vector<16xf32>,
        %add3A_209 = arith.constant 16 : i32
        %add3A_210 = arith.addi %squeeze3A, %add3A_209 : i32
        %get3A_211 = arith.index_cast %add3A_202 : i32 to index
        %get3A_212 = arith.index_cast %add3A_210 : i32 to index
        %get3A_213 = tpu.vector_load %arg15[%get3A_211, %get3A_212] {strides = array<i32>} : memref<128x128xf32, #tpu.memory_space<vmem>>, vector<16xf32>,
        %add3A_214 = arith.constant 32 : i32
        %add3A_215 = arith.addi %squeeze3A, %add3A_214 : i32
        %get3A_216 = arith.index_cast %add3A_202 : i32 to index
        %get3A_217 = arith.index_cast %add3A_215 : i32 to index
        %get3A_218 = tpu.vector_load %arg15[%get3A_216, %get3A_217] {strides = array<i32>} : memref<128x128xf32, #tpu.memory_space<vmem>>, vector<16xf32>,
        %add3A_219 = arith.constant 48 : i32
        %add3A_220 = arith.addi %squeeze3A, %add3A_219 : i32
        %get3A_221 = arith.index_cast %add3A_202 : i32 to index
        %get3A_222 = arith.index_cast %add3A_220 : i32 to index
        %get3A_223 = tpu.vector_load %arg15[%get3A_221, %get3A_222] {strides = array<i32>} : memref<128x128xf32, #tpu.memory_space<vmem>>, vector<16xf32>,
        %mul3A_224 = arith.constant 8 : i32
        %mul3A_225 = arith.muli %mul3A_88, %mul3A_224 : i32
        %add3A_226 = arith.addi %mul3A_225, %scan3A_199 : i32
        %mul3A_227 = arith.constant 20 : i32
        %mul3A_228 = arith.muli %add3A_226, %mul3A_227 : i32
        %add3A_229 = arith.constant 0 : i32
        %add3A_230 = arith.addi %mul3A_228, %add3A_229 : i32
        %get3A_231 = arith.index_cast %add3A_230 : i32 to index
        %get3A_232 = tpu.vector_load %arg14[%get3A_231] {strides = array<i32>} : memref<2576xi32, #tpu.memory_space<vmem>>, vector<16xi32>,
        %mul3A_233 = arith.constant 8 : i32
        %mul3A_234 = arith.muli %mul3A_88, %mul3A_233 : i32
        %add3A_235 = arith.addi %mul3A_234, %scan3A_199 : i32
        %mul3A_236 = arith.constant 20 : i32
        %mul3A_237 = arith.muli %add3A_235, %mul3A_236 : i32
        %add3A_238 = arith.constant 16 : i32
        %add3A_239 = arith.addi %mul3A_237, %add3A_238 : i32
        %get3A_240 = arith.index_cast %add3A_239 : i32 to index
        %get3A_241 = tpu.vector_load %arg14[%get3A_240] {strides = array<i32>} : memref<2576xi32, #tpu.memory_space<vmem>>, vector<16xi32>,
        %mul3A_242 = arith.constant 20 : i32
        %mul3A_243 = arith.muli %scan3A_199, %mul3A_242 : i32
        %add3A_244 = arith.constant 0 : i32
        %add3A_245 = arith.addi %mul3A_243, %add3A_244 : i32
        %slice3A_246 = vector.extract_strided_slice %get3A_232 {offsets = [0], sizes = [1], strides = [1]} : vector<16xi32> to vector<1xi32>
        %squeeze3A_247 = vector.extract %slice3A_246[0] : i32 from vector<1xi32>
        %get3A_248 = arith.index_cast %add3A_245 : i32 to index
        %get3A_249 = arith.index_cast %squeeze3A_247 : i32 to index
        %get3A_250 = tpu.vector_load %arg17[%get3A_248, %get3A_249] {strides = array<i32>} : memref<160x128xf32, #tpu.memory_space<vmem>>, vector<16xf32>,
        %mul3A_251 = arith.mulf %get3A_250, %get3A_208 : vector<16xf32>
        %add3A_252 = arith.constant 16 : i32
        %add3A_253 = arith.addi %squeeze3A_247, %add3A_252 : i32
        %get3A_254 = arith.index_cast %add3A_245 : i32 to index
        %get3A_255 = arith.index_cast %add3A_253 : i32 to index
        %get3A_256 = tpu.vector_load %arg17[%get3A_254, %get3A_255] {strides = array<i32>} : memref<160x128xf32, #tpu.memory_space<vmem>>, vector<16xf32>,
        %mul3A_257 = arith.mulf %get3A_256, %get3A_213 : vector<16xf32>
        %add3A_258 = arith.addf %mul3A_251, %mul3A_257 : vector<16xf32>
        %add3A_259 = arith.constant 32 : i32
        %add3A_260 = arith.addi %squeeze3A_247, %add3A_259 : i32
        %get3A_261 = arith.index_cast %add3A_245 : i32 to index
        %get3A_262 = arith.index_cast %add3A_260 : i32 to index
        %get3A_263 = tpu.vector_load %arg17[%get3A_261, %get3A_262] {strides = array<i32>} : memref<160x128xf32, #tpu.memory_space<vmem>>, vector<16xf32>,
        %mul3A_264 = arith.mulf %get3A_263, %get3A_218 : vector<16xf32>
        %add3A_265 = arith.addf %add3A_258, %mul3A_264 : vector<16xf32>
        %add3A_266 = arith.constant 48 : i32
        %add3A_267 = arith.addi %squeeze3A_247, %add3A_266 : i32
        %get3A_268 = arith.index_cast %add3A_245 : i32 to index
        %get3A_269 = arith.index_cast %add3A_267 : i32 to index
        %get3A_270 = tpu.vector_load %arg17[%get3A_268, %get3A_269] {strides = array<i32>} : memref<160x128xf32, #tpu.memory_space<vmem>>, vector<16xf32>,
        %mul3A_271 = arith.mulf %get3A_270, %get3A_223 : vector<16xf32>
        %add3A_272 = arith.addf %add3A_265, %mul3A_271 : vector<16xf32>
        %swap3A = arith.index_cast %add3A_245 : i32 to index
        %swap3A_273 = arith.constant 0 : index
        %swap3A_274 = tpu.vector_load %arg19[%swap3A, %swap3A_273] {strides = array<i32>} : memref<160x16xf32, #tpu.memory_space<vmem>>, vector<16xf32>,
        tpu.vector_store %arg19[%swap3A, %swap3A_273], %add3A_272 {strides = array<i32>} : memref<160x16xf32, #tpu.memory_space<vmem>>, vector<16xf32>,
        %mul3A_275 = arith.constant 20 : i32
        %mul3A_276 = arith.muli %scan3A_199, %mul3A_275 : i32
        %add3A_277 = arith.constant 1 : i32
        %add3A_278 = arith.addi %mul3A_276, %add3A_277 : i32
        %slice3A_279 = vector.extract_strided_slice %get3A_232 {offsets = [1], sizes = [1], strides = [1]} : vector<16xi32> to vector<1xi32>
        %squeeze3A_280 = vector.extract %slice3A_279[0] : i32 from vector<1xi32>
        %get3A_281 = arith.index_cast %add3A_278 : i32 to index
        %get3A_282 = arith.index_cast %squeeze3A_280 : i32 to index
        %get3A_283 = tpu.vector_load %arg17[%get3A_281, %get3A_282] {strides = array<i32>} : memref<160x128xf32, #tpu.memory_space<vmem>>, vector<16xf32>,
        %mul3A_284 = arith.mulf %get3A_283, %get3A_208 : vector<16xf32>
        %add3A_285 = arith.constant 16 : i32
        %add3A_286 = arith.addi %squeeze3A_280, %add3A_285 : i32
        %get3A_287 = arith.index_cast %add3A_278 : i32 to index
        %get3A_288 = arith.index_cast %add3A_286 : i32 to index
        %get3A_289 = tpu.vector_load %arg17[%get3A_287, %get3A_288] {strides = array<i32>} : memref<160x128xf32, #tpu.memory_space<vmem>>, vector<16xf32>,
        %mul3A_290 = arith.mulf %get3A_289, %get3A_213 : vector<16xf32>
        %add3A_291 = arith.addf %mul3A_284, %mul3A_290 : vector<16xf32>
        %add3A_292 = arith.constant 32 : i32
        %add3A_293 = arith.addi %squeeze3A_280, %add3A_292 : i32
        %get3A_294 = arith.index_cast %add3A_278 : i32 to index
        %get3A_295 = arith.index_cast %add3A_293 : i32 to index
        %get3A_296 = tpu.vector_load %arg17[%get3A_294, %get3A_295] {strides = array<i32>} : memref<160x128xf32, #tpu.memory_space<vmem>>, vector<16xf32>,
        %mul3A_297 = arith.mulf %get3A_296, %get3A_218 : vector<16xf32>
        %add3A_298 = arith.addf %add3A_291, %mul3A_297 : vector<16xf32>
        %add3A_299 = arith.constant 48 : i32
        %add3A_300 = arith.addi %squeeze3A_280, %add3A_299 : i32
        %get3A_301 = arith.index_cast %add3A_278 : i32 to index
        %get3A_302 = arith.index_cast %add3A_300 : i32 to index
        %get3A_303 = tpu.vector_load %arg17[%get3A_301, %get3A_302] {strides = array<i32>} : memref<160x128xf32, #tpu.memory_space<vmem>>, vector<16xf32>,
        %mul3A_304 = arith.mulf %get3A_303, %get3A_223 : vector<16xf32>
        %add3A_305 = arith.addf %add3A_298, %mul3A_304 : vector<16xf32>
        %swap3A_306 = arith.index_cast %add3A_278 : i32 to index
        %swap3A_307 = arith.constant 0 : index
        %swap3A_308 = tpu.vector_load %arg19[%swap3A_306, %swap3A_307] {strides = array<i32>} : memref<160x16xf32, #tpu.memory_space<vmem>>, vector<16xf32>,
        tpu.vector_store %arg19[%swap3A_306, %swap3A_307], %add3A_305 {strides = array<i32>} : memref<160x16xf32, #tpu.memory_space<vmem>>, vector<16xf32>,
        %mul3A_309 = arith.constant 20 : i32
        %mul3A_310 = arith.muli %scan3A_199, %mul3A_309 : i32
        %add3A_311 = arith.constant 2 : i32
        %add3A_312 = arith.addi %mul3A_310, %add3A_311 : i32
        %slice3A_313 = vector.extract_strided_slice %get3A_232 {offsets = [2], sizes = [1], strides = [1]} : vector<16xi32> to vector<1xi32>
        %squeeze3A_314 = vector.extract %slice3A_313[0] : i32 from vector<1xi32>
        %get3A_315 = arith.index_cast %add3A_312 : i32 to index
        %get3A_316 = arith.index_cast %squeeze3A_314 : i32 to index
        %get3A_317 = tpu.vector_load %arg17[%get3A_315, %get3A_316] {strides = array<i32>} : memref<160x128xf32, #tpu.memory_space<vmem>>, vector<16xf32>,
        %mul3A_318 = arith.mulf %get3A_317, %get3A_208 : vector<16xf32>
        %add3A_319 = arith.constant 16 : i32
        %add3A_320 = arith.addi %squeeze3A_314, %add3A_319 : i32
        %get3A_321 = arith.index_cast %add3A_312 : i32 to index
        %get3A_322 = arith.index_cast %add3A_320 : i32 to index
        %get3A_323 = tpu.vector_load %arg17[%get3A_321, %get3A_322] {strides = array<i32>} : memref<160x128xf32, #tpu.memory_space<vmem>>, vector<16xf32>,
        %mul3A_324 = arith.mulf %get3A_323, %get3A_213 : vector<16xf32>
        %add3A_325 = arith.addf %mul3A_318, %mul3A_324 : vector<16xf32>
        %add3A_326 = arith.constant 32 : i32
        %add3A_327 = arith.addi %squeeze3A_314, %add3A_326 : i32
        %get3A_328 = arith.index_cast %add3A_312 : i32 to index
        %get3A_329 = arith.index_cast %add3A_327 : i32 to index
        %get3A_330 = tpu.vector_load %arg17[%get3A_328, %get3A_329] {strides = array<i32>} : memref<160x128xf32, #tpu.memory_space<vmem>>, vector<16xf32>,
        %mul3A_331 = arith.mulf %get3A_330, %get3A_218 : vector<16xf32>
        %add3A_332 = arith.addf %add3A_325, %mul3A_331 : vector<16xf32>
        %add3A_333 = arith.constant 48 : i32
        %add3A_334 = arith.addi %squeeze3A_314, %add3A_333 : i32
        %get3A_335 = arith.index_cast %add3A_312 : i32 to index
        %get3A_336 = arith.index_cast %add3A_334 : i32 to index
        %get3A_337 = tpu.vector_load %arg17[%get3A_335, %get3A_336] {strides = array<i32>} : memref<160x128xf32, #tpu.memory_space<vmem>>, vector<16xf32>,
        %mul3A_338 = arith.mulf %get3A_337, %get3A_223 : vector<16xf32>
        %add3A_339 = arith.addf %add3A_332, %mul3A_338 : vector<16xf32>
        %swap3A_340 = arith.index_cast %add3A_312 : i32 to index
        %swap3A_341 = arith.constant 0 : index
        %swap3A_342 = tpu.vector_load %arg19[%swap3A_340, %swap3A_341] {strides = array<i32>} : memref<160x16xf32, #tpu.memory_space<vmem>>, vector<16xf32>,
        tpu.vector_store %arg19[%swap3A_340, %swap3A_341], %add3A_339 {strides = array<i32>} : memref<160x16xf32, #tpu.memory_space<vmem>>, vector<16xf32>,
        %mul3A_343 = arith.constant 20 : i32
        %mul3A_344 = arith.muli %scan3A_199, %mul3A_343 : i32
        %add3A_345 = arith.constant 3 : i32
        %add3A_346 = arith.addi %mul3A_344, %add3A_345 : i32
        %slice3A_347 = vector.extract_strided_slice %get3A_232 {offsets = [3], sizes = [1], strides = [1]} : vector<16xi32> to vector<1xi32>
        %squeeze3A_348 = vector.extract %slice3A_347[0] : i32 from vector<1xi32>
        %get3A_349 = arith.index_cast %add3A_346 : i32 to index
        %get3A_350 = arith.index_cast %squeeze3A_348 : i32 to index
        %get3A_351 = tpu.vector_load %arg17[%get3A_349, %get3A_350] {strides = array<i32>} : memref<160x128xf32, #tpu.memory_space<vmem>>, vector<16xf32>,
        %mul3A_352 = arith.mulf %get3A_351, %get3A_208 : vector<16xf32>
        %add3A_353 = arith.constant 16 : i32
        %add3A_354 = arith.addi %squeeze3A_348, %add3A_353 : i32
        %get3A_355 = arith.index_cast %add3A_346 : i32 to index
        %get3A_356 = arith.index_cast %add3A_354 : i32 to index
        %get3A_357 = tpu.vector_load %arg17[%get3A_355, %get3A_356] {strides = array<i32>} : memref<160x128xf32, #tpu.memory_space<vmem>>, vector<16xf32>,
        %mul3A_358 = arith.mulf %get3A_357, %get3A_213 : vector<16xf32>
        %add3A_359 = arith.addf %mul3A_352, %mul3A_358 : vector<16xf32>
        %add3A_360 = arith.constant 32 : i32
        %add3A_361 = arith.addi %squeeze3A_348, %add3A_360 : i32
        %get3A_362 = arith.index_cast %add3A_346 : i32 to index
        %get3A_363 = arith.index_cast %add3A_361 : i32 to index
        %get3A_364 = tpu.vector_load %arg17[%get3A_362, %get3A_363] {strides = array<i32>} : memref<160x128xf32, #tpu.memory_space<vmem>>, vector<16xf32>,
        %mul3A_365 = arith.mulf %get3A_364, %get3A_218 : vector<16xf32>
        %add3A_366 = arith.addf %add3A_359, %mul3A_365 : vector<16xf32>
        %add3A_367 = arith.constant 48 : i32
        %add3A_368 = arith.addi %squeeze3A_348, %add3A_367 : i32
        %get3A_369 = arith.index_cast %add3A_346 : i32 to index
        %get3A_370 = arith.index_cast %add3A_368 : i32 to index
        %get3A_371 = tpu.vector_load %arg17[%get3A_369, %get3A_370] {strides = array<i32>} : memref<160x128xf32, #tpu.memory_space<vmem>>, vector<16xf32>,
        %mul3A_372 = arith.mulf %get3A_371, %get3A_223 : vector<16xf32>
        %add3A_373 = arith.addf %add3A_366, %mul3A_372 : vector<16xf32>
        %swap3A_374 = arith.index_cast %add3A_346 : i32 to index
        %swap3A_375 = arith.constant 0 : index
        %swap3A_376 = tpu.vector_load %arg19[%swap3A_374, %swap3A_375] {strides = array<i32>} : memref<160x16xf32, #tpu.memory_space<vmem>>, vector<16xf32>,
        tpu.vector_store %arg19[%swap3A_374, %swap3A_375], %add3A_373 {strides = array<i32>} : memref<160x16xf32, #tpu.memory_space<vmem>>, vector<16xf32>,
        %mul3A_377 = arith.constant 20 : i32
        %mul3A_378 = arith.muli %scan3A_199, %mul3A_377 : i32
        %add3A_379 = arith.constant 4 : i32
        %add3A_380 = arith.addi %mul3A_378, %add3A_379 : i32
        %slice3A_381 = vector.extract_strided_slice %get3A_232 {offsets = [4], sizes = [1], strides = [1]} : vector<16xi32> to vector<1xi32>
        %squeeze3A_382 = vector.extract %slice3A_381[0] : i32 from vector<1xi32>
        %get3A_383 = arith.index_cast %add3A_380 : i32 to index
        %get3A_384 = arith.index_cast %squeeze3A_382 : i32 to index
        %get3A_385 = tpu.vector_load %arg17[%get3A_383, %get3A_384] {strides = array<i32>} : memref<160x128xf32, #tpu.memory_space<vmem>>, vector<16xf32>,
        %mul3A_386 = arith.mulf %get3A_385, %get3A_208 : vector<16xf32>
        %add3A_387 = arith.constant 16 : i32
        %add3A_388 = arith.addi %squeeze3A_382, %add3A_387 : i32
        %get3A_389 = arith.index_cast %add3A_380 : i32 to index
        %get3A_390 = arith.index_cast %add3A_388 : i32 to index
        %get3A_391 = tpu.vector_load %arg17[%get3A_389, %get3A_390] {strides = array<i32>} : memref<160x128xf32, #tpu.memory_space<vmem>>, vector<16xf32>,
        %mul3A_392 = arith.mulf %get3A_391, %get3A_213 : vector<16xf32>
        %add3A_393 = arith.addf %mul3A_386, %mul3A_392 : vector<16xf32>
        %add3A_394 = arith.constant 32 : i32
        %add3A_395 = arith.addi %squeeze3A_382, %add3A_394 : i32
        %get3A_396 = arith.index_cast %add3A_380 : i32 to index
        %get3A_397 = arith.index_cast %add3A_395 : i32 to index
        %get3A_398 = tpu.vector_load %arg17[%get3A_396, %get3A_397] {strides = array<i32>} : memref<160x128xf32, #tpu.memory_space<vmem>>, vector<16xf32>,
        %mul3A_399 = arith.mulf %get3A_398, %get3A_218 : vector<16xf32>
        %add3A_400 = arith.addf %add3A_393, %mul3A_399 : vector<16xf32>
        %add3A_401 = arith.constant 48 : i32
        %add3A_402 = arith.addi %squeeze3A_382, %add3A_401 : i32
        %get3A_403 = arith.index_cast %add3A_380 : i32 to index
        %get3A_404 = arith.index_cast %add3A_402 : i32 to index
        %get3A_405 = tpu.vector_load %arg17[%get3A_403, %get3A_404] {strides = array<i32>} : memref<160x128xf32, #tpu.memory_space<vmem>>, vector<16xf32>,
        %mul3A_406 = arith.mulf %get3A_405, %get3A_223 : vector<16xf32>
        %add3A_407 = arith.addf %add3A_400, %mul3A_406 : vector<16xf32>
        %swap3A_408 = arith.index_cast %add3A_380 : i32 to index
        %swap3A_409 = arith.constant 0 : index
        %swap3A_410 = tpu.vector_load %arg19[%swap3A_408, %swap3A_409] {strides = array<i32>} : memref<160x16xf32, #tpu.memory_space<vmem>>, vector<16xf32>,
        tpu.vector_store %arg19[%swap3A_408, %swap3A_409], %add3A_407 {strides = array<i32>} : memref<160x16xf32, #tpu.memory_space<vmem>>, vector<16xf32>,
        %mul3A_411 = arith.constant 20 : i32
        %mul3A_412 = arith.muli %scan3A_199, %mul3A_411 : i32
        %add3A_413 = arith.constant 5 : i32
        %add3A_414 = arith.addi %mul3A_412, %add3A_413 : i32
        %slice3A_415 = vector.extract_strided_slice %get3A_232 {offsets = [5], sizes = [1], strides = [1]} : vector<16xi32> to vector<1xi32>
        %squeeze3A_416 = vector.extract %slice3A_415[0] : i32 from vector<1xi32>
        %get3A_417 = arith.index_cast %add3A_414 : i32 to index
        %get3A_418 = arith.index_cast %squeeze3A_416 : i32 to index
        %get3A_419 = tpu.vector_load %arg17[%get3A_417, %get3A_418] {strides = array<i32>} : memref<160x128xf32, #tpu.memory_space<vmem>>, vector<16xf32>,
        %mul3A_420 = arith.mulf %get3A_419, %get3A_208 : vector<16xf32>
        %add3A_421 = arith.constant 16 : i32
        %add3A_422 = arith.addi %squeeze3A_416, %add3A_421 : i32
        %get3A_423 = arith.index_cast %add3A_414 : i32 to index
        %get3A_424 = arith.index_cast %add3A_422 : i32 to index
        %get3A_425 = tpu.vector_load %arg17[%get3A_423, %get3A_424] {strides = array<i32>} : memref<160x128xf32, #tpu.memory_space<vmem>>, vector<16xf32>,
        %mul3A_426 = arith.mulf %get3A_425, %get3A_213 : vector<16xf32>
        %add3A_427 = arith.addf %mul3A_420, %mul3A_426 : vector<16xf32>
        %add3A_428 = arith.constant 32 : i32
        %add3A_429 = arith.addi %squeeze3A_416, %add3A_428 : i32
        %get3A_430 = arith.index_cast %add3A_414 : i32 to index
        %get3A_431 = arith.index_cast %add3A_429 : i32 to index
        %get3A_432 = tpu.vector_load %arg17[%get3A_430, %get3A_431] {strides = array<i32>} : memref<160x128xf32, #tpu.memory_space<vmem>>, vector<16xf32>,
        %mul3A_433 = arith.mulf %get3A_432, %get3A_218 : vector<16xf32>
        %add3A_434 = arith.addf %add3A_427, %mul3A_433 : vector<16xf32>
        %add3A_435 = arith.constant 48 : i32
        %add3A_436 = arith.addi %squeeze3A_416, %add3A_435 : i32
        %get3A_437 = arith.index_cast %add3A_414 : i32 to index
        %get3A_438 = arith.index_cast %add3A_436 : i32 to index
        %get3A_439 = tpu.vector_load %arg17[%get3A_437, %get3A_438] {strides = array<i32>} : memref<160x128xf32, #tpu.memory_space<vmem>>, vector<16xf32>,
        %mul3A_440 = arith.mulf %get3A_439, %get3A_223 : vector<16xf32>
        %add3A_441 = arith.addf %add3A_434, %mul3A_440 : vector<16xf32>
        %swap3A_442 = arith.index_cast %add3A_414 : i32 to index
        %swap3A_443 = arith.constant 0 : index
        %swap3A_444 = tpu.vector_load %arg19[%swap3A_442, %swap3A_443] {strides = array<i32>} : memref<160x16xf32, #tpu.memory_space<vmem>>, vector<16xf32>,
        tpu.vector_store %arg19[%swap3A_442, %swap3A_443], %add3A_441 {strides = array<i32>} : memref<160x16xf32, #tpu.memory_space<vmem>>, vector<16xf32>,
        %mul3A_445 = arith.constant 20 : i32
        %mul3A_446 = arith.muli %scan3A_199, %mul3A_445 : i32
        %add3A_447 = arith.constant 6 : i32
        %add3A_448 = arith.addi %mul3A_446, %add3A_447 : i32
        %slice3A_449 = vector.extract_strided_slice %get3A_232 {offsets = [6], sizes = [1], strides = [1]} : vector<16xi32> to vector<1xi32>
        %squeeze3A_450 = vector.extract %slice3A_449[0] : i32 from vector<1xi32>
        %get3A_451 = arith.index_cast %add3A_448 : i32 to index
        %get3A_452 = arith.index_cast %squeeze3A_450 : i32 to index
        %get3A_453 = tpu.vector_load %arg17[%get3A_451, %get3A_452] {strides = array<i32>} : memref<160x128xf32, #tpu.memory_space<vmem>>, vector<16xf32>,
        %mul3A_454 = arith.mulf %get3A_453, %get3A_208 : vector<16xf32>
        %add3A_455 = arith.constant 16 : i32
        %add3A_456 = arith.addi %squeeze3A_450, %add3A_455 : i32
        %get3A_457 = arith.index_cast %add3A_448 : i32 to index
        %get3A_458 = arith.index_cast %add3A_456 : i32 to index
        %get3A_459 = tpu.vector_load %arg17[%get3A_457, %get3A_458] {strides = array<i32>} : memref<160x128xf32, #tpu.memory_space<vmem>>, vector<16xf32>,
        %mul3A_460 = arith.mulf %get3A_459, %get3A_213 : vector<16xf32>
        %add3A_461 = arith.addf %mul3A_454, %mul3A_460 : vector<16xf32>
        %add3A_462 = arith.constant 32 : i32
        %add3A_463 = arith.addi %squeeze3A_450, %add3A_462 : i32
        %get3A_464 = arith.index_cast %add3A_448 : i32 to index
        %get3A_465 = arith.index_cast %add3A_463 : i32 to index
        %get3A_466 = tpu.vector_load %arg17[%get3A_464, %get3A_465] {strides = array<i32>} : memref<160x128xf32, #tpu.memory_space<vmem>>, vector<16xf32>,
        %mul3A_467 = arith.mulf %get3A_466, %get3A_218 : vector<16xf32>
        %add3A_468 = arith.addf %add3A_461, %mul3A_467 : vector<16xf32>
        %add3A_469 = arith.constant 48 : i32
        %add3A_470 = arith.addi %squeeze3A_450, %add3A_469 : i32
        %get3A_471 = arith.index_cast %add3A_448 : i32 to index
        %get3A_472 = arith.index_cast %add3A_470 : i32 to index
        %get3A_473 = tpu.vector_load %arg17[%get3A_471, %get3A_472] {strides = array<i32>} : memref<160x128xf32, #tpu.memory_space<vmem>>, vector<16xf32>,
        %mul3A_474 = arith.mulf %get3A_473, %get3A_223 : vector<16xf32>
        %add3A_475 = arith.addf %add3A_468, %mul3A_474 : vector<16xf32>
        %swap3A_476 = arith.index_cast %add3A_448 : i32 to index
        %swap3A_477 = arith.constant 0 : index
        %swap3A_478 = tpu.vector_load %arg19[%swap3A_476, %swap3A_477] {strides = array<i32>} : memref<160x16xf32, #tpu.memory_space<vmem>>, vector<16xf32>,
        tpu.vector_store %arg19[%swap3A_476, %swap3A_477], %add3A_475 {strides = array<i32>} : memref<160x16xf32, #tpu.memory_space<vmem>>, vector<16xf32>,
        %mul3A_479 = arith.constant 20 : i32
        %mul3A_480 = arith.muli %scan3A_199, %mul3A_479 : i32
        %add3A_481 = arith.constant 7 : i32
        %add3A_482 = arith.addi %mul3A_480, %add3A_481 : i32
        %slice3A_483 = vector.extract_strided_slice %get3A_232 {offsets = [7], sizes = [1], strides = [1]} : vector<16xi32> to vector<1xi32>
        %squeeze3A_484 = vector.extract %slice3A_483[0] : i32 from vector<1xi32>
        %get3A_485 = arith.index_cast %add3A_482 : i32 to index
        %get3A_486 = arith.index_cast %squeeze3A_484 : i32 to index
        %get3A_487 = tpu.vector_load %arg17[%get3A_485, %get3A_486] {strides = array<i32>} : memref<160x128xf32, #tpu.memory_space<vmem>>, vector<16xf32>,
        %mul3A_488 = arith.mulf %get3A_487, %get3A_208 : vector<16xf32>
        %add3A_489 = arith.constant 16 : i32
        %add3A_490 = arith.addi %squeeze3A_484, %add3A_489 : i32
        %get3A_491 = arith.index_cast %add3A_482 : i32 to index
        %get3A_492 = arith.index_cast %add3A_490 : i32 to index
        %get3A_493 = tpu.vector_load %arg17[%get3A_491, %get3A_492] {strides = array<i32>} : memref<160x128xf32, #tpu.memory_space<vmem>>, vector<16xf32>,
        %mul3A_494 = arith.mulf %get3A_493, %get3A_213 : vector<16xf32>
        %add3A_495 = arith.addf %mul3A_488, %mul3A_494 : vector<16xf32>
        %add3A_496 = arith.constant 32 : i32
        %add3A_497 = arith.addi %squeeze3A_484, %add3A_496 : i32
        %get3A_498 = arith.index_cast %add3A_482 : i32 to index
        %get3A_499 = arith.index_cast %add3A_497 : i32 to index
        %get3A_500 = tpu.vector_load %arg17[%get3A_498, %get3A_499] {strides = array<i32>} : memref<160x128xf32, #tpu.memory_space<vmem>>, vector<16xf32>,
        %mul3A_501 = arith.mulf %get3A_500, %get3A_218 : vector<16xf32>
        %add3A_502 = arith.addf %add3A_495, %mul3A_501 : vector<16xf32>
        %add3A_503 = arith.constant 48 : i32
        %add3A_504 = arith.addi %squeeze3A_484, %add3A_503 : i32
        %get3A_505 = arith.index_cast %add3A_482 : i32 to index
        %get3A_506 = arith.index_cast %add3A_504 : i32 to index
        %get3A_507 = tpu.vector_load %arg17[%get3A_505, %get3A_506] {strides = array<i32>} : memref<160x128xf32, #tpu.memory_space<vmem>>, vector<16xf32>,
        %mul3A_508 = arith.mulf %get3A_507, %get3A_223 : vector<16xf32>
        %add3A_509 = arith.addf %add3A_502, %mul3A_508 : vector<16xf32>
        %swap3A_510 = arith.index_cast %add3A_482 : i32 to index
        %swap3A_511 = arith.constant 0 : index
        %swap3A_512 = tpu.vector_load %arg19[%swap3A_510, %swap3A_511] {strides = array<i32>} : memref<160x16xf32, #tpu.memory_space<vmem>>, vector<16xf32>,
        tpu.vector_store %arg19[%swap3A_510, %swap3A_511], %add3A_509 {strides = array<i32>} : memref<160x16xf32, #tpu.memory_space<vmem>>, vector<16xf32>,
        %mul3A_513 = arith.constant 20 : i32
        %mul3A_514 = arith.muli %scan3A_199, %mul3A_513 : i32
        %add3A_515 = arith.constant 8 : i32
        %add3A_516 = arith.addi %mul3A_514, %add3A_515 : i32
        %slice3A_517 = vector.extract_strided_slice %get3A_232 {offsets = [8], sizes = [1], strides = [1]} : vector<16xi32> to vector<1xi32>
        %squeeze3A_518 = vector.extract %slice3A_517[0] : i32 from vector<1xi32>
        %get3A_519 = arith.index_cast %add3A_516 : i32 to index
        %get3A_520 = arith.index_cast %squeeze3A_518 : i32 to index
        %get3A_521 = tpu.vector_load %arg17[%get3A_519, %get3A_520] {strides = array<i32>} : memref<160x128xf32, #tpu.memory_space<vmem>>, vector<16xf32>,
        %mul3A_522 = arith.mulf %get3A_521, %get3A_208 : vector<16xf32>
        %add3A_523 = arith.constant 16 : i32
        %add3A_524 = arith.addi %squeeze3A_518, %add3A_523 : i32
        %get3A_525 = arith.index_cast %add3A_516 : i32 to index
        %get3A_526 = arith.index_cast %add3A_524 : i32 to index
        %get3A_527 = tpu.vector_load %arg17[%get3A_525, %get3A_526] {strides = array<i32>} : memref<160x128xf32, #tpu.memory_space<vmem>>, vector<16xf32>,
        %mul3A_528 = arith.mulf %get3A_527, %get3A_213 : vector<16xf32>
        %add3A_529 = arith.addf %mul3A_522, %mul3A_528 : vector<16xf32>
        %add3A_530 = arith.constant 32 : i32
        %add3A_531 = arith.addi %squeeze3A_518, %add3A_530 : i32
        %get3A_532 = arith.index_cast %add3A_516 : i32 to index
        %get3A_533 = arith.index_cast %add3A_531 : i32 to index
        %get3A_534 = tpu.vector_load %arg17[%get3A_532, %get3A_533] {strides = array<i32>} : memref<160x128xf32, #tpu.memory_space<vmem>>, vector<16xf32>,
        %mul3A_535 = arith.mulf %get3A_534, %get3A_218 : vector<16xf32>
        %add3A_536 = arith.addf %add3A_529, %mul3A_535 : vector<16xf32>
        %add3A_537 = arith.constant 48 : i32
        %add3A_538 = arith.addi %squeeze3A_518, %add3A_537 : i32
        %get3A_539 = arith.index_cast %add3A_516 : i32 to index
        %get3A_540 = arith.index_cast %add3A_538 : i32 to index
        %get3A_541 = tpu.vector_load %arg17[%get3A_539, %get3A_540] {strides = array<i32>} : memref<160x128xf32, #tpu.memory_space<vmem>>, vector<16xf32>,
        %mul3A_542 = arith.mulf %get3A_541, %get3A_223 : vector<16xf32>
        %add3A_543 = arith.addf %add3A_536, %mul3A_542 : vector<16xf32>
        %swap3A_544 = arith.index_cast %add3A_516 : i32 to index
        %swap3A_545 = arith.constant 0 : index
        %swap3A_546 = tpu.vector_load %arg19[%swap3A_544, %swap3A_545] {strides = array<i32>} : memref<160x16xf32, #tpu.memory_space<vmem>>, vector<16xf32>,
        tpu.vector_store %arg19[%swap3A_544, %swap3A_545], %add3A_543 {strides = array<i32>} : memref<160x16xf32, #tpu.memory_space<vmem>>, vector<16xf32>,
        %mul3A_547 = arith.constant 20 : i32
        %mul3A_548 = arith.muli %scan3A_199, %mul3A_547 : i32
        %add3A_549 = arith.constant 9 : i32
        %add3A_550 = arith.addi %mul3A_548, %add3A_549 : i32
        %slice3A_551 = vector.extract_strided_slice %get3A_232 {offsets = [9], sizes = [1], strides = [1]} : vector<16xi32> to vector<1xi32>
        %squeeze3A_552 = vector.extract %slice3A_551[0] : i32 from vector<1xi32>
        %get3A_553 = arith.index_cast %add3A_550 : i32 to index
        %get3A_554 = arith.index_cast %squeeze3A_552 : i32 to index
        %get3A_555 = tpu.vector_load %arg17[%get3A_553, %get3A_554] {strides = array<i32>} : memref<160x128xf32, #tpu.memory_space<vmem>>, vector<16xf32>,
        %mul3A_556 = arith.mulf %get3A_555, %get3A_208 : vector<16xf32>
        %add3A_557 = arith.constant 16 : i32
        %add3A_558 = arith.addi %squeeze3A_552, %add3A_557 : i32
        %get3A_559 = arith.index_cast %add3A_550 : i32 to index
        %get3A_560 = arith.index_cast %add3A_558 : i32 to index
        %get3A_561 = tpu.vector_load %arg17[%get3A_559, %get3A_560] {strides = array<i32>} : memref<160x128xf32, #tpu.memory_space<vmem>>, vector<16xf32>,
        %mul3A_562 = arith.mulf %get3A_561, %get3A_213 : vector<16xf32>
        %add3A_563 = arith.addf %mul3A_556, %mul3A_562 : vector<16xf32>
        %add3A_564 = arith.constant 32 : i32
        %add3A_565 = arith.addi %squeeze3A_552, %add3A_564 : i32
        %get3A_566 = arith.index_cast %add3A_550 : i32 to index
        %get3A_567 = arith.index_cast %add3A_565 : i32 to index
        %get3A_568 = tpu.vector_load %arg17[%get3A_566, %get3A_567] {strides = array<i32>} : memref<160x128xf32, #tpu.memory_space<vmem>>, vector<16xf32>,
        %mul3A_569 = arith.mulf %get3A_568, %get3A_218 : vector<16xf32>
        %add3A_570 = arith.addf %add3A_563, %mul3A_569 : vector<16xf32>
        %add3A_571 = arith.constant 48 : i32
        %add3A_572 = arith.addi %squeeze3A_552, %add3A_571 : i32
        %get3A_573 = arith.index_cast %add3A_550 : i32 to index
        %get3A_574 = arith.index_cast %add3A_572 : i32 to index
        %get3A_575 = tpu.vector_load %arg17[%get3A_573, %get3A_574] {strides = array<i32>} : memref<160x128xf32, #tpu.memory_space<vmem>>, vector<16xf32>,
        %mul3A_576 = arith.mulf %get3A_575, %get3A_223 : vector<16xf32>
        %add3A_577 = arith.addf %add3A_570, %mul3A_576 : vector<16xf32>
        %swap3A_578 = arith.index_cast %add3A_550 : i32 to index
        %swap3A_579 = arith.constant 0 : index
        %swap3A_580 = tpu.vector_load %arg19[%swap3A_578, %swap3A_579] {strides = array<i32>} : memref<160x16xf32, #tpu.memory_space<vmem>>, vector<16xf32>,
        tpu.vector_store %arg19[%swap3A_578, %swap3A_579], %add3A_577 {strides = array<i32>} : memref<160x16xf32, #tpu.memory_space<vmem>>, vector<16xf32>,
        %mul3A_581 = arith.constant 20 : i32
        %mul3A_582 = arith.muli %scan3A_199, %mul3A_581 : i32
        %add3A_583 = arith.constant 10 : i32
        %add3A_584 = arith.addi %mul3A_582, %add3A_583 : i32
        %slice3A_585 = vector.extract_strided_slice %get3A_232 {offsets = [10], sizes = [1], strides = [1]} : vector<16xi32> to vector<1xi32>
        %squeeze3A_586 = vector.extract %slice3A_585[0] : i32 from vector<1xi32>
        %get3A_587 = arith.index_cast %add3A_584 : i32 to index
        %get3A_588 = arith.index_cast %squeeze3A_586 : i32 to index
        %get3A_589 = tpu.vector_load %arg17[%get3A_587, %get3A_588] {strides = array<i32>} : memref<160x128xf32, #tpu.memory_space<vmem>>, vector<16xf32>,
        %mul3A_590 = arith.mulf %get3A_589, %get3A_208 : vector<16xf32>
        %add3A_591 = arith.constant 16 : i32
        %add3A_592 = arith.addi %squeeze3A_586, %add3A_591 : i32
        %get3A_593 = arith.index_cast %add3A_584 : i32 to index
        %get3A_594 = arith.index_cast %add3A_592 : i32 to index
        %get3A_595 = tpu.vector_load %arg17[%get3A_593, %get3A_594] {strides = array<i32>} : memref<160x128xf32, #tpu.memory_space<vmem>>, vector<16xf32>,
        %mul3A_596 = arith.mulf %get3A_595, %get3A_213 : vector<16xf32>
        %add3A_597 = arith.addf %mul3A_590, %mul3A_596 : vector<16xf32>
        %add3A_598 = arith.constant 32 : i32
        %add3A_599 = arith.addi %squeeze3A_586, %add3A_598 : i32
        %get3A_600 = arith.index_cast %add3A_584 : i32 to index
        %get3A_601 = arith.index_cast %add3A_599 : i32 to index
        %get3A_602 = tpu.vector_load %arg17[%get3A_600, %get3A_601] {strides = array<i32>} : memref<160x128xf32, #tpu.memory_space<vmem>>, vector<16xf32>,
        %mul3A_603 = arith.mulf %get3A_602, %get3A_218 : vector<16xf32>
        %add3A_604 = arith.addf %add3A_597, %mul3A_603 : vector<16xf32>
        %add3A_605 = arith.constant 48 : i32
        %add3A_606 = arith.addi %squeeze3A_586, %add3A_605 : i32
        %get3A_607 = arith.index_cast %add3A_584 : i32 to index
        %get3A_608 = arith.index_cast %add3A_606 : i32 to index
        %get3A_609 = tpu.vector_load %arg17[%get3A_607, %get3A_608] {strides = array<i32>} : memref<160x128xf32, #tpu.memory_space<vmem>>, vector<16xf32>,
        %mul3A_610 = arith.mulf %get3A_609, %get3A_223 : vector<16xf32>
        %add3A_611 = arith.addf %add3A_604, %mul3A_610 : vector<16xf32>
        %swap3A_612 = arith.index_cast %add3A_584 : i32 to index
        %swap3A_613 = arith.constant 0 : index
        %swap3A_614 = tpu.vector_load %arg19[%swap3A_612, %swap3A_613] {strides = array<i32>} : memref<160x16xf32, #tpu.memory_space<vmem>>, vector<16xf32>,
        tpu.vector_store %arg19[%swap3A_612, %swap3A_613], %add3A_611 {strides = array<i32>} : memref<160x16xf32, #tpu.memory_space<vmem>>, vector<16xf32>,
        %mul3A_615 = arith.constant 20 : i32
        %mul3A_616 = arith.muli %scan3A_199, %mul3A_615 : i32
        %add3A_617 = arith.constant 11 : i32
        %add3A_618 = arith.addi %mul3A_616, %add3A_617 : i32
        %slice3A_619 = vector.extract_strided_slice %get3A_232 {offsets = [11], sizes = [1], strides = [1]} : vector<16xi32> to vector<1xi32>
        %squeeze3A_620 = vector.extract %slice3A_619[0] : i32 from vector<1xi32>
        %get3A_621 = arith.index_cast %add3A_618 : i32 to index
        %get3A_622 = arith.index_cast %squeeze3A_620 : i32 to index
        %get3A_623 = tpu.vector_load %arg17[%get3A_621, %get3A_622] {strides = array<i32>} : memref<160x128xf32, #tpu.memory_space<vmem>>, vector<16xf32>,
        %mul3A_624 = arith.mulf %get3A_623, %get3A_208 : vector<16xf32>
        %add3A_625 = arith.constant 16 : i32
        %add3A_626 = arith.addi %squeeze3A_620, %add3A_625 : i32
        %get3A_627 = arith.index_cast %add3A_618 : i32 to index
        %get3A_628 = arith.index_cast %add3A_626 : i32 to index
        %get3A_629 = tpu.vector_load %arg17[%get3A_627, %get3A_628] {strides = array<i32>} : memref<160x128xf32, #tpu.memory_space<vmem>>, vector<16xf32>,
        %mul3A_630 = arith.mulf %get3A_629, %get3A_213 : vector<16xf32>
        %add3A_631 = arith.addf %mul3A_624, %mul3A_630 : vector<16xf32>
        %add3A_632 = arith.constant 32 : i32
        %add3A_633 = arith.addi %squeeze3A_620, %add3A_632 : i32
        %get3A_634 = arith.index_cast %add3A_618 : i32 to index
        %get3A_635 = arith.index_cast %add3A_633 : i32 to index
        %get3A_636 = tpu.vector_load %arg17[%get3A_634, %get3A_635] {strides = array<i32>} : memref<160x128xf32, #tpu.memory_space<vmem>>, vector<16xf32>,
        %mul3A_637 = arith.mulf %get3A_636, %get3A_218 : vector<16xf32>
        %add3A_638 = arith.addf %add3A_631, %mul3A_637 : vector<16xf32>
        %add3A_639 = arith.constant 48 : i32
        %add3A_640 = arith.addi %squeeze3A_620, %add3A_639 : i32
        %get3A_641 = arith.index_cast %add3A_618 : i32 to index
        %get3A_642 = arith.index_cast %add3A_640 : i32 to index
        %get3A_643 = tpu.vector_load %arg17[%get3A_641, %get3A_642] {strides = array<i32>} : memref<160x128xf32, #tpu.memory_space<vmem>>, vector<16xf32>,
        %mul3A_644 = arith.mulf %get3A_643, %get3A_223 : vector<16xf32>
        %add3A_645 = arith.addf %add3A_638, %mul3A_644 : vector<16xf32>
        %swap3A_646 = arith.index_cast %add3A_618 : i32 to index
        %swap3A_647 = arith.constant 0 : index
        %swap3A_648 = tpu.vector_load %arg19[%swap3A_646, %swap3A_647] {strides = array<i32>} : memref<160x16xf32, #tpu.memory_space<vmem>>, vector<16xf32>,
        tpu.vector_store %arg19[%swap3A_646, %swap3A_647], %add3A_645 {strides = array<i32>} : memref<160x16xf32, #tpu.memory_space<vmem>>, vector<16xf32>,
        %mul3A_649 = arith.constant 20 : i32
        %mul3A_650 = arith.muli %scan3A_199, %mul3A_649 : i32
        %add3A_651 = arith.constant 12 : i32
        %add3A_652 = arith.addi %mul3A_650, %add3A_651 : i32
        %slice3A_653 = vector.extract_strided_slice %get3A_232 {offsets = [12], sizes = [1], strides = [1]} : vector<16xi32> to vector<1xi32>
        %squeeze3A_654 = vector.extract %slice3A_653[0] : i32 from vector<1xi32>
        %get3A_655 = arith.index_cast %add3A_652 : i32 to index
        %get3A_656 = arith.index_cast %squeeze3A_654 : i32 to index
        %get3A_657 = tpu.vector_load %arg17[%get3A_655, %get3A_656] {strides = array<i32>} : memref<160x128xf32, #tpu.memory_space<vmem>>, vector<16xf32>,
        %mul3A_658 = arith.mulf %get3A_657, %get3A_208 : vector<16xf32>
        %add3A_659 = arith.constant 16 : i32
        %add3A_660 = arith.addi %squeeze3A_654, %add3A_659 : i32
        %get3A_661 = arith.index_cast %add3A_652 : i32 to index
        %get3A_662 = arith.index_cast %add3A_660 : i32 to index
        %get3A_663 = tpu.vector_load %arg17[%get3A_661, %get3A_662] {strides = array<i32>} : memref<160x128xf32, #tpu.memory_space<vmem>>, vector<16xf32>,
        %mul3A_664 = arith.mulf %get3A_663, %get3A_213 : vector<16xf32>
        %add3A_665 = arith.addf %mul3A_658, %mul3A_664 : vector<16xf32>
        %add3A_666 = arith.constant 32 : i32
        %add3A_667 = arith.addi %squeeze3A_654, %add3A_666 : i32
        %get3A_668 = arith.index_cast %add3A_652 : i32 to index
        %get3A_669 = arith.index_cast %add3A_667 : i32 to index
        %get3A_670 = tpu.vector_load %arg17[%get3A_668, %get3A_669] {strides = array<i32>} : memref<160x128xf32, #tpu.memory_space<vmem>>, vector<16xf32>,
        %mul3A_671 = arith.mulf %get3A_670, %get3A_218 : vector<16xf32>
        %add3A_672 = arith.addf %add3A_665, %mul3A_671 : vector<16xf32>
        %add3A_673 = arith.constant 48 : i32
        %add3A_674 = arith.addi %squeeze3A_654, %add3A_673 : i32
        %get3A_675 = arith.index_cast %add3A_652 : i32 to index
        %get3A_676 = arith.index_cast %add3A_674 : i32 to index
        %get3A_677 = tpu.vector_load %arg17[%get3A_675, %get3A_676] {strides = array<i32>} : memref<160x128xf32, #tpu.memory_space<vmem>>, vector<16xf32>,
        %mul3A_678 = arith.mulf %get3A_677, %get3A_223 : vector<16xf32>
        %add3A_679 = arith.addf %add3A_672, %mul3A_678 : vector<16xf32>
        %swap3A_680 = arith.index_cast %add3A_652 : i32 to index
        %swap3A_681 = arith.constant 0 : index
        %swap3A_682 = tpu.vector_load %arg19[%swap3A_680, %swap3A_681] {strides = array<i32>} : memref<160x16xf32, #tpu.memory_space<vmem>>, vector<16xf32>,
        tpu.vector_store %arg19[%swap3A_680, %swap3A_681], %add3A_679 {strides = array<i32>} : memref<160x16xf32, #tpu.memory_space<vmem>>, vector<16xf32>,
        %mul3A_683 = arith.constant 20 : i32
        %mul3A_684 = arith.muli %scan3A_199, %mul3A_683 : i32
        %add3A_685 = arith.constant 13 : i32
        %add3A_686 = arith.addi %mul3A_684, %add3A_685 : i32
        %slice3A_687 = vector.extract_strided_slice %get3A_232 {offsets = [13], sizes = [1], strides = [1]} : vector<16xi32> to vector<1xi32>
        %squeeze3A_688 = vector.extract %slice3A_687[0] : i32 from vector<1xi32>
        %get3A_689 = arith.index_cast %add3A_686 : i32 to index
        %get3A_690 = arith.index_cast %squeeze3A_688 : i32 to index
        %get3A_691 = tpu.vector_load %arg17[%get3A_689, %get3A_690] {strides = array<i32>} : memref<160x128xf32, #tpu.memory_space<vmem>>, vector<16xf32>,
        %mul3A_692 = arith.mulf %get3A_691, %get3A_208 : vector<16xf32>
        %add3A_693 = arith.constant 16 : i32
        %add3A_694 = arith.addi %squeeze3A_688, %add3A_693 : i32
        %get3A_695 = arith.index_cast %add3A_686 : i32 to index
        %get3A_696 = arith.index_cast %add3A_694 : i32 to index
        %get3A_697 = tpu.vector_load %arg17[%get3A_695, %get3A_696] {strides = array<i32>} : memref<160x128xf32, #tpu.memory_space<vmem>>, vector<16xf32>,
        %mul3A_698 = arith.mulf %get3A_697, %get3A_213 : vector<16xf32>
        %add3A_699 = arith.addf %mul3A_692, %mul3A_698 : vector<16xf32>
        %add3A_700 = arith.constant 32 : i32
        %add3A_701 = arith.addi %squeeze3A_688, %add3A_700 : i32
        %get3A_702 = arith.index_cast %add3A_686 : i32 to index
        %get3A_703 = arith.index_cast %add3A_701 : i32 to index
        %get3A_704 = tpu.vector_load %arg17[%get3A_702, %get3A_703] {strides = array<i32>} : memref<160x128xf32, #tpu.memory_space<vmem>>, vector<16xf32>,
        %mul3A_705 = arith.mulf %get3A_704, %get3A_218 : vector<16xf32>
        %add3A_706 = arith.addf %add3A_699, %mul3A_705 : vector<16xf32>
        %add3A_707 = arith.constant 48 : i32
        %add3A_708 = arith.addi %squeeze3A_688, %add3A_707 : i32
        %get3A_709 = arith.index_cast %add3A_686 : i32 to index
        %get3A_710 = arith.index_cast %add3A_708 : i32 to index
        %get3A_711 = tpu.vector_load %arg17[%get3A_709, %get3A_710] {strides = array<i32>} : memref<160x128xf32, #tpu.memory_space<vmem>>, vector<16xf32>,
        %mul3A_712 = arith.mulf %get3A_711, %get3A_223 : vector<16xf32>
        %add3A_713 = arith.addf %add3A_706, %mul3A_712 : vector<16xf32>
        %swap3A_714 = arith.index_cast %add3A_686 : i32 to index
        %swap3A_715 = arith.constant 0 : index
        %swap3A_716 = tpu.vector_load %arg19[%swap3A_714, %swap3A_715] {strides = array<i32>} : memref<160x16xf32, #tpu.memory_space<vmem>>, vector<16xf32>,
        tpu.vector_store %arg19[%swap3A_714, %swap3A_715], %add3A_713 {strides = array<i32>} : memref<160x16xf32, #tpu.memory_space<vmem>>, vector<16xf32>,
        %mul3A_717 = arith.constant 20 : i32
        %mul3A_718 = arith.muli %scan3A_199, %mul3A_717 : i32
        %add3A_719 = arith.constant 14 : i32
        %add3A_720 = arith.addi %mul3A_718, %add3A_719 : i32
        %slice3A_721 = vector.extract_strided_slice %get3A_232 {offsets = [14], sizes = [1], strides = [1]} : vector<16xi32> to vector<1xi32>
        %squeeze3A_722 = vector.extract %slice3A_721[0] : i32 from vector<1xi32>
        %get3A_723 = arith.index_cast %add3A_720 : i32 to index
        %get3A_724 = arith.index_cast %squeeze3A_722 : i32 to index
        %get3A_725 = tpu.vector_load %arg17[%get3A_723, %get3A_724] {strides = array<i32>} : memref<160x128xf32, #tpu.memory_space<vmem>>, vector<16xf32>,
        %mul3A_726 = arith.mulf %get3A_725, %get3A_208 : vector<16xf32>
        %add3A_727 = arith.constant 16 : i32
        %add3A_728 = arith.addi %squeeze3A_722, %add3A_727 : i32
        %get3A_729 = arith.index_cast %add3A_720 : i32 to index
        %get3A_730 = arith.index_cast %add3A_728 : i32 to index
        %get3A_731 = tpu.vector_load %arg17[%get3A_729, %get3A_730] {strides = array<i32>} : memref<160x128xf32, #tpu.memory_space<vmem>>, vector<16xf32>,
        %mul3A_732 = arith.mulf %get3A_731, %get3A_213 : vector<16xf32>
        %add3A_733 = arith.addf %mul3A_726, %mul3A_732 : vector<16xf32>
        %add3A_734 = arith.constant 32 : i32
        %add3A_735 = arith.addi %squeeze3A_722, %add3A_734 : i32
        %get3A_736 = arith.index_cast %add3A_720 : i32 to index
        %get3A_737 = arith.index_cast %add3A_735 : i32 to index
        %get3A_738 = tpu.vector_load %arg17[%get3A_736, %get3A_737] {strides = array<i32>} : memref<160x128xf32, #tpu.memory_space<vmem>>, vector<16xf32>,
        %mul3A_739 = arith.mulf %get3A_738, %get3A_218 : vector<16xf32>
        %add3A_740 = arith.addf %add3A_733, %mul3A_739 : vector<16xf32>
        %add3A_741 = arith.constant 48 : i32
        %add3A_742 = arith.addi %squeeze3A_722, %add3A_741 : i32
        %get3A_743 = arith.index_cast %add3A_720 : i32 to index
        %get3A_744 = arith.index_cast %add3A_742 : i32 to index
        %get3A_745 = tpu.vector_load %arg17[%get3A_743, %get3A_744] {strides = array<i32>} : memref<160x128xf32, #tpu.memory_space<vmem>>, vector<16xf32>,
        %mul3A_746 = arith.mulf %get3A_745, %get3A_223 : vector<16xf32>
        %add3A_747 = arith.addf %add3A_740, %mul3A_746 : vector<16xf32>
        %swap3A_748 = arith.index_cast %add3A_720 : i32 to index
        %swap3A_749 = arith.constant 0 : index
        %swap3A_750 = tpu.vector_load %arg19[%swap3A_748, %swap3A_749] {strides = array<i32>} : memref<160x16xf32, #tpu.memory_space<vmem>>, vector<16xf32>,
        tpu.vector_store %arg19[%swap3A_748, %swap3A_749], %add3A_747 {strides = array<i32>} : memref<160x16xf32, #tpu.memory_space<vmem>>, vector<16xf32>,
        %mul3A_751 = arith.constant 20 : i32
        %mul3A_752 = arith.muli %scan3A_199, %mul3A_751 : i32
        %add3A_753 = arith.constant 15 : i32
        %add3A_754 = arith.addi %mul3A_752, %add3A_753 : i32
        %slice3A_755 = vector.extract_strided_slice %get3A_232 {offsets = [15], sizes = [1], strides = [1]} : vector<16xi32> to vector<1xi32>
        %squeeze3A_756 = vector.extract %slice3A_755[0] : i32 from vector<1xi32>
        %get3A_757 = arith.index_cast %add3A_754 : i32 to index
        %get3A_758 = arith.index_cast %squeeze3A_756 : i32 to index
        %get3A_759 = tpu.vector_load %arg17[%get3A_757, %get3A_758] {strides = array<i32>} : memref<160x128xf32, #tpu.memory_space<vmem>>, vector<16xf32>,
        %mul3A_760 = arith.mulf %get3A_759, %get3A_208 : vector<16xf32>
        %add3A_761 = arith.constant 16 : i32
        %add3A_762 = arith.addi %squeeze3A_756, %add3A_761 : i32
        %get3A_763 = arith.index_cast %add3A_754 : i32 to index
        %get3A_764 = arith.index_cast %add3A_762 : i32 to index
        %get3A_765 = tpu.vector_load %arg17[%get3A_763, %get3A_764] {strides = array<i32>} : memref<160x128xf32, #tpu.memory_space<vmem>>, vector<16xf32>,
        %mul3A_766 = arith.mulf %get3A_765, %get3A_213 : vector<16xf32>
        %add3A_767 = arith.addf %mul3A_760, %mul3A_766 : vector<16xf32>
        %add3A_768 = arith.constant 32 : i32
        %add3A_769 = arith.addi %squeeze3A_756, %add3A_768 : i32
        %get3A_770 = arith.index_cast %add3A_754 : i32 to index
        %get3A_771 = arith.index_cast %add3A_769 : i32 to index
        %get3A_772 = tpu.vector_load %arg17[%get3A_770, %get3A_771] {strides = array<i32>} : memref<160x128xf32, #tpu.memory_space<vmem>>, vector<16xf32>,
        %mul3A_773 = arith.mulf %get3A_772, %get3A_218 : vector<16xf32>
        %add3A_774 = arith.addf %add3A_767, %mul3A_773 : vector<16xf32>
        %add3A_775 = arith.constant 48 : i32
        %add3A_776 = arith.addi %squeeze3A_756, %add3A_775 : i32
        %get3A_777 = arith.index_cast %add3A_754 : i32 to index
        %get3A_778 = arith.index_cast %add3A_776 : i32 to index
        %get3A_779 = tpu.vector_load %arg17[%get3A_777, %get3A_778] {strides = array<i32>} : memref<160x128xf32, #tpu.memory_space<vmem>>, vector<16xf32>,
        %mul3A_780 = arith.mulf %get3A_779, %get3A_223 : vector<16xf32>
        %add3A_781 = arith.addf %add3A_774, %mul3A_780 : vector<16xf32>
        %swap3A_782 = arith.index_cast %add3A_754 : i32 to index
        %swap3A_783 = arith.constant 0 : index
        %swap3A_784 = tpu.vector_load %arg19[%swap3A_782, %swap3A_783] {strides = array<i32>} : memref<160x16xf32, #tpu.memory_space<vmem>>, vector<16xf32>,
        tpu.vector_store %arg19[%swap3A_782, %swap3A_783], %add3A_781 {strides = array<i32>} : memref<160x16xf32, #tpu.memory_space<vmem>>, vector<16xf32>,
        %mul3A_785 = arith.constant 20 : i32
        %mul3A_786 = arith.muli %scan3A_199, %mul3A_785 : i32
        %add3A_787 = arith.constant 16 : i32
        %add3A_788 = arith.addi %mul3A_786, %add3A_787 : i32
        %slice3A_789 = vector.extract_strided_slice %get3A_241 {offsets = [0], sizes = [1], strides = [1]} : vector<16xi32> to vector<1xi32>
        %squeeze3A_790 = vector.extract %slice3A_789[0] : i32 from vector<1xi32>
        %get3A_791 = arith.index_cast %add3A_788 : i32 to index
        %get3A_792 = arith.index_cast %squeeze3A_790 : i32 to index
        %get3A_793 = tpu.vector_load %arg17[%get3A_791, %get3A_792] {strides = array<i32>} : memref<160x128xf32, #tpu.memory_space<vmem>>, vector<16xf32>,
        %mul3A_794 = arith.mulf %get3A_793, %get3A_208 : vector<16xf32>
        %add3A_795 = arith.constant 16 : i32
        %add3A_796 = arith.addi %squeeze3A_790, %add3A_795 : i32
        %get3A_797 = arith.index_cast %add3A_788 : i32 to index
        %get3A_798 = arith.index_cast %add3A_796 : i32 to index
        %get3A_799 = tpu.vector_load %arg17[%get3A_797, %get3A_798] {strides = array<i32>} : memref<160x128xf32, #tpu.memory_space<vmem>>, vector<16xf32>,
        %mul3A_800 = arith.mulf %get3A_799, %get3A_213 : vector<16xf32>
        %add3A_801 = arith.addf %mul3A_794, %mul3A_800 : vector<16xf32>
        %add3A_802 = arith.constant 32 : i32
        %add3A_803 = arith.addi %squeeze3A_790, %add3A_802 : i32
        %get3A_804 = arith.index_cast %add3A_788 : i32 to index
        %get3A_805 = arith.index_cast %add3A_803 : i32 to index
        %get3A_806 = tpu.vector_load %arg17[%get3A_804, %get3A_805] {strides = array<i32>} : memref<160x128xf32, #tpu.memory_space<vmem>>, vector<16xf32>,
        %mul3A_807 = arith.mulf %get3A_806, %get3A_218 : vector<16xf32>
        %add3A_808 = arith.addf %add3A_801, %mul3A_807 : vector<16xf32>
        %add3A_809 = arith.constant 48 : i32
        %add3A_810 = arith.addi %squeeze3A_790, %add3A_809 : i32
        %get3A_811 = arith.index_cast %add3A_788 : i32 to index
        %get3A_812 = arith.index_cast %add3A_810 : i32 to index
        %get3A_813 = tpu.vector_load %arg17[%get3A_811, %get3A_812] {strides = array<i32>} : memref<160x128xf32, #tpu.memory_space<vmem>>, vector<16xf32>,
        %mul3A_814 = arith.mulf %get3A_813, %get3A_223 : vector<16xf32>
        %add3A_815 = arith.addf %add3A_808, %mul3A_814 : vector<16xf32>
        %swap3A_816 = arith.index_cast %add3A_788 : i32 to index
        %swap3A_817 = arith.constant 0 : index
        %swap3A_818 = tpu.vector_load %arg19[%swap3A_816, %swap3A_817] {strides = array<i32>} : memref<160x16xf32, #tpu.memory_space<vmem>>, vector<16xf32>,
        tpu.vector_store %arg19[%swap3A_816, %swap3A_817], %add3A_815 {strides = array<i32>} : memref<160x16xf32, #tpu.memory_space<vmem>>, vector<16xf32>,
        %mul3A_819 = arith.constant 20 : i32
        %mul3A_820 = arith.muli %scan3A_199, %mul3A_819 : i32
        %add3A_821 = arith.constant 17 : i32
        %add3A_822 = arith.addi %mul3A_820, %add3A_821 : i32
        %slice3A_823 = vector.extract_strided_slice %get3A_241 {offsets = [1], sizes = [1], strides = [1]} : vector<16xi32> to vector<1xi32>
        %squeeze3A_824 = vector.extract %slice3A_823[0] : i32 from vector<1xi32>
        %get3A_825 = arith.index_cast %add3A_822 : i32 to index
        %get3A_826 = arith.index_cast %squeeze3A_824 : i32 to index
        %get3A_827 = tpu.vector_load %arg17[%get3A_825, %get3A_826] {strides = array<i32>} : memref<160x128xf32, #tpu.memory_space<vmem>>, vector<16xf32>,
        %mul3A_828 = arith.mulf %get3A_827, %get3A_208 : vector<16xf32>
        %add3A_829 = arith.constant 16 : i32
        %add3A_830 = arith.addi %squeeze3A_824, %add3A_829 : i32
        %get3A_831 = arith.index_cast %add3A_822 : i32 to index
        %get3A_832 = arith.index_cast %add3A_830 : i32 to index
        %get3A_833 = tpu.vector_load %arg17[%get3A_831, %get3A_832] {strides = array<i32>} : memref<160x128xf32, #tpu.memory_space<vmem>>, vector<16xf32>,
        %mul3A_834 = arith.mulf %get3A_833, %get3A_213 : vector<16xf32>
        %add3A_835 = arith.addf %mul3A_828, %mul3A_834 : vector<16xf32>
        %add3A_836 = arith.constant 32 : i32
        %add3A_837 = arith.addi %squeeze3A_824, %add3A_836 : i32
        %get3A_838 = arith.index_cast %add3A_822 : i32 to index
        %get3A_839 = arith.index_cast %add3A_837 : i32 to index
        %get3A_840 = tpu.vector_load %arg17[%get3A_838, %get3A_839] {strides = array<i32>} : memref<160x128xf32, #tpu.memory_space<vmem>>, vector<16xf32>,
        %mul3A_841 = arith.mulf %get3A_840, %get3A_218 : vector<16xf32>
        %add3A_842 = arith.addf %add3A_835, %mul3A_841 : vector<16xf32>
        %add3A_843 = arith.constant 48 : i32
        %add3A_844 = arith.addi %squeeze3A_824, %add3A_843 : i32
        %get3A_845 = arith.index_cast %add3A_822 : i32 to index
        %get3A_846 = arith.index_cast %add3A_844 : i32 to index
        %get3A_847 = tpu.vector_load %arg17[%get3A_845, %get3A_846] {strides = array<i32>} : memref<160x128xf32, #tpu.memory_space<vmem>>, vector<16xf32>,
        %mul3A_848 = arith.mulf %get3A_847, %get3A_223 : vector<16xf32>
        %add3A_849 = arith.addf %add3A_842, %mul3A_848 : vector<16xf32>
        %swap3A_850 = arith.index_cast %add3A_822 : i32 to index
        %swap3A_851 = arith.constant 0 : index
        %swap3A_852 = tpu.vector_load %arg19[%swap3A_850, %swap3A_851] {strides = array<i32>} : memref<160x16xf32, #tpu.memory_space<vmem>>, vector<16xf32>,
        tpu.vector_store %arg19[%swap3A_850, %swap3A_851], %add3A_849 {strides = array<i32>} : memref<160x16xf32, #tpu.memory_space<vmem>>, vector<16xf32>,
        %mul3A_853 = arith.constant 20 : i32
        %mul3A_854 = arith.muli %scan3A_199, %mul3A_853 : i32
        %add3A_855 = arith.constant 18 : i32
        %add3A_856 = arith.addi %mul3A_854, %add3A_855 : i32
        %slice3A_857 = vector.extract_strided_slice %get3A_241 {offsets = [2], sizes = [1], strides = [1]} : vector<16xi32> to vector<1xi32>
        %squeeze3A_858 = vector.extract %slice3A_857[0] : i32 from vector<1xi32>
        %get3A_859 = arith.index_cast %add3A_856 : i32 to index
        %get3A_860 = arith.index_cast %squeeze3A_858 : i32 to index
        %get3A_861 = tpu.vector_load %arg17[%get3A_859, %get3A_860] {strides = array<i32>} : memref<160x128xf32, #tpu.memory_space<vmem>>, vector<16xf32>,
        %mul3A_862 = arith.mulf %get3A_861, %get3A_208 : vector<16xf32>
        %add3A_863 = arith.constant 16 : i32
        %add3A_864 = arith.addi %squeeze3A_858, %add3A_863 : i32
        %get3A_865 = arith.index_cast %add3A_856 : i32 to index
        %get3A_866 = arith.index_cast %add3A_864 : i32 to index
        %get3A_867 = tpu.vector_load %arg17[%get3A_865, %get3A_866] {strides = array<i32>} : memref<160x128xf32, #tpu.memory_space<vmem>>, vector<16xf32>,
        %mul3A_868 = arith.mulf %get3A_867, %get3A_213 : vector<16xf32>
        %add3A_869 = arith.addf %mul3A_862, %mul3A_868 : vector<16xf32>
        %add3A_870 = arith.constant 32 : i32
        %add3A_871 = arith.addi %squeeze3A_858, %add3A_870 : i32
        %get3A_872 = arith.index_cast %add3A_856 : i32 to index
        %get3A_873 = arith.index_cast %add3A_871 : i32 to index
        %get3A_874 = tpu.vector_load %arg17[%get3A_872, %get3A_873] {strides = array<i32>} : memref<160x128xf32, #tpu.memory_space<vmem>>, vector<16xf32>,
        %mul3A_875 = arith.mulf %get3A_874, %get3A_218 : vector<16xf32>
        %add3A_876 = arith.addf %add3A_869, %mul3A_875 : vector<16xf32>
        %add3A_877 = arith.constant 48 : i32
        %add3A_878 = arith.addi %squeeze3A_858, %add3A_877 : i32
        %get3A_879 = arith.index_cast %add3A_856 : i32 to index
        %get3A_880 = arith.index_cast %add3A_878 : i32 to index
        %get3A_881 = tpu.vector_load %arg17[%get3A_879, %get3A_880] {strides = array<i32>} : memref<160x128xf32, #tpu.memory_space<vmem>>, vector<16xf32>,
        %mul3A_882 = arith.mulf %get3A_881, %get3A_223 : vector<16xf32>
        %add3A_883 = arith.addf %add3A_876, %mul3A_882 : vector<16xf32>
        %swap3A_884 = arith.index_cast %add3A_856 : i32 to index
        %swap3A_885 = arith.constant 0 : index
        %swap3A_886 = tpu.vector_load %arg19[%swap3A_884, %swap3A_885] {strides = array<i32>} : memref<160x16xf32, #tpu.memory_space<vmem>>, vector<16xf32>,
        tpu.vector_store %arg19[%swap3A_884, %swap3A_885], %add3A_883 {strides = array<i32>} : memref<160x16xf32, #tpu.memory_space<vmem>>, vector<16xf32>,
        %mul3A_887 = arith.constant 20 : i32
        %mul3A_888 = arith.muli %scan3A_199, %mul3A_887 : i32
        %add3A_889 = arith.constant 19 : i32
        %add3A_890 = arith.addi %mul3A_888, %add3A_889 : i32
        %slice3A_891 = vector.extract_strided_slice %get3A_241 {offsets = [3], sizes = [1], strides = [1]} : vector<16xi32> to vector<1xi32>
        %squeeze3A_892 = vector.extract %slice3A_891[0] : i32 from vector<1xi32>
        %get3A_893 = arith.index_cast %add3A_890 : i32 to index
        %get3A_894 = arith.index_cast %squeeze3A_892 : i32 to index
        %get3A_895 = tpu.vector_load %arg17[%get3A_893, %get3A_894] {strides = array<i32>} : memref<160x128xf32, #tpu.memory_space<vmem>>, vector<16xf32>,
        %mul3A_896 = arith.mulf %get3A_895, %get3A_208 : vector<16xf32>
        %add3A_897 = arith.constant 16 : i32
        %add3A_898 = arith.addi %squeeze3A_892, %add3A_897 : i32
        %get3A_899 = arith.index_cast %add3A_890 : i32 to index
        %get3A_900 = arith.index_cast %add3A_898 : i32 to index
        %get3A_901 = tpu.vector_load %arg17[%get3A_899, %get3A_900] {strides = array<i32>} : memref<160x128xf32, #tpu.memory_space<vmem>>, vector<16xf32>,
        %mul3A_902 = arith.mulf %get3A_901, %get3A_213 : vector<16xf32>
        %add3A_903 = arith.addf %mul3A_896, %mul3A_902 : vector<16xf32>
        %add3A_904 = arith.constant 32 : i32
        %add3A_905 = arith.addi %squeeze3A_892, %add3A_904 : i32
        %get3A_906 = arith.index_cast %add3A_890 : i32 to index
        %get3A_907 = arith.index_cast %add3A_905 : i32 to index
        %get3A_908 = tpu.vector_load %arg17[%get3A_906, %get3A_907] {strides = array<i32>} : memref<160x128xf32, #tpu.memory_space<vmem>>, vector<16xf32>,
        %mul3A_909 = arith.mulf %get3A_908, %get3A_218 : vector<16xf32>
        %add3A_910 = arith.addf %add3A_903, %mul3A_909 : vector<16xf32>
        %add3A_911 = arith.constant 48 : i32
        %add3A_912 = arith.addi %squeeze3A_892, %add3A_911 : i32
        %get3A_913 = arith.index_cast %add3A_890 : i32 to index
        %get3A_914 = arith.index_cast %add3A_912 : i32 to index
        %get3A_915 = tpu.vector_load %arg17[%get3A_913, %get3A_914] {strides = array<i32>} : memref<160x128xf32, #tpu.memory_space<vmem>>, vector<16xf32>,
        %mul3A_916 = arith.mulf %get3A_915, %get3A_223 : vector<16xf32>
        %add3A_917 = arith.addf %add3A_910, %mul3A_916 : vector<16xf32>
        %swap3A_918 = arith.index_cast %add3A_890 : i32 to index
        %swap3A_919 = arith.constant 0 : index
        %swap3A_920 = tpu.vector_load %arg19[%swap3A_918, %swap3A_919] {strides = array<i32>} : memref<160x16xf32, #tpu.memory_space<vmem>>, vector<16xf32>,
        tpu.vector_store %arg19[%swap3A_918, %swap3A_919], %add3A_917 {strides = array<i32>} : memref<160x16xf32, #tpu.memory_space<vmem>>, vector<16xf32>,
      }
      %scan3A_126 = arith.constant 8 : i32
      %scan3A_127 = arith.constant 0 : i32
      %scan3A_128 = arith.constant 0 : i32
      %scan3A_129 = arith.constant 10 : i32
      %scan3A_130 = arith.addi %scan3A_128, %scan3A_129 : i32
      %scan3A_131 = arith.constant 1 : i32
      scf.for %scan3A_199 = %scan3A_128 to %scan3A_130 step %scan3A_131  : i32 {
        %mul3A_200 = arith.constant 16 : i32
        %mul3A_201 = arith.muli %scan3A_199, %mul3A_200 : i32
        %add3A_202 = vector.broadcast %mul3A_201 : i32 to vector<16xi32>
        %add3A_203 = arith.addi %iota3A, %add3A_202 : vector<16xi32>
        %broadcast_in_dim3A = arith.constant 0 : i32
        %broadcast_in_dim3A_204 = vector.broadcast %broadcast_in_dim3A : i32 to vector<16xi32>
        %gather3A = tpu.vector_load_idx %arg19[%add3A_203, %broadcast_in_dim3A_204] : memref<160x16xf32, #tpu.memory_space<vmem>>[vector<16xi32>, vector<16xi32>], vector<16xf32>,
        %broadcast_in_dim3A_205 = arith.constant 1 : i32
        %broadcast_in_dim3A_206 = vector.broadcast %broadcast_in_dim3A_205 : i32 to vector<16xi32>
        %gather3A_207 = tpu.vector_load_idx %arg19[%add3A_203, %broadcast_in_dim3A_206] : memref<160x16xf32, #tpu.memory_space<vmem>>[vector<16xi32>, vector<16xi32>], vector<16xf32>,
        %add3A_208 = arith.addf %gather3A, %gather3A_207 : vector<16xf32>
        %broadcast_in_dim3A_209 = arith.constant 2 : i32
        %broadcast_in_dim3A_210 = vector.broadcast %broadcast_in_dim3A_209 : i32 to vector<16xi32>
        %gather3A_211 = tpu.vector_load_idx %arg19[%add3A_203, %broadcast_in_dim3A_210] : memref<160x16xf32, #tpu.memory_space<vmem>>[vector<16xi32>, vector<16xi32>], vector<16xf32>,
        %add3A_212 = arith.addf %add3A_208, %gather3A_211 : vector<16xf32>
        %broadcast_in_dim3A_213 = arith.constant 3 : i32
        %broadcast_in_dim3A_214 = vector.broadcast %broadcast_in_dim3A_213 : i32 to vector<16xi32>
        %gather3A_215 = tpu.vector_load_idx %arg19[%add3A_203, %broadcast_in_dim3A_214] : memref<160x16xf32, #tpu.memory_space<vmem>>[vector<16xi32>, vector<16xi32>], vector<16xf32>,
        %add3A_216 = arith.addf %add3A_212, %gather3A_215 : vector<16xf32>
        %broadcast_in_dim3A_217 = arith.constant 4 : i32
        %broadcast_in_dim3A_218 = vector.broadcast %broadcast_in_dim3A_217 : i32 to vector<16xi32>
        %gather3A_219 = tpu.vector_load_idx %arg19[%add3A_203, %broadcast_in_dim3A_218] : memref<160x16xf32, #tpu.memory_space<vmem>>[vector<16xi32>, vector<16xi32>], vector<16xf32>,
        %add3A_220 = arith.addf %add3A_216, %gather3A_219 : vector<16xf32>
        %broadcast_in_dim3A_221 = arith.constant 5 : i32
        %broadcast_in_dim3A_222 = vector.broadcast %broadcast_in_dim3A_221 : i32 to vector<16xi32>
        %gather3A_223 = tpu.vector_load_idx %arg19[%add3A_203, %broadcast_in_dim3A_222] : memref<160x16xf32, #tpu.memory_space<vmem>>[vector<16xi32>, vector<16xi32>], vector<16xf32>,
        %add3A_224 = arith.addf %add3A_220, %gather3A_223 : vector<16xf32>
        %broadcast_in_dim3A_225 = arith.constant 6 : i32
        %broadcast_in_dim3A_226 = vector.broadcast %broadcast_in_dim3A_225 : i32 to vector<16xi32>
        %gather3A_227 = tpu.vector_load_idx %arg19[%add3A_203, %broadcast_in_dim3A_226] : memref<160x16xf32, #tpu.memory_space<vmem>>[vector<16xi32>, vector<16xi32>], vector<16xf32>,
        %add3A_228 = arith.addf %add3A_224, %gather3A_227 : vector<16xf32>
        %broadcast_in_dim3A_229 = arith.constant 7 : i32
        %broadcast_in_dim3A_230 = vector.broadcast %broadcast_in_dim3A_229 : i32 to vector<16xi32>
        %gather3A_231 = tpu.vector_load_idx %arg19[%add3A_203, %broadcast_in_dim3A_230] : memref<160x16xf32, #tpu.memory_space<vmem>>[vector<16xi32>, vector<16xi32>], vector<16xf32>,
        %add3A_232 = arith.addf %add3A_228, %gather3A_231 : vector<16xf32>
        %broadcast_in_dim3A_233 = arith.constant 8 : i32
        %broadcast_in_dim3A_234 = vector.broadcast %broadcast_in_dim3A_233 : i32 to vector<16xi32>
        %gather3A_235 = tpu.vector_load_idx %arg19[%add3A_203, %broadcast_in_dim3A_234] : memref<160x16xf32, #tpu.memory_space<vmem>>[vector<16xi32>, vector<16xi32>], vector<16xf32>,
        %add3A_236 = arith.addf %add3A_232, %gather3A_235 : vector<16xf32>
        %broadcast_in_dim3A_237 = arith.constant 9 : i32
        %broadcast_in_dim3A_238 = vector.broadcast %broadcast_in_dim3A_237 : i32 to vector<16xi32>
        %gather3A_239 = tpu.vector_load_idx %arg19[%add3A_203, %broadcast_in_dim3A_238] : memref<160x16xf32, #tpu.memory_space<vmem>>[vector<16xi32>, vector<16xi32>], vector<16xf32>,
        %add3A_240 = arith.addf %add3A_236, %gather3A_239 : vector<16xf32>
        %broadcast_in_dim3A_241 = arith.constant 10 : i32
        %broadcast_in_dim3A_242 = vector.broadcast %broadcast_in_dim3A_241 : i32 to vector<16xi32>
        %gather3A_243 = tpu.vector_load_idx %arg19[%add3A_203, %broadcast_in_dim3A_242] : memref<160x16xf32, #tpu.memory_space<vmem>>[vector<16xi32>, vector<16xi32>], vector<16xf32>,
        %add3A_244 = arith.addf %add3A_240, %gather3A_243 : vector<16xf32>
        %broadcast_in_dim3A_245 = arith.constant 11 : i32
        %broadcast_in_dim3A_246 = vector.broadcast %broadcast_in_dim3A_245 : i32 to vector<16xi32>
        %gather3A_247 = tpu.vector_load_idx %arg19[%add3A_203, %broadcast_in_dim3A_246] : memref<160x16xf32, #tpu.memory_space<vmem>>[vector<16xi32>, vector<16xi32>], vector<16xf32>,
        %add3A_248 = arith.addf %add3A_244, %gather3A_247 : vector<16xf32>
        %broadcast_in_dim3A_249 = arith.constant 12 : i32
        %broadcast_in_dim3A_250 = vector.broadcast %broadcast_in_dim3A_249 : i32 to vector<16xi32>
        %gather3A_251 = tpu.vector_load_idx %arg19[%add3A_203, %broadcast_in_dim3A_250] : memref<160x16xf32, #tpu.memory_space<vmem>>[vector<16xi32>, vector<16xi32>], vector<16xf32>,
        %add3A_252 = arith.addf %add3A_248, %gather3A_251 : vector<16xf32>
        %broadcast_in_dim3A_253 = arith.constant 13 : i32
        %broadcast_in_dim3A_254 = vector.broadcast %broadcast_in_dim3A_253 : i32 to vector<16xi32>
        %gather3A_255 = tpu.vector_load_idx %arg19[%add3A_203, %broadcast_in_dim3A_254] : memref<160x16xf32, #tpu.memory_space<vmem>>[vector<16xi32>, vector<16xi32>], vector<16xf32>,
        %add3A_256 = arith.addf %add3A_252, %gather3A_255 : vector<16xf32>
        %broadcast_in_dim3A_257 = arith.constant 14 : i32
        %broadcast_in_dim3A_258 = vector.broadcast %broadcast_in_dim3A_257 : i32 to vector<16xi32>
        %gather3A_259 = tpu.vector_load_idx %arg19[%add3A_203, %broadcast_in_dim3A_258] : memref<160x16xf32, #tpu.memory_space<vmem>>[vector<16xi32>, vector<16xi32>], vector<16xf32>,
        %add3A_260 = arith.addf %add3A_256, %gather3A_259 : vector<16xf32>
        %broadcast_in_dim3A_261 = arith.constant 15 : i32
        %broadcast_in_dim3A_262 = vector.broadcast %broadcast_in_dim3A_261 : i32 to vector<16xi32>
        %gather3A_263 = tpu.vector_load_idx %arg19[%add3A_203, %broadcast_in_dim3A_262] : memref<160x16xf32, #tpu.memory_space<vmem>>[vector<16xi32>, vector<16xi32>], vector<16xf32>,
        %add3A_264 = arith.addf %add3A_260, %gather3A_263 : vector<16xf32>
        %mul3A_265 = arith.constant 16 : i32
        %mul3A_266 = arith.muli %scan3A_199, %mul3A_265 : i32
        %swap3A = arith.index_cast %mul3A_266 : i32 to index
        %swap3A_267 = tpu.vector_load %arg21[%swap3A] {strides = array<i32>} : memref<160xf32, #tpu.memory_space<vmem>>, vector<16xf32>,
        tpu.vector_store %arg21[%swap3A], %add3A_264 {strides = array<i32>} : memref<160xf32, #tpu.memory_space<vmem>>, vector<16xf32>,
      }
      %scan3A_132 = arith.constant 10 : i32
      %mul3A_133 = arith.constant 8 : i32
      %mul3A_134 = arith.muli %mul3A_88, %mul3A_133 : i32
      %add3A_135 = arith.addi %mul3A_2, %mul3A_134 : i32
      %mul3A_136 = arith.constant 20 : i32
      %mul3A_137 = arith.muli %add3A_135, %mul3A_136 : i32
      %dma_start3A_138 = tpu.memref_slice %arg8[%mul3A_137] : memref<81920xf32, #tpu.memory_space<hbm>> -> memref<160xf32, #tpu.memory_space<hbm>>
      %dma_start3A_139 = tpu.memref_slice %arg8[%mul3A_137] : memref<81920xf32, #tpu.memory_space<hbm>> -> memref<160xf32, #tpu.memory_space<hbm>>
      tpu.enqueue_dma source(%arg21 : memref<160xf32, #tpu.memory_space<vmem>>) target(%dma_start3A_139 : memref<160xf32, #tpu.memory_space<hbm>>) target_semaphore(%arg28 : memref<!tpu.dma_semaphore, #tpu.memory_space<semaphore_mem>>)
      %mul3A_140 = arith.constant 2 : i32
      %mul3A_141 = arith.muli %mul3A_140, %scan3A_86 : i32
      %add3A_142 = arith.constant 1 : i32
      %add3A_143 = arith.addi %mul3A_141, %add3A_142 : i32
      %add3A_144 = arith.constant 1 : i32
      %add3A_145 = arith.addi %add3A_143, %add3A_144 : i32
      %lt3A_146 = arith.constant 16 : i32
      %lt3A_147 = arith.cmpi slt, %add3A_145, %lt3A_146 : i32
      %convert_element_type3A_148 = arith.extui %lt3A_147 : i1 to i32
      %cond3A_149 = arith.constant 0 : i32
      %cond3A_150 = arith.cmpi ne, %convert_element_type3A_148, %cond3A_149 : i32
      scf.if %cond3A_150 {
        %add3A_199 = arith.constant 1 : i32
        %add3A_200 = arith.addi %add3A_143, %add3A_199 : i32
        %mul3A_201 = arith.constant 160 : i32
        %mul3A_202 = arith.muli %add3A_200, %mul3A_201 : i32
        %add3A_203 = arith.constant 0 : i32
        %add3A_204 = arith.addi %mul3A_202, %add3A_203 : i32
        %dma_start3A_205 = arith.constant 0 : i32
        %dma_start3A_206 = arith.constant 0 : i32
        %dma_start3A_207 = tpu.memref_slice %arg17[%dma_start3A_205, %dma_start3A_206] : memref<160x128xf32, #tpu.memory_space<vmem>> -> memref<128x128xf32, #tpu.memory_space<vmem>>
        %dma_start3A_208 = tpu.memref_slice %arg13[%add3A_204] : memref<2560xi32, #tpu.memory_space<vmem>> -> memref<128xi32, #tpu.memory_space<vmem>>
        %dma_start3A_209 = arith.constant 0 : i32
        %dma_start3A_210 = arith.constant 0 : i32
        %dma_start3A_211 = tpu.memref_slice %arg6[%dma_start3A_209, %dma_start3A_210] : memref<1000000x128xf32, #tpu.memory_space<hbm>> -> memref<1000000x128xf32, #tpu.memory_space<hbm>>
        tpu.enqueue_indirect_dma source(%dma_start3A_211 : memref<1000000x128xf32, #tpu.memory_space<hbm>>) target(%dma_start3A_207 : memref<128x128xf32, #tpu.memory_space<vmem>>) offsets(%dma_start3A_208 : memref<128xi32, #tpu.memory_space<vmem>>) semaphore(%arg26 : memref<!tpu.dma_semaphore, #tpu.memory_space<semaphore_mem>>)
        %mul3A_212 = arith.constant 160 : i32
        %mul3A_213 = arith.muli %add3A_200, %mul3A_212 : i32
        %add3A_214 = arith.constant 128 : i32
        %add3A_215 = arith.addi %mul3A_213, %add3A_214 : i32
        %dma_start3A_216 = arith.constant 128 : i32
        %dma_start3A_217 = arith.constant 0 : i32
        %dma_start3A_218 = tpu.memref_slice %arg17[%dma_start3A_216, %dma_start3A_217] : memref<160x128xf32, #tpu.memory_space<vmem>> -> memref<32x128xf32, #tpu.memory_space<vmem>>
        %dma_start3A_219 = tpu.memref_slice %arg13[%add3A_215] : memref<2560xi32, #tpu.memory_space<vmem>> -> memref<32xi32, #tpu.memory_space<vmem>>
        %dma_start3A_220 = arith.constant 0 : i32
        %dma_start3A_221 = arith.constant 0 : i32
        %dma_start3A_222 = tpu.memref_slice %arg6[%dma_start3A_220, %dma_start3A_221] : memref<1000000x128xf32, #tpu.memory_space<hbm>> -> memref<1000000x128xf32, #tpu.memory_space<hbm>>
        tpu.enqueue_indirect_dma source(%dma_start3A_222 : memref<1000000x128xf32, #tpu.memory_space<hbm>>) target(%dma_start3A_218 : memref<32x128xf32, #tpu.memory_space<vmem>>) offsets(%dma_start3A_219 : memref<32xi32, #tpu.memory_space<vmem>>) semaphore(%arg26 : memref<!tpu.dma_semaphore, #tpu.memory_space<semaphore_mem>>)
      } else {
      }
      %dma_wait3A_151 = arith.constant 0 : i32
      %dma_wait3A_152 = arith.constant 0 : i32
      %dma_wait3A_153 = tpu.memref_slice %arg18[%dma_wait3A_151, %dma_wait3A_152] : memref<160x128xf32, #tpu.memory_space<vmem>> -> memref<128x128xf32, #tpu.memory_space<vmem>>
      %dma_wait3A_154 = arith.constant 0 : i32
      %dma_wait3A_155 = arith.constant 0 : i32
      %dma_wait3A_156 = tpu.memref_slice %arg6[%dma_wait3A_154, %dma_wait3A_155] : memref<1000000x128xf32, #tpu.memory_space<hbm>> -> memref<128x128xf32, #tpu.memory_space<hbm>>
      %dma_wait3A_157 = arith.constant 0 : i32
      %dma_wait3A_158 = arith.constant 0 : i32
      %dma_wait3A_159 = tpu.memref_slice %arg18[%dma_wait3A_157, %dma_wait3A_158] : memref<160x128xf32, #tpu.memory_space<vmem>> -> memref<128x128xf32, #tpu.memory_space<vmem>>
      %dma_wait3A_160 = arith.constant 0 : i32
      %dma_wait3A_161 = arith.constant 0 : i32
      %dma_wait3A_162 = tpu.memref_slice %arg6[%dma_wait3A_160, %dma_wait3A_161] : memref<1000000x128xf32, #tpu.memory_space<hbm>> -> memref<128x128xf32, #tpu.memory_space<hbm>>
      tpu.wait_dma2 semaphore(%arg27 : memref<!tpu.dma_semaphore, #tpu.memory_space<semaphore_mem>>) src(%dma_wait3A_162 : memref<128x128xf32, #tpu.memory_space<hbm>>) dst(%dma_wait3A_159 : memref<128x128xf32, #tpu.memory_space<vmem>>)
      %dma_wait3A_163 = arith.constant 128 : i32
      %dma_wait3A_164 = arith.constant 0 : i32
      %dma_wait3A_165 = tpu.memref_slice %arg18[%dma_wait3A_163, %dma_wait3A_164] : memref<160x128xf32, #tpu.memory_space<vmem>> -> memref<32x128xf32, #tpu.memory_space<vmem>>
      %dma_wait3A_166 = arith.constant 0 : i32
      %dma_wait3A_167 = arith.constant 0 : i32
      %dma_wait3A_168 = tpu.memref_slice %arg6[%dma_wait3A_166, %dma_wait3A_167] : memref<1000000x128xf32, #tpu.memory_space<hbm>> -> memref<32x128xf32, #tpu.memory_space<hbm>>
      %dma_wait3A_169 = arith.constant 128 : i32
      %dma_wait3A_170 = arith.constant 0 : i32
      %dma_wait3A_171 = tpu.memref_slice %arg18[%dma_wait3A_169, %dma_wait3A_170] : memref<160x128xf32, #tpu.memory_space<vmem>> -> memref<32x128xf32, #tpu.memory_space<vmem>>
      %dma_wait3A_172 = arith.constant 0 : i32
      %dma_wait3A_173 = arith.constant 0 : i32
      %dma_wait3A_174 = tpu.memref_slice %arg6[%dma_wait3A_172, %dma_wait3A_173] : memref<1000000x128xf32, #tpu.memory_space<hbm>> -> memref<32x128xf32, #tpu.memory_space<hbm>>
      tpu.wait_dma2 semaphore(%arg27 : memref<!tpu.dma_semaphore, #tpu.memory_space<semaphore_mem>>) src(%dma_wait3A_174 : memref<32x128xf32, #tpu.memory_space<hbm>>) dst(%dma_wait3A_171 : memref<32x128xf32, #tpu.memory_space<vmem>>)
      %ge3A_175 = arith.constant 2 : i32
      %ge3A_176 = arith.cmpi sge, %add3A_143, %ge3A_175 : i32
      %convert_element_type3A_177 = arith.extui %ge3A_176 : i1 to i32
      %cond3A_178 = arith.constant 0 : i32
      %cond3A_179 = arith.cmpi ne, %convert_element_type3A_177, %cond3A_178 : i32
      scf.if %cond3A_179 {
        %mul3A_199 = arith.constant 20 : i32
        %mul3A_200 = arith.muli %mul3A_2, %mul3A_199 : i32
        %dma_wait3A_201 = tpu.memref_slice %arg8[%mul3A_200] : memref<81920xf32, #tpu.memory_space<hbm>> -> memref<160xf32, #tpu.memory_space<hbm>>
        %dma_wait3A_202 = tpu.memref_slice %arg8[%mul3A_200] : memref<81920xf32, #tpu.memory_space<hbm>> -> memref<160xf32, #tpu.memory_space<hbm>>
        tpu.wait_dma2 semaphore(%arg28 : memref<!tpu.dma_semaphore, #tpu.memory_space<semaphore_mem>>) src(%arg22 : memref<160xf32, #tpu.memory_space<vmem>>) dst(%dma_wait3A_202 : memref<160xf32, #tpu.memory_space<hbm>>)
      } else {
      }
      %scan3A_180 = arith.constant 0 : i32
      %scan3A_181 = arith.constant 0 : i32
      %scan3A_182 = arith.constant 8 : i32
      %scan3A_183 = arith.addi %scan3A_181, %scan3A_182 : i32
      %scan3A_184 = arith.constant 1 : i32
      scf.for %scan3A_199 = %scan3A_181 to %scan3A_183 step %scan3A_184  : i32 {
        %mul3A_200 = arith.constant 8 : i32
        %mul3A_201 = arith.muli %add3A_143, %mul3A_200 : i32
        %add3A_202 = arith.addi %mul3A_201, %scan3A_199 : i32
        %get3A = arith.index_cast %add3A_202 : i32 to index
        %get3A_203 = tpu.vector_load %arg10[%get3A] {strides = array<i32>} : memref<144xi32, #tpu.memory_space<vmem>>, vector<16xi32>,
        %slice3A = vector.extract_strided_slice %get3A_203 {offsets = [0], sizes = [1], strides = [1]} : vector<16xi32> to vector<1xi32>
        %squeeze3A = vector.extract %slice3A[0] : i32 from vector<1xi32>
        %add3A_204 = arith.constant 0 : i32
        %add3A_205 = arith.addi %squeeze3A, %add3A_204 : i32
        %get3A_206 = arith.index_cast %add3A_202 : i32 to index
        %get3A_207 = arith.index_cast %add3A_205 : i32 to index
        %get3A_208 = tpu.vector_load %arg15[%get3A_206, %get3A_207] {strides = array<i32>} : memref<128x128xf32, #tpu.memory_space<vmem>>, vector<16xf32>,
        %add3A_209 = arith.constant 16 : i32
        %add3A_210 = arith.addi %squeeze3A, %add3A_209 : i32
        %get3A_211 = arith.index_cast %add3A_202 : i32 to index
        %get3A_212 = arith.index_cast %add3A_210 : i32 to index
        %get3A_213 = tpu.vector_load %arg15[%get3A_211, %get3A_212] {strides = array<i32>} : memref<128x128xf32, #tpu.memory_space<vmem>>, vector<16xf32>,
        %add3A_214 = arith.constant 32 : i32
        %add3A_215 = arith.addi %squeeze3A, %add3A_214 : i32
        %get3A_216 = arith.index_cast %add3A_202 : i32 to index
        %get3A_217 = arith.index_cast %add3A_215 : i32 to index
        %get3A_218 = tpu.vector_load %arg15[%get3A_216, %get3A_217] {strides = array<i32>} : memref<128x128xf32, #tpu.memory_space<vmem>>, vector<16xf32>,
        %add3A_219 = arith.constant 48 : i32
        %add3A_220 = arith.addi %squeeze3A, %add3A_219 : i32
        %get3A_221 = arith.index_cast %add3A_202 : i32 to index
        %get3A_222 = arith.index_cast %add3A_220 : i32 to index
        %get3A_223 = tpu.vector_load %arg15[%get3A_221, %get3A_222] {strides = array<i32>} : memref<128x128xf32, #tpu.memory_space<vmem>>, vector<16xf32>,
        %mul3A_224 = arith.constant 8 : i32
        %mul3A_225 = arith.muli %add3A_143, %mul3A_224 : i32
        %add3A_226 = arith.addi %mul3A_225, %scan3A_199 : i32
        %mul3A_227 = arith.constant 20 : i32
        %mul3A_228 = arith.muli %add3A_226, %mul3A_227 : i32
        %add3A_229 = arith.constant 0 : i32
        %add3A_230 = arith.addi %mul3A_228, %add3A_229 : i32
        %get3A_231 = arith.index_cast %add3A_230 : i32 to index
        %get3A_232 = tpu.vector_load %arg14[%get3A_231] {strides = array<i32>} : memref<2576xi32, #tpu.memory_space<vmem>>, vector<16xi32>,
        %mul3A_233 = arith.constant 8 : i32
        %mul3A_234 = arith.muli %add3A_143, %mul3A_233 : i32
        %add3A_235 = arith.addi %mul3A_234, %scan3A_199 : i32
        %mul3A_236 = arith.constant 20 : i32
        %mul3A_237 = arith.muli %add3A_235, %mul3A_236 : i32
        %add3A_238 = arith.constant 16 : i32
        %add3A_239 = arith.addi %mul3A_237, %add3A_238 : i32
        %get3A_240 = arith.index_cast %add3A_239 : i32 to index
        %get3A_241 = tpu.vector_load %arg14[%get3A_240] {strides = array<i32>} : memref<2576xi32, #tpu.memory_space<vmem>>, vector<16xi32>,
        %mul3A_242 = arith.constant 20 : i32
        %mul3A_243 = arith.muli %scan3A_199, %mul3A_242 : i32
        %add3A_244 = arith.constant 0 : i32
        %add3A_245 = arith.addi %mul3A_243, %add3A_244 : i32
        %slice3A_246 = vector.extract_strided_slice %get3A_232 {offsets = [0], sizes = [1], strides = [1]} : vector<16xi32> to vector<1xi32>
        %squeeze3A_247 = vector.extract %slice3A_246[0] : i32 from vector<1xi32>
        %get3A_248 = arith.index_cast %add3A_245 : i32 to index
        %get3A_249 = arith.index_cast %squeeze3A_247 : i32 to index
        %get3A_250 = tpu.vector_load %arg18[%get3A_248, %get3A_249] {strides = array<i32>} : memref<160x128xf32, #tpu.memory_space<vmem>>, vector<16xf32>,
        %mul3A_251 = arith.mulf %get3A_250, %get3A_208 : vector<16xf32>
        %add3A_252 = arith.constant 16 : i32
        %add3A_253 = arith.addi %squeeze3A_247, %add3A_252 : i32
        %get3A_254 = arith.index_cast %add3A_245 : i32 to index
        %get3A_255 = arith.index_cast %add3A_253 : i32 to index
        %get3A_256 = tpu.vector_load %arg18[%get3A_254, %get3A_255] {strides = array<i32>} : memref<160x128xf32, #tpu.memory_space<vmem>>, vector<16xf32>,
        %mul3A_257 = arith.mulf %get3A_256, %get3A_213 : vector<16xf32>
        %add3A_258 = arith.addf %mul3A_251, %mul3A_257 : vector<16xf32>
        %add3A_259 = arith.constant 32 : i32
        %add3A_260 = arith.addi %squeeze3A_247, %add3A_259 : i32
        %get3A_261 = arith.index_cast %add3A_245 : i32 to index
        %get3A_262 = arith.index_cast %add3A_260 : i32 to index
        %get3A_263 = tpu.vector_load %arg18[%get3A_261, %get3A_262] {strides = array<i32>} : memref<160x128xf32, #tpu.memory_space<vmem>>, vector<16xf32>,
        %mul3A_264 = arith.mulf %get3A_263, %get3A_218 : vector<16xf32>
        %add3A_265 = arith.addf %add3A_258, %mul3A_264 : vector<16xf32>
        %add3A_266 = arith.constant 48 : i32
        %add3A_267 = arith.addi %squeeze3A_247, %add3A_266 : i32
        %get3A_268 = arith.index_cast %add3A_245 : i32 to index
        %get3A_269 = arith.index_cast %add3A_267 : i32 to index
        %get3A_270 = tpu.vector_load %arg18[%get3A_268, %get3A_269] {strides = array<i32>} : memref<160x128xf32, #tpu.memory_space<vmem>>, vector<16xf32>,
        %mul3A_271 = arith.mulf %get3A_270, %get3A_223 : vector<16xf32>
        %add3A_272 = arith.addf %add3A_265, %mul3A_271 : vector<16xf32>
        %swap3A = arith.index_cast %add3A_245 : i32 to index
        %swap3A_273 = arith.constant 0 : index
        %swap3A_274 = tpu.vector_load %arg19[%swap3A, %swap3A_273] {strides = array<i32>} : memref<160x16xf32, #tpu.memory_space<vmem>>, vector<16xf32>,
        tpu.vector_store %arg19[%swap3A, %swap3A_273], %add3A_272 {strides = array<i32>} : memref<160x16xf32, #tpu.memory_space<vmem>>, vector<16xf32>,
        %mul3A_275 = arith.constant 20 : i32
        %mul3A_276 = arith.muli %scan3A_199, %mul3A_275 : i32
        %add3A_277 = arith.constant 1 : i32
        %add3A_278 = arith.addi %mul3A_276, %add3A_277 : i32
        %slice3A_279 = vector.extract_strided_slice %get3A_232 {offsets = [1], sizes = [1], strides = [1]} : vector<16xi32> to vector<1xi32>
        %squeeze3A_280 = vector.extract %slice3A_279[0] : i32 from vector<1xi32>
        %get3A_281 = arith.index_cast %add3A_278 : i32 to index
        %get3A_282 = arith.index_cast %squeeze3A_280 : i32 to index
        %get3A_283 = tpu.vector_load %arg18[%get3A_281, %get3A_282] {strides = array<i32>} : memref<160x128xf32, #tpu.memory_space<vmem>>, vector<16xf32>,
        %mul3A_284 = arith.mulf %get3A_283, %get3A_208 : vector<16xf32>
        %add3A_285 = arith.constant 16 : i32
        %add3A_286 = arith.addi %squeeze3A_280, %add3A_285 : i32
        %get3A_287 = arith.index_cast %add3A_278 : i32 to index
        %get3A_288 = arith.index_cast %add3A_286 : i32 to index
        %get3A_289 = tpu.vector_load %arg18[%get3A_287, %get3A_288] {strides = array<i32>} : memref<160x128xf32, #tpu.memory_space<vmem>>, vector<16xf32>,
        %mul3A_290 = arith.mulf %get3A_289, %get3A_213 : vector<16xf32>
        %add3A_291 = arith.addf %mul3A_284, %mul3A_290 : vector<16xf32>
        %add3A_292 = arith.constant 32 : i32
        %add3A_293 = arith.addi %squeeze3A_280, %add3A_292 : i32
        %get3A_294 = arith.index_cast %add3A_278 : i32 to index
        %get3A_295 = arith.index_cast %add3A_293 : i32 to index
        %get3A_296 = tpu.vector_load %arg18[%get3A_294, %get3A_295] {strides = array<i32>} : memref<160x128xf32, #tpu.memory_space<vmem>>, vector<16xf32>,
        %mul3A_297 = arith.mulf %get3A_296, %get3A_218 : vector<16xf32>
        %add3A_298 = arith.addf %add3A_291, %mul3A_297 : vector<16xf32>
        %add3A_299 = arith.constant 48 : i32
        %add3A_300 = arith.addi %squeeze3A_280, %add3A_299 : i32
        %get3A_301 = arith.index_cast %add3A_278 : i32 to index
        %get3A_302 = arith.index_cast %add3A_300 : i32 to index
        %get3A_303 = tpu.vector_load %arg18[%get3A_301, %get3A_302] {strides = array<i32>} : memref<160x128xf32, #tpu.memory_space<vmem>>, vector<16xf32>,
        %mul3A_304 = arith.mulf %get3A_303, %get3A_223 : vector<16xf32>
        %add3A_305 = arith.addf %add3A_298, %mul3A_304 : vector<16xf32>
        %swap3A_306 = arith.index_cast %add3A_278 : i32 to index
        %swap3A_307 = arith.constant 0 : index
        %swap3A_308 = tpu.vector_load %arg19[%swap3A_306, %swap3A_307] {strides = array<i32>} : memref<160x16xf32, #tpu.memory_space<vmem>>, vector<16xf32>,
        tpu.vector_store %arg19[%swap3A_306, %swap3A_307], %add3A_305 {strides = array<i32>} : memref<160x16xf32, #tpu.memory_space<vmem>>, vector<16xf32>,
        %mul3A_309 = arith.constant 20 : i32
        %mul3A_310 = arith.muli %scan3A_199, %mul3A_309 : i32
        %add3A_311 = arith.constant 2 : i32
        %add3A_312 = arith.addi %mul3A_310, %add3A_311 : i32
        %slice3A_313 = vector.extract_strided_slice %get3A_232 {offsets = [2], sizes = [1], strides = [1]} : vector<16xi32> to vector<1xi32>
        %squeeze3A_314 = vector.extract %slice3A_313[0] : i32 from vector<1xi32>
        %get3A_315 = arith.index_cast %add3A_312 : i32 to index
        %get3A_316 = arith.index_cast %squeeze3A_314 : i32 to index
        %get3A_317 = tpu.vector_load %arg18[%get3A_315, %get3A_316] {strides = array<i32>} : memref<160x128xf32, #tpu.memory_space<vmem>>, vector<16xf32>,
        %mul3A_318 = arith.mulf %get3A_317, %get3A_208 : vector<16xf32>
        %add3A_319 = arith.constant 16 : i32
        %add3A_320 = arith.addi %squeeze3A_314, %add3A_319 : i32
        %get3A_321 = arith.index_cast %add3A_312 : i32 to index
        %get3A_322 = arith.index_cast %add3A_320 : i32 to index
        %get3A_323 = tpu.vector_load %arg18[%get3A_321, %get3A_322] {strides = array<i32>} : memref<160x128xf32, #tpu.memory_space<vmem>>, vector<16xf32>,
        %mul3A_324 = arith.mulf %get3A_323, %get3A_213 : vector<16xf32>
        %add3A_325 = arith.addf %mul3A_318, %mul3A_324 : vector<16xf32>
        %add3A_326 = arith.constant 32 : i32
        %add3A_327 = arith.addi %squeeze3A_314, %add3A_326 : i32
        %get3A_328 = arith.index_cast %add3A_312 : i32 to index
        %get3A_329 = arith.index_cast %add3A_327 : i32 to index
        %get3A_330 = tpu.vector_load %arg18[%get3A_328, %get3A_329] {strides = array<i32>} : memref<160x128xf32, #tpu.memory_space<vmem>>, vector<16xf32>,
        %mul3A_331 = arith.mulf %get3A_330, %get3A_218 : vector<16xf32>
        %add3A_332 = arith.addf %add3A_325, %mul3A_331 : vector<16xf32>
        %add3A_333 = arith.constant 48 : i32
        %add3A_334 = arith.addi %squeeze3A_314, %add3A_333 : i32
        %get3A_335 = arith.index_cast %add3A_312 : i32 to index
        %get3A_336 = arith.index_cast %add3A_334 : i32 to index
        %get3A_337 = tpu.vector_load %arg18[%get3A_335, %get3A_336] {strides = array<i32>} : memref<160x128xf32, #tpu.memory_space<vmem>>, vector<16xf32>,
        %mul3A_338 = arith.mulf %get3A_337, %get3A_223 : vector<16xf32>
        %add3A_339 = arith.addf %add3A_332, %mul3A_338 : vector<16xf32>
        %swap3A_340 = arith.index_cast %add3A_312 : i32 to index
        %swap3A_341 = arith.constant 0 : index
        %swap3A_342 = tpu.vector_load %arg19[%swap3A_340, %swap3A_341] {strides = array<i32>} : memref<160x16xf32, #tpu.memory_space<vmem>>, vector<16xf32>,
        tpu.vector_store %arg19[%swap3A_340, %swap3A_341], %add3A_339 {strides = array<i32>} : memref<160x16xf32, #tpu.memory_space<vmem>>, vector<16xf32>,
        %mul3A_343 = arith.constant 20 : i32
        %mul3A_344 = arith.muli %scan3A_199, %mul3A_343 : i32
        %add3A_345 = arith.constant 3 : i32
        %add3A_346 = arith.addi %mul3A_344, %add3A_345 : i32
        %slice3A_347 = vector.extract_strided_slice %get3A_232 {offsets = [3], sizes = [1], strides = [1]} : vector<16xi32> to vector<1xi32>
        %squeeze3A_348 = vector.extract %slice3A_347[0] : i32 from vector<1xi32>
        %get3A_349 = arith.index_cast %add3A_346 : i32 to index
        %get3A_350 = arith.index_cast %squeeze3A_348 : i32 to index
        %get3A_351 = tpu.vector_load %arg18[%get3A_349, %get3A_350] {strides = array<i32>} : memref<160x128xf32, #tpu.memory_space<vmem>>, vector<16xf32>,
        %mul3A_352 = arith.mulf %get3A_351, %get3A_208 : vector<16xf32>
        %add3A_353 = arith.constant 16 : i32
        %add3A_354 = arith.addi %squeeze3A_348, %add3A_353 : i32
        %get3A_355 = arith.index_cast %add3A_346 : i32 to index
        %get3A_356 = arith.index_cast %add3A_354 : i32 to index
        %get3A_357 = tpu.vector_load %arg18[%get3A_355, %get3A_356] {strides = array<i32>} : memref<160x128xf32, #tpu.memory_space<vmem>>, vector<16xf32>,
        %mul3A_358 = arith.mulf %get3A_357, %get3A_213 : vector<16xf32>
        %add3A_359 = arith.addf %mul3A_352, %mul3A_358 : vector<16xf32>
        %add3A_360 = arith.constant 32 : i32
        %add3A_361 = arith.addi %squeeze3A_348, %add3A_360 : i32
        %get3A_362 = arith.index_cast %add3A_346 : i32 to index
        %get3A_363 = arith.index_cast %add3A_361 : i32 to index
        %get3A_364 = tpu.vector_load %arg18[%get3A_362, %get3A_363] {strides = array<i32>} : memref<160x128xf32, #tpu.memory_space<vmem>>, vector<16xf32>,
        %mul3A_365 = arith.mulf %get3A_364, %get3A_218 : vector<16xf32>
        %add3A_366 = arith.addf %add3A_359, %mul3A_365 : vector<16xf32>
        %add3A_367 = arith.constant 48 : i32
        %add3A_368 = arith.addi %squeeze3A_348, %add3A_367 : i32
        %get3A_369 = arith.index_cast %add3A_346 : i32 to index
        %get3A_370 = arith.index_cast %add3A_368 : i32 to index
        %get3A_371 = tpu.vector_load %arg18[%get3A_369, %get3A_370] {strides = array<i32>} : memref<160x128xf32, #tpu.memory_space<vmem>>, vector<16xf32>,
        %mul3A_372 = arith.mulf %get3A_371, %get3A_223 : vector<16xf32>
        %add3A_373 = arith.addf %add3A_366, %mul3A_372 : vector<16xf32>
        %swap3A_374 = arith.index_cast %add3A_346 : i32 to index
        %swap3A_375 = arith.constant 0 : index
        %swap3A_376 = tpu.vector_load %arg19[%swap3A_374, %swap3A_375] {strides = array<i32>} : memref<160x16xf32, #tpu.memory_space<vmem>>, vector<16xf32>,
        tpu.vector_store %arg19[%swap3A_374, %swap3A_375], %add3A_373 {strides = array<i32>} : memref<160x16xf32, #tpu.memory_space<vmem>>, vector<16xf32>,
        %mul3A_377 = arith.constant 20 : i32
        %mul3A_378 = arith.muli %scan3A_199, %mul3A_377 : i32
        %add3A_379 = arith.constant 4 : i32
        %add3A_380 = arith.addi %mul3A_378, %add3A_379 : i32
        %slice3A_381 = vector.extract_strided_slice %get3A_232 {offsets = [4], sizes = [1], strides = [1]} : vector<16xi32> to vector<1xi32>
        %squeeze3A_382 = vector.extract %slice3A_381[0] : i32 from vector<1xi32>
        %get3A_383 = arith.index_cast %add3A_380 : i32 to index
        %get3A_384 = arith.index_cast %squeeze3A_382 : i32 to index
        %get3A_385 = tpu.vector_load %arg18[%get3A_383, %get3A_384] {strides = array<i32>} : memref<160x128xf32, #tpu.memory_space<vmem>>, vector<16xf32>,
        %mul3A_386 = arith.mulf %get3A_385, %get3A_208 : vector<16xf32>
        %add3A_387 = arith.constant 16 : i32
        %add3A_388 = arith.addi %squeeze3A_382, %add3A_387 : i32
        %get3A_389 = arith.index_cast %add3A_380 : i32 to index
        %get3A_390 = arith.index_cast %add3A_388 : i32 to index
        %get3A_391 = tpu.vector_load %arg18[%get3A_389, %get3A_390] {strides = array<i32>} : memref<160x128xf32, #tpu.memory_space<vmem>>, vector<16xf32>,
        %mul3A_392 = arith.mulf %get3A_391, %get3A_213 : vector<16xf32>
        %add3A_393 = arith.addf %mul3A_386, %mul3A_392 : vector<16xf32>
        %add3A_394 = arith.constant 32 : i32
        %add3A_395 = arith.addi %squeeze3A_382, %add3A_394 : i32
        %get3A_396 = arith.index_cast %add3A_380 : i32 to index
        %get3A_397 = arith.index_cast %add3A_395 : i32 to index
        %get3A_398 = tpu.vector_load %arg18[%get3A_396, %get3A_397] {strides = array<i32>} : memref<160x128xf32, #tpu.memory_space<vmem>>, vector<16xf32>,
        %mul3A_399 = arith.mulf %get3A_398, %get3A_218 : vector<16xf32>
        %add3A_400 = arith.addf %add3A_393, %mul3A_399 : vector<16xf32>
        %add3A_401 = arith.constant 48 : i32
        %add3A_402 = arith.addi %squeeze3A_382, %add3A_401 : i32
        %get3A_403 = arith.index_cast %add3A_380 : i32 to index
        %get3A_404 = arith.index_cast %add3A_402 : i32 to index
        %get3A_405 = tpu.vector_load %arg18[%get3A_403, %get3A_404] {strides = array<i32>} : memref<160x128xf32, #tpu.memory_space<vmem>>, vector<16xf32>,
        %mul3A_406 = arith.mulf %get3A_405, %get3A_223 : vector<16xf32>
        %add3A_407 = arith.addf %add3A_400, %mul3A_406 : vector<16xf32>
        %swap3A_408 = arith.index_cast %add3A_380 : i32 to index
        %swap3A_409 = arith.constant 0 : index
        %swap3A_410 = tpu.vector_load %arg19[%swap3A_408, %swap3A_409] {strides = array<i32>} : memref<160x16xf32, #tpu.memory_space<vmem>>, vector<16xf32>,
        tpu.vector_store %arg19[%swap3A_408, %swap3A_409], %add3A_407 {strides = array<i32>} : memref<160x16xf32, #tpu.memory_space<vmem>>, vector<16xf32>,
        %mul3A_411 = arith.constant 20 : i32
        %mul3A_412 = arith.muli %scan3A_199, %mul3A_411 : i32
        %add3A_413 = arith.constant 5 : i32
        %add3A_414 = arith.addi %mul3A_412, %add3A_413 : i32
        %slice3A_415 = vector.extract_strided_slice %get3A_232 {offsets = [5], sizes = [1], strides = [1]} : vector<16xi32> to vector<1xi32>
        %squeeze3A_416 = vector.extract %slice3A_415[0] : i32 from vector<1xi32>
        %get3A_417 = arith.index_cast %add3A_414 : i32 to index
        %get3A_418 = arith.index_cast %squeeze3A_416 : i32 to index
        %get3A_419 = tpu.vector_load %arg18[%get3A_417, %get3A_418] {strides = array<i32>} : memref<160x128xf32, #tpu.memory_space<vmem>>, vector<16xf32>,
        %mul3A_420 = arith.mulf %get3A_419, %get3A_208 : vector<16xf32>
        %add3A_421 = arith.constant 16 : i32
        %add3A_422 = arith.addi %squeeze3A_416, %add3A_421 : i32
        %get3A_423 = arith.index_cast %add3A_414 : i32 to index
        %get3A_424 = arith.index_cast %add3A_422 : i32 to index
        %get3A_425 = tpu.vector_load %arg18[%get3A_423, %get3A_424] {strides = array<i32>} : memref<160x128xf32, #tpu.memory_space<vmem>>, vector<16xf32>,
        %mul3A_426 = arith.mulf %get3A_425, %get3A_213 : vector<16xf32>
        %add3A_427 = arith.addf %mul3A_420, %mul3A_426 : vector<16xf32>
        %add3A_428 = arith.constant 32 : i32
        %add3A_429 = arith.addi %squeeze3A_416, %add3A_428 : i32
        %get3A_430 = arith.index_cast %add3A_414 : i32 to index
        %get3A_431 = arith.index_cast %add3A_429 : i32 to index
        %get3A_432 = tpu.vector_load %arg18[%get3A_430, %get3A_431] {strides = array<i32>} : memref<160x128xf32, #tpu.memory_space<vmem>>, vector<16xf32>,
        %mul3A_433 = arith.mulf %get3A_432, %get3A_218 : vector<16xf32>
        %add3A_434 = arith.addf %add3A_427, %mul3A_433 : vector<16xf32>
        %add3A_435 = arith.constant 48 : i32
        %add3A_436 = arith.addi %squeeze3A_416, %add3A_435 : i32
        %get3A_437 = arith.index_cast %add3A_414 : i32 to index
        %get3A_438 = arith.index_cast %add3A_436 : i32 to index
        %get3A_439 = tpu.vector_load %arg18[%get3A_437, %get3A_438] {strides = array<i32>} : memref<160x128xf32, #tpu.memory_space<vmem>>, vector<16xf32>,
        %mul3A_440 = arith.mulf %get3A_439, %get3A_223 : vector<16xf32>
        %add3A_441 = arith.addf %add3A_434, %mul3A_440 : vector<16xf32>
        %swap3A_442 = arith.index_cast %add3A_414 : i32 to index
        %swap3A_443 = arith.constant 0 : index
        %swap3A_444 = tpu.vector_load %arg19[%swap3A_442, %swap3A_443] {strides = array<i32>} : memref<160x16xf32, #tpu.memory_space<vmem>>, vector<16xf32>,
        tpu.vector_store %arg19[%swap3A_442, %swap3A_443], %add3A_441 {strides = array<i32>} : memref<160x16xf32, #tpu.memory_space<vmem>>, vector<16xf32>,
        %mul3A_445 = arith.constant 20 : i32
        %mul3A_446 = arith.muli %scan3A_199, %mul3A_445 : i32
        %add3A_447 = arith.constant 6 : i32
        %add3A_448 = arith.addi %mul3A_446, %add3A_447 : i32
        %slice3A_449 = vector.extract_strided_slice %get3A_232 {offsets = [6], sizes = [1], strides = [1]} : vector<16xi32> to vector<1xi32>
        %squeeze3A_450 = vector.extract %slice3A_449[0] : i32 from vector<1xi32>
        %get3A_451 = arith.index_cast %add3A_448 : i32 to index
        %get3A_452 = arith.index_cast %squeeze3A_450 : i32 to index
        %get3A_453 = tpu.vector_load %arg18[%get3A_451, %get3A_452] {strides = array<i32>} : memref<160x128xf32, #tpu.memory_space<vmem>>, vector<16xf32>,
        %mul3A_454 = arith.mulf %get3A_453, %get3A_208 : vector<16xf32>
        %add3A_455 = arith.constant 16 : i32
        %add3A_456 = arith.addi %squeeze3A_450, %add3A_455 : i32
        %get3A_457 = arith.index_cast %add3A_448 : i32 to index
        %get3A_458 = arith.index_cast %add3A_456 : i32 to index
        %get3A_459 = tpu.vector_load %arg18[%get3A_457, %get3A_458] {strides = array<i32>} : memref<160x128xf32, #tpu.memory_space<vmem>>, vector<16xf32>,
        %mul3A_460 = arith.mulf %get3A_459, %get3A_213 : vector<16xf32>
        %add3A_461 = arith.addf %mul3A_454, %mul3A_460 : vector<16xf32>
        %add3A_462 = arith.constant 32 : i32
        %add3A_463 = arith.addi %squeeze3A_450, %add3A_462 : i32
        %get3A_464 = arith.index_cast %add3A_448 : i32 to index
        %get3A_465 = arith.index_cast %add3A_463 : i32 to index
        %get3A_466 = tpu.vector_load %arg18[%get3A_464, %get3A_465] {strides = array<i32>} : memref<160x128xf32, #tpu.memory_space<vmem>>, vector<16xf32>,
        %mul3A_467 = arith.mulf %get3A_466, %get3A_218 : vector<16xf32>
        %add3A_468 = arith.addf %add3A_461, %mul3A_467 : vector<16xf32>
        %add3A_469 = arith.constant 48 : i32
        %add3A_470 = arith.addi %squeeze3A_450, %add3A_469 : i32
        %get3A_471 = arith.index_cast %add3A_448 : i32 to index
        %get3A_472 = arith.index_cast %add3A_470 : i32 to index
        %get3A_473 = tpu.vector_load %arg18[%get3A_471, %get3A_472] {strides = array<i32>} : memref<160x128xf32, #tpu.memory_space<vmem>>, vector<16xf32>,
        %mul3A_474 = arith.mulf %get3A_473, %get3A_223 : vector<16xf32>
        %add3A_475 = arith.addf %add3A_468, %mul3A_474 : vector<16xf32>
        %swap3A_476 = arith.index_cast %add3A_448 : i32 to index
        %swap3A_477 = arith.constant 0 : index
        %swap3A_478 = tpu.vector_load %arg19[%swap3A_476, %swap3A_477] {strides = array<i32>} : memref<160x16xf32, #tpu.memory_space<vmem>>, vector<16xf32>,
        tpu.vector_store %arg19[%swap3A_476, %swap3A_477], %add3A_475 {strides = array<i32>} : memref<160x16xf32, #tpu.memory_space<vmem>>, vector<16xf32>,
        %mul3A_479 = arith.constant 20 : i32
        %mul3A_480 = arith.muli %scan3A_199, %mul3A_479 : i32
        %add3A_481 = arith.constant 7 : i32
        %add3A_482 = arith.addi %mul3A_480, %add3A_481 : i32
        %slice3A_483 = vector.extract_strided_slice %get3A_232 {offsets = [7], sizes = [1], strides = [1]} : vector<16xi32> to vector<1xi32>
        %squeeze3A_484 = vector.extract %slice3A_483[0] : i32 from vector<1xi32>
        %get3A_485 = arith.index_cast %add3A_482 : i32 to index
        %get3A_486 = arith.index_cast %squeeze3A_484 : i32 to index
        %get3A_487 = tpu.vector_load %arg18[%get3A_485, %get3A_486] {strides = array<i32>} : memref<160x128xf32, #tpu.memory_space<vmem>>, vector<16xf32>,
        %mul3A_488 = arith.mulf %get3A_487, %get3A_208 : vector<16xf32>
        %add3A_489 = arith.constant 16 : i32
        %add3A_490 = arith.addi %squeeze3A_484, %add3A_489 : i32
        %get3A_491 = arith.index_cast %add3A_482 : i32 to index
        %get3A_492 = arith.index_cast %add3A_490 : i32 to index
        %get3A_493 = tpu.vector_load %arg18[%get3A_491, %get3A_492] {strides = array<i32>} : memref<160x128xf32, #tpu.memory_space<vmem>>, vector<16xf32>,
        %mul3A_494 = arith.mulf %get3A_493, %get3A_213 : vector<16xf32>
        %add3A_495 = arith.addf %mul3A_488, %mul3A_494 : vector<16xf32>
        %add3A_496 = arith.constant 32 : i32
        %add3A_497 = arith.addi %squeeze3A_484, %add3A_496 : i32
        %get3A_498 = arith.index_cast %add3A_482 : i32 to index
        %get3A_499 = arith.index_cast %add3A_497 : i32 to index
        %get3A_500 = tpu.vector_load %arg18[%get3A_498, %get3A_499] {strides = array<i32>} : memref<160x128xf32, #tpu.memory_space<vmem>>, vector<16xf32>,
        %mul3A_501 = arith.mulf %get3A_500, %get3A_218 : vector<16xf32>
        %add3A_502 = arith.addf %add3A_495, %mul3A_501 : vector<16xf32>
        %add3A_503 = arith.constant 48 : i32
        %add3A_504 = arith.addi %squeeze3A_484, %add3A_503 : i32
        %get3A_505 = arith.index_cast %add3A_482 : i32 to index
        %get3A_506 = arith.index_cast %add3A_504 : i32 to index
        %get3A_507 = tpu.vector_load %arg18[%get3A_505, %get3A_506] {strides = array<i32>} : memref<160x128xf32, #tpu.memory_space<vmem>>, vector<16xf32>,
        %mul3A_508 = arith.mulf %get3A_507, %get3A_223 : vector<16xf32>
        %add3A_509 = arith.addf %add3A_502, %mul3A_508 : vector<16xf32>
        %swap3A_510 = arith.index_cast %add3A_482 : i32 to index
        %swap3A_511 = arith.constant 0 : index
        %swap3A_512 = tpu.vector_load %arg19[%swap3A_510, %swap3A_511] {strides = array<i32>} : memref<160x16xf32, #tpu.memory_space<vmem>>, vector<16xf32>,
        tpu.vector_store %arg19[%swap3A_510, %swap3A_511], %add3A_509 {strides = array<i32>} : memref<160x16xf32, #tpu.memory_space<vmem>>, vector<16xf32>,
        %mul3A_513 = arith.constant 20 : i32
        %mul3A_514 = arith.muli %scan3A_199, %mul3A_513 : i32
        %add3A_515 = arith.constant 8 : i32
        %add3A_516 = arith.addi %mul3A_514, %add3A_515 : i32
        %slice3A_517 = vector.extract_strided_slice %get3A_232 {offsets = [8], sizes = [1], strides = [1]} : vector<16xi32> to vector<1xi32>
        %squeeze3A_518 = vector.extract %slice3A_517[0] : i32 from vector<1xi32>
        %get3A_519 = arith.index_cast %add3A_516 : i32 to index
        %get3A_520 = arith.index_cast %squeeze3A_518 : i32 to index
        %get3A_521 = tpu.vector_load %arg18[%get3A_519, %get3A_520] {strides = array<i32>} : memref<160x128xf32, #tpu.memory_space<vmem>>, vector<16xf32>,
        %mul3A_522 = arith.mulf %get3A_521, %get3A_208 : vector<16xf32>
        %add3A_523 = arith.constant 16 : i32
        %add3A_524 = arith.addi %squeeze3A_518, %add3A_523 : i32
        %get3A_525 = arith.index_cast %add3A_516 : i32 to index
        %get3A_526 = arith.index_cast %add3A_524 : i32 to index
        %get3A_527 = tpu.vector_load %arg18[%get3A_525, %get3A_526] {strides = array<i32>} : memref<160x128xf32, #tpu.memory_space<vmem>>, vector<16xf32>,
        %mul3A_528 = arith.mulf %get3A_527, %get3A_213 : vector<16xf32>
        %add3A_529 = arith.addf %mul3A_522, %mul3A_528 : vector<16xf32>
        %add3A_530 = arith.constant 32 : i32
        %add3A_531 = arith.addi %squeeze3A_518, %add3A_530 : i32
        %get3A_532 = arith.index_cast %add3A_516 : i32 to index
        %get3A_533 = arith.index_cast %add3A_531 : i32 to index
        %get3A_534 = tpu.vector_load %arg18[%get3A_532, %get3A_533] {strides = array<i32>} : memref<160x128xf32, #tpu.memory_space<vmem>>, vector<16xf32>,
        %mul3A_535 = arith.mulf %get3A_534, %get3A_218 : vector<16xf32>
        %add3A_536 = arith.addf %add3A_529, %mul3A_535 : vector<16xf32>
        %add3A_537 = arith.constant 48 : i32
        %add3A_538 = arith.addi %squeeze3A_518, %add3A_537 : i32
        %get3A_539 = arith.index_cast %add3A_516 : i32 to index
        %get3A_540 = arith.index_cast %add3A_538 : i32 to index
        %get3A_541 = tpu.vector_load %arg18[%get3A_539, %get3A_540] {strides = array<i32>} : memref<160x128xf32, #tpu.memory_space<vmem>>, vector<16xf32>,
        %mul3A_542 = arith.mulf %get3A_541, %get3A_223 : vector<16xf32>
        %add3A_543 = arith.addf %add3A_536, %mul3A_542 : vector<16xf32>
        %swap3A_544 = arith.index_cast %add3A_516 : i32 to index
        %swap3A_545 = arith.constant 0 : index
        %swap3A_546 = tpu.vector_load %arg19[%swap3A_544, %swap3A_545] {strides = array<i32>} : memref<160x16xf32, #tpu.memory_space<vmem>>, vector<16xf32>,
        tpu.vector_store %arg19[%swap3A_544, %swap3A_545], %add3A_543 {strides = array<i32>} : memref<160x16xf32, #tpu.memory_space<vmem>>, vector<16xf32>,
        %mul3A_547 = arith.constant 20 : i32
        %mul3A_548 = arith.muli %scan3A_199, %mul3A_547 : i32
        %add3A_549 = arith.constant 9 : i32
        %add3A_550 = arith.addi %mul3A_548, %add3A_549 : i32
        %slice3A_551 = vector.extract_strided_slice %get3A_232 {offsets = [9], sizes = [1], strides = [1]} : vector<16xi32> to vector<1xi32>
        %squeeze3A_552 = vector.extract %slice3A_551[0] : i32 from vector<1xi32>
        %get3A_553 = arith.index_cast %add3A_550 : i32 to index
        %get3A_554 = arith.index_cast %squeeze3A_552 : i32 to index
        %get3A_555 = tpu.vector_load %arg18[%get3A_553, %get3A_554] {strides = array<i32>} : memref<160x128xf32, #tpu.memory_space<vmem>>, vector<16xf32>,
        %mul3A_556 = arith.mulf %get3A_555, %get3A_208 : vector<16xf32>
        %add3A_557 = arith.constant 16 : i32
        %add3A_558 = arith.addi %squeeze3A_552, %add3A_557 : i32
        %get3A_559 = arith.index_cast %add3A_550 : i32 to index
        %get3A_560 = arith.index_cast %add3A_558 : i32 to index
        %get3A_561 = tpu.vector_load %arg18[%get3A_559, %get3A_560] {strides = array<i32>} : memref<160x128xf32, #tpu.memory_space<vmem>>, vector<16xf32>,
        %mul3A_562 = arith.mulf %get3A_561, %get3A_213 : vector<16xf32>
        %add3A_563 = arith.addf %mul3A_556, %mul3A_562 : vector<16xf32>
        %add3A_564 = arith.constant 32 : i32
        %add3A_565 = arith.addi %squeeze3A_552, %add3A_564 : i32
        %get3A_566 = arith.index_cast %add3A_550 : i32 to index
        %get3A_567 = arith.index_cast %add3A_565 : i32 to index
        %get3A_568 = tpu.vector_load %arg18[%get3A_566, %get3A_567] {strides = array<i32>} : memref<160x128xf32, #tpu.memory_space<vmem>>, vector<16xf32>,
        %mul3A_569 = arith.mulf %get3A_568, %get3A_218 : vector<16xf32>
        %add3A_570 = arith.addf %add3A_563, %mul3A_569 : vector<16xf32>
        %add3A_571 = arith.constant 48 : i32
        %add3A_572 = arith.addi %squeeze3A_552, %add3A_571 : i32
        %get3A_573 = arith.index_cast %add3A_550 : i32 to index
        %get3A_574 = arith.index_cast %add3A_572 : i32 to index
        %get3A_575 = tpu.vector_load %arg18[%get3A_573, %get3A_574] {strides = array<i32>} : memref<160x128xf32, #tpu.memory_space<vmem>>, vector<16xf32>,
        %mul3A_576 = arith.mulf %get3A_575, %get3A_223 : vector<16xf32>
        %add3A_577 = arith.addf %add3A_570, %mul3A_576 : vector<16xf32>
        %swap3A_578 = arith.index_cast %add3A_550 : i32 to index
        %swap3A_579 = arith.constant 0 : index
        %swap3A_580 = tpu.vector_load %arg19[%swap3A_578, %swap3A_579] {strides = array<i32>} : memref<160x16xf32, #tpu.memory_space<vmem>>, vector<16xf32>,
        tpu.vector_store %arg19[%swap3A_578, %swap3A_579], %add3A_577 {strides = array<i32>} : memref<160x16xf32, #tpu.memory_space<vmem>>, vector<16xf32>,
        %mul3A_581 = arith.constant 20 : i32
        %mul3A_582 = arith.muli %scan3A_199, %mul3A_581 : i32
        %add3A_583 = arith.constant 10 : i32
        %add3A_584 = arith.addi %mul3A_582, %add3A_583 : i32
        %slice3A_585 = vector.extract_strided_slice %get3A_232 {offsets = [10], sizes = [1], strides = [1]} : vector<16xi32> to vector<1xi32>
        %squeeze3A_586 = vector.extract %slice3A_585[0] : i32 from vector<1xi32>
        %get3A_587 = arith.index_cast %add3A_584 : i32 to index
        %get3A_588 = arith.index_cast %squeeze3A_586 : i32 to index
        %get3A_589 = tpu.vector_load %arg18[%get3A_587, %get3A_588] {strides = array<i32>} : memref<160x128xf32, #tpu.memory_space<vmem>>, vector<16xf32>,
        %mul3A_590 = arith.mulf %get3A_589, %get3A_208 : vector<16xf32>
        %add3A_591 = arith.constant 16 : i32
        %add3A_592 = arith.addi %squeeze3A_586, %add3A_591 : i32
        %get3A_593 = arith.index_cast %add3A_584 : i32 to index
        %get3A_594 = arith.index_cast %add3A_592 : i32 to index
        %get3A_595 = tpu.vector_load %arg18[%get3A_593, %get3A_594] {strides = array<i32>} : memref<160x128xf32, #tpu.memory_space<vmem>>, vector<16xf32>,
        %mul3A_596 = arith.mulf %get3A_595, %get3A_213 : vector<16xf32>
        %add3A_597 = arith.addf %mul3A_590, %mul3A_596 : vector<16xf32>
        %add3A_598 = arith.constant 32 : i32
        %add3A_599 = arith.addi %squeeze3A_586, %add3A_598 : i32
        %get3A_600 = arith.index_cast %add3A_584 : i32 to index
        %get3A_601 = arith.index_cast %add3A_599 : i32 to index
        %get3A_602 = tpu.vector_load %arg18[%get3A_600, %get3A_601] {strides = array<i32>} : memref<160x128xf32, #tpu.memory_space<vmem>>, vector<16xf32>,
        %mul3A_603 = arith.mulf %get3A_602, %get3A_218 : vector<16xf32>
        %add3A_604 = arith.addf %add3A_597, %mul3A_603 : vector<16xf32>
        %add3A_605 = arith.constant 48 : i32
        %add3A_606 = arith.addi %squeeze3A_586, %add3A_605 : i32
        %get3A_607 = arith.index_cast %add3A_584 : i32 to index
        %get3A_608 = arith.index_cast %add3A_606 : i32 to index
        %get3A_609 = tpu.vector_load %arg18[%get3A_607, %get3A_608] {strides = array<i32>} : memref<160x128xf32, #tpu.memory_space<vmem>>, vector<16xf32>,
        %mul3A_610 = arith.mulf %get3A_609, %get3A_223 : vector<16xf32>
        %add3A_611 = arith.addf %add3A_604, %mul3A_610 : vector<16xf32>
        %swap3A_612 = arith.index_cast %add3A_584 : i32 to index
        %swap3A_613 = arith.constant 0 : index
        %swap3A_614 = tpu.vector_load %arg19[%swap3A_612, %swap3A_613] {strides = array<i32>} : memref<160x16xf32, #tpu.memory_space<vmem>>, vector<16xf32>,
        tpu.vector_store %arg19[%swap3A_612, %swap3A_613], %add3A_611 {strides = array<i32>} : memref<160x16xf32, #tpu.memory_space<vmem>>, vector<16xf32>,
        %mul3A_615 = arith.constant 20 : i32
        %mul3A_616 = arith.muli %scan3A_199, %mul3A_615 : i32
        %add3A_617 = arith.constant 11 : i32
        %add3A_618 = arith.addi %mul3A_616, %add3A_617 : i32
        %slice3A_619 = vector.extract_strided_slice %get3A_232 {offsets = [11], sizes = [1], strides = [1]} : vector<16xi32> to vector<1xi32>
        %squeeze3A_620 = vector.extract %slice3A_619[0] : i32 from vector<1xi32>
        %get3A_621 = arith.index_cast %add3A_618 : i32 to index
        %get3A_622 = arith.index_cast %squeeze3A_620 : i32 to index
        %get3A_623 = tpu.vector_load %arg18[%get3A_621, %get3A_622] {strides = array<i32>} : memref<160x128xf32, #tpu.memory_space<vmem>>, vector<16xf32>,
        %mul3A_624 = arith.mulf %get3A_623, %get3A_208 : vector<16xf32>
        %add3A_625 = arith.constant 16 : i32
        %add3A_626 = arith.addi %squeeze3A_620, %add3A_625 : i32
        %get3A_627 = arith.index_cast %add3A_618 : i32 to index
        %get3A_628 = arith.index_cast %add3A_626 : i32 to index
        %get3A_629 = tpu.vector_load %arg18[%get3A_627, %get3A_628] {strides = array<i32>} : memref<160x128xf32, #tpu.memory_space<vmem>>, vector<16xf32>,
        %mul3A_630 = arith.mulf %get3A_629, %get3A_213 : vector<16xf32>
        %add3A_631 = arith.addf %mul3A_624, %mul3A_630 : vector<16xf32>
        %add3A_632 = arith.constant 32 : i32
        %add3A_633 = arith.addi %squeeze3A_620, %add3A_632 : i32
        %get3A_634 = arith.index_cast %add3A_618 : i32 to index
        %get3A_635 = arith.index_cast %add3A_633 : i32 to index
        %get3A_636 = tpu.vector_load %arg18[%get3A_634, %get3A_635] {strides = array<i32>} : memref<160x128xf32, #tpu.memory_space<vmem>>, vector<16xf32>,
        %mul3A_637 = arith.mulf %get3A_636, %get3A_218 : vector<16xf32>
        %add3A_638 = arith.addf %add3A_631, %mul3A_637 : vector<16xf32>
        %add3A_639 = arith.constant 48 : i32
        %add3A_640 = arith.addi %squeeze3A_620, %add3A_639 : i32
        %get3A_641 = arith.index_cast %add3A_618 : i32 to index
        %get3A_642 = arith.index_cast %add3A_640 : i32 to index
        %get3A_643 = tpu.vector_load %arg18[%get3A_641, %get3A_642] {strides = array<i32>} : memref<160x128xf32, #tpu.memory_space<vmem>>, vector<16xf32>,
        %mul3A_644 = arith.mulf %get3A_643, %get3A_223 : vector<16xf32>
        %add3A_645 = arith.addf %add3A_638, %mul3A_644 : vector<16xf32>
        %swap3A_646 = arith.index_cast %add3A_618 : i32 to index
        %swap3A_647 = arith.constant 0 : index
        %swap3A_648 = tpu.vector_load %arg19[%swap3A_646, %swap3A_647] {strides = array<i32>} : memref<160x16xf32, #tpu.memory_space<vmem>>, vector<16xf32>,
        tpu.vector_store %arg19[%swap3A_646, %swap3A_647], %add3A_645 {strides = array<i32>} : memref<160x16xf32, #tpu.memory_space<vmem>>, vector<16xf32>,
        %mul3A_649 = arith.constant 20 : i32
        %mul3A_650 = arith.muli %scan3A_199, %mul3A_649 : i32
        %add3A_651 = arith.constant 12 : i32
        %add3A_652 = arith.addi %mul3A_650, %add3A_651 : i32
        %slice3A_653 = vector.extract_strided_slice %get3A_232 {offsets = [12], sizes = [1], strides = [1]} : vector<16xi32> to vector<1xi32>
        %squeeze3A_654 = vector.extract %slice3A_653[0] : i32 from vector<1xi32>
        %get3A_655 = arith.index_cast %add3A_652 : i32 to index
        %get3A_656 = arith.index_cast %squeeze3A_654 : i32 to index
        %get3A_657 = tpu.vector_load %arg18[%get3A_655, %get3A_656] {strides = array<i32>} : memref<160x128xf32, #tpu.memory_space<vmem>>, vector<16xf32>,
        %mul3A_658 = arith.mulf %get3A_657, %get3A_208 : vector<16xf32>
        %add3A_659 = arith.constant 16 : i32
        %add3A_660 = arith.addi %squeeze3A_654, %add3A_659 : i32
        %get3A_661 = arith.index_cast %add3A_652 : i32 to index
        %get3A_662 = arith.index_cast %add3A_660 : i32 to index
        %get3A_663 = tpu.vector_load %arg18[%get3A_661, %get3A_662] {strides = array<i32>} : memref<160x128xf32, #tpu.memory_space<vmem>>, vector<16xf32>,
        %mul3A_664 = arith.mulf %get3A_663, %get3A_213 : vector<16xf32>
        %add3A_665 = arith.addf %mul3A_658, %mul3A_664 : vector<16xf32>
        %add3A_666 = arith.constant 32 : i32
        %add3A_667 = arith.addi %squeeze3A_654, %add3A_666 : i32
        %get3A_668 = arith.index_cast %add3A_652 : i32 to index
        %get3A_669 = arith.index_cast %add3A_667 : i32 to index
        %get3A_670 = tpu.vector_load %arg18[%get3A_668, %get3A_669] {strides = array<i32>} : memref<160x128xf32, #tpu.memory_space<vmem>>, vector<16xf32>,
        %mul3A_671 = arith.mulf %get3A_670, %get3A_218 : vector<16xf32>
        %add3A_672 = arith.addf %add3A_665, %mul3A_671 : vector<16xf32>
        %add3A_673 = arith.constant 48 : i32
        %add3A_674 = arith.addi %squeeze3A_654, %add3A_673 : i32
        %get3A_675 = arith.index_cast %add3A_652 : i32 to index
        %get3A_676 = arith.index_cast %add3A_674 : i32 to index
        %get3A_677 = tpu.vector_load %arg18[%get3A_675, %get3A_676] {strides = array<i32>} : memref<160x128xf32, #tpu.memory_space<vmem>>, vector<16xf32>,
        %mul3A_678 = arith.mulf %get3A_677, %get3A_223 : vector<16xf32>
        %add3A_679 = arith.addf %add3A_672, %mul3A_678 : vector<16xf32>
        %swap3A_680 = arith.index_cast %add3A_652 : i32 to index
        %swap3A_681 = arith.constant 0 : index
        %swap3A_682 = tpu.vector_load %arg19[%swap3A_680, %swap3A_681] {strides = array<i32>} : memref<160x16xf32, #tpu.memory_space<vmem>>, vector<16xf32>,
        tpu.vector_store %arg19[%swap3A_680, %swap3A_681], %add3A_679 {strides = array<i32>} : memref<160x16xf32, #tpu.memory_space<vmem>>, vector<16xf32>,
        %mul3A_683 = arith.constant 20 : i32
        %mul3A_684 = arith.muli %scan3A_199, %mul3A_683 : i32
        %add3A_685 = arith.constant 13 : i32
        %add3A_686 = arith.addi %mul3A_684, %add3A_685 : i32
        %slice3A_687 = vector.extract_strided_slice %get3A_232 {offsets = [13], sizes = [1], strides = [1]} : vector<16xi32> to vector<1xi32>
        %squeeze3A_688 = vector.extract %slice3A_687[0] : i32 from vector<1xi32>
        %get3A_689 = arith.index_cast %add3A_686 : i32 to index
        %get3A_690 = arith.index_cast %squeeze3A_688 : i32 to index
        %get3A_691 = tpu.vector_load %arg18[%get3A_689, %get3A_690] {strides = array<i32>} : memref<160x128xf32, #tpu.memory_space<vmem>>, vector<16xf32>,
        %mul3A_692 = arith.mulf %get3A_691, %get3A_208 : vector<16xf32>
        %add3A_693 = arith.constant 16 : i32
        %add3A_694 = arith.addi %squeeze3A_688, %add3A_693 : i32
        %get3A_695 = arith.index_cast %add3A_686 : i32 to index
        %get3A_696 = arith.index_cast %add3A_694 : i32 to index
        %get3A_697 = tpu.vector_load %arg18[%get3A_695, %get3A_696] {strides = array<i32>} : memref<160x128xf32, #tpu.memory_space<vmem>>, vector<16xf32>,
        %mul3A_698 = arith.mulf %get3A_697, %get3A_213 : vector<16xf32>
        %add3A_699 = arith.addf %mul3A_692, %mul3A_698 : vector<16xf32>
        %add3A_700 = arith.constant 32 : i32
        %add3A_701 = arith.addi %squeeze3A_688, %add3A_700 : i32
        %get3A_702 = arith.index_cast %add3A_686 : i32 to index
        %get3A_703 = arith.index_cast %add3A_701 : i32 to index
        %get3A_704 = tpu.vector_load %arg18[%get3A_702, %get3A_703] {strides = array<i32>} : memref<160x128xf32, #tpu.memory_space<vmem>>, vector<16xf32>,
        %mul3A_705 = arith.mulf %get3A_704, %get3A_218 : vector<16xf32>
        %add3A_706 = arith.addf %add3A_699, %mul3A_705 : vector<16xf32>
        %add3A_707 = arith.constant 48 : i32
        %add3A_708 = arith.addi %squeeze3A_688, %add3A_707 : i32
        %get3A_709 = arith.index_cast %add3A_686 : i32 to index
        %get3A_710 = arith.index_cast %add3A_708 : i32 to index
        %get3A_711 = tpu.vector_load %arg18[%get3A_709, %get3A_710] {strides = array<i32>} : memref<160x128xf32, #tpu.memory_space<vmem>>, vector<16xf32>,
        %mul3A_712 = arith.mulf %get3A_711, %get3A_223 : vector<16xf32>
        %add3A_713 = arith.addf %add3A_706, %mul3A_712 : vector<16xf32>
        %swap3A_714 = arith.index_cast %add3A_686 : i32 to index
        %swap3A_715 = arith.constant 0 : index
        %swap3A_716 = tpu.vector_load %arg19[%swap3A_714, %swap3A_715] {strides = array<i32>} : memref<160x16xf32, #tpu.memory_space<vmem>>, vector<16xf32>,
        tpu.vector_store %arg19[%swap3A_714, %swap3A_715], %add3A_713 {strides = array<i32>} : memref<160x16xf32, #tpu.memory_space<vmem>>, vector<16xf32>,
        %mul3A_717 = arith.constant 20 : i32
        %mul3A_718 = arith.muli %scan3A_199, %mul3A_717 : i32
        %add3A_719 = arith.constant 14 : i32
        %add3A_720 = arith.addi %mul3A_718, %add3A_719 : i32
        %slice3A_721 = vector.extract_strided_slice %get3A_232 {offsets = [14], sizes = [1], strides = [1]} : vector<16xi32> to vector<1xi32>
        %squeeze3A_722 = vector.extract %slice3A_721[0] : i32 from vector<1xi32>
        %get3A_723 = arith.index_cast %add3A_720 : i32 to index
        %get3A_724 = arith.index_cast %squeeze3A_722 : i32 to index
        %get3A_725 = tpu.vector_load %arg18[%get3A_723, %get3A_724] {strides = array<i32>} : memref<160x128xf32, #tpu.memory_space<vmem>>, vector<16xf32>,
        %mul3A_726 = arith.mulf %get3A_725, %get3A_208 : vector<16xf32>
        %add3A_727 = arith.constant 16 : i32
        %add3A_728 = arith.addi %squeeze3A_722, %add3A_727 : i32
        %get3A_729 = arith.index_cast %add3A_720 : i32 to index
        %get3A_730 = arith.index_cast %add3A_728 : i32 to index
        %get3A_731 = tpu.vector_load %arg18[%get3A_729, %get3A_730] {strides = array<i32>} : memref<160x128xf32, #tpu.memory_space<vmem>>, vector<16xf32>,
        %mul3A_732 = arith.mulf %get3A_731, %get3A_213 : vector<16xf32>
        %add3A_733 = arith.addf %mul3A_726, %mul3A_732 : vector<16xf32>
        %add3A_734 = arith.constant 32 : i32
        %add3A_735 = arith.addi %squeeze3A_722, %add3A_734 : i32
        %get3A_736 = arith.index_cast %add3A_720 : i32 to index
        %get3A_737 = arith.index_cast %add3A_735 : i32 to index
        %get3A_738 = tpu.vector_load %arg18[%get3A_736, %get3A_737] {strides = array<i32>} : memref<160x128xf32, #tpu.memory_space<vmem>>, vector<16xf32>,
        %mul3A_739 = arith.mulf %get3A_738, %get3A_218 : vector<16xf32>
        %add3A_740 = arith.addf %add3A_733, %mul3A_739 : vector<16xf32>
        %add3A_741 = arith.constant 48 : i32
        %add3A_742 = arith.addi %squeeze3A_722, %add3A_741 : i32
        %get3A_743 = arith.index_cast %add3A_720 : i32 to index
        %get3A_744 = arith.index_cast %add3A_742 : i32 to index
        %get3A_745 = tpu.vector_load %arg18[%get3A_743, %get3A_744] {strides = array<i32>} : memref<160x128xf32, #tpu.memory_space<vmem>>, vector<16xf32>,
        %mul3A_746 = arith.mulf %get3A_745, %get3A_223 : vector<16xf32>
        %add3A_747 = arith.addf %add3A_740, %mul3A_746 : vector<16xf32>
        %swap3A_748 = arith.index_cast %add3A_720 : i32 to index
        %swap3A_749 = arith.constant 0 : index
        %swap3A_750 = tpu.vector_load %arg19[%swap3A_748, %swap3A_749] {strides = array<i32>} : memref<160x16xf32, #tpu.memory_space<vmem>>, vector<16xf32>,
        tpu.vector_store %arg19[%swap3A_748, %swap3A_749], %add3A_747 {strides = array<i32>} : memref<160x16xf32, #tpu.memory_space<vmem>>, vector<16xf32>,
        %mul3A_751 = arith.constant 20 : i32
        %mul3A_752 = arith.muli %scan3A_199, %mul3A_751 : i32
        %add3A_753 = arith.constant 15 : i32
        %add3A_754 = arith.addi %mul3A_752, %add3A_753 : i32
        %slice3A_755 = vector.extract_strided_slice %get3A_232 {offsets = [15], sizes = [1], strides = [1]} : vector<16xi32> to vector<1xi32>
        %squeeze3A_756 = vector.extract %slice3A_755[0] : i32 from vector<1xi32>
        %get3A_757 = arith.index_cast %add3A_754 : i32 to index
        %get3A_758 = arith.index_cast %squeeze3A_756 : i32 to index
        %get3A_759 = tpu.vector_load %arg18[%get3A_757, %get3A_758] {strides = array<i32>} : memref<160x128xf32, #tpu.memory_space<vmem>>, vector<16xf32>,
        %mul3A_760 = arith.mulf %get3A_759, %get3A_208 : vector<16xf32>
        %add3A_761 = arith.constant 16 : i32
        %add3A_762 = arith.addi %squeeze3A_756, %add3A_761 : i32
        %get3A_763 = arith.index_cast %add3A_754 : i32 to index
        %get3A_764 = arith.index_cast %add3A_762 : i32 to index
        %get3A_765 = tpu.vector_load %arg18[%get3A_763, %get3A_764] {strides = array<i32>} : memref<160x128xf32, #tpu.memory_space<vmem>>, vector<16xf32>,
        %mul3A_766 = arith.mulf %get3A_765, %get3A_213 : vector<16xf32>
        %add3A_767 = arith.addf %mul3A_760, %mul3A_766 : vector<16xf32>
        %add3A_768 = arith.constant 32 : i32
        %add3A_769 = arith.addi %squeeze3A_756, %add3A_768 : i32
        %get3A_770 = arith.index_cast %add3A_754 : i32 to index
        %get3A_771 = arith.index_cast %add3A_769 : i32 to index
        %get3A_772 = tpu.vector_load %arg18[%get3A_770, %get3A_771] {strides = array<i32>} : memref<160x128xf32, #tpu.memory_space<vmem>>, vector<16xf32>,
        %mul3A_773 = arith.mulf %get3A_772, %get3A_218 : vector<16xf32>
        %add3A_774 = arith.addf %add3A_767, %mul3A_773 : vector<16xf32>
        %add3A_775 = arith.constant 48 : i32
        %add3A_776 = arith.addi %squeeze3A_756, %add3A_775 : i32
        %get3A_777 = arith.index_cast %add3A_754 : i32 to index
        %get3A_778 = arith.index_cast %add3A_776 : i32 to index
        %get3A_779 = tpu.vector_load %arg18[%get3A_777, %get3A_778] {strides = array<i32>} : memref<160x128xf32, #tpu.memory_space<vmem>>, vector<16xf32>,
        %mul3A_780 = arith.mulf %get3A_779, %get3A_223 : vector<16xf32>
        %add3A_781 = arith.addf %add3A_774, %mul3A_780 : vector<16xf32>
        %swap3A_782 = arith.index_cast %add3A_754 : i32 to index
        %swap3A_783 = arith.constant 0 : index
        %swap3A_784 = tpu.vector_load %arg19[%swap3A_782, %swap3A_783] {strides = array<i32>} : memref<160x16xf32, #tpu.memory_space<vmem>>, vector<16xf32>,
        tpu.vector_store %arg19[%swap3A_782, %swap3A_783], %add3A_781 {strides = array<i32>} : memref<160x16xf32, #tpu.memory_space<vmem>>, vector<16xf32>,
        %mul3A_785 = arith.constant 20 : i32
        %mul3A_786 = arith.muli %scan3A_199, %mul3A_785 : i32
        %add3A_787 = arith.constant 16 : i32
        %add3A_788 = arith.addi %mul3A_786, %add3A_787 : i32
        %slice3A_789 = vector.extract_strided_slice %get3A_241 {offsets = [0], sizes = [1], strides = [1]} : vector<16xi32> to vector<1xi32>
        %squeeze3A_790 = vector.extract %slice3A_789[0] : i32 from vector<1xi32>
        %get3A_791 = arith.index_cast %add3A_788 : i32 to index
        %get3A_792 = arith.index_cast %squeeze3A_790 : i32 to index
        %get3A_793 = tpu.vector_load %arg18[%get3A_791, %get3A_792] {strides = array<i32>} : memref<160x128xf32, #tpu.memory_space<vmem>>, vector<16xf32>,
        %mul3A_794 = arith.mulf %get3A_793, %get3A_208 : vector<16xf32>
        %add3A_795 = arith.constant 16 : i32
        %add3A_796 = arith.addi %squeeze3A_790, %add3A_795 : i32
        %get3A_797 = arith.index_cast %add3A_788 : i32 to index
        %get3A_798 = arith.index_cast %add3A_796 : i32 to index
        %get3A_799 = tpu.vector_load %arg18[%get3A_797, %get3A_798] {strides = array<i32>} : memref<160x128xf32, #tpu.memory_space<vmem>>, vector<16xf32>,
        %mul3A_800 = arith.mulf %get3A_799, %get3A_213 : vector<16xf32>
        %add3A_801 = arith.addf %mul3A_794, %mul3A_800 : vector<16xf32>
        %add3A_802 = arith.constant 32 : i32
        %add3A_803 = arith.addi %squeeze3A_790, %add3A_802 : i32
        %get3A_804 = arith.index_cast %add3A_788 : i32 to index
        %get3A_805 = arith.index_cast %add3A_803 : i32 to index
        %get3A_806 = tpu.vector_load %arg18[%get3A_804, %get3A_805] {strides = array<i32>} : memref<160x128xf32, #tpu.memory_space<vmem>>, vector<16xf32>,
        %mul3A_807 = arith.mulf %get3A_806, %get3A_218 : vector<16xf32>
        %add3A_808 = arith.addf %add3A_801, %mul3A_807 : vector<16xf32>
        %add3A_809 = arith.constant 48 : i32
        %add3A_810 = arith.addi %squeeze3A_790, %add3A_809 : i32
        %get3A_811 = arith.index_cast %add3A_788 : i32 to index
        %get3A_812 = arith.index_cast %add3A_810 : i32 to index
        %get3A_813 = tpu.vector_load %arg18[%get3A_811, %get3A_812] {strides = array<i32>} : memref<160x128xf32, #tpu.memory_space<vmem>>, vector<16xf32>,
        %mul3A_814 = arith.mulf %get3A_813, %get3A_223 : vector<16xf32>
        %add3A_815 = arith.addf %add3A_808, %mul3A_814 : vector<16xf32>
        %swap3A_816 = arith.index_cast %add3A_788 : i32 to index
        %swap3A_817 = arith.constant 0 : index
        %swap3A_818 = tpu.vector_load %arg19[%swap3A_816, %swap3A_817] {strides = array<i32>} : memref<160x16xf32, #tpu.memory_space<vmem>>, vector<16xf32>,
        tpu.vector_store %arg19[%swap3A_816, %swap3A_817], %add3A_815 {strides = array<i32>} : memref<160x16xf32, #tpu.memory_space<vmem>>, vector<16xf32>,
        %mul3A_819 = arith.constant 20 : i32
        %mul3A_820 = arith.muli %scan3A_199, %mul3A_819 : i32
        %add3A_821 = arith.constant 17 : i32
        %add3A_822 = arith.addi %mul3A_820, %add3A_821 : i32
        %slice3A_823 = vector.extract_strided_slice %get3A_241 {offsets = [1], sizes = [1], strides = [1]} : vector<16xi32> to vector<1xi32>
        %squeeze3A_824 = vector.extract %slice3A_823[0] : i32 from vector<1xi32>
        %get3A_825 = arith.index_cast %add3A_822 : i32 to index
        %get3A_826 = arith.index_cast %squeeze3A_824 : i32 to index
        %get3A_827 = tpu.vector_load %arg18[%get3A_825, %get3A_826] {strides = array<i32>} : memref<160x128xf32, #tpu.memory_space<vmem>>, vector<16xf32>,
        %mul3A_828 = arith.mulf %get3A_827, %get3A_208 : vector<16xf32>
        %add3A_829 = arith.constant 16 : i32
        %add3A_830 = arith.addi %squeeze3A_824, %add3A_829 : i32
        %get3A_831 = arith.index_cast %add3A_822 : i32 to index
        %get3A_832 = arith.index_cast %add3A_830 : i32 to index
        %get3A_833 = tpu.vector_load %arg18[%get3A_831, %get3A_832] {strides = array<i32>} : memref<160x128xf32, #tpu.memory_space<vmem>>, vector<16xf32>,
        %mul3A_834 = arith.mulf %get3A_833, %get3A_213 : vector<16xf32>
        %add3A_835 = arith.addf %mul3A_828, %mul3A_834 : vector<16xf32>
        %add3A_836 = arith.constant 32 : i32
        %add3A_837 = arith.addi %squeeze3A_824, %add3A_836 : i32
        %get3A_838 = arith.index_cast %add3A_822 : i32 to index
        %get3A_839 = arith.index_cast %add3A_837 : i32 to index
        %get3A_840 = tpu.vector_load %arg18[%get3A_838, %get3A_839] {strides = array<i32>} : memref<160x128xf32, #tpu.memory_space<vmem>>, vector<16xf32>,
        %mul3A_841 = arith.mulf %get3A_840, %get3A_218 : vector<16xf32>
        %add3A_842 = arith.addf %add3A_835, %mul3A_841 : vector<16xf32>
        %add3A_843 = arith.constant 48 : i32
        %add3A_844 = arith.addi %squeeze3A_824, %add3A_843 : i32
        %get3A_845 = arith.index_cast %add3A_822 : i32 to index
        %get3A_846 = arith.index_cast %add3A_844 : i32 to index
        %get3A_847 = tpu.vector_load %arg18[%get3A_845, %get3A_846] {strides = array<i32>} : memref<160x128xf32, #tpu.memory_space<vmem>>, vector<16xf32>,
        %mul3A_848 = arith.mulf %get3A_847, %get3A_223 : vector<16xf32>
        %add3A_849 = arith.addf %add3A_842, %mul3A_848 : vector<16xf32>
        %swap3A_850 = arith.index_cast %add3A_822 : i32 to index
        %swap3A_851 = arith.constant 0 : index
        %swap3A_852 = tpu.vector_load %arg19[%swap3A_850, %swap3A_851] {strides = array<i32>} : memref<160x16xf32, #tpu.memory_space<vmem>>, vector<16xf32>,
        tpu.vector_store %arg19[%swap3A_850, %swap3A_851], %add3A_849 {strides = array<i32>} : memref<160x16xf32, #tpu.memory_space<vmem>>, vector<16xf32>,
        %mul3A_853 = arith.constant 20 : i32
        %mul3A_854 = arith.muli %scan3A_199, %mul3A_853 : i32
        %add3A_855 = arith.constant 18 : i32
        %add3A_856 = arith.addi %mul3A_854, %add3A_855 : i32
        %slice3A_857 = vector.extract_strided_slice %get3A_241 {offsets = [2], sizes = [1], strides = [1]} : vector<16xi32> to vector<1xi32>
        %squeeze3A_858 = vector.extract %slice3A_857[0] : i32 from vector<1xi32>
        %get3A_859 = arith.index_cast %add3A_856 : i32 to index
        %get3A_860 = arith.index_cast %squeeze3A_858 : i32 to index
        %get3A_861 = tpu.vector_load %arg18[%get3A_859, %get3A_860] {strides = array<i32>} : memref<160x128xf32, #tpu.memory_space<vmem>>, vector<16xf32>,
        %mul3A_862 = arith.mulf %get3A_861, %get3A_208 : vector<16xf32>
        %add3A_863 = arith.constant 16 : i32
        %add3A_864 = arith.addi %squeeze3A_858, %add3A_863 : i32
        %get3A_865 = arith.index_cast %add3A_856 : i32 to index
        %get3A_866 = arith.index_cast %add3A_864 : i32 to index
        %get3A_867 = tpu.vector_load %arg18[%get3A_865, %get3A_866] {strides = array<i32>} : memref<160x128xf32, #tpu.memory_space<vmem>>, vector<16xf32>,
        %mul3A_868 = arith.mulf %get3A_867, %get3A_213 : vector<16xf32>
        %add3A_869 = arith.addf %mul3A_862, %mul3A_868 : vector<16xf32>
        %add3A_870 = arith.constant 32 : i32
        %add3A_871 = arith.addi %squeeze3A_858, %add3A_870 : i32
        %get3A_872 = arith.index_cast %add3A_856 : i32 to index
        %get3A_873 = arith.index_cast %add3A_871 : i32 to index
        %get3A_874 = tpu.vector_load %arg18[%get3A_872, %get3A_873] {strides = array<i32>} : memref<160x128xf32, #tpu.memory_space<vmem>>, vector<16xf32>,
        %mul3A_875 = arith.mulf %get3A_874, %get3A_218 : vector<16xf32>
        %add3A_876 = arith.addf %add3A_869, %mul3A_875 : vector<16xf32>
        %add3A_877 = arith.constant 48 : i32
        %add3A_878 = arith.addi %squeeze3A_858, %add3A_877 : i32
        %get3A_879 = arith.index_cast %add3A_856 : i32 to index
        %get3A_880 = arith.index_cast %add3A_878 : i32 to index
        %get3A_881 = tpu.vector_load %arg18[%get3A_879, %get3A_880] {strides = array<i32>} : memref<160x128xf32, #tpu.memory_space<vmem>>, vector<16xf32>,
        %mul3A_882 = arith.mulf %get3A_881, %get3A_223 : vector<16xf32>
        %add3A_883 = arith.addf %add3A_876, %mul3A_882 : vector<16xf32>
        %swap3A_884 = arith.index_cast %add3A_856 : i32 to index
        %swap3A_885 = arith.constant 0 : index
        %swap3A_886 = tpu.vector_load %arg19[%swap3A_884, %swap3A_885] {strides = array<i32>} : memref<160x16xf32, #tpu.memory_space<vmem>>, vector<16xf32>,
        tpu.vector_store %arg19[%swap3A_884, %swap3A_885], %add3A_883 {strides = array<i32>} : memref<160x16xf32, #tpu.memory_space<vmem>>, vector<16xf32>,
        %mul3A_887 = arith.constant 20 : i32
        %mul3A_888 = arith.muli %scan3A_199, %mul3A_887 : i32
        %add3A_889 = arith.constant 19 : i32
        %add3A_890 = arith.addi %mul3A_888, %add3A_889 : i32
        %slice3A_891 = vector.extract_strided_slice %get3A_241 {offsets = [3], sizes = [1], strides = [1]} : vector<16xi32> to vector<1xi32>
        %squeeze3A_892 = vector.extract %slice3A_891[0] : i32 from vector<1xi32>
        %get3A_893 = arith.index_cast %add3A_890 : i32 to index
        %get3A_894 = arith.index_cast %squeeze3A_892 : i32 to index
        %get3A_895 = tpu.vector_load %arg18[%get3A_893, %get3A_894] {strides = array<i32>} : memref<160x128xf32, #tpu.memory_space<vmem>>, vector<16xf32>,
        %mul3A_896 = arith.mulf %get3A_895, %get3A_208 : vector<16xf32>
        %add3A_897 = arith.constant 16 : i32
        %add3A_898 = arith.addi %squeeze3A_892, %add3A_897 : i32
        %get3A_899 = arith.index_cast %add3A_890 : i32 to index
        %get3A_900 = arith.index_cast %add3A_898 : i32 to index
        %get3A_901 = tpu.vector_load %arg18[%get3A_899, %get3A_900] {strides = array<i32>} : memref<160x128xf32, #tpu.memory_space<vmem>>, vector<16xf32>,
        %mul3A_902 = arith.mulf %get3A_901, %get3A_213 : vector<16xf32>
        %add3A_903 = arith.addf %mul3A_896, %mul3A_902 : vector<16xf32>
        %add3A_904 = arith.constant 32 : i32
        %add3A_905 = arith.addi %squeeze3A_892, %add3A_904 : i32
        %get3A_906 = arith.index_cast %add3A_890 : i32 to index
        %get3A_907 = arith.index_cast %add3A_905 : i32 to index
        %get3A_908 = tpu.vector_load %arg18[%get3A_906, %get3A_907] {strides = array<i32>} : memref<160x128xf32, #tpu.memory_space<vmem>>, vector<16xf32>,
        %mul3A_909 = arith.mulf %get3A_908, %get3A_218 : vector<16xf32>
        %add3A_910 = arith.addf %add3A_903, %mul3A_909 : vector<16xf32>
        %add3A_911 = arith.constant 48 : i32
        %add3A_912 = arith.addi %squeeze3A_892, %add3A_911 : i32
        %get3A_913 = arith.index_cast %add3A_890 : i32 to index
        %get3A_914 = arith.index_cast %add3A_912 : i32 to index
        %get3A_915 = tpu.vector_load %arg18[%get3A_913, %get3A_914] {strides = array<i32>} : memref<160x128xf32, #tpu.memory_space<vmem>>, vector<16xf32>,
        %mul3A_916 = arith.mulf %get3A_915, %get3A_223 : vector<16xf32>
        %add3A_917 = arith.addf %add3A_910, %mul3A_916 : vector<16xf32>
        %swap3A_918 = arith.index_cast %add3A_890 : i32 to index
        %swap3A_919 = arith.constant 0 : index
        %swap3A_920 = tpu.vector_load %arg19[%swap3A_918, %swap3A_919] {strides = array<i32>} : memref<160x16xf32, #tpu.memory_space<vmem>>, vector<16xf32>,
        tpu.vector_store %arg19[%swap3A_918, %swap3A_919], %add3A_917 {strides = array<i32>} : memref<160x16xf32, #tpu.memory_space<vmem>>, vector<16xf32>,
      }
      %scan3A_185 = arith.constant 8 : i32
      %scan3A_186 = arith.constant 0 : i32
      %scan3A_187 = arith.constant 0 : i32
      %scan3A_188 = arith.constant 10 : i32
      %scan3A_189 = arith.addi %scan3A_187, %scan3A_188 : i32
      %scan3A_190 = arith.constant 1 : i32
      scf.for %scan3A_199 = %scan3A_187 to %scan3A_189 step %scan3A_190  : i32 {
        %mul3A_200 = arith.constant 16 : i32
        %mul3A_201 = arith.muli %scan3A_199, %mul3A_200 : i32
        %add3A_202 = vector.broadcast %mul3A_201 : i32 to vector<16xi32>
        %add3A_203 = arith.addi %iota3A, %add3A_202 : vector<16xi32>
        %broadcast_in_dim3A = arith.constant 0 : i32
        %broadcast_in_dim3A_204 = vector.broadcast %broadcast_in_dim3A : i32 to vector<16xi32>
        %gather3A = tpu.vector_load_idx %arg19[%add3A_203, %broadcast_in_dim3A_204] : memref<160x16xf32, #tpu.memory_space<vmem>>[vector<16xi32>, vector<16xi32>], vector<16xf32>,
        %broadcast_in_dim3A_205 = arith.constant 1 : i32
        %broadcast_in_dim3A_206 = vector.broadcast %broadcast_in_dim3A_205 : i32 to vector<16xi32>
        %gather3A_207 = tpu.vector_load_idx %arg19[%add3A_203, %broadcast_in_dim3A_206] : memref<160x16xf32, #tpu.memory_space<vmem>>[vector<16xi32>, vector<16xi32>], vector<16xf32>,
        %add3A_208 = arith.addf %gather3A, %gather3A_207 : vector<16xf32>
        %broadcast_in_dim3A_209 = arith.constant 2 : i32
        %broadcast_in_dim3A_210 = vector.broadcast %broadcast_in_dim3A_209 : i32 to vector<16xi32>
        %gather3A_211 = tpu.vector_load_idx %arg19[%add3A_203, %broadcast_in_dim3A_210] : memref<160x16xf32, #tpu.memory_space<vmem>>[vector<16xi32>, vector<16xi32>], vector<16xf32>,
        %add3A_212 = arith.addf %add3A_208, %gather3A_211 : vector<16xf32>
        %broadcast_in_dim3A_213 = arith.constant 3 : i32
        %broadcast_in_dim3A_214 = vector.broadcast %broadcast_in_dim3A_213 : i32 to vector<16xi32>
        %gather3A_215 = tpu.vector_load_idx %arg19[%add3A_203, %broadcast_in_dim3A_214] : memref<160x16xf32, #tpu.memory_space<vmem>>[vector<16xi32>, vector<16xi32>], vector<16xf32>,
        %add3A_216 = arith.addf %add3A_212, %gather3A_215 : vector<16xf32>
        %broadcast_in_dim3A_217 = arith.constant 4 : i32
        %broadcast_in_dim3A_218 = vector.broadcast %broadcast_in_dim3A_217 : i32 to vector<16xi32>
        %gather3A_219 = tpu.vector_load_idx %arg19[%add3A_203, %broadcast_in_dim3A_218] : memref<160x16xf32, #tpu.memory_space<vmem>>[vector<16xi32>, vector<16xi32>], vector<16xf32>,
        %add3A_220 = arith.addf %add3A_216, %gather3A_219 : vector<16xf32>
        %broadcast_in_dim3A_221 = arith.constant 5 : i32
        %broadcast_in_dim3A_222 = vector.broadcast %broadcast_in_dim3A_221 : i32 to vector<16xi32>
        %gather3A_223 = tpu.vector_load_idx %arg19[%add3A_203, %broadcast_in_dim3A_222] : memref<160x16xf32, #tpu.memory_space<vmem>>[vector<16xi32>, vector<16xi32>], vector<16xf32>,
        %add3A_224 = arith.addf %add3A_220, %gather3A_223 : vector<16xf32>
        %broadcast_in_dim3A_225 = arith.constant 6 : i32
        %broadcast_in_dim3A_226 = vector.broadcast %broadcast_in_dim3A_225 : i32 to vector<16xi32>
        %gather3A_227 = tpu.vector_load_idx %arg19[%add3A_203, %broadcast_in_dim3A_226] : memref<160x16xf32, #tpu.memory_space<vmem>>[vector<16xi32>, vector<16xi32>], vector<16xf32>,
        %add3A_228 = arith.addf %add3A_224, %gather3A_227 : vector<16xf32>
        %broadcast_in_dim3A_229 = arith.constant 7 : i32
        %broadcast_in_dim3A_230 = vector.broadcast %broadcast_in_dim3A_229 : i32 to vector<16xi32>
        %gather3A_231 = tpu.vector_load_idx %arg19[%add3A_203, %broadcast_in_dim3A_230] : memref<160x16xf32, #tpu.memory_space<vmem>>[vector<16xi32>, vector<16xi32>], vector<16xf32>,
        %add3A_232 = arith.addf %add3A_228, %gather3A_231 : vector<16xf32>
        %broadcast_in_dim3A_233 = arith.constant 8 : i32
        %broadcast_in_dim3A_234 = vector.broadcast %broadcast_in_dim3A_233 : i32 to vector<16xi32>
        %gather3A_235 = tpu.vector_load_idx %arg19[%add3A_203, %broadcast_in_dim3A_234] : memref<160x16xf32, #tpu.memory_space<vmem>>[vector<16xi32>, vector<16xi32>], vector<16xf32>,
        %add3A_236 = arith.addf %add3A_232, %gather3A_235 : vector<16xf32>
        %broadcast_in_dim3A_237 = arith.constant 9 : i32
        %broadcast_in_dim3A_238 = vector.broadcast %broadcast_in_dim3A_237 : i32 to vector<16xi32>
        %gather3A_239 = tpu.vector_load_idx %arg19[%add3A_203, %broadcast_in_dim3A_238] : memref<160x16xf32, #tpu.memory_space<vmem>>[vector<16xi32>, vector<16xi32>], vector<16xf32>,
        %add3A_240 = arith.addf %add3A_236, %gather3A_239 : vector<16xf32>
        %broadcast_in_dim3A_241 = arith.constant 10 : i32
        %broadcast_in_dim3A_242 = vector.broadcast %broadcast_in_dim3A_241 : i32 to vector<16xi32>
        %gather3A_243 = tpu.vector_load_idx %arg19[%add3A_203, %broadcast_in_dim3A_242] : memref<160x16xf32, #tpu.memory_space<vmem>>[vector<16xi32>, vector<16xi32>], vector<16xf32>,
        %add3A_244 = arith.addf %add3A_240, %gather3A_243 : vector<16xf32>
        %broadcast_in_dim3A_245 = arith.constant 11 : i32
        %broadcast_in_dim3A_246 = vector.broadcast %broadcast_in_dim3A_245 : i32 to vector<16xi32>
        %gather3A_247 = tpu.vector_load_idx %arg19[%add3A_203, %broadcast_in_dim3A_246] : memref<160x16xf32, #tpu.memory_space<vmem>>[vector<16xi32>, vector<16xi32>], vector<16xf32>,
        %add3A_248 = arith.addf %add3A_244, %gather3A_247 : vector<16xf32>
        %broadcast_in_dim3A_249 = arith.constant 12 : i32
        %broadcast_in_dim3A_250 = vector.broadcast %broadcast_in_dim3A_249 : i32 to vector<16xi32>
        %gather3A_251 = tpu.vector_load_idx %arg19[%add3A_203, %broadcast_in_dim3A_250] : memref<160x16xf32, #tpu.memory_space<vmem>>[vector<16xi32>, vector<16xi32>], vector<16xf32>,
        %add3A_252 = arith.addf %add3A_248, %gather3A_251 : vector<16xf32>
        %broadcast_in_dim3A_253 = arith.constant 13 : i32
        %broadcast_in_dim3A_254 = vector.broadcast %broadcast_in_dim3A_253 : i32 to vector<16xi32>
        %gather3A_255 = tpu.vector_load_idx %arg19[%add3A_203, %broadcast_in_dim3A_254] : memref<160x16xf32, #tpu.memory_space<vmem>>[vector<16xi32>, vector<16xi32>], vector<16xf32>,
        %add3A_256 = arith.addf %add3A_252, %gather3A_255 : vector<16xf32>
        %broadcast_in_dim3A_257 = arith.constant 14 : i32
        %broadcast_in_dim3A_258 = vector.broadcast %broadcast_in_dim3A_257 : i32 to vector<16xi32>
        %gather3A_259 = tpu.vector_load_idx %arg19[%add3A_203, %broadcast_in_dim3A_258] : memref<160x16xf32, #tpu.memory_space<vmem>>[vector<16xi32>, vector<16xi32>], vector<16xf32>,
        %add3A_260 = arith.addf %add3A_256, %gather3A_259 : vector<16xf32>
        %broadcast_in_dim3A_261 = arith.constant 15 : i32
        %broadcast_in_dim3A_262 = vector.broadcast %broadcast_in_dim3A_261 : i32 to vector<16xi32>
        %gather3A_263 = tpu.vector_load_idx %arg19[%add3A_203, %broadcast_in_dim3A_262] : memref<160x16xf32, #tpu.memory_space<vmem>>[vector<16xi32>, vector<16xi32>], vector<16xf32>,
        %add3A_264 = arith.addf %add3A_260, %gather3A_263 : vector<16xf32>
        %mul3A_265 = arith.constant 16 : i32
        %mul3A_266 = arith.muli %scan3A_199, %mul3A_265 : i32
        %swap3A = arith.index_cast %mul3A_266 : i32 to index
        %swap3A_267 = tpu.vector_load %arg22[%swap3A] {strides = array<i32>} : memref<160xf32, #tpu.memory_space<vmem>>, vector<16xf32>,
        tpu.vector_store %arg22[%swap3A], %add3A_264 {strides = array<i32>} : memref<160xf32, #tpu.memory_space<vmem>>, vector<16xf32>,
      }
      %scan3A_191 = arith.constant 10 : i32
      %mul3A_192 = arith.constant 8 : i32
      %mul3A_193 = arith.muli %add3A_143, %mul3A_192 : i32
      %add3A_194 = arith.addi %mul3A_2, %mul3A_193 : i32
      %mul3A_195 = arith.constant 20 : i32
      %mul3A_196 = arith.muli %add3A_194, %mul3A_195 : i32
      %dma_start3A_197 = tpu.memref_slice %arg8[%mul3A_196] : memref<81920xf32, #tpu.memory_space<hbm>> -> memref<160xf32, #tpu.memory_space<hbm>>
      %dma_start3A_198 = tpu.memref_slice %arg8[%mul3A_196] : memref<81920xf32, #tpu.memory_space<hbm>> -> memref<160xf32, #tpu.memory_space<hbm>>
      tpu.enqueue_dma source(%arg22 : memref<160xf32, #tpu.memory_space<vmem>>) target(%dma_start3A_198 : memref<160xf32, #tpu.memory_space<hbm>>) target_semaphore(%arg28 : memref<!tpu.dma_semaphore, #tpu.memory_space<semaphore_mem>>)
    }
    %scan3A_77 = arith.constant 8 : i32
    %mul3A_78 = arith.constant 20 : i32
    %mul3A_79 = arith.muli %mul3A_2, %mul3A_78 : i32
    %dma_wait3A_80 = tpu.memref_slice %arg8[%mul3A_79] : memref<81920xf32, #tpu.memory_space<hbm>> -> memref<160xf32, #tpu.memory_space<hbm>>
    %dma_wait3A_81 = tpu.memref_slice %arg8[%mul3A_79] : memref<81920xf32, #tpu.memory_space<hbm>> -> memref<160xf32, #tpu.memory_space<hbm>>
    tpu.wait_dma2 semaphore(%arg28 : memref<!tpu.dma_semaphore, #tpu.memory_space<semaphore_mem>>) src(%arg21 : memref<160xf32, #tpu.memory_space<vmem>>) dst(%dma_wait3A_81 : memref<160xf32, #tpu.memory_space<hbm>>)
    %mul3A_82 = arith.constant 20 : i32
    %mul3A_83 = arith.muli %mul3A_2, %mul3A_82 : i32
    %dma_wait3A_84 = tpu.memref_slice %arg8[%mul3A_83] : memref<81920xf32, #tpu.memory_space<hbm>> -> memref<160xf32, #tpu.memory_space<hbm>>
    %dma_wait3A_85 = tpu.memref_slice %arg8[%mul3A_83] : memref<81920xf32, #tpu.memory_space<hbm>> -> memref<160xf32, #tpu.memory_space<hbm>>
    tpu.wait_dma2 semaphore(%arg28 : memref<!tpu.dma_semaphore, #tpu.memory_space<semaphore_mem>>) src(%arg21 : memref<160xf32, #tpu.memory_space<vmem>>) dst(%dma_wait3A_85 : memref<160xf32, #tpu.memory_space<hbm>>)
    return
  }
}

module attributes {stable_mosaic.version = 14 : i64} {
  func.func @body(%arg0: memref<32x128xf32, #tpu.memory_space<vmem>>, %arg1: memref<640x128xf32, #tpu.memory_space<vmem>>, %arg2: memref<1x1xf32, #tpu.memory_space<smem>>) attributes {dimension_semantics = [], scalar_prefetch = 0 : i64, scratch_operands = 0 : i64, tpu.core_type = #tpu.core_type<tc>} {
    %get3A = arith.constant 0 : index
    %get3A_0 = arith.constant 0 : index
    %get3A_1 = vector.load %arg0[%get3A, %get3A_0] : memref<32x128xf32, #tpu.memory_space<vmem>>, vector<32x128xf32>
    %neg3A = arith.constant 0.000000e+00 : f32
    %neg3A_2 = vector.broadcast %neg3A : f32 to vector<32x128xf32>
    %neg3A_3 = arith.subf %neg3A_2, %get3A_1 : vector<32x128xf32>
    %custom_jvp_call3A = arith.constant 0.000000e+00 : f32
    %max3A = vector.broadcast %custom_jvp_call3A : f32 to vector<32x128xf32>
    %max3A_4 = arith.maximumf %neg3A_3, %max3A : vector<32x128xf32>
    %sub3A = vector.broadcast %custom_jvp_call3A : f32 to vector<32x128xf32>
    %sub3A_5 = arith.subf %neg3A_3, %sub3A : vector<32x128xf32>
    %ne3A = arith.cmpf one, %sub3A_5, %sub3A_5 : vector<32x128xf32>
    %add3A = vector.broadcast %custom_jvp_call3A : f32 to vector<32x128xf32>
    %add3A_6 = arith.addf %neg3A_3, %add3A : vector<32x128xf32>
    %abs3A = math.absf %sub3A_5 : vector<32x128xf32>
    %neg3A_7 = arith.constant 0.000000e+00 : f32
    %neg3A_8 = vector.broadcast %neg3A_7 : f32 to vector<32x128xf32>
    %neg3A_9 = arith.subf %neg3A_8, %abs3A : vector<32x128xf32>
    %exp3A = math.exp %neg3A_9 : vector<32x128xf32>
    %log1p3A = math.log1p %exp3A : vector<32x128xf32>
    %add3A_10 = arith.addf %max3A_4, %log1p3A : vector<32x128xf32>
    %select_n3A = arith.select %ne3A, %add3A_6, %add3A_10 : vector<32x128xi1>, vector<32x128xf32>
    %neg3A_11 = arith.constant 0.000000e+00 : f32
    %neg3A_12 = vector.broadcast %neg3A_11 : f32 to vector<32x128xf32>
    %neg3A_13 = arith.subf %neg3A_12, %select_n3A : vector<32x128xf32>
    %get3A_14 = arith.constant 0 : index
    %get3A_15 = arith.constant 0 : index
    %get3A_16 = vector.load %arg1[%get3A_14, %get3A_15] : memref<640x128xf32, #tpu.memory_space<vmem>>, vector<640x128xf32>
    %neg3A_17 = arith.constant 0.000000e+00 : f32
    %neg3A_18 = vector.broadcast %neg3A_17 : f32 to vector<640x128xf32>
    %neg3A_19 = arith.subf %neg3A_18, %get3A_16 : vector<640x128xf32>
    %neg3A_20 = arith.constant 0.000000e+00 : f32
    %neg3A_21 = vector.broadcast %neg3A_20 : f32 to vector<640x128xf32>
    %neg3A_22 = arith.subf %neg3A_21, %neg3A_19 : vector<640x128xf32>
    %custom_jvp_call3A_23 = arith.constant 0.000000e+00 : f32
    %max3A_24 = vector.broadcast %custom_jvp_call3A_23 : f32 to vector<640x128xf32>
    %max3A_25 = arith.maximumf %neg3A_22, %max3A_24 : vector<640x128xf32>
    %sub3A_26 = vector.broadcast %custom_jvp_call3A_23 : f32 to vector<640x128xf32>
    %sub3A_27 = arith.subf %neg3A_22, %sub3A_26 : vector<640x128xf32>
    %ne3A_28 = arith.cmpf one, %sub3A_27, %sub3A_27 : vector<640x128xf32>
    %add3A_29 = vector.broadcast %custom_jvp_call3A_23 : f32 to vector<640x128xf32>
    %add3A_30 = arith.addf %neg3A_22, %add3A_29 : vector<640x128xf32>
    %abs3A_31 = math.absf %sub3A_27 : vector<640x128xf32>
    %neg3A_32 = arith.constant 0.000000e+00 : f32
    %neg3A_33 = vector.broadcast %neg3A_32 : f32 to vector<640x128xf32>
    %neg3A_34 = arith.subf %neg3A_33, %abs3A_31 : vector<640x128xf32>
    %exp3A_35 = math.exp %neg3A_34 : vector<640x128xf32>
    %log1p3A_36 = math.log1p %exp3A_35 : vector<640x128xf32>
    %add3A_37 = arith.addf %max3A_25, %log1p3A_36 : vector<640x128xf32>
    %select_n3A_38 = arith.select %ne3A_28, %add3A_30, %add3A_37 : vector<640x128xi1>, vector<640x128xf32>
    %neg3A_39 = arith.constant 0.000000e+00 : f32
    %neg3A_40 = vector.broadcast %neg3A_39 : f32 to vector<640x128xf32>
    %neg3A_41 = arith.subf %neg3A_40, %select_n3A_38 : vector<640x128xf32>
    %reduce_sum3A = vector.shape_cast %neg3A_13 : vector<32x128xf32> to vector<1x32x128xf32>
    %reduce_sum3A_42 = arith.constant dense<0.000000e+00> : vector<1xf32>
    %reduce_sum3A_43 = vector.multi_reduction <add>, %reduce_sum3A, %reduce_sum3A_42 [1, 2] : vector<1x32x128xf32> to vector<1xf32>
    %reduce_sum3A_44 = vector.shape_cast %reduce_sum3A_43 : vector<1xf32> to vector<1x1x1xf32>
    %reduce_sum3A_45 = vector.extract %reduce_sum3A_44[0, 0, 0] : f32 from vector<1x1x1xf32>
    %reduce_sum3A_46 = vector.shape_cast %neg3A_41 : vector<640x128xf32> to vector<1x640x128xf32>
    %reduce_sum3A_47 = arith.constant dense<0.000000e+00> : vector<1xf32>
    %reduce_sum3A_48 = vector.multi_reduction <add>, %reduce_sum3A_46, %reduce_sum3A_47 [1, 2] : vector<1x640x128xf32> to vector<1xf32>
    %reduce_sum3A_49 = vector.shape_cast %reduce_sum3A_48 : vector<1xf32> to vector<1x1x1xf32>
    %reduce_sum3A_50 = vector.extract %reduce_sum3A_49[0, 0, 0] : f32 from vector<1x1x1xf32>
    %add3A_51 = arith.addf %reduce_sum3A_45, %reduce_sum3A_50 : f32
    %neg3A_52 = arith.constant 0.000000e+00 : f32
    %neg3A_53 = arith.subf %neg3A_52, %add3A_51 : f32
    %div3A = arith.constant 4.096000e+03 : f32
    %div3A_54 = arith.divf %neg3A_53, %div3A : f32
    %swap3A = arith.constant 0 : index
    %swap3A_55 = arith.constant 0 : index
    %swap3A_56 = memref.load %arg2[%swap3A, %swap3A_55] : memref<1x1xf32, #tpu.memory_space<smem>>
    memref.store %div3A_54, %arg2[%swap3A, %swap3A_55] : memref<1x1xf32, #tpu.memory_space<smem>>
    return
  }
}

</mosaic_0001>

<sc_bundles>
// kernel: kernel.4.cloned.1.call-start
scs
__scs_entry_jumppad:
0x0: {  	(pc) =	sbr.rel $0x88, $3  }
0x1: {  	(tag) =	ssettag $0x0;
	lr =	simm.s32 $0x1  }
0x2: {  	[smem:$0x3F9C] =	sst lr;
	_ =	strace $0xD0000000  }
0x3: {  	_ = 	snop  }
0x4: {  	_ = 	snop  }
0x5: {  	_ = 	snop  }
0x6: {  	_ = 	snop  }
0x7: {  	_ = 	snop  }
__scs_overlays_trampoline_lowered:
0x8: {  	[smem:$0x3FAB] =	sst s0  }
0x9: {  	[smem:$0x3FAC] =	sst s1  }
0xa: {  	[smem:$0x3FAD] =	sst s2  }
0xb: {  	[smem:$0x3FAE] =	sst s3  }
0xc: {  	[smem:$0x3FAF] =	sst s4  }
0xd: {  	[smem:$0x3FB0] =	sst s5  }
0xe: {  	[smem:$0x3FB1] =	sst s6  }
0xf: {  	[smem:$0x3FB2] =	sst s7  }
0x10: {  	[smem:$0x3FB3] =	sst s8  }
0x11: {  	[smem:$0x3FB4] =	sst s9;
	s0 =	simm.s32 @!p0 $0x0  }
0x12: {  	s1 =	sld [smem:$0x3F9A];
	s0 =	simm.s32 @p0 $0x1  }
0x13: {  	[smem:$0x3FB5] =	sst s0;
	s0 =	simm.s32 @!p1 $0x0  }
0x14: {  	s2 =	sld [smem:$0x3F99];
	s0 =	simm.s32 @p1 $0x1  }
0x15: {  	[smem:$0x3FB6] =	sst s0;
	s0 =	simm.s32 @!p2 $0x0  }
0x16: {  	s3 =	sld [smem:$0x3FDB];
	s0 =	simm.s32 @p2 $0x1  }
0x17: {  	s4 =	simm.s32 $0x1BF5;
	[smem:$0x3FB8] =	sst s0  }
0x18: {  	s0 =	sld [smem:$0x3F9B];
	_ =	swait.ge [sflag:s4], $0x0  }
0x19: {  	s7 =	sld [smem:$0x3F9C]  }
0x1a: {  	s8 =	sadd.s32 $0xFFFFE003, lr  }
0x1b: {  	s9 =	sadd.s32 $0xFFFFFEF7, lr;
	s5 =	simm.s32 $0xFFFFFFFF;
	p2 =	slt.u32 s8, $0xFFFFF086  }
0x1c: {  	p1 =	slt.u32 s9, $0xF7A;
	s5 =	simm.s32 @!p2 $0x0  }
0x1d: {  	s5 =	simm.s32 @p1 $0x1;
	p0 =	seq.s32 s7, s2  }
0x1e: {  	s7 =	smul.u32 @!p0 $0xF7A, s2;
	p2 =	seq.s32 @!p0 s5, $0x0  }
0x1f: {  	s9 =	smul.u32 $0xF7A, s1;
	s8 =	simm.s32 @!p0 $0x1BF5;
	p2 =	por !p2, p0  }
0x20: {  	[sflag:s8] =	ssyncset.s32 @!p0 $0xFFFFF086;
	s6 =	sadd.s32 @!p0 s3, s7;
	s7 =	simm.s32 @!p0 $0x108  }
0x21: {  	s3 =	sadd.s32 s3, s9;
	s6 =	sadd.s32 @!p0 $0x88, s6;
	s7 =	simm.s32 @p2 $0x1082  }
0x22: {  	[simem:s7], [sflag:s8] =	dma.local @!p0 [hbm:s6], $0xF7A  }
0x23: {  	s9 =	sor.u32 $0xD0000000, s2;
	s6 =	simm.s32 $0x108;
	_ =	swait.ge @!p0 [sflag:s8], $0x0  }
0x24: {  	s3 =	sadd.s32 $0x88, s3;
	s6 =	simm.s32 @!p1 $0x1082;
	[sflag:s4] =	ssyncset.s32 $0xFFFFF086  }
0x25: {  	[simem:s6], [sflag:s4] =	dma.local [hbm:s3], $0xF7A  }
0x26: {  	[smem:$0x3F9C] =	sst s1;
	(tag) =	ssettag s2;
	_ =	strace s9  }
0x27: {  	s1 =	sld [smem:$0x3FAC]  }
0x28: {  	s2 =	sld [smem:$0x3FAD]  }
0x29: {  	s4 =	sld [smem:$0x3FAF]  }
0x2a: {  	p0 =	seq.s32 s5, $0x0;
	s5 =	sld [smem:$0x3FB0]  }
0x2b: {  	s6 =	sld [smem:$0x3FB1]  }
0x2c: {  	s7 =	sld [smem:$0x3FB2]  }
0x2d: {  	s3 =	simm.s32 $0x108;
	s8 =	sld [smem:$0x3FB3]  }
0x2e: {  	s3 =	simm.s32 @!p0 $0x1082;
	s9 =	sld [smem:$0x3FB4]  }
0x2f: {  	lr =	sadd.s32 s0, s3;
	s0 =	sld [smem:$0x3FAB]  }
0x30: {  	s3 =	sld [smem:$0x3FAE]  }
0x31: {  	[smem:$0x3FB7] =	sst s10  }
0x32: {  	s10 =	sld [smem:$0x3FB5];
	_ =	sdelay $0x3  }
0x33: {  	p0 =	seq.s32 s10, $0x1;
	s10 =	sld [smem:$0x3FB7];
	_ =	sdelay $0x3  }
0x34: {  	[smem:$0x3FB7] =	sst s10  }
0x35: {  	s10 =	sld [smem:$0x3FB6];
	_ =	sdelay $0x3  }
0x36: {  	p1 =	seq.s32 s10, $0x1;
	s10 =	sld [smem:$0x3FB7];
	_ =	sdelay $0x3  }
0x37: {  	[smem:$0x3FB7] =	sst s10  }
0x38: {  	s10 =	sld [smem:$0x3FB8]  }
0x39: {  	_ = 	snop;
	(pc) =	sbr.ind lr, $3  }
0x3a: {  	_ = 	snop  }
0x3b: {  	_ = 	snop  }
0x3c: {  	p2 =	seq.s32 s10, $0x1;
	s10 =	sld [smem:$0x3FB7]  }
0x3d: {  	_ =	shalt  }
0x3e: {  	_ =	shalt  }
0x3f: {  	_ =	shalt  }
0x40: {  	_ =	shalt  }
0x41: {  	_ =	shalt  }
0x42: {  	_ =	shalt  }
0x43: {  	_ =	shalt  }
0x44: {  	_ =	shalt  }
0x45: {  	_ =	shalt  }
0x46: {  	_ =	shalt  }
0x47: {  	_ =	shalt  }
0x48: {  	_ =	shalt  }
0x49: {  	_ =	shalt  }
0x4a: {  	_ =	shalt  }
0x4b: {  	_ =	shalt  }
0x4c: {  	_ =	shalt  }
0x4d: {  	_ =	shalt  }
0x4e: {  	_ =	shalt  }
0x4f: {  	_ =	shalt  }
0x50: {  	_ =	shalt  }
0x51: {  	_ =	shalt  }
0x52: {  	_ =	shalt  }
0x53: {  	_ =	shalt  }
0x54: {  	_ =	shalt  }
0x55: {  	_ =	shalt  }
0x56: {  	_ =	shalt  }
0x57: {  	_ =	shalt  }
0x58: {  	_ =	shalt  }
0x59: {  	_ =	shalt  }
0x5a: {  	_ =	shalt  }
0x5b: {  	_ =	shalt  }
0x5c: {  	_ =	shalt  }
0x5d: {  	_ =	shalt  }
0x5e: {  	_ =	shalt  }
0x5f: {  	_ =	shalt  }
0x60: {  	_ =	shalt  }
0x61: {  	_ =	shalt  }
0x62: {  	_ =	shalt  }
0x63: {  	_ =	shalt  }
0x64: {  	_ =	shalt  }
0x65: {  	_ =	shalt  }
0x66: {  	_ =	shalt  }
0x67: {  	_ =	shalt  }
0x68: {  	_ =	shalt  }
0x69: {  	_ =	shalt  }
0x6a: {  	_ =	shalt  }
0x6b: {  	_ =	shalt  }
0x6c: {  	_ =	shalt  }
0x6d: {  	_ =	shalt  }
0x6e: {  	_ =	shalt  }
0x6f: {  	_ =	shalt  }
0x70: {  	_ =	shalt  }
0x71: {  	_ =	shalt  }
0x72: {  	_ =	shalt  }
0x73: {  	_ =	shalt  }
0x74: {  	_ =	shalt  }
0x75: {  	_ =	shalt  }
0x76: {  	_ =	shalt  }
0x77: {  	_ =	shalt  }
0x78: {  	_ =	shalt  }
0x79: {  	_ =	shalt  }
0x7a: {  	_ =	shalt  }
0x7b: {  	_ =	shalt  }
0x7c: {  	_ =	shalt  }
0x7d: {  	_ =	shalt  }
0x7e: {  	_ =	shalt  }
0x7f: {  	_ =	shalt  }
0x80: {  	_ =	shalt  }
0x81: {  	_ =	shalt  }
0x82: {  	_ =	shalt  }
0x83: {  	_ =	shalt  }
0x84: {  	_ =	shalt  }
0x85: {  	_ =	shalt  }
0x86: {  	_ =	shalt  }
0x87: {  	_ =	shalt  }
.Lfunc_end0:
.L_simem_size_0:
called_computation_lowered:
.L_overlay_start_0:
0x88: {  	s2 =	sld [smem:$0x3FD9]  }
0x89: {  	s3 =	sld [smem:$0x3FFE];
	_ =	sdelay $0x1  }
0x8a: {  	s1 =	srdreg.scid  }
0x8b: {  	s0 =	sand.u32 $0x1, s1  }
0x8c: {  	s17 =	sshll.u32 s0, $0xA;
	s2 =	sadd.s32 s3, s2  }
0x8d: {  	s2 =	sadd.s32 s2, s17  }
0x8e: {  	[smem:$0x3FC3] =	sst s2  }
0x8f: {  	_ = 	snop  }
0x90: {  	s2 =	sld [smem:$0x3FC9]  }
0x91: {  	s18 =	sld [smem:$0x3FC8];
	(tm) =	ssettm $0x1  }
0x92: {  	s4 =	sld [smem:$0x3FFB];
	_ =	sdelay $0x3  }
0x93: {  	_ =	strace s4  }
0x94: {  	s4 =	sld [smem:$0x3FFC];
	_ =	sdelay $0x3  }
0x95: {  	_ =	strace s4  }
0x96: {  	s4 =	sld [smem:$0x3FFD];
	_ =	sdelay $0x3  }
0x97: {  	_ =	strace s4  }
0x98: {  	_ =	strace $0x8FFFFFFF  }
0x99: {  	s19 =	sld [smem:$0x3FDB];
	_ =	sdelay $0x1  }
0x9a: {  	s5 =	simm.s32 $_scs_section_size  }
0x9b: {  	s6 =	simm.s32 $_size__tile_overlayer_lowered;
	s7 =	simm.s32 $_tile_overlayer_lowered  }
0x9c: {  	s22 =	simm.s32 $0x1BFF;
	s21 =	sshll.u32 s7, $0x1;
	s4 =	sadd.s32 s5, s19  }
0x9d: {  	s8 =	simm.s32 $0x0;
	s20 =	sshll.u32 s6, $0x1;
	s6 =	sadd.s32 s21, s4  }
0x9e: {  	[timem:s8], [sflag:s22] =	dma.local [hbm:s6], s20  }
0x9f: {  	_ =	swait.ge [sflag:s22], s20  }
0xa0: {  	s5 =	ssub.s32 $0x0, s20;
	[sflag:s22] =	ssyncset.done $0x0  }
0xa1: {  	[sflag:s22] =	ssyncadd.s32 s5;
	_ =	sdelay $0x1  }
0xa2: {  	s23 =	simm.s32 $0x1B8B  }
0xa3: {  	_ =	swait.ge [sflag:s23], $0x1  }
0xa4: {  	[sflag:s23] =	ssyncset.done $0x0  }
0xa5: {  	s25 =	simm.s32 $0x1B8E;
	s24 =	sld [smem:$0x3FFE];
	[sflag:s23] =	ssyncadd.s32 $0xFFFFFFFF  }
0xa6: {  	s26 =	simm.s32 $execute0_lowered;
	[smem:$0x3FD2] =	sst s25  }
0xa7: {  	s6 =	sshll.u32 s26, $0x1;
	_ =	strace $0x80000046;
	[dreg:$0x1] =	wrdreg $0xFFFFFFFF  }
0xa8: {  	s28 =	simm.s32 $_size_execute0_lowered;
	s4 =	sadd.s32 s4, s6;
	[dreg:$0x0] =	wrdreg $0x0  }
0xa9: {  	s6 =	sshll.u32 s28, $0x1;
	[dreg:$0x2] =	wrdreg s4  }
0xaa: {  	[dreg:$0x3] =	wrdreg s6  }
0xab: {  	[dreg:$0x4] =	wrdreg $0xC0  }
0xac: {  	_ =	task [dreg:s8], $0x5FFFF  }
0xad: {  	[dreg:$0x1] =	wrdreg $0xFFFFFFFF  }
0xae: {  	[dreg:$0x0] =	wrdreg $0x60  }
0xaf: {  	[dreg:$0x2] =	wrdreg s2  }
0xb0: {  	[dreg:$0x3] =	wrdreg s18  }
0xb1: {  	[dreg:$0x4] =	wrdreg s24  }
0xb2: {  	[dreg:$0x5] =	wrdreg $0x9  }
0xb3: {  	_ =	task.clear_ibuf [dreg:s8], $0x6FFFF;
	_ =	strace $0x90000046  }
0xb4: {  	s29 =	simm.s32 $0x9;
	_ =	strace $0x80000048  }
0xb5: {  	_ =	swait.ge [sflag:s29], $0x1  }
0xb6: {  	[sflag:s29] =	ssyncadd.s32 $0xFFFFFFFF  }
0xb7: {  	_ =	strace $0x90000048  }
0xb8: {  	_ =	sfence  }
0xb9: {  	s30 =	sld [smem:$0x0];
	_ =	sdelay $0x2  }
0xba: {  	s31 =	sshll.u32 s1, $0xD;
	s1 =	sshrl.u32 s1, $0x2  }
0xbb: {  	s3 =	sand.u32 $0x4000, s31;
	s1 =	sadd.s32 s1, s30  }
0xbc: {  	s0 =	sor.u32 s3, s0;
	s1 =	sshll.u32 s1, $0x11  }
0xbd: {  	s0 =	sor.u32 s1, s0  }
0xbe: {  	s0 =	sadd.s32 $0x8F2B, s0  }
0xbf: {  	[sflag:s0] =	ssyncadd.remote.s32 $0x1  }
0xc0: {  	_ =	sfence.sel $0xFFFF  }
0xc1: {  	[dreg:$0x0] =	wrdreg $0xFFFFFFFF;
	(pc) =	sbr.abs _section_cstart, $3  }
0xc2: {  	[dreg:$0x1] =	wrdreg $0xFFFFFFFF  }
0xc3: {  	_ =	task.clear_ibuf [dreg:s8], $0x2FFFF;
	_ =	strace $0x9FFFFFFF  }
0xc4: {  	(tm) =	ssettm $0x7FFFFFFF  }
0xc5: {  	_ =	shalt  }
tec
execute0_lowered:
.L_overlay_start_1:
0x0: {  	(tag) =	ssettag $0x1  }
0x1: {  	s0 =	rddreg [dreg:$0x0];
	s1 =	srdreg.scid  }
0x2: {  	s2 =	stileid.u32;
	s3 =	rddreg [dreg:$0x1]  }
0x3: {  	s5 =	rddreg [dreg:$0x2];
	s15 =	simm.s32 $0x80;
	s19 =	simm.s32 $0x20  }
0x4: {  	s24 =	simm.s32 $0x13780;
	s1 =	sand.u32 $0x1, s1;
	s2 =	sshll.u32 s2, $0x1  }
0x5: {  	s30 =	simm.s32 $0x4;
	s25 =	sadd.s32 $0x1E85600, s5;
	s6 =	sor.u32 s1, s2  }
0x6: {  	s2 =	simm.s32 $0x0;
	s1 =	ssub.s32 $0x2, s1;
	s4 =	smul.u32 $0x140, s6  }
0x7: {  	[smem:$0x7FF] =	sst s2;
	s8 =	sshll.u32 s6, $0x4;
	s10 =	sshrl.u32 s1, $0x1  }
0x8: {  	s6 =	sshll.u32 s6, $0x7;
	_ =	strace $0x80000047;
	[dreg:$0x4] =	wrdreg s25  }
0x9: {  	s9 =	sadd.s32 s8, s5;
	s1 =	ssub.s32 s1, s10;
	s0 =	sadd.s32 s0, s8  }
0xa: {  	s26 =	sadd.s32 s3, s8;
	s7 =	sadd.s32 s4, s5;
	[dreg:$0x5] =	wrdreg s0  }
0xb: {  	s4 =	sadd.s32 $0xE00, s5;
	[dreg:$0x6] =	wrdreg s26;
	s29 =	sadd.s32 $0xF48200, s9  }
0xc: {  	v1 =	vlaneseq.u32;
	s5 =	sadd.s32 $0xF45A00, s5;
	s31 =	smax.u32 s1, $0x1;
	[dreg:$0x8] =	wrdreg s29  }
0xd: {  	v1 =	vmul.u32 $0x80, v1;
	s9 =	simm.s32 $0x300;
	s28 =	sadd.s32 $0xF43200, s7;
	[dreg:$0x9] =	wrdreg s31  }
0xe: {  	v0 =	vimm.s32 $0x0;
	s1 =	simm.s32 $0x5;
	s7 =	simm.s32 $0x0;
	[dreg:$0x7] =	wrdreg s28  }
.LBB2_1:
0xf: {  	[dreg:$0xa] =	wrdreg s7  }
0x10: {  	s0 =	rddreg [dreg:$0x5]  }
0x11: {  	[tilespmem:s2], [sflag:$0x1] =	stream.linear.gather [hbm4b:s0+s2], $0x80, $0x38;
	[tilespmem:$0x18A00] =	vst v63  }
0x12: {  	s25 =	rddreg [dreg:$0x6];
	s3 =	simm.s32 $0x180  }
0x13: {  	[tilespmem:s3], [sflag:$0x1] =	stream.linear.gather [hbm4b:s25+s2], $0x80, $0x38;
	[tilespmem:$0x18A00] =	vst v63  }
0x14: {  	s26 =	rddreg [dreg:$0x7];
	s28 =	simm.s32 $0x1  }
0x15: {  	[tilespmem:s9], [sflag:$0x1] =	stream.linear.gather [hbm4b:s26+s2], $0xA00, $0x38;
	[tilespmem:$0x18A00] =	vst v63  }
0x16: {  	_ =	swait.ge [sflag:s28], $0x80  }
0x17: {  	[sflag:s28] =	ssyncset.done $0x0  }
0x18: {  	[sflag:s28] =	ssyncadd.s32 $0xFFFFFF80  }
0x19: {  	_ =	swait.ge [sflag:s28], $0x80  }
0x1a: {  	[sflag:s28] =	ssyncset.done $0x0  }
0x1b: {  	[sflag:s28] =	ssyncadd.s32 $0xFFFFFF80  }
0x1c: {  	v2 =	vld [tilespmem:$0x0];
	_ =	sdelay $0x1  }
0x1d: {  	v3 =	vld [tilespmem:$0x10];
	_ =	sdelay $0x1  }
0x1e: {  	v4 =	vld [tilespmem:$0x20]  }
0x1f: {  	vm0 =	vgt.s32 v2, $0xF423F  }
0x20: {  	v7 =	vld [tilespmem:$0x30];
	v6 =	vadd.s32 $0xFFF0BDC0, v2;
	v5 =	vsel vm0, $0x40, v0  }
0x21: {  	vm12 =	vgt.s32 v3, $0xF423F;
	v2 =	vsel vm0, v6, v2;
	[tilespmem:$0x80] =	vst v5  }
0x22: {  	v52 =	vld [tilespmem:$0x40];
	v51 =	vadd.s32 $0xFFF0BDC0, v3;
	[tilespmem:$0x0] =	vst v2;
	v2 =	vsel vm12, $0x40, v0  }
0x23: {  	vm13 =	vgt.s32 v4, $0xF423F;
	[tilespmem:$0x90] =	vst v2;
	v2 =	vsel vm12, v51, v3  }
0x24: {  	v53 =	vld [tilespmem:$0x50];
	v3 =	vadd.s32 $0xFFF0BDC0, v4;
	[tilespmem:$0x10] =	vst v2;
	v2 =	vsel vm13, $0x40, v0  }
0x25: {  	vm14 =	vgt.s32 v7, $0xF423F;
	[tilespmem:$0xA0] =	vst v2;
	v2 =	vsel vm13, v3, v4  }
0x26: {  	v54 =	vld [tilespmem:$0x60];
	v3 =	vadd.s32 $0xFFF0BDC0, v7;
	[tilespmem:$0x20] =	vst v2;
	v2 =	vsel vm14, $0x40, v0  }
0x27: {  	vm15 =	vgt.s32 v52, $0xF423F;
	[tilespmem:$0xB0] =	vst v2;
	v2 =	vsel vm14, v3, v7  }
0x28: {  	v55 =	vld [tilespmem:$0x70];
	v3 =	vadd.s32 $0xFFF0BDC0, v52;
	[tilespmem:$0x30] =	vst v2;
	v2 =	vsel vm15, $0x40, v0  }
0x29: {  	vm4 =	vgt.s32 v53, $0xF423F;
	[tilespmem:$0xC0] =	vst v2;
	v2 =	vsel vm15, v3, v52  }
0x2a: {  	v56 =	vld [tilespmem:$0x180];
	v3 =	vadd.s32 $0xFFF0BDC0, v53;
	[tilespmem:$0x40] =	vst v2;
	v2 =	vsel vm4, $0x40, v0  }
0x2b: {  	vm5 =	vgt.s32 v54, $0xF423F;
	[tilespmem:$0xD0] =	vst v2;
	v2 =	vsel vm4, v3, v53  }
0x2c: {  	v57 =	vld [tilespmem:$0x190];
	v3 =	vadd.s32 $0xFFF0BDC0, v54;
	[tilespmem:$0x50] =	vst v2;
	v2 =	vsel vm5, $0x40, v0  }
0x2d: {  	vm6 =	vgt.s32 v55, $0xF423F;
	[tilespmem:$0xE0] =	vst v2;
	v2 =	vsel vm5, v3, v54  }
0x2e: {  	v58 =	vld [tilespmem:$0x1A0];
	v3 =	vadd.s32 $0xFFF0BDC0, v55;
	[tilespmem:$0x60] =	vst v2;
	v2 =	vsel vm6, $0x40, v0  }
0x2f: {  	vm7 =	vgt.s32 v56, $0xF423F;
	[tilespmem:$0xF0] =	vst v2;
	v2 =	vsel vm6, v3, v55  }
0x30: {  	v59 =	vld [tilespmem:$0x1B0];
	v3 =	vadd.s32 $0xFFF0BDC0, v56;
	[tilespmem:$0x70] =	vst v2;
	v2 =	vsel vm7, $0x40, v0  }
0x31: {  	vm8 =	vgt.s32 v57, $0xF423F;
	[tilespmem:$0x200] =	vst v2;
	v2 =	vsel vm7, v3, v56  }
0x32: {  	v60 =	vld [tilespmem:$0x1C0];
	v3 =	vadd.s32 $0xFFF0BDC0, v57;
	[tilespmem:$0x180] =	vst v2;
	v2 =	vsel vm8, $0x40, v0  }
0x33: {  	vm9 =	vgt.s32 v58, $0xF423F;
	[tilespmem:$0x210] =	vst v2;
	v2 =	vsel vm8, v3, v57  }
0x34: {  	v61 =	vld [tilespmem:$0x1D0];
	v3 =	vadd.s32 $0xFFF0BDC0, v58;
	[tilespmem:$0x190] =	vst v2;
	v2 =	vsel vm9, $0x40, v0  }
0x35: {  	vm10 =	vgt.s32 v59, $0xF423F;
	[tilespmem:$0x220] =	vst v2;
	v2 =	vsel vm9, v3, v58  }
0x36: {  	v62 =	vld [tilespmem:$0x1E0];
	v3 =	vadd.s32 $0xFFF0BDC0, v59;
	[tilespmem:$0x1A0] =	vst v2;
	v2 =	vsel vm10, $0x40, v0  }
0x37: {  	vm11 =	vgt.s32 v60, $0xF423F;
	[tilespmem:$0x230] =	vst v2;
	v2 =	vsel vm10, v3, v59  }
0x38: {  	v63 =	vld [tilespmem:$0x1F0];
	v3 =	vadd.s32 $0xFFF0BDC0, v60;
	[tilespmem:$0x1B0] =	vst v2;
	v2 =	vsel vm11, $0x40, v0  }
0x39: {  	vm12 =	vgt.s32 v61, $0xF423F;
	[tilespmem:$0x240] =	vst v2;
	v2 =	vsel vm11, v3, v60  }
0x3a: {  	v3 =	vadd.s32 $0xFFF0BDC0, v61;
	[tilespmem:$0x1C0] =	vst v2;
	v2 =	vsel vm12, $0x40, v0  }
0x3b: {  	vm13 =	vgt.s32 v62, $0xF423F;
	[tilespmem:$0x250] =	vst v2;
	v2 =	vsel vm12, v3, v61  }
0x3c: {  	v3 =	vadd.s32 $0xFFF0BDC0, v62;
	[tilespmem:$0x1D0] =	vst v2;
	v2 =	vsel vm13, $0x40, v0  }
0x3d: {  	vm14 =	vgt.s32 v63, $0xF423F;
	[tilespmem:$0x260] =	vst v2;
	v2 =	vsel vm13, v3, v62  }
0x3e: {  	v3 =	vadd.s32 $0xFFF0BDC0, v63;
	[tilespmem:$0x1E0] =	vst v2;
	v2 =	vsel vm14, $0x40, v0  }
0x3f: {  	[tilespmem:$0x270] =	vst v2;
	v2 =	vsel vm14, v3, v63  }
0x40: {  	s8 =	simm.s32 $0x1780;
	s29 =	rddreg [dreg:$0x4];
	[tilespmem:$0x1F0] =	vst v2  }
0x41: {  	[tilespmem:s8], [sflag:$0x2] =	stream.indirect.gather [hbm4b:s29+s15], $0x80, s2, s15, $0xb8;
	[tilespmem:$0x18A00] =	vst v63  }
0x42: {  	s31 =	simm.s32 $0x5780  }
0x43: {  	[tilespmem:s31], [sflag:$0x3] =	stream.indirect.gather [hbm4b:s4+s15], $0x80, s3, s15, $0xb8;
	[tilespmem:$0x18A00] =	vst v63  }
0x44: {  	_ =	swait.ge [sflag:s28], $0xA00  }
0x45: {  	[sflag:s28] =	ssyncset.done $0x0  }
0x46: {  	s3 =	simm.s32 $0x0;
	[sflag:s28] =	ssyncadd.s32 $0xFFFFF600  }
0x47: {  	v2 =	vld [tilespmem:s3+$0x300];
	_ =	sdelay $0x4  }
0x48: {  	vm15 =	vgt.s32 v2, $0xF423F;
	v3 =	vadd.s32 $0xFFF0BDC0, v2  }
0x49: {  	v3 =	vsel vm15, v3, v2  }
0x4a: {  	s7 =	simm.s32 $0x80;
	s8 =	simm.s32 $0x10;
	v2 =	vsel vm15, $0x40, v0;
	[tilespmem:s3+$0x300] =	vst v3  }
.LBB2_2:
0x4b: {  	p0 =	sne.s32 s7, $0x27C0;
	v3 =	vld [tilespmem:s8+$0x300];
	[tilespmem:s3+$0xD00] =	vst v2;
	s3 =	smov.u32 s8;
	_ =	sdelay $0x2  }
.Ltmp0:
0x4c: {  	(pc) =	sbr.rel @p0 .LBB2_2-.Ltmp0, $4  }
0x4d: {  	_ = 	snop  }
0x4e: {  	vm0 =	vgt.s32 v3, $0xF423F;
	v4 =	vadd.s32 $0xFFF0BDC0, v3  }
0x4f: {  	v2 =	vsel vm0, $0x40, v0;
	v3 =	vsel vm0, v4, v3  }
0x50: {  	s8 =	sshra.s32 s7, $0x2;
	s7 =	sadd.s32 $0x40, s7;
	[tilespmem:s3+$0x300] =	vst v3  }
0x51: {  	v3 =	vld [tilespmem:s8+$0x300];
	_ =	sdelay $0x4  }
0x52: {  	vm0 =	vgt.s32 v3, $0xF423F;
	v4 =	vadd.s32 $0xFFF0BDC0, v3  }
0x53: {  	[tilespmem:s3+$0xD00] =	vst v2;
	v2 =	vsel vm0, v4, v3  }
0x54: {  	v3 =	vsel vm0, $0x40, v0;
	[tilespmem:s8+$0x300] =	vst v2  }
0x55: {  	s7 =	simm.s32 $0x80;
	s0 =	simm.s32 $0x9780;
	[tilespmem:s8+$0xD00] =	vst v3  }
0x56: {  	[tilespmem:s0], [sflag:$0x4] =	stream.indirect.gather [hbm4b:s4+s7], $0x80, s9, s7, $0xb8;
	[tilespmem:$0x18A00] =	vst v63  }
0x57: {  	s26 =	simm.s32 $0x380;
	s28 =	simm.s32 $0xD780;
	s29 =	simm.s32 $0x2  }
0x58: {  	[tilespmem:s28], [sflag:$0x4] =	stream.indirect.gather [hbm4b:s4+s19], $0x80, s26, s19, $0xb8;
	[tilespmem:$0x18A00] =	vst v63  }
0x59: {  	_ =	swait.ge [sflag:s29], $0x4000  }
0x5a: {  	[sflag:s29] =	ssyncset.done $0x0  }
0x5b: {  	s31 =	simm.s32 $0x3;
	[sflag:s29] =	ssyncadd.s32 $0xFFFFC000  }
0x5c: {  	_ =	swait.ge [sflag:s31], $0x4000  }
0x5d: {  	[sflag:s31] =	ssyncset.done $0x0  }
0x5e: {  	s8 =	simm.s32 $0x200;
	[sflag:s31] =	ssyncadd.s32 $0xFFFFC000  }
0x5f: {  	v2 =	vld [tilespmem:s8+$0x0];
	_ =	sdelay $0x4  }
0x60: {  	(v2sf) =	vpush v2, $0x0;
	_ =	sdelay $0x4  }
0x61: {  	v2 =	vld [tilespmem:s7+$0x0];
	_ =	sdelay $0x1  }
0x62: {  	s3 =	simm.s32 $0x0;
	s10 =	simm.s32 $0x0;
	s9 =	simm.s32 $0x200  }
.LBB2_4:
0x63: {  	p0 =	sne.s32 s9, $0xFE00;
	_ =	sdelay $0x1  }
0x64: {  	(v2sf) =	vpush v2, $0x0;
	_ =	sdelay $0x4  }
0x65: {  	s11 =	sshra.s32 s10, $0x2;
	s10 =	smov.u32 s9;
	s12 =	spop (v2sf)  }
0x66: {  	s13 =	sand.u32 $0x7F, s12;
	s18 =	sadd.s32 $0x20, s12;
	s20 =	sadd.s32 $0x30, s12  }
0x67: {  	s21 =	sshll.u32 s12, $0x2;
	s12 =	sadd.s32 $0x10, s12;
	s22 =	sand.u32 $0x7F, s20  }
0x68: {  	s23 =	sand.u32 $0x7F, s18;
	s18 =	sshll.u32 s18, $0x2;
	s20 =	sshll.u32 s20, $0x2  }
0x69: {  	s21 =	sand.u32 $0xFFFFFE00, s21;
	s13 =	sshll.u32 s13, $0x2;
	s25 =	sand.u32 $0x7F, s12  }
0x6a: {  	s12 =	sshll.u32 s12, $0x2;
	s20 =	sand.u32 $0xFFFFFE00, s20;
	s22 =	sshll.u32 s22, $0x2  }
0x6b: {  	s13 =	sor.u32 s13, s21;
	s18 =	sand.u32 $0xFFFFFE00, s18;
	s21 =	sshll.u32 s23, $0x2  }
0x6c: {  	s12 =	sand.u32 $0xFFFFFE00, s12;
	s23 =	sshll.u32 s25, $0x2;
	s20 =	sor.u32 s22, s20  }
0x6d: {  	s13 =	sshra.s32 s13, $0x2;
	s12 =	sor.u32 s23, s12;
	s18 =	sor.u32 s21, s18  }
0x6e: {  	s13 =	sadd.s32 s11, s13;
	s12 =	sshra.s32 s12, $0x2;
	s18 =	sshra.s32 s18, $0x2  }
0x6f: {  	s12 =	sadd.s32 s11, s12;
	s18 =	sadd.s32 s11, s18;
	s21 =	spop (v2sf)  }
0x70: {  	s22 =	sand.u32 $0x7F, s21;
	s23 =	sadd.s32 $0x20, s21;
	s25 =	sadd.s32 $0x30, s21  }
0x71: {  	s26 =	sshll.u32 s21, $0x2;
	s21 =	sadd.s32 $0x10, s21;
	s16 =	sand.u32 $0x7F, s25  }
0x72: {  	s26 =	sand.u32 $0xFFFFFE00, s26;
	s14 =	sand.u32 $0x7F, s23;
	s23 =	sshll.u32 s23, $0x2  }
0x73: {  	s22 =	sshll.u32 s22, $0x2;
	s17 =	sand.u32 $0x7F, s21;
	s21 =	sshll.u32 s21, $0x2  }
0x74: {  	s22 =	sor.u32 s22, s26;
	s21 =	sand.u32 $0xFFFFFE00, s21;
	s17 =	sshll.u32 s17, $0x2  }
0x75: {  	s17 =	sor.u32 s17, s21;
	s21 =	sand.u32 $0xFFFFFE00, s23;
	v2 =	vld [tilespmem:s13+$0x5780];
	s13 =	sshra.s32 s22, $0x2  }
0x76: {  	s14 =	sshll.u32 s14, $0x2;
	s13 =	sadd.s32 s11, s13;
	v3 =	vld [tilespmem:s12+$0x5780];
	s12 =	sshra.s32 s17, $0x2  }
0x77: {  	v4 =	vld [tilespmem:s13+$0x1780];
	s12 =	sadd.s32 s11, s12;
	s13 =	sor.u32 s14, s21;
	s14 =	sshll.u32 s25, $0x2  }
0x78: {  	v5 =	vld [tilespmem:s12+$0x1780];
	s12 =	sshra.s32 s13, $0x2;
	s13 =	sand.u32 $0xFFFFFE00, s14;
	s14 =	sshll.u32 s16, $0x2  }
0x79: {  	s16 =	sshra.s32 s20, $0x2;
	v6 =	vld [tilespmem:s18+$0x5780];
	s12 =	sadd.s32 s11, s12;
	s13 =	sor.u32 s14, s13  }
0x7a: {  	v7 =	vld [tilespmem:s12+$0x1780];
	s12 =	sadd.s32 s11, s16;
	s13 =	sshra.s32 s13, $0x2  }
0x7b: {  	v8 =	vld [tilespmem:s12+$0x5780];
	s12 =	sadd.s32 s11, s13  }
0x7c: {  	v9 =	vld [tilespmem:s12+$0x1780]  }
0x7d: {  	v2 =	vmul.f32 v4, v2;
	v3 =	vmul.f32 v5, v3;
	_ =	sdelay $0x1  }
0x7e: {  	v2 =	vadd.f32 v3, v2;
	v3 =	vmul.f32 v7, v6;
	_ =	sdelay $0x1  }
0x7f: {  	v2 =	vadd.f32 v3, v2;
	v3 =	vmul.f32 v9, v8;
	_ =	sdelay $0x1  }
0x80: {  	v2 =	vadd.f32 v3, v2;
	_ =	sdelay $0x1  }
0x81: {  	s8 =	sadd.s32 $0x1, s8;
	[tilespmem:s11+$0x13780] =	vst v2  }
0x82: {  	v2 =	vld [tilespmem:s8+$0x0];
	_ =	sdelay $0x4  }
0x83: {  	(v2sf) =	vpush v2, $0x0;
	_ =	sdelay $0x2  }
.Ltmp1:
0x84: {  	(pc) =	sbr.rel @p0 .LBB2_4-.Ltmp1, $3  }
0x85: {  	s7 =	sadd.s32 $0x1, s7  }
0x86: {  	v2 =	vld [tilespmem:s7+$0x0];
	_ =	sdelay $0x1  }
0x87: {  	s9 =	sadd.s32 $0x200, s9  }
0x88: {  	_ =	sdelay $0x1  }
0x89: {  	(v2sf) =	vpush v2, $0x0;
	_ =	sdelay $0x4  }
0x8a: {  	s7 =	sshra.s32 s10, $0x2;
	s8 =	spop (v2sf)  }
0x8b: {  	s9 =	sand.u32 $0x7F, s8;
	s20 =	sadd.s32 $0x20, s8;
	s11 =	sadd.s32 $0x30, s8  }
0x8c: {  	s12 =	sshll.u32 s8, $0x2;
	s8 =	sadd.s32 $0x10, s8;
	s13 =	sand.u32 $0x7F, s11  }
0x8d: {  	s14 =	sand.u32 $0x7F, s20;
	s10 =	sshll.u32 s20, $0x2;
	s11 =	sshll.u32 s11, $0x2  }
0x8e: {  	s12 =	sand.u32 $0xFFFFFE00, s12;
	s9 =	sshll.u32 s9, $0x2;
	s16 =	sand.u32 $0x7F, s8  }
0x8f: {  	s8 =	sshll.u32 s8, $0x2;
	s11 =	sand.u32 $0xFFFFFE00, s11;
	s13 =	sshll.u32 s13, $0x2  }
0x90: {  	s9 =	sor.u32 s9, s12;
	s10 =	sand.u32 $0xFFFFFE00, s10;
	s21 =	sshll.u32 s14, $0x2  }
0x91: {  	s8 =	sand.u32 $0xFFFFFE00, s8;
	s22 =	sshll.u32 s16, $0x2;
	s11 =	sor.u32 s13, s11  }
0x92: {  	s9 =	sshra.s32 s9, $0x2;
	s8 =	sor.u32 s22, s8;
	s10 =	sor.u32 s21, s10  }
0x93: {  	s9 =	sadd.s32 s7, s9;
	s8 =	sshra.s32 s8, $0x2;
	s10 =	sshra.s32 s10, $0x2  }
0x94: {  	s8 =	sadd.s32 s7, s8;
	s10 =	sadd.s32 s7, s10;
	s23 =	spop (v2sf)  }
0x95: {  	s25 =	sand.u32 $0x7F, s23;
	s26 =	sadd.s32 $0x20, s23;
	s28 =	sadd.s32 $0x30, s23  }
0x96: {  	s17 =	sshll.u32 s23, $0x2;
	s12 =	sadd.s32 $0x10, s23;
	s18 =	sand.u32 $0x7F, s28  }
0x97: {  	s17 =	sand.u32 $0xFFFFFE00, s17;
	s20 =	sand.u32 $0x7F, s26;
	s14 =	sshll.u32 s26, $0x2  }
0x98: {  	s13 =	sshll.u32 s25, $0x2;
	s21 =	sand.u32 $0x7F, s12;
	s12 =	sshll.u32 s12, $0x2  }
0x99: {  	s13 =	sor.u32 s13, s17;
	s12 =	sand.u32 $0xFFFFFE00, s12;
	s29 =	sshll.u32 s21, $0x2  }
0x9a: {  	v2 =	vld [tilespmem:s9+$0x5780];
	s0 =	sand.u32 $0xFFFFFE00, s14;
	s31 =	sshra.s32 s13, $0x2;
	s12 =	sor.u32 s29, s12  }
0x9b: {  	v3 =	vld [tilespmem:s8+$0x5780];
	s14 =	sshll.u32 s20, $0x2;
	s9 =	sadd.s32 s7, s31;
	s12 =	sshra.s32 s12, $0x2  }
0x9c: {  	s20 =	sshll.u32 s28, $0x2;
	s17 =	sor.u32 s14, s0;
	v4 =	vld [tilespmem:s9+$0x1780];
	s8 =	sadd.s32 s7, s12  }
0x9d: {  	s23 =	sshll.u32 s18, $0x2;
	s22 =	sand.u32 $0xFFFFFE00, s20;
	s21 =	sshra.s32 s17, $0x2;
	v5 =	vld [tilespmem:s8+$0x1780]  }
0x9e: {  	v6 =	vld [tilespmem:s10+$0x5780];
	s25 =	sshra.s32 s11, $0x2;
	s9 =	sor.u32 s23, s22;
	s8 =	sadd.s32 s7, s21  }
0x9f: {  	s26 =	sadd.s32 s7, s25;
	s9 =	sshra.s32 s9, $0x2;
	v7 =	vld [tilespmem:s8+$0x1780]  }
0xa0: {  	v8 =	vld [tilespmem:s26+$0x5780];
	s28 =	sadd.s32 s7, s9  }
0xa1: {  	v9 =	vld [tilespmem:s28+$0x1780]  }
0xa2: {  	v2 =	vmul.f32 v4, v2;
	v3 =	vmul.f32 v5, v3  }
0xa3: {  	v4 =	vmov s3  }
0xa4: {  	v4 =	vshll.u32 v4, $0x7;
	v2 =	vadd.f32 v3, v2;
	v3 =	vmul.f32 v7, v6  }
0xa5: {  	v4 =	vor.u32 v1, v4  }
0xa6: {  	v5 =	vor.u32 $0x1, v4;
	v2 =	vadd.f32 v3, v2;
	v3 =	vmul.f32 v9, v8;
	_ =	sdelay $0x1  }
0xa7: {  	v2 =	vadd.f32 v3, v2  }
0xa8: {  	v3 =	vor.u32 $0x2, v4  }
0xa9: {  	[tilespmem:s7+$0x13780] =	vst v2  }
0xaa: {  	v2 =	vld.idx.msk [tilespmem:v5+s24+$0x0], $0xffff;
	v5 =	vor.u32 $0x3, v4  }
0xab: {  	v6 =	vld.idx.msk [tilespmem:v4+s24+$0x0], $0xffff  }
0xac: {  	v7 =	vor.u32 $0x4, v4  }
0xad: {  	v3 =	vld.idx.msk [tilespmem:v3+s24+$0x0], $0xffff  }
0xae: {  	v50 =	vor.u32 $0x5, v4  }
0xaf: {  	v5 =	vld.idx.msk [tilespmem:v5+s24+$0x0], $0xffff  }
0xb0: {  	v51 =	vor.u32 $0x6, v4;
	v2 =	vadd.f32 v2, v6  }
0xb1: {  	v6 =	vld.idx.msk [tilespmem:v7+s24+$0x0], $0xffff  }
0xb2: {  	v7 =	vor.u32 $0x7, v4;
	v2 =	vadd.f32 v3, v2  }
0xb3: {  	v3 =	vld.idx.msk [tilespmem:v50+s24+$0x0], $0xffff  }
0xb4: {  	v52 =	vor.u32 $0x8, v4;
	v2 =	vadd.f32 v5, v2  }
0xb5: {  	v5 =	vld.idx.msk [tilespmem:v51+s24+$0x0], $0xffff  }
0xb6: {  	v53 =	vor.u32 $0x9, v4;
	v2 =	vadd.f32 v6, v2  }
0xb7: {  	v6 =	vld.idx.msk [tilespmem:v7+s24+$0x0], $0xffff  }
0xb8: {  	v7 =	vor.u32 $0xA, v4;
	v2 =	vadd.f32 v3, v2  }
0xb9: {  	v3 =	vld.idx.msk [tilespmem:v52+s24+$0x0], $0xffff  }
0xba: {  	v54 =	vor.u32 $0xB, v4;
	v2 =	vadd.f32 v5, v2  }
0xbb: {  	v5 =	vld.idx.msk [tilespmem:v53+s24+$0x0], $0xffff  }
0xbc: {  	v55 =	vor.u32 $0xC, v4;
	v2 =	vadd.f32 v6, v2  }
0xbd: {  	v6 =	vld.idx.msk [tilespmem:v7+s24+$0x0], $0xffff  }
0xbe: {  	v7 =	vor.u32 $0xD, v4;
	v2 =	vadd.f32 v3, v2  }
0xbf: {  	v3 =	vld.idx.msk [tilespmem:v54+s24+$0x0], $0xffff  }
0xc0: {  	v56 =	vor.u32 $0xE, v4;
	v2 =	vadd.f32 v5, v2  }
0xc1: {  	v5 =	vld.idx.msk [tilespmem:v55+s24+$0x0], $0xffff  }
0xc2: {  	v4 =	vor.u32 $0xF, v4;
	v2 =	vadd.f32 v6, v2  }
0xc3: {  	v6 =	vld.idx.msk [tilespmem:v7+s24+$0x0], $0xffff  }
0xc4: {  	v2 =	vadd.f32 v3, v2  }
0xc5: {  	v3 =	vld.idx.msk [tilespmem:v56+s24+$0x0], $0xffff  }
0xc6: {  	s29 =	simm.s32 $0x10;
	v2 =	vadd.f32 v5, v2  }
0xc7: {  	v4 =	vld.idx.msk [tilespmem:v4+s24+$0x0], $0xffff;
	v5 =	vmov s29  }
0xc8: {  	v5 =	vshll.u32 v5, $0x7;
	v2 =	vadd.f32 v6, v2  }
0xc9: {  	v5 =	vor.u32 v1, v5  }
0xca: {  	v6 =	vor.u32 $0x1, v5;
	v2 =	vadd.f32 v3, v2;
	_ =	sdelay $0x1  }
0xcb: {  	v2 =	vadd.f32 v4, v2  }
0xcc: {  	s3 =	simm.s32 $0x18780;
	v3 =	vor.u32 $0x2, v5  }
0xcd: {  	[tilespmem:s3+$0x0] =	vst v2  }
0xce: {  	v4 =	vor.u32 $0x3, v5;
	v2 =	vld.idx.msk [tilespmem:v6+s24+$0x0], $0xffff  }
0xcf: {  	v6 =	vld.idx.msk [tilespmem:v5+s24+$0x0], $0xffff  }
0xd0: {  	v7 =	vor.u32 $0x4, v5  }
0xd1: {  	v3 =	vld.idx.msk [tilespmem:v3+s24+$0x0], $0xffff  }
0xd2: {  	v57 =	vor.u32 $0x5, v5  }
0xd3: {  	v4 =	vld.idx.msk [tilespmem:v4+s24+$0x0], $0xffff  }
0xd4: {  	v58 =	vor.u32 $0x6, v5;
	v2 =	vadd.f32 v2, v6  }
0xd5: {  	v6 =	vld.idx.msk [tilespmem:v7+s24+$0x0], $0xffff  }
0xd6: {  	v7 =	vor.u32 $0x7, v5;
	v2 =	vadd.f32 v3, v2  }
0xd7: {  	v3 =	vld.idx.msk [tilespmem:v57+s24+$0x0], $0xffff  }
0xd8: {  	v59 =	vor.u32 $0x8, v5;
	v2 =	vadd.f32 v4, v2  }
0xd9: {  	v4 =	vld.idx.msk [tilespmem:v58+s24+$0x0], $0xffff  }
0xda: {  	v60 =	vor.u32 $0x9, v5;
	v2 =	vadd.f32 v6, v2  }
0xdb: {  	v6 =	vld.idx.msk [tilespmem:v7+s24+$0x0], $0xffff  }
0xdc: {  	v7 =	vor.u32 $0xA, v5;
	v2 =	vadd.f32 v3, v2  }
0xdd: {  	v3 =	vld.idx.msk [tilespmem:v59+s24+$0x0], $0xffff  }
0xde: {  	v61 =	vor.u32 $0xB, v5;
	v2 =	vadd.f32 v4, v2  }
0xdf: {  	v4 =	vld.idx.msk [tilespmem:v60+s24+$0x0], $0xffff  }
0xe0: {  	v62 =	vor.u32 $0xC, v5;
	v2 =	vadd.f32 v6, v2  }
0xe1: {  	v6 =	vld.idx.msk [tilespmem:v7+s24+$0x0], $0xffff  }
0xe2: {  	v2 =	vadd.f32 v3, v2  }
0xe3: {  	v7 =	vor.u32 $0xD, v5;
	v3 =	vld.idx.msk [tilespmem:v61+s24+$0x0], $0xffff  }
0xe4: {  	v2 =	vadd.f32 v4, v2  }
0xe5: {  	v63 =	vor.u32 $0xE, v5;
	v4 =	vld.idx.msk [tilespmem:v62+s24+$0x0], $0xffff  }
0xe6: {  	v2 =	vadd.f32 v6, v2  }
0xe7: {  	v5 =	vor.u32 $0xF, v5  }
0xe8: {  	v6 =	vld.idx.msk [tilespmem:v7+s24+$0x0], $0xffff;
	v2 =	vadd.f32 v3, v2;
	_ =	sdelay $0x1  }
0xe9: {  	v4 =	vadd.f32 v4, v2;
	v2 =	vld.idx.msk [tilespmem:v63+s24+$0x0], $0xffff  }
0xea: {  	s31 =	simm.s32 $0x20  }
0xeb: {  	v7 =	vmov s31;
	v3 =	vld.idx.msk [tilespmem:v5+s24+$0x0], $0xffff  }
0xec: {  	s7 =	simm.s32 $0x30;
	v5 =	vshll.u32 v7, $0x7;
	v4 =	vadd.f32 v6, v4  }
.LBB2_6:
0xed: {  	p0 =	sne.s32 s7, $0x70;
	v5 =	vor.u32 v1, v5  }
0xee: {  	v6 =	vor.u32 $0x1, v5;
	v2 =	vadd.f32 v2, v4;
	_ =	sdelay $0x1  }
0xef: {  	v2 =	vadd.f32 v3, v2  }
0xf0: {  	s3 =	sadd.s32 $0x10, s3;
	v3 =	vor.u32 $0x2, v5  }
0xf1: {  	[tilespmem:s3+$0x0] =	vst v2  }
0xf2: {  	v4 =	vor.u32 $0x3, v5;
	v2 =	vld.idx.msk [tilespmem:v6+s24+$0x0], $0xffff  }
0xf3: {  	v6 =	vld.idx.msk [tilespmem:v5+s24+$0x0], $0xffff  }
0xf4: {  	v7 =	vor.u32 $0x4, v5  }
0xf5: {  	v3 =	vld.idx.msk [tilespmem:v3+s24+$0x0], $0xffff  }
0xf6: {  	v8 =	vor.u32 $0x5, v5  }
0xf7: {  	v4 =	vld.idx.msk [tilespmem:v4+s24+$0x0], $0xffff  }
0xf8: {  	v9 =	vor.u32 $0x6, v5  }
0xf9: {  	v2 =	vadd.f32 v2, v6;
	v6 =	vld.idx.msk [tilespmem:v7+s24+$0x0], $0xffff  }
0xfa: {  	v7 =	vor.u32 $0x7, v5  }
0xfb: {  	v2 =	vadd.f32 v3, v2;
	v3 =	vld.idx.msk [tilespmem:v8+s24+$0x0], $0xffff  }
0xfc: {  	v8 =	vor.u32 $0x8, v5  }
0xfd: {  	v2 =	vadd.f32 v4, v2;
	v4 =	vld.idx.msk [tilespmem:v9+s24+$0x0], $0xffff  }
0xfe: {  	v9 =	vor.u32 $0x9, v5  }
0xff: {  	v2 =	vadd.f32 v6, v2;
	v6 =	vld.idx.msk [tilespmem:v7+s24+$0x0], $0xffff  }
0x100: {  	v7 =	vor.u32 $0xA, v5  }
0x101: {  	v2 =	vadd.f32 v3, v2;
	v3 =	vld.idx.msk [tilespmem:v8+s24+$0x0], $0xffff  }
0x102: {  	v8 =	vor.u32 $0xB, v5  }
0x103: {  	v2 =	vadd.f32 v4, v2;
	v4 =	vld.idx.msk [tilespmem:v9+s24+$0x0], $0xffff  }
0x104: {  	v9 =	vor.u32 $0xC, v5  }
0x105: {  	v2 =	vadd.f32 v6, v2;
	v6 =	vld.idx.msk [tilespmem:v7+s24+$0x0], $0xffff  }
0x106: {  	v7 =	vor.u32 $0xD, v5  }
0x107: {  	v2 =	vadd.f32 v3, v2;
	v3 =	vld.idx.msk [tilespmem:v8+s24+$0x0], $0xffff  }
0x108: {  	v8 =	vor.u32 $0xE, v5  }
0x109: {  	v2 =	vadd.f32 v4, v2;
	v4 =	vld.idx.msk [tilespmem:v9+s24+$0x0], $0xffff  }
0x10a: {  	v5 =	vor.u32 $0xF, v5  }
0x10b: {  	v2 =	vadd.f32 v6, v2;
	v6 =	vld.idx.msk [tilespmem:v7+s24+$0x0], $0xffff;
	_ =	sdelay $0x1  }
.Ltmp2:
0x10c: {  	v3 =	vadd.f32 v3, v2;
	v2 =	vld.idx.msk [tilespmem:v8+s24+$0x0], $0xffff;
	(pc) =	sbr.rel @p0 .LBB2_6-.Ltmp2, $4  }
0x10d: {  	_ = 	snop  }
0x10e: {  	v4 =	vadd.f32 v4, v3;
	v3 =	vld.idx.msk [tilespmem:v5+s24+$0x0], $0xffff  }
0x10f: {  	v5 =	vmov s7  }
0x110: {  	s7 =	sadd.s32 $0x10, s7;
	v5 =	vshll.u32 v5, $0x7;
	v4 =	vadd.f32 v6, v4  }
0x111: {  	v5 =	vor.u32 v1, v5  }
0x112: {  	v6 =	vor.u32 $0x1, v5;
	v2 =	vadd.f32 v2, v4;
	_ =	sdelay $0x1  }
0x113: {  	v2 =	vadd.f32 v3, v2  }
0x114: {  	s3 =	sadd.s32 $0x10, s3;
	v3 =	vor.u32 $0x2, v5  }
0x115: {  	[tilespmem:s3+$0x0] =	vst v2  }
0x116: {  	v46 =	vor.u32 $0x3, v5;
	v2 =	vld.idx.msk [tilespmem:v6+s24+$0x0], $0xffff  }
0x117: {  	v47 =	vld.idx.msk [tilespmem:v5+s24+$0x0], $0xffff  }
0x118: {  	v7 =	vor.u32 $0x4, v5  }
0x119: {  	v3 =	vld.idx.msk [tilespmem:v3+s24+$0x0], $0xffff  }
0x11a: {  	v8 =	vor.u32 $0x5, v5  }
0x11b: {  	v4 =	vld.idx.msk [tilespmem:v46+s24+$0x0], $0xffff  }
0x11c: {  	v9 =	vor.u32 $0x6, v5;
	v2 =	vadd.f32 v2, v47  }
0x11d: {  	v48 =	vld.idx.msk [tilespmem:v7+s24+$0x0], $0xffff  }
0x11e: {  	v49 =	vor.u32 $0x7, v5;
	v2 =	vadd.f32 v3, v2  }
0x11f: {  	v3 =	vld.idx.msk [tilespmem:v8+s24+$0x0], $0xffff  }
0x120: {  	v50 =	vor.u32 $0x8, v5;
	v2 =	vadd.f32 v4, v2  }
0x121: {  	v51 =	vld.idx.msk [tilespmem:v9+s24+$0x0], $0xffff  }
0x122: {  	v52 =	vor.u32 $0x9, v5;
	v2 =	vadd.f32 v48, v2  }
0x123: {  	v53 =	vld.idx.msk [tilespmem:v49+s24+$0x0], $0xffff  }
0x124: {  	v54 =	vor.u32 $0xA, v5;
	v2 =	vadd.f32 v3, v2  }
0x125: {  	v3 =	vld.idx.msk [tilespmem:v50+s24+$0x0], $0xffff  }
0x126: {  	v55 =	vor.u32 $0xB, v5;
	v2 =	vadd.f32 v51, v2  }
0x127: {  	v56 =	vld.idx.msk [tilespmem:v52+s24+$0x0], $0xffff  }
0x128: {  	v57 =	vor.u32 $0xC, v5;
	v2 =	vadd.f32 v53, v2  }
0x129: {  	v58 =	vld.idx.msk [tilespmem:v54+s24+$0x0], $0xffff  }
0x12a: {  	v59 =	vor.u32 $0xD, v5;
	v2 =	vadd.f32 v3, v2  }
0x12b: {  	v3 =	vld.idx.msk [tilespmem:v55+s24+$0x0], $0xffff  }
0x12c: {  	v60 =	vor.u32 $0xE, v5;
	v2 =	vadd.f32 v56, v2  }
0x12d: {  	v61 =	vld.idx.msk [tilespmem:v57+s24+$0x0], $0xffff  }
0x12e: {  	v5 =	vor.u32 $0xF, v5;
	v2 =	vadd.f32 v58, v2  }
0x12f: {  	v62 =	vld.idx.msk [tilespmem:v59+s24+$0x0], $0xffff  }
0x130: {  	v2 =	vadd.f32 v3, v2  }
0x131: {  	v3 =	vld.idx.msk [tilespmem:v60+s24+$0x0], $0xffff  }
0x132: {  	v2 =	vadd.f32 v61, v2  }
0x133: {  	v63 =	vld.idx.msk [tilespmem:v5+s24+$0x0], $0xffff  }
0x134: {  	v2 =	vadd.f32 v62, v2;
	_ =	sdelay $0x1  }
0x135: {  	v2 =	vadd.f32 v3, v2;
	_ =	sdelay $0x1  }
0x136: {  	v2 =	vadd.f32 v63, v2  }
0x137: {  	s18 =	simm.s32 $0x0;
	s3 =	sadd.s32 $0x10, s3  }
0x138: {  	s0 =	rddreg [dreg:$0x8];
	s29 =	simm.s32 $0x18780;
	s31 =	simm.s32 $0x7;
	[tilespmem:s3+$0x0] =	vst v2  }
0x139: {  	[hbm4b:s0+s18] =	stream.linear.scatter [tilespmem:s29], [sflag:$0x7], $0x80, $0x38;
	[tilespmem:$0x18A00] =	vst v63  }
0x13a: {  	s11 =	simm.s32 $0xD10;
	s10 =	simm.s32 $0x1780;
	_ =	swait.ge [sflag:s31], $0x80  }
0x13b: {  	s9 =	simm.s32 $0x80;
	s12 =	simm.s32 $0xDB0;
	[sflag:s31] =	ssyncset.done $0x0  }
0x13c: {  	s13 =	simm.s32 $0x1B80;
	s3 =	simm.s32 $0x88;
	[sflag:s31] =	ssyncadd.s32 $0xFFFFFF80  }
.LBB2_8:
0x13d: {  	s7 =	sshllo.u32 s18, $0x1  }
0x13e: {  	s8 =	smul.u32 $0x280, s7;
	_ =	sdelay $0x1  }
0x13f: {  	s8 =	sshra.s32 s8, $0x2  }
0x140: {  	s0 =	simm.s32 $0xE780;
	s14 =	sadd.s32 $0x300, s8  }
0x141: {  	[tilespmem:s0], [sflag:$0x5] =	stream.indirect.gather [hbm4b:s4+s15], $0x80, s14, s15, $0xb8;
	[tilespmem:$0x18A00] =	vst v63  }
0x142: {  	s31 =	simm.s32 $0x12780;
	s8 =	sadd.s32 $0x380, s8  }
0x143: {  	[tilespmem:s31], [sflag:$0x5] =	stream.indirect.gather [hbm4b:s4+s19], $0x80, s8, s19, $0xb8;
	[tilespmem:$0x18A00] =	vst v63  }
0x144: {  	_ =	swait.ge [sflag:s30], $0x4000  }
0x145: {  	[sflag:s30] =	ssyncset.done $0x0  }
0x146: {  	[sflag:s30] =	ssyncadd.s32 $0xFFFFC000  }
0x147: {  	_ =	swait.ge [sflag:s30], $0x1000  }
0x148: {  	p0 =	seq.s32 s18, $0x0;
	[sflag:s30] =	ssyncset.done $0x0  }
0x149: {  	s8 =	simm.s32 @!p0 $0x6;
	[sflag:s30] =	ssyncadd.s32 $0xFFFFF000  }
0x14a: {  	s25 =	smov.u32 s9;
	_ =	swait.ge @!p0 [sflag:s8], $0xA0  }
0x14b: {  	s21 =	smov.u32 s10;
	s20 =	smov.u32 s11;
	[sflag:s8] =	ssyncset.done @!p0 $0x0  }
0x14c: {  	s22 =	simm.s32 $0x0;
	[sflag:s8] =	ssyncadd.s32 @!p0 $0xFFFFFF60;
	s8 =	sshll.u32 s18, $0x4  }
.LBB2_9:
0x14d: {  	v2 =	vld [tilespmem:s25+$0x0];
	_ =	sdelay $0x4  }
0x14e: {  	(v2sf) =	vpush v2, $0x0;
	_ =	sdelay $0x3  }
0x14f: {  	v7 =	vld [tilespmem:s20+$0xFFFFFFF0];
	_ =	sdelay $0x4  }
0x150: {  	(v2sf) =	vpush v7, $0x0;
	_ =	sdelay $0x5  }
0x151: {  	s14 =	spop (v2sf)  }
0x152: {  	s16 =	sand.u32 $0x7F, s14;
	s17 =	sshll.u32 s14, $0x2  }
0x153: {  	s26 =	sadd.s32 $0x10, s14;
	s17 =	sand.u32 $0xFFFFFE00, s17;
	s16 =	sshll.u32 s16, $0x2  }
0x154: {  	s23 =	sand.u32 $0x7F, s26;
	s16 =	sor.u32 s16, s17  }
0x155: {  	s17 =	sshll.u32 s26, $0x2;
	s23 =	sshll.u32 s23, $0x2;
	s26 =	sadd.s32 $0x20, s14  }
0x156: {  	s14 =	sadd.s32 $0x30, s14;
	s16 =	sshra.s32 s16, $0x2;
	s17 =	sand.u32 $0xFFFFFE00, s17  }
0x157: {  	s28 =	sand.u32 $0x7F, s26;
	s26 =	sshll.u32 s26, $0x2;
	s29 =	sand.u32 $0x7F, s14  }
0x158: {  	s14 =	sshll.u32 s14, $0x2;
	s16 =	sadd.s32 s16, s21;
	s17 =	sor.u32 s23, s17  }
0x159: {  	s26 =	sand.u32 $0xFFFFFE00, s26;
	s23 =	sshll.u32 s28, $0x2;
	s14 =	sand.u32 $0xFFFFFE00, s14  }
0x15a: {  	s28 =	spop (v2sf);
	s17 =	sshra.s32 s17, $0x2;
	s23 =	sor.u32 s23, s26  }
0x15b: {  	s26 =	sshll.u32 s29, $0x2;
	s31 =	sshll.u32 s28, $0x2;
	s0 =	sand.u32 $0x7F, s28  }
0x15c: {  	(v2sf) =	vpush v7, $0x1;
	s17 =	sadd.s32 s17, s21;
	s23 =	sshra.s32 s23, $0x2;
	s14 =	sor.u32 s26, s14  }
0x15d: {  	s29 =	sadd.s32 s23, s21;
	s23 =	sand.u32 $0xFFFFFE00, s31;
	s31 =	sadd.s32 $0x10, s28  }
0x15e: {  	s26 =	sshll.u32 s0, $0x2;
	s0 =	sand.u32 $0x7F, s31;
	s31 =	sshll.u32 s31, $0x2  }
0x15f: {  	s23 =	sor.u32 s26, s23;
	s26 =	sand.u32 $0xFFFFFE00, s31;
	s0 =	sshll.u32 s0, $0x2  }
0x160: {  	s31 =	sshra.s32 s23, $0x2;
	s23 =	sshra.s32 s22, $0x2;
	s0 =	sor.u32 s0, s26  }
0x161: {  	s26 =	sadd.s32 s23, s31;
	s31 =	sadd.s32 $0x20, s28;
	s28 =	sadd.s32 $0x30, s28  }
0x162: {  	v2 =	vld [tilespmem:s16+$0x0];
	s0 =	sshra.s32 s0, $0x2;
	s16 =	sand.u32 $0x7F, s31;
	s31 =	sshll.u32 s31, $0x2  }
0x163: {  	v3 =	vld [tilespmem:s17+$0x0];
	s17 =	sand.u32 $0x7F, s28;
	s31 =	sand.u32 $0xFFFFFE00, s31;
	s16 =	sshll.u32 s16, $0x2  }
0x164: {  	v6 =	vld [tilespmem:s26+$0x9780];
	s0 =	sadd.s32 s23, s0;
	s16 =	sor.u32 s16, s31;
	s31 =	sshll.u32 s28, $0x2  }
0x165: {  	s17 =	sshll.u32 s17, $0x2;
	v8 =	vld [tilespmem:s0+$0x9780];
	s28 =	sshra.s32 s16, $0x2;
	s31 =	sand.u32 $0xFFFFFE00, s31  }
0x166: {  	s14 =	sshra.s32 s14, $0x2;
	v4 =	vld [tilespmem:s29+$0x0];
	s0 =	sadd.s32 s23, s28;
	s16 =	sor.u32 s17, s31  }
0x167: {  	s14 =	sadd.s32 s14, s21;
	v9 =	vld [tilespmem:s0+$0x9780];
	s17 =	sshra.s32 s16, $0x2  }
0x168: {  	v5 =	vld [tilespmem:s14+$0x0];
	s0 =	sadd.s32 s23, s17  }
0x169: {  	v10 =	vld [tilespmem:s0+$0x9780]  }
0x16a: {  	v6 =	vmul.f32 v6, v2;
	v8 =	vmul.f32 v8, v3  }
0x16b: {  	s0 =	spop (v2sf);
	(v2sf) =	vpush v7, $0x2  }
0x16c: {  	s26 =	sshll.u32 s0, $0x2;
	v6 =	vadd.f32 v8, v6;
	s28 =	sand.u32 $0x7F, s0;
	s29 =	sadd.s32 $0x10, s0;
	v18 =	vmul.f32 v9, v4  }
0x16d: {  	s14 =	sand.u32 $0xFFFFFE00, s26;
	s16 =	sshll.u32 s28, $0x2;
	s31 =	sand.u32 $0x7F, s29  }
0x16e: {  	s17 =	sshll.u32 s29, $0x2;
	s29 =	sadd.s32 $0x20, s0;
	s0 =	sadd.s32 $0x30, s0;
	v6 =	vadd.f32 v18, v6;
	v19 =	vmul.f32 v10, v5  }
0x16f: {  	s14 =	sor.u32 s16, s14;
	s17 =	sand.u32 $0xFFFFFE00, s17;
	s28 =	sshll.u32 s31, $0x2  }
0x170: {  	s31 =	sand.u32 $0x7F, s29;
	s14 =	sshra.s32 s14, $0x2;
	s16 =	sor.u32 s28, s17;
	v8 =	vadd.f32 v19, v6  }
0x171: {  	s17 =	sshll.u32 s29, $0x2;
	s26 =	sshll.u32 s31, $0x2;
	s29 =	sand.u32 $0x7F, s0  }
0x172: {  	s14 =	sadd.s32 s23, s14;
	s16 =	sshra.s32 s16, $0x2;
	s17 =	sand.u32 $0xFFFFFE00, s17;
	v6 =	vld [tilespmem:s20+$0x0];
	[tilespmem:s23+$0x13780] =	vst v8  }
0x173: {  	s0 =	sshll.u32 s0, $0x2;
	s16 =	sadd.s32 s23, s16;
	s28 =	sor.u32 s26, s17;
	v8 =	vld [tilespmem:s14+$0x9800]  }
0x174: {  	s0 =	sand.u32 $0xFFFFFE00, s0;
	s31 =	sshll.u32 s29, $0x2;
	v20 =	vld [tilespmem:s16+$0x9800];
	s14 =	sshra.s32 s28, $0x2  }
0x175: {  	s0 =	sor.u32 s31, s0;
	s14 =	sadd.s32 s23, s14  }
0x176: {  	s0 =	sshra.s32 s0, $0x2;
	v21 =	vld [tilespmem:s14+$0x9800]  }
0x177: {  	s0 =	sadd.s32 s23, s0  }
0x178: {  	v11 =	vld [tilespmem:s0+$0x9800]  }
0x179: {  	v8 =	vmul.f32 v8, v2;
	v9 =	vmul.f32 v20, v3  }
0x17a: {  	s0 =	spop (v2sf);
	(v2sf) =	vpush v7, $0x3  }
0x17b: {  	s16 =	sshll.u32 s0, $0x2;
	v8 =	vadd.f32 v9, v8;
	v22 =	vmul.f32 v21, v4;
	s17 =	sand.u32 $0x7F, s0;
	s26 =	sadd.s32 $0x10, s0  }
0x17c: {  	s14 =	sand.u32 $0xFFFFFE00, s16;
	s16 =	sshll.u32 s17, $0x2;
	s28 =	sand.u32 $0x7F, s26  }
0x17d: {  	v23 =	vmul.f32 v11, v5;
	s17 =	sshll.u32 s26, $0x2;
	s26 =	sadd.s32 $0x20, s0;
	s0 =	sadd.s32 $0x30, s0;
	v8 =	vadd.f32 v22, v8  }
0x17e: {  	s14 =	sor.u32 s16, s14;
	s29 =	sand.u32 $0xFFFFFE00, s17;
	s31 =	sshll.u32 s28, $0x2  }
0x17f: {  	s28 =	sand.u32 $0x7F, s26;
	s17 =	sshll.u32 s26, $0x2;
	s14 =	sshra.s32 s14, $0x2;
	v8 =	vadd.f32 v23, v8  }
0x180: {  	s16 =	sor.u32 s31, s29;
	s17 =	sand.u32 $0xFFFFFE00, s17;
	s26 =	sshll.u32 s28, $0x2  }
0x181: {  	s31 =	sand.u32 $0x7F, s0;
	s14 =	sadd.s32 s23, s14;
	s16 =	sshra.s32 s16, $0x2;
	[tilespmem:s23+$0x13800] =	vst v8  }
0x182: {  	s0 =	sshll.u32 s0, $0x2;
	s29 =	sor.u32 s26, s17;
	s16 =	sadd.s32 s23, s16;
	v8 =	vld [tilespmem:s14+$0x9880]  }
0x183: {  	s0 =	sand.u32 $0xFFFFFE00, s0;
	s17 =	sshll.u32 s31, $0x2;
	v24 =	vld [tilespmem:s16+$0x9880];
	s14 =	sshra.s32 s29, $0x2  }
0x184: {  	s0 =	sor.u32 s17, s0;
	s14 =	sadd.s32 s23, s14  }
0x185: {  	s0 =	sshra.s32 s0, $0x2;
	v25 =	vld [tilespmem:s14+$0x9880]  }
0x186: {  	s0 =	sadd.s32 s23, s0  }
0x187: {  	v26 =	vld [tilespmem:s0+$0x9880]  }
0x188: {  	v8 =	vmul.f32 v8, v2;
	v9 =	vmul.f32 v24, v3  }
0x189: {  	s0 =	spop (v2sf);
	(v2sf) =	vpush v7, $0x4  }
0x18a: {  	v8 =	vadd.f32 v9, v8;
	v27 =	vmul.f32 v25, v4;
	s26 =	sshll.u32 s0, $0x2;
	s28 =	sand.u32 $0x7F, s0;
	s29 =	sadd.s32 $0x10, s0  }
0x18b: {  	s14 =	sand.u32 $0xFFFFFE00, s26;
	s16 =	sshll.u32 s28, $0x2;
	s31 =	sand.u32 $0x7F, s29  }
0x18c: {  	v28 =	vmul.f32 v26, v5;
	s17 =	sshll.u32 s29, $0x2;
	v8 =	vadd.f32 v27, v8;
	s29 =	sadd.s32 $0x20, s0;
	s0 =	sadd.s32 $0x30, s0  }
0x18d: {  	s14 =	sor.u32 s16, s14;
	s17 =	sand.u32 $0xFFFFFE00, s17;
	s28 =	sshll.u32 s31, $0x2  }
0x18e: {  	s31 =	sand.u32 $0x7F, s29;
	s14 =	sshra.s32 s14, $0x2;
	s16 =	sor.u32 s28, s17;
	v8 =	vadd.f32 v28, v8  }
0x18f: {  	s17 =	sshll.u32 s29, $0x2;
	s26 =	sshll.u32 s31, $0x2;
	s29 =	sand.u32 $0x7F, s0  }
0x190: {  	s14 =	sadd.s32 s23, s14;
	s16 =	sshra.s32 s16, $0x2;
	s17 =	sand.u32 $0xFFFFFE00, s17;
	[tilespmem:s23+$0x13880] =	vst v8  }
0x191: {  	s0 =	sshll.u32 s0, $0x2;
	s16 =	sadd.s32 s23, s16;
	s28 =	sor.u32 s26, s17;
	v8 =	vld [tilespmem:s14+$0x9900]  }
0x192: {  	s0 =	sand.u32 $0xFFFFFE00, s0;
	s31 =	sshll.u32 s29, $0x2;
	v29 =	vld [tilespmem:s16+$0x9900];
	s14 =	sshra.s32 s28, $0x2  }
0x193: {  	s0 =	sor.u32 s31, s0;
	s14 =	sadd.s32 s23, s14  }
0x194: {  	s0 =	sshra.s32 s0, $0x2;
	v30 =	vld [tilespmem:s14+$0x9900]  }
0x195: {  	s0 =	sadd.s32 s23, s0  }
0x196: {  	v31 =	vld [tilespmem:s0+$0x9900]  }
0x197: {  	v8 =	vmul.f32 v8, v2;
	v9 =	vmul.f32 v29, v3  }
0x198: {  	s0 =	spop (v2sf);
	(v2sf) =	vpush v7, $0x5  }
0x199: {  	v8 =	vadd.f32 v9, v8;
	v32 =	vmul.f32 v30, v4;
	s16 =	sshll.u32 s0, $0x2;
	s17 =	sand.u32 $0x7F, s0;
	s26 =	sadd.s32 $0x10, s0  }
0x19a: {  	s14 =	sand.u32 $0xFFFFFE00, s16;
	s16 =	sshll.u32 s17, $0x2;
	s28 =	sand.u32 $0x7F, s26  }
0x19b: {  	v33 =	vmul.f32 v31, v5;
	v8 =	vadd.f32 v32, v8;
	s17 =	sshll.u32 s26, $0x2;
	s26 =	sadd.s32 $0x20, s0;
	s0 =	sadd.s32 $0x30, s0  }
0x19c: {  	s14 =	sor.u32 s16, s14;
	s29 =	sand.u32 $0xFFFFFE00, s17;
	s31 =	sshll.u32 s28, $0x2  }
0x19d: {  	v8 =	vadd.f32 v33, v8;
	s28 =	sand.u32 $0x7F, s26;
	s17 =	sshll.u32 s26, $0x2;
	s14 =	sshra.s32 s14, $0x2  }
0x19e: {  	s16 =	sor.u32 s31, s29;
	s17 =	sand.u32 $0xFFFFFE00, s17;
	s26 =	sshll.u32 s28, $0x2  }
0x19f: {  	s31 =	sand.u32 $0x7F, s0;
	s14 =	sadd.s32 s23, s14;
	s16 =	sshra.s32 s16, $0x2;
	[tilespmem:s23+$0x13900] =	vst v8  }
0x1a0: {  	s0 =	sshll.u32 s0, $0x2;
	s29 =	sor.u32 s26, s17;
	s16 =	sadd.s32 s23, s16;
	v8 =	vld [tilespmem:s14+$0x9980]  }
0x1a1: {  	s0 =	sand.u32 $0xFFFFFE00, s0;
	s17 =	sshll.u32 s31, $0x2;
	s14 =	sshra.s32 s29, $0x2;
	v34 =	vld [tilespmem:s16+$0x9980]  }
0x1a2: {  	s0 =	sor.u32 s17, s0;
	s14 =	sadd.s32 s23, s14  }
0x1a3: {  	s0 =	sshra.s32 s0, $0x2;
	v35 =	vld [tilespmem:s14+$0x9980]  }
0x1a4: {  	s0 =	sadd.s32 s23, s0  }
0x1a5: {  	v36 =	vld [tilespmem:s0+$0x9980]  }
0x1a6: {  	v8 =	vmul.f32 v8, v2;
	v9 =	vmul.f32 v34, v3  }
0x1a7: {  	s0 =	spop (v2sf);
	(v2sf) =	vpush v7, $0x6  }
0x1a8: {  	v37 =	vmul.f32 v35, v4;
	v8 =	vadd.f32 v9, v8;
	s26 =	sshll.u32 s0, $0x2;
	s28 =	sand.u32 $0x7F, s0;
	s29 =	sadd.s32 $0x10, s0  }
0x1a9: {  	s14 =	sand.u32 $0xFFFFFE00, s26;
	s16 =	sshll.u32 s28, $0x2;
	s31 =	sand.u32 $0x7F, s29  }
0x1aa: {  	v38 =	vmul.f32 v36, v5;
	v8 =	vadd.f32 v37, v8;
	s17 =	sshll.u32 s29, $0x2;
	s29 =	sadd.s32 $0x20, s0;
	s0 =	sadd.s32 $0x30, s0  }
0x1ab: {  	s14 =	sor.u32 s16, s14;
	s17 =	sand.u32 $0xFFFFFE00, s17;
	s28 =	sshll.u32 s31, $0x2  }
0x1ac: {  	v8 =	vadd.f32 v38, v8;
	s31 =	sand.u32 $0x7F, s29;
	s14 =	sshra.s32 s14, $0x2;
	s16 =	sor.u32 s28, s17  }
0x1ad: {  	s17 =	sshll.u32 s29, $0x2;
	s26 =	sshll.u32 s31, $0x2;
	s29 =	sand.u32 $0x7F, s0  }
0x1ae: {  	s14 =	sadd.s32 s23, s14;
	s16 =	sshra.s32 s16, $0x2;
	[tilespmem:s23+$0x13980] =	vst v8;
	s17 =	sand.u32 $0xFFFFFE00, s17  }
0x1af: {  	s0 =	sshll.u32 s0, $0x2;
	s16 =	sadd.s32 s23, s16;
	v8 =	vld [tilespmem:s14+$0x9A00];
	s28 =	sor.u32 s26, s17  }
0x1b0: {  	s0 =	sand.u32 $0xFFFFFE00, s0;
	s31 =	sshll.u32 s29, $0x2;
	v39 =	vld [tilespmem:s16+$0x9A00];
	s14 =	sshra.s32 s28, $0x2  }
0x1b1: {  	s0 =	sor.u32 s31, s0;
	s14 =	sadd.s32 s23, s14  }
0x1b2: {  	s0 =	sshra.s32 s0, $0x2;
	v40 =	vld [tilespmem:s14+$0x9A00]  }
0x1b3: {  	s0 =	sadd.s32 s23, s0  }
0x1b4: {  	v41 =	vld [tilespmem:s0+$0x9A00]  }
0x1b5: {  	v8 =	vmul.f32 v8, v2;
	v9 =	vmul.f32 v39, v3  }
0x1b6: {  	s0 =	spop (v2sf);
	(v2sf) =	vpush v7, $0x7  }
0x1b7: {  	v8 =	vadd.f32 v9, v8;
	v42 =	vmul.f32 v40, v4;
	s16 =	sshll.u32 s0, $0x2;
	s17 =	sand.u32 $0x7F, s0;
	s26 =	sadd.s32 $0x10, s0  }
0x1b8: {  	s14 =	sand.u32 $0xFFFFFE00, s16;
	s16 =	sshll.u32 s17, $0x2;
	s28 =	sand.u32 $0x7F, s26  }
0x1b9: {  	v43 =	vmul.f32 v41, v5;
	v8 =	vadd.f32 v42, v8;
	s17 =	sshll.u32 s26, $0x2;
	s26 =	sadd.s32 $0x20, s0;
	s0 =	sadd.s32 $0x30, s0  }
0x1ba: {  	s14 =	sor.u32 s16, s14;
	s29 =	sand.u32 $0xFFFFFE00, s17;
	s31 =	sshll.u32 s28, $0x2  }
0x1bb: {  	v8 =	vadd.f32 v43, v8;
	s28 =	sand.u32 $0x7F, s26;
	s17 =	sshll.u32 s26, $0x2;
	s14 =	sshra.s32 s14, $0x2  }
0x1bc: {  	s16 =	sor.u32 s31, s29;
	s17 =	sand.u32 $0xFFFFFE00, s17;
	s26 =	sshll.u32 s28, $0x2  }
0x1bd: {  	s31 =	sand.u32 $0x7F, s0;
	s14 =	sadd.s32 s23, s14;
	s16 =	sshra.s32 s16, $0x2;
	[tilespmem:s23+$0x13A00] =	vst v8  }
0x1be: {  	s0 =	sshll.u32 s0, $0x2;
	s29 =	sor.u32 s26, s17;
	s16 =	sadd.s32 s23, s16;
	v8 =	vld [tilespmem:s14+$0x9A80]  }
0x1bf: {  	s0 =	sand.u32 $0xFFFFFE00, s0;
	s17 =	sshll.u32 s31, $0x2;
	s14 =	sshra.s32 s29, $0x2;
	v44 =	vld [tilespmem:s16+$0x9A80]  }
0x1c0: {  	s0 =	sor.u32 s17, s0;
	s14 =	sadd.s32 s23, s14  }
0x1c1: {  	s0 =	sshra.s32 s0, $0x2;
	v45 =	vld [tilespmem:s14+$0x9A80]  }
0x1c2: {  	s0 =	sadd.s32 s23, s0  }
0x1c3: {  	v46 =	vld [tilespmem:s0+$0x9A80]  }
0x1c4: {  	v8 =	vmul.f32 v8, v2;
	v9 =	vmul.f32 v44, v3  }
0x1c5: {  	s0 =	spop (v2sf);
	(v2sf) =	vpush v7, $0x8  }
0x1c6: {  	v47 =	vmul.f32 v45, v4;
	v8 =	vadd.f32 v9, v8;
	s26 =	sshll.u32 s0, $0x2;
	s28 =	sand.u32 $0x7F, s0;
	s29 =	sadd.s32 $0x10, s0  }
0x1c7: {  	s14 =	sand.u32 $0xFFFFFE00, s26;
	s16 =	sshll.u32 s28, $0x2;
	s31 =	sand.u32 $0x7F, s29  }
0x1c8: {  	v48 =	vmul.f32 v46, v5;
	v8 =	vadd.f32 v47, v8;
	s17 =	sshll.u32 s29, $0x2;
	s29 =	sadd.s32 $0x20, s0;
	s0 =	sadd.s32 $0x30, s0  }
0x1c9: {  	s14 =	sor.u32 s16, s14;
	s17 =	sand.u32 $0xFFFFFE00, s17;
	s28 =	sshll.u32 s31, $0x2  }
0x1ca: {  	v8 =	vadd.f32 v48, v8;
	s31 =	sand.u32 $0x7F, s29;
	s14 =	sshra.s32 s14, $0x2;
	s16 =	sor.u32 s28, s17  }
0x1cb: {  	s17 =	sshll.u32 s29, $0x2;
	s26 =	sshll.u32 s31, $0x2;
	s29 =	sand.u32 $0x7F, s0  }
0x1cc: {  	s14 =	sadd.s32 s23, s14;
	s16 =	sshra.s32 s16, $0x2;
	[tilespmem:s23+$0x13A80] =	vst v8;
	s17 =	sand.u32 $0xFFFFFE00, s17  }
0x1cd: {  	s0 =	sshll.u32 s0, $0x2;
	s16 =	sadd.s32 s23, s16;
	v8 =	vld [tilespmem:s14+$0x9B00];
	s28 =	sor.u32 s26, s17  }
0x1ce: {  	s0 =	sand.u32 $0xFFFFFE00, s0;
	s31 =	sshll.u32 s29, $0x2;
	v49 =	vld [tilespmem:s16+$0x9B00];
	s14 =	sshra.s32 s28, $0x2  }
0x1cf: {  	s0 =	sor.u32 s31, s0;
	s14 =	sadd.s32 s23, s14  }
0x1d0: {  	s0 =	sshra.s32 s0, $0x2;
	v50 =	vld [tilespmem:s14+$0x9B00]  }
0x1d1: {  	s0 =	sadd.s32 s23, s0  }
0x1d2: {  	v51 =	vld [tilespmem:s0+$0x9B00]  }
0x1d3: {  	v8 =	vmul.f32 v8, v2;
	v9 =	vmul.f32 v49, v3  }
0x1d4: {  	s0 =	spop (v2sf);
	(v2sf) =	vpush v7, $0x9  }
0x1d5: {  	v8 =	vadd.f32 v9, v8;
	v52 =	vmul.f32 v50, v4;
	s16 =	sshll.u32 s0, $0x2;
	s17 =	sand.u32 $0x7F, s0;
	s26 =	sadd.s32 $0x10, s0  }
0x1d6: {  	s14 =	sand.u32 $0xFFFFFE00, s16;
	s16 =	sshll.u32 s17, $0x2;
	s28 =	sand.u32 $0x7F, s26  }
0x1d7: {  	v53 =	vmul.f32 v51, v5;
	v8 =	vadd.f32 v52, v8;
	s17 =	sshll.u32 s26, $0x2;
	s26 =	sadd.s32 $0x20, s0;
	s0 =	sadd.s32 $0x30, s0  }
0x1d8: {  	s14 =	sor.u32 s16, s14;
	s29 =	sand.u32 $0xFFFFFE00, s17;
	s31 =	sshll.u32 s28, $0x2  }
0x1d9: {  	v8 =	vadd.f32 v53, v8;
	s28 =	sand.u32 $0x7F, s26;
	s17 =	sshll.u32 s26, $0x2;
	s14 =	sshra.s32 s14, $0x2  }
0x1da: {  	s16 =	sor.u32 s31, s29;
	s17 =	sand.u32 $0xFFFFFE00, s17;
	s26 =	sshll.u32 s28, $0x2  }
0x1db: {  	s31 =	sand.u32 $0x7F, s0;
	s14 =	sadd.s32 s23, s14;
	s16 =	sshra.s32 s16, $0x2;
	[tilespmem:s23+$0x13B00] =	vst v8  }
0x1dc: {  	s0 =	sshll.u32 s0, $0x2;
	s29 =	sor.u32 s26, s17;
	s16 =	sadd.s32 s23, s16;
	v8 =	vld [tilespmem:s14+$0x9B80]  }
0x1dd: {  	s0 =	sand.u32 $0xFFFFFE00, s0;
	s17 =	sshll.u32 s31, $0x2;
	s14 =	sshra.s32 s29, $0x2;
	v54 =	vld [tilespmem:s16+$0x9B80]  }
0x1de: {  	s0 =	sor.u32 s17, s0;
	s14 =	sadd.s32 s23, s14  }
0x1df: {  	s0 =	sshra.s32 s0, $0x2;
	v55 =	vld [tilespmem:s14+$0x9B80]  }
0x1e0: {  	s0 =	sadd.s32 s23, s0  }
0x1e1: {  	v56 =	vld [tilespmem:s0+$0x9B80]  }
0x1e2: {  	v8 =	vmul.f32 v8, v2;
	v9 =	vmul.f32 v54, v3  }
0x1e3: {  	s0 =	spop (v2sf);
	(v2sf) =	vpush v7, $0xA  }
0x1e4: {  	v57 =	vmul.f32 v55, v4;
	v8 =	vadd.f32 v9, v8;
	s26 =	sshll.u32 s0, $0x2;
	s28 =	sand.u32 $0x7F, s0;
	s29 =	sadd.s32 $0x10, s0  }
0x1e5: {  	s14 =	sand.u32 $0xFFFFFE00, s26;
	s16 =	sshll.u32 s28, $0x2;
	s31 =	sand.u32 $0x7F, s29  }
0x1e6: {  	v58 =	vmul.f32 v56, v5;
	v8 =	vadd.f32 v57, v8;
	s17 =	sshll.u32 s29, $0x2;
	s29 =	sadd.s32 $0x20, s0;
	s0 =	sadd.s32 $0x30, s0  }
0x1e7: {  	s14 =	sor.u32 s16, s14;
	s17 =	sand.u32 $0xFFFFFE00, s17;
	s28 =	sshll.u32 s31, $0x2  }
0x1e8: {  	v8 =	vadd.f32 v58, v8;
	s31 =	sand.u32 $0x7F, s29;
	s14 =	sshra.s32 s14, $0x2;
	s16 =	sor.u32 s28, s17  }
0x1e9: {  	s17 =	sshll.u32 s29, $0x2;
	s26 =	sshll.u32 s31, $0x2;
	s29 =	sand.u32 $0x7F, s0  }
0x1ea: {  	s14 =	sadd.s32 s23, s14;
	s16 =	sshra.s32 s16, $0x2;
	[tilespmem:s23+$0x13B80] =	vst v8;
	s17 =	sand.u32 $0xFFFFFE00, s17  }
0x1eb: {  	s0 =	sshll.u32 s0, $0x2;
	s16 =	sadd.s32 s23, s16;
	v8 =	vld [tilespmem:s14+$0x9C00];
	s28 =	sor.u32 s26, s17  }
0x1ec: {  	s0 =	sand.u32 $0xFFFFFE00, s0;
	s31 =	sshll.u32 s29, $0x2;
	v59 =	vld [tilespmem:s16+$0x9C00];
	s14 =	sshra.s32 s28, $0x2  }
0x1ed: {  	s0 =	sor.u32 s31, s0;
	s14 =	sadd.s32 s23, s14  }
0x1ee: {  	s0 =	sshra.s32 s0, $0x2;
	v60 =	vld [tilespmem:s14+$0x9C00]  }
0x1ef: {  	s0 =	sadd.s32 s23, s0  }
0x1f0: {  	v61 =	vld [tilespmem:s0+$0x9C00]  }
0x1f1: {  	v8 =	vmul.f32 v8, v2;
	v9 =	vmul.f32 v59, v3  }
0x1f2: {  	s0 =	spop (v2sf);
	(v2sf) =	vpush v7, $0xB  }
0x1f3: {  	v8 =	vadd.f32 v9, v8;
	v62 =	vmul.f32 v60, v4;
	s16 =	sshll.u32 s0, $0x2;
	s17 =	sand.u32 $0x7F, s0;
	s26 =	sadd.s32 $0x10, s0  }
0x1f4: {  	s14 =	sand.u32 $0xFFFFFE00, s16;
	s16 =	sshll.u32 s17, $0x2;
	s28 =	sand.u32 $0x7F, s26  }
0x1f5: {  	v63 =	vmul.f32 v61, v5;
	v8 =	vadd.f32 v62, v8;
	s17 =	sshll.u32 s26, $0x2;
	s26 =	sadd.s32 $0x20, s0;
	s0 =	sadd.s32 $0x30, s0  }
0x1f6: {  	s14 =	sor.u32 s16, s14;
	s29 =	sand.u32 $0xFFFFFE00, s17;
	s31 =	sshll.u32 s28, $0x2  }
0x1f7: {  	v8 =	vadd.f32 v63, v8;
	s28 =	sand.u32 $0x7F, s26;
	s17 =	sshll.u32 s26, $0x2;
	s14 =	sshra.s32 s14, $0x2  }
0x1f8: {  	s16 =	sor.u32 s31, s29;
	s17 =	sand.u32 $0xFFFFFE00, s17;
	s26 =	sshll.u32 s28, $0x2  }
0x1f9: {  	s31 =	sand.u32 $0x7F, s0;
	s14 =	sadd.s32 s23, s14;
	s16 =	sshra.s32 s16, $0x2;
	[tilespmem:s23+$0x13C00] =	vst v8  }
0x1fa: {  	s0 =	sshll.u32 s0, $0x2;
	s29 =	sor.u32 s26, s17;
	s16 =	sadd.s32 s23, s16;
	v8 =	vld [tilespmem:s14+$0x9C80]  }
0x1fb: {  	s0 =	sand.u32 $0xFFFFFE00, s0;
	s17 =	sshll.u32 s31, $0x2;
	s14 =	sshra.s32 s29, $0x2;
	v12 =	vld [tilespmem:s16+$0x9C80]  }
0x1fc: {  	s0 =	sor.u32 s17, s0;
	s14 =	sadd.s32 s23, s14  }
0x1fd: {  	s0 =	sshra.s32 s0, $0x2;
	v13 =	vld [tilespmem:s14+$0x9C80]  }
0x1fe: {  	s0 =	sadd.s32 s23, s0  }
0x1ff: {  	v14 =	vld [tilespmem:s0+$0x9C80]  }
0x200: {  	v8 =	vmul.f32 v8, v2;
	v9 =	vmul.f32 v12, v3  }
0x201: {  	s0 =	spop (v2sf);
	(v2sf) =	vpush v7, $0xC  }
0x202: {  	v15 =	vmul.f32 v13, v4;
	v8 =	vadd.f32 v9, v8;
	s26 =	sshll.u32 s0, $0x2;
	s28 =	sand.u32 $0x7F, s0;
	s29 =	sadd.s32 $0x10, s0  }
0x203: {  	s14 =	sand.u32 $0xFFFFFE00, s26;
	s16 =	sshll.u32 s28, $0x2;
	s31 =	sand.u32 $0x7F, s29  }
0x204: {  	v16 =	vmul.f32 v14, v5;
	v8 =	vadd.f32 v15, v8;
	s17 =	sshll.u32 s29, $0x2;
	s29 =	sadd.s32 $0x20, s0;
	s0 =	sadd.s32 $0x30, s0  }
0x205: {  	s14 =	sor.u32 s16, s14;
	s17 =	sand.u32 $0xFFFFFE00, s17;
	s28 =	sshll.u32 s31, $0x2  }
0x206: {  	v8 =	vadd.f32 v16, v8;
	s31 =	sand.u32 $0x7F, s29;
	s14 =	sshra.s32 s14, $0x2;
	s16 =	sor.u32 s28, s17  }
0x207: {  	s17 =	sshll.u32 s29, $0x2;
	s26 =	sshll.u32 s31, $0x2;
	s29 =	sand.u32 $0x7F, s0  }
0x208: {  	s14 =	sadd.s32 s23, s14;
	s16 =	sshra.s32 s16, $0x2;
	[tilespmem:s23+$0x13C80] =	vst v8;
	s17 =	sand.u32 $0xFFFFFE00, s17  }
0x209: {  	s0 =	sshll.u32 s0, $0x2;
	s16 =	sadd.s32 s23, s16;
	v8 =	vld [tilespmem:s14+$0x9D00];
	s28 =	sor.u32 s26, s17  }
0x20a: {  	s0 =	sand.u32 $0xFFFFFE00, s0;
	s31 =	sshll.u32 s29, $0x2;
	v17 =	vld [tilespmem:s16+$0x9D00];
	s14 =	sshra.s32 s28, $0x2  }
0x20b: {  	s0 =	sor.u32 s31, s0;
	s14 =	sadd.s32 s23, s14  }
0x20c: {  	s0 =	sshra.s32 s0, $0x2;
	v18 =	vld [tilespmem:s14+$0x9D00]  }
0x20d: {  	s0 =	sadd.s32 s23, s0  }
0x20e: {  	v19 =	vld [tilespmem:s0+$0x9D00]  }
0x20f: {  	v8 =	vmul.f32 v8, v2;
	v9 =	vmul.f32 v17, v3  }
0x210: {  	s0 =	spop (v2sf);
	(v2sf) =	vpush v7, $0xD  }
0x211: {  	v8 =	vadd.f32 v9, v8;
	v20 =	vmul.f32 v18, v4;
	s16 =	sshll.u32 s0, $0x2;
	s17 =	sand.u32 $0x7F, s0;
	s26 =	sadd.s32 $0x10, s0  }
0x212: {  	s14 =	sand.u32 $0xFFFFFE00, s16;
	s16 =	sshll.u32 s17, $0x2;
	s28 =	sand.u32 $0x7F, s26  }
0x213: {  	v21 =	vmul.f32 v19, v5;
	v8 =	vadd.f32 v20, v8;
	s17 =	sshll.u32 s26, $0x2;
	s26 =	sadd.s32 $0x20, s0;
	s0 =	sadd.s32 $0x30, s0  }
0x214: {  	s14 =	sor.u32 s16, s14;
	s29 =	sand.u32 $0xFFFFFE00, s17;
	s31 =	sshll.u32 s28, $0x2  }
0x215: {  	v8 =	vadd.f32 v21, v8;
	s28 =	sand.u32 $0x7F, s26;
	s17 =	sshll.u32 s26, $0x2;
	s14 =	sshra.s32 s14, $0x2  }
0x216: {  	s16 =	sor.u32 s31, s29;
	s17 =	sand.u32 $0xFFFFFE00, s17;
	s26 =	sshll.u32 s28, $0x2  }
0x217: {  	s31 =	sand.u32 $0x7F, s0;
	s14 =	sadd.s32 s23, s14;
	s16 =	sshra.s32 s16, $0x2;
	[tilespmem:s23+$0x13D00] =	vst v8  }
0x218: {  	s0 =	sshll.u32 s0, $0x2;
	s29 =	sor.u32 s26, s17;
	s16 =	sadd.s32 s23, s16;
	v8 =	vld [tilespmem:s14+$0x9D80]  }
0x219: {  	s0 =	sand.u32 $0xFFFFFE00, s0;
	s17 =	sshll.u32 s31, $0x2;
	s14 =	sshra.s32 s29, $0x2;
	v22 =	vld [tilespmem:s16+$0x9D80]  }
0x21a: {  	s0 =	sor.u32 s17, s0;
	s14 =	sadd.s32 s23, s14  }
0x21b: {  	s0 =	sshra.s32 s0, $0x2;
	v23 =	vld [tilespmem:s14+$0x9D80]  }
0x21c: {  	s0 =	sadd.s32 s23, s0  }
0x21d: {  	v24 =	vld [tilespmem:s0+$0x9D80]  }
0x21e: {  	v8 =	vmul.f32 v8, v2;
	v9 =	vmul.f32 v22, v3  }
0x21f: {  	(v2sf) =	vpush v7, $0xE;
	s0 =	spop (v2sf)  }
0x220: {  	v25 =	vmul.f32 v23, v4;
	v8 =	vadd.f32 v9, v8;
	s26 =	sshll.u32 s0, $0x2;
	s28 =	sand.u32 $0x7F, s0;
	s29 =	sadd.s32 $0x10, s0  }
0x221: {  	s14 =	sand.u32 $0xFFFFFE00, s26;
	s16 =	sshll.u32 s28, $0x2;
	s31 =	sand.u32 $0x7F, s29  }
0x222: {  	v26 =	vmul.f32 v24, v5;
	v8 =	vadd.f32 v25, v8;
	s17 =	sshll.u32 s29, $0x2;
	s29 =	sadd.s32 $0x20, s0;
	s0 =	sadd.s32 $0x30, s0  }
0x223: {  	s14 =	sor.u32 s16, s14;
	s17 =	sand.u32 $0xFFFFFE00, s17;
	s28 =	sshll.u32 s31, $0x2  }
0x224: {  	v8 =	vadd.f32 v26, v8;
	s31 =	sand.u32 $0x7F, s29;
	s14 =	sshra.s32 s14, $0x2;
	s16 =	sor.u32 s28, s17  }
0x225: {  	s17 =	sshll.u32 s29, $0x2;
	s26 =	sshll.u32 s31, $0x2;
	s29 =	sand.u32 $0x7F, s0  }
0x226: {  	s14 =	sadd.s32 s23, s14;
	s16 =	sshra.s32 s16, $0x2;
	[tilespmem:s23+$0x13D80] =	vst v8;
	s17 =	sand.u32 $0xFFFFFE00, s17  }
0x227: {  	s0 =	sshll.u32 s0, $0x2;
	s16 =	sadd.s32 s23, s16;
	v8 =	vld [tilespmem:s14+$0x9E00];
	s28 =	sor.u32 s26, s17  }
0x228: {  	s0 =	sand.u32 $0xFFFFFE00, s0;
	s31 =	sshll.u32 s29, $0x2;
	v27 =	vld [tilespmem:s16+$0x9E00];
	s14 =	sshra.s32 s28, $0x2  }
0x229: {  	s0 =	sor.u32 s31, s0;
	s14 =	sadd.s32 s23, s14  }
0x22a: {  	s0 =	sshra.s32 s0, $0x2;
	v28 =	vld [tilespmem:s14+$0x9E00]  }
0x22b: {  	s0 =	sadd.s32 s23, s0  }
0x22c: {  	v29 =	vld [tilespmem:s0+$0x9E00]  }
0x22d: {  	v30 =	vmul.f32 v8, v2;
	v31 =	vmul.f32 v27, v3  }
0x22e: {  	(v2sf) =	vpush v7, $0xF;
	s0 =	spop (v2sf)  }
0x22f: {  	s16 =	sshll.u32 s0, $0x2;
	s17 =	sand.u32 $0x7F, s0;
	s26 =	sadd.s32 $0x10, s0;
	v7 =	vadd.f32 v31, v30;
	v32 =	vmul.f32 v28, v4  }
0x230: {  	s14 =	sand.u32 $0xFFFFFE00, s16;
	s16 =	sshll.u32 s17, $0x2;
	s28 =	sand.u32 $0x7F, s26  }
0x231: {  	s17 =	sshll.u32 s26, $0x2;
	s26 =	sadd.s32 $0x20, s0;
	s0 =	sadd.s32 $0x30, s0;
	v33 =	vmul.f32 v29, v5;
	v7 =	vadd.f32 v32, v7  }
0x232: {  	s14 =	sor.u32 s16, s14;
	s29 =	sand.u32 $0xFFFFFE00, s17;
	s31 =	sshll.u32 s28, $0x2  }
0x233: {  	s28 =	sand.u32 $0x7F, s26;
	s17 =	sshll.u32 s26, $0x2;
	s14 =	sshra.s32 s14, $0x2;
	v7 =	vadd.f32 v33, v7  }
0x234: {  	s16 =	sor.u32 s31, s29;
	s17 =	sand.u32 $0xFFFFFE00, s17;
	s26 =	sshll.u32 s28, $0x2  }
0x235: {  	s31 =	sand.u32 $0x7F, s0;
	s14 =	sadd.s32 s23, s14;
	s16 =	sshra.s32 s16, $0x2;
	[tilespmem:s23+$0x13E00] =	vst v7  }
0x236: {  	s0 =	sshll.u32 s0, $0x2;
	s29 =	sor.u32 s26, s17;
	s16 =	sadd.s32 s23, s16;
	v7 =	vld [tilespmem:s14+$0x9E80]  }
0x237: {  	s0 =	sand.u32 $0xFFFFFE00, s0;
	s17 =	sshll.u32 s31, $0x2;
	v34 =	vld [tilespmem:s16+$0x9E80];
	s14 =	sshra.s32 s29, $0x2  }
0x238: {  	s0 =	sor.u32 s17, s0;
	s14 =	sadd.s32 s23, s14  }
0x239: {  	s0 =	sshra.s32 s0, $0x2;
	v35 =	vld [tilespmem:s14+$0x9E80]  }
0x23a: {  	s0 =	sadd.s32 s23, s0  }
0x23b: {  	v36 =	vld [tilespmem:s0+$0x9E80]  }
0x23c: {  	v7 =	vmul.f32 v7, v2;
	v8 =	vmul.f32 v34, v3  }
0x23d: {  	s0 =	spop (v2sf);
	(v2sf) =	vpush v6, $0x0  }
0x23e: {  	s26 =	sshll.u32 s0, $0x2;
	s28 =	sand.u32 $0x7F, s0;
	s29 =	sadd.s32 $0x10, s0;
	v7 =	vadd.f32 v8, v7;
	v37 =	vmul.f32 v35, v4  }
0x23f: {  	s14 =	sand.u32 $0xFFFFFE00, s26;
	s16 =	sshll.u32 s28, $0x2;
	s31 =	sand.u32 $0x7F, s29  }
0x240: {  	s17 =	sshll.u32 s29, $0x2;
	s29 =	sadd.s32 $0x20, s0;
	s0 =	sadd.s32 $0x30, s0;
	v38 =	vmul.f32 v36, v5;
	v7 =	vadd.f32 v37, v7  }
0x241: {  	s14 =	sor.u32 s16, s14;
	s17 =	sand.u32 $0xFFFFFE00, s17;
	s28 =	sshll.u32 s31, $0x2  }
0x242: {  	s31 =	sand.u32 $0x7F, s29;
	s14 =	sshra.s32 s14, $0x2;
	s16 =	sor.u32 s28, s17;
	v7 =	vadd.f32 v38, v7  }
0x243: {  	s17 =	sshll.u32 s29, $0x2;
	s26 =	sshll.u32 s31, $0x2;
	s29 =	sand.u32 $0x7F, s0  }
0x244: {  	s14 =	sadd.s32 s23, s14;
	s16 =	sshra.s32 s16, $0x2;
	s17 =	sand.u32 $0xFFFFFE00, s17;
	[tilespmem:s23+$0x13E80] =	vst v7  }
0x245: {  	s0 =	sshll.u32 s0, $0x2;
	s16 =	sadd.s32 s23, s16;
	s28 =	sor.u32 s26, s17;
	v7 =	vld [tilespmem:s14+$0x9F00]  }
0x246: {  	s0 =	sand.u32 $0xFFFFFE00, s0;
	s31 =	sshll.u32 s29, $0x2;
	v39 =	vld [tilespmem:s16+$0x9F00];
	s14 =	sshra.s32 s28, $0x2  }
0x247: {  	s0 =	sor.u32 s31, s0;
	s14 =	sadd.s32 s23, s14  }
0x248: {  	s0 =	sshra.s32 s0, $0x2;
	v40 =	vld [tilespmem:s14+$0x9F00]  }
0x249: {  	s0 =	sadd.s32 s23, s0  }
0x24a: {  	v41 =	vld [tilespmem:s0+$0x9F00]  }
0x24b: {  	v7 =	vmul.f32 v7, v2;
	v8 =	vmul.f32 v39, v3  }
0x24c: {  	s0 =	spop (v2sf);
	(v2sf) =	vpush v6, $0x1  }
0x24d: {  	s16 =	sshll.u32 s0, $0x2;
	s17 =	sand.u32 $0x7F, s0;
	s26 =	sadd.s32 $0x10, s0;
	v7 =	vadd.f32 v8, v7;
	v42 =	vmul.f32 v40, v4  }
0x24e: {  	s14 =	sand.u32 $0xFFFFFE00, s16;
	s16 =	sshll.u32 s17, $0x2;
	s28 =	sand.u32 $0x7F, s26  }
0x24f: {  	s17 =	sshll.u32 s26, $0x2;
	s26 =	sadd.s32 $0x20, s0;
	s0 =	sadd.s32 $0x30, s0;
	v43 =	vmul.f32 v41, v5;
	v7 =	vadd.f32 v42, v7  }
0x250: {  	s14 =	sor.u32 s16, s14;
	s29 =	sand.u32 $0xFFFFFE00, s17;
	s31 =	sshll.u32 s28, $0x2  }
0x251: {  	s28 =	sand.u32 $0x7F, s26;
	s17 =	sshll.u32 s26, $0x2;
	s14 =	sshra.s32 s14, $0x2;
	v7 =	vadd.f32 v43, v7  }
0x252: {  	s16 =	sor.u32 s31, s29;
	s17 =	sand.u32 $0xFFFFFE00, s17;
	s26 =	sshll.u32 s28, $0x2  }
0x253: {  	s31 =	sand.u32 $0x7F, s0;
	s14 =	sadd.s32 s23, s14;
	s16 =	sshra.s32 s16, $0x2;
	[tilespmem:s23+$0x13F00] =	vst v7  }
0x254: {  	s0 =	sshll.u32 s0, $0x2;
	s29 =	sor.u32 s26, s17;
	s16 =	sadd.s32 s23, s16;
	v7 =	vld [tilespmem:s14+$0x9F80]  }
0x255: {  	s0 =	sand.u32 $0xFFFFFE00, s0;
	s17 =	sshll.u32 s31, $0x2;
	v44 =	vld [tilespmem:s16+$0x9F80];
	s14 =	sshra.s32 s29, $0x2  }
0x256: {  	s0 =	sor.u32 s17, s0;
	s14 =	sadd.s32 s23, s14  }
0x257: {  	s0 =	sshra.s32 s0, $0x2;
	v45 =	vld [tilespmem:s14+$0x9F80]  }
0x258: {  	s0 =	sadd.s32 s23, s0  }
0x259: {  	v46 =	vld [tilespmem:s0+$0x9F80]  }
0x25a: {  	v7 =	vmul.f32 v7, v2;
	v8 =	vmul.f32 v44, v3  }
0x25b: {  	(v2sf) =	vpush v6, $0x2;
	s0 =	spop (v2sf)  }
0x25c: {  	s26 =	sshll.u32 s0, $0x2;
	s28 =	sand.u32 $0x7F, s0;
	s29 =	sadd.s32 $0x10, s0;
	v7 =	vadd.f32 v8, v7;
	v47 =	vmul.f32 v45, v4  }
0x25d: {  	s14 =	sand.u32 $0xFFFFFE00, s26;
	s16 =	sshll.u32 s28, $0x2;
	s31 =	sand.u32 $0x7F, s29  }
0x25e: {  	s17 =	sshll.u32 s29, $0x2;
	s29 =	sadd.s32 $0x20, s0;
	s0 =	sadd.s32 $0x30, s0;
	v48 =	vmul.f32 v46, v5;
	v7 =	vadd.f32 v47, v7  }
0x25f: {  	s14 =	sor.u32 s16, s14;
	s17 =	sand.u32 $0xFFFFFE00, s17;
	s28 =	sshll.u32 s31, $0x2  }
0x260: {  	s31 =	sand.u32 $0x7F, s29;
	s14 =	sshra.s32 s14, $0x2;
	s16 =	sor.u32 s28, s17;
	v7 =	vadd.f32 v48, v7  }
0x261: {  	s17 =	sshll.u32 s29, $0x2;
	s26 =	sshll.u32 s31, $0x2;
	s29 =	sand.u32 $0x7F, s0  }
0x262: {  	s14 =	sadd.s32 s23, s14;
	s16 =	sshra.s32 s16, $0x2;
	s17 =	sand.u32 $0xFFFFFE00, s17;
	[tilespmem:s23+$0x13F80] =	vst v7  }
0x263: {  	s0 =	sshll.u32 s0, $0x2;
	s16 =	sadd.s32 s23, s16;
	s28 =	sor.u32 s26, s17;
	v7 =	vld [tilespmem:s14+$0xA000]  }
0x264: {  	s0 =	sand.u32 $0xFFFFFE00, s0;
	s31 =	sshll.u32 s29, $0x2;
	v49 =	vld [tilespmem:s16+$0xA000];
	s14 =	sshra.s32 s28, $0x2  }
0x265: {  	s0 =	sor.u32 s31, s0;
	s14 =	sadd.s32 s23, s14  }
0x266: {  	s0 =	sshra.s32 s0, $0x2;
	v50 =	vld [tilespmem:s14+$0xA000]  }
0x267: {  	s0 =	sadd.s32 s23, s0  }
0x268: {  	v51 =	vld [tilespmem:s0+$0xA000]  }
0x269: {  	v52 =	vmul.f32 v7, v2;
	v53 =	vmul.f32 v49, v3  }
0x26a: {  	(v2sf) =	vpush v6, $0x3;
	s0 =	spop (v2sf)  }
0x26b: {  	s16 =	sshll.u32 s0, $0x2;
	s17 =	sand.u32 $0x7F, s0;
	s26 =	sadd.s32 $0x10, s0;
	v6 =	vadd.f32 v53, v52;
	v54 =	vmul.f32 v50, v4  }
0x26c: {  	s14 =	sand.u32 $0xFFFFFE00, s16;
	s16 =	sshll.u32 s17, $0x2;
	s28 =	sand.u32 $0x7F, s26  }
0x26d: {  	s17 =	sshll.u32 s26, $0x2;
	s26 =	sadd.s32 $0x20, s0;
	s0 =	sadd.s32 $0x30, s0;
	v55 =	vmul.f32 v51, v5;
	v6 =	vadd.f32 v54, v6  }
0x26e: {  	s14 =	sor.u32 s16, s14;
	s29 =	sand.u32 $0xFFFFFE00, s17;
	s31 =	sshll.u32 s28, $0x2  }
0x26f: {  	s28 =	sand.u32 $0x7F, s26;
	s17 =	sshll.u32 s26, $0x2;
	s14 =	sshra.s32 s14, $0x2;
	v6 =	vadd.f32 v55, v6  }
0x270: {  	s16 =	sor.u32 s31, s29;
	s17 =	sand.u32 $0xFFFFFE00, s17;
	s26 =	sshll.u32 s28, $0x2  }
0x271: {  	s31 =	sand.u32 $0x7F, s0;
	s14 =	sadd.s32 s23, s14;
	s16 =	sshra.s32 s16, $0x2;
	[tilespmem:s23+$0x14000] =	vst v6  }
0x272: {  	s0 =	sshll.u32 s0, $0x2;
	s29 =	sor.u32 s26, s17;
	s16 =	sadd.s32 s23, s16;
	v6 =	vld [tilespmem:s14+$0xA080]  }
0x273: {  	s0 =	sand.u32 $0xFFFFFE00, s0;
	s17 =	sshll.u32 s31, $0x2;
	v56 =	vld [tilespmem:s16+$0xA080];
	s14 =	sshra.s32 s29, $0x2  }
0x274: {  	s0 =	sor.u32 s17, s0;
	s14 =	sadd.s32 s23, s14  }
0x275: {  	s0 =	sshra.s32 s0, $0x2;
	v57 =	vld [tilespmem:s14+$0xA080]  }
0x276: {  	s0 =	sadd.s32 s23, s0  }
0x277: {  	v58 =	vld [tilespmem:s0+$0xA080]  }
0x278: {  	v6 =	vmul.f32 v6, v2;
	v7 =	vmul.f32 v56, v3  }
0x279: {  	s0 =	spop (v2sf)  }
0x27a: {  	s26 =	sshll.u32 s0, $0x2;
	s28 =	sand.u32 $0x7F, s0;
	s29 =	sadd.s32 $0x10, s0;
	v6 =	vadd.f32 v7, v6;
	v59 =	vmul.f32 v57, v4  }
0x27b: {  	s14 =	sand.u32 $0xFFFFFE00, s26;
	s16 =	sshll.u32 s28, $0x2;
	s31 =	sand.u32 $0x7F, s29  }
0x27c: {  	s17 =	sshll.u32 s29, $0x2;
	s29 =	sadd.s32 $0x20, s0;
	s0 =	sadd.s32 $0x30, s0;
	v60 =	vmul.f32 v58, v5;
	v6 =	vadd.f32 v59, v6  }
0x27d: {  	s14 =	sor.u32 s16, s14;
	s17 =	sand.u32 $0xFFFFFE00, s17;
	s28 =	sshll.u32 s31, $0x2  }
0x27e: {  	s31 =	sand.u32 $0x7F, s29;
	s14 =	sshra.s32 s14, $0x2;
	s16 =	sor.u32 s28, s17;
	v6 =	vadd.f32 v60, v6  }
0x27f: {  	s17 =	sshll.u32 s29, $0x2;
	s26 =	sshll.u32 s31, $0x2;
	s29 =	sand.u32 $0x7F, s0  }
0x280: {  	s14 =	sadd.s32 s23, s14;
	s16 =	sshra.s32 s16, $0x2;
	s17 =	sand.u32 $0xFFFFFE00, s17;
	[tilespmem:s23+$0x14080] =	vst v6  }
0x281: {  	s0 =	sshll.u32 s0, $0x2;
	s16 =	sadd.s32 s23, s16;
	s28 =	sor.u32 s26, s17;
	v6 =	vld [tilespmem:s14+$0xA100]  }
0x282: {  	s0 =	sand.u32 $0xFFFFFE00, s0;
	s31 =	sshll.u32 s29, $0x2;
	v61 =	vld [tilespmem:s16+$0xA100];
	s14 =	sshra.s32 s28, $0x2  }
0x283: {  	s0 =	sor.u32 s31, s0;
	s14 =	sadd.s32 s23, s14  }
0x284: {  	s0 =	sshra.s32 s0, $0x2;
	v62 =	vld [tilespmem:s14+$0xA100]  }
0x285: {  	s0 =	sadd.s32 s23, s0  }
0x286: {  	v63 =	vld [tilespmem:s0+$0xA100]  }
0x287: {  	v2 =	vmul.f32 v6, v2;
	v3 =	vmul.f32 v61, v3;
	_ =	sdelay $0x1  }
0x288: {  	v2 =	vadd.f32 v3, v2;
	v3 =	vmul.f32 v62, v4  }
0x289: {  	p1 =	sne.s32 s22, $0x11800  }
.Ltmp3:
0x28a: {  	v2 =	vadd.f32 v3, v2;
	v3 =	vmul.f32 v63, v5;
	(pc) =	sbr.rel @p1 .LBB2_9-.Ltmp3, $4  }
0x28b: {  	_ = 	snop  }
0x28c: {  	v2 =	vadd.f32 v3, v2  }
0x28d: {  	s25 =	sadd.s32 $0x1, s25  }
0x28e: {  	s21 =	sadd.s32 $0x80, s21;
	s22 =	sadd.s32 $0x2800, s22;
	s20 =	sadd.s32 $0x14, s20;
	[tilespmem:s23+$0x14100] =	vst v2  }
0x28f: {  	s0 =	simm.s32 $0x0  }
0x290: {  	v2 =	vmov s0  }
0x291: {  	v2 =	vshll.u32 v2, $0x7  }
0x292: {  	v2 =	vor.u32 v1, v2  }
0x293: {  	v3 =	vor.u32 $0x1, v2;
	_ =	sdelay $0x1  }
0x294: {  	v4 =	vor.u32 $0x2, v2;
	_ =	sdelay $0x1  }
0x295: {  	v5 =	vor.u32 $0x3, v2;
	v6 =	vld.idx.msk [tilespmem:v2+s24+$0x0], $0xffff  }
0x296: {  	v3 =	vld.idx.msk [tilespmem:v3+s24+$0x0], $0xffff  }
0x297: {  	v7 =	vor.u32 $0x4, v2  }
0x298: {  	v4 =	vld.idx.msk [tilespmem:v4+s24+$0x0], $0xffff  }
0x299: {  	v8 =	vor.u32 $0x5, v2  }
0x29a: {  	v5 =	vld.idx.msk [tilespmem:v5+s24+$0x0], $0xffff  }
0x29b: {  	v9 =	vor.u32 $0x6, v2;
	v3 =	vadd.f32 v3, v6  }
0x29c: {  	v6 =	vld.idx.msk [tilespmem:v7+s24+$0x0], $0xffff  }
0x29d: {  	v7 =	vor.u32 $0x7, v2;
	v3 =	vadd.f32 v4, v3  }
0x29e: {  	v4 =	vld.idx.msk [tilespmem:v8+s24+$0x0], $0xffff  }
0x29f: {  	v52 =	vor.u32 $0x8, v2;
	v3 =	vadd.f32 v5, v3  }
0x2a0: {  	v5 =	vld.idx.msk [tilespmem:v9+s24+$0x0], $0xffff  }
0x2a1: {  	v53 =	vor.u32 $0x9, v2;
	v3 =	vadd.f32 v6, v3  }
0x2a2: {  	v6 =	vld.idx.msk [tilespmem:v7+s24+$0x0], $0xffff  }
0x2a3: {  	v7 =	vor.u32 $0xA, v2;
	v3 =	vadd.f32 v4, v3  }
0x2a4: {  	v4 =	vld.idx.msk [tilespmem:v52+s24+$0x0], $0xffff  }
0x2a5: {  	v54 =	vor.u32 $0xB, v2;
	v3 =	vadd.f32 v5, v3  }
0x2a6: {  	v5 =	vld.idx.msk [tilespmem:v53+s24+$0x0], $0xffff  }
0x2a7: {  	v55 =	vor.u32 $0xC, v2;
	v3 =	vadd.f32 v6, v3  }
0x2a8: {  	v6 =	vld.idx.msk [tilespmem:v7+s24+$0x0], $0xffff  }
0x2a9: {  	v7 =	vor.u32 $0xD, v2;
	v3 =	vadd.f32 v4, v3  }
0x2aa: {  	v4 =	vld.idx.msk [tilespmem:v54+s24+$0x0], $0xffff  }
0x2ab: {  	v56 =	vor.u32 $0xE, v2;
	v3 =	vadd.f32 v5, v3  }
0x2ac: {  	v5 =	vld.idx.msk [tilespmem:v55+s24+$0x0], $0xffff  }
0x2ad: {  	v2 =	vor.u32 $0xF, v2;
	v3 =	vadd.f32 v6, v3  }
0x2ae: {  	v6 =	vld.idx.msk [tilespmem:v7+s24+$0x0], $0xffff  }
0x2af: {  	v3 =	vadd.f32 v4, v3  }
0x2b0: {  	v4 =	vld.idx.msk [tilespmem:v56+s24+$0x0], $0xffff  }
0x2b1: {  	s29 =	simm.s32 $0x10;
	v3 =	vadd.f32 v5, v3  }
0x2b2: {  	v2 =	vld.idx.msk [tilespmem:v2+s24+$0x0], $0xffff;
	v5 =	vmov s29  }
0x2b3: {  	v5 =	vshll.u32 v5, $0x7;
	v3 =	vadd.f32 v6, v3  }
0x2b4: {  	v5 =	vor.u32 v1, v5  }
0x2b5: {  	v6 =	vor.u32 $0x1, v5;
	v3 =	vadd.f32 v4, v3;
	_ =	sdelay $0x1  }
0x2b6: {  	v2 =	vadd.f32 v2, v3  }
0x2b7: {  	s20 =	simm.s32 $0x18800;
	v3 =	vor.u32 $0x2, v5  }
0x2b8: {  	[tilespmem:s20+$0x0] =	vst v2  }
0x2b9: {  	v4 =	vor.u32 $0x3, v5;
	v2 =	vld.idx.msk [tilespmem:v6+s24+$0x0], $0xffff  }
0x2ba: {  	v6 =	vld.idx.msk [tilespmem:v5+s24+$0x0], $0xffff  }
0x2bb: {  	v7 =	vor.u32 $0x4, v5  }
0x2bc: {  	v3 =	vld.idx.msk [tilespmem:v3+s24+$0x0], $0xffff  }
0x2bd: {  	v57 =	vor.u32 $0x5, v5  }
0x2be: {  	v4 =	vld.idx.msk [tilespmem:v4+s24+$0x0], $0xffff  }
0x2bf: {  	v58 =	vor.u32 $0x6, v5;
	v2 =	vadd.f32 v2, v6  }
0x2c0: {  	v6 =	vld.idx.msk [tilespmem:v7+s24+$0x0], $0xffff  }
0x2c1: {  	v7 =	vor.u32 $0x7, v5;
	v2 =	vadd.f32 v3, v2  }
0x2c2: {  	v3 =	vld.idx.msk [tilespmem:v57+s24+$0x0], $0xffff  }
0x2c3: {  	v59 =	vor.u32 $0x8, v5;
	v2 =	vadd.f32 v4, v2  }
0x2c4: {  	v4 =	vld.idx.msk [tilespmem:v58+s24+$0x0], $0xffff  }
0x2c5: {  	v60 =	vor.u32 $0x9, v5;
	v2 =	vadd.f32 v6, v2  }
0x2c6: {  	v6 =	vld.idx.msk [tilespmem:v7+s24+$0x0], $0xffff  }
0x2c7: {  	v7 =	vor.u32 $0xA, v5;
	v2 =	vadd.f32 v3, v2  }
0x2c8: {  	v3 =	vld.idx.msk [tilespmem:v59+s24+$0x0], $0xffff  }
0x2c9: {  	v61 =	vor.u32 $0xB, v5;
	v2 =	vadd.f32 v4, v2  }
0x2ca: {  	v4 =	vld.idx.msk [tilespmem:v60+s24+$0x0], $0xffff  }
0x2cb: {  	v62 =	vor.u32 $0xC, v5;
	v2 =	vadd.f32 v6, v2  }
0x2cc: {  	v6 =	vld.idx.msk [tilespmem:v7+s24+$0x0], $0xffff  }
0x2cd: {  	v2 =	vadd.f32 v3, v2  }
0x2ce: {  	v7 =	vor.u32 $0xD, v5;
	v3 =	vld.idx.msk [tilespmem:v61+s24+$0x0], $0xffff  }
0x2cf: {  	v2 =	vadd.f32 v4, v2  }
0x2d0: {  	v63 =	vor.u32 $0xE, v5;
	v4 =	vld.idx.msk [tilespmem:v62+s24+$0x0], $0xffff  }
0x2d1: {  	v2 =	vadd.f32 v6, v2  }
0x2d2: {  	v5 =	vor.u32 $0xF, v5  }
0x2d3: {  	v6 =	vld.idx.msk [tilespmem:v7+s24+$0x0], $0xffff;
	v2 =	vadd.f32 v3, v2;
	_ =	sdelay $0x1  }
0x2d4: {  	v4 =	vadd.f32 v4, v2;
	v2 =	vld.idx.msk [tilespmem:v63+s24+$0x0], $0xffff  }
0x2d5: {  	s31 =	simm.s32 $0x20  }
0x2d6: {  	v7 =	vmov s31;
	v3 =	vld.idx.msk [tilespmem:v5+s24+$0x0], $0xffff  }
0x2d7: {  	s21 =	simm.s32 $0x30;
	v5 =	vshll.u32 v7, $0x7;
	v4 =	vadd.f32 v6, v4  }
.LBB2_11:
0x2d8: {  	p1 =	sne.s32 s21, $0x90;
	v5 =	vor.u32 v1, v5  }
0x2d9: {  	v6 =	vor.u32 $0x1, v5;
	v2 =	vadd.f32 v2, v4;
	_ =	sdelay $0x1  }
0x2da: {  	v2 =	vadd.f32 v3, v2  }
0x2db: {  	s20 =	sadd.s32 $0x10, s20;
	v3 =	vor.u32 $0x2, v5  }
0x2dc: {  	[tilespmem:s20+$0x0] =	vst v2  }
0x2dd: {  	v4 =	vor.u32 $0x3, v5;
	v2 =	vld.idx.msk [tilespmem:v6+s24+$0x0], $0xffff  }
0x2de: {  	v6 =	vld.idx.msk [tilespmem:v5+s24+$0x0], $0xffff  }
0x2df: {  	v7 =	vor.u32 $0x4, v5  }
0x2e0: {  	v3 =	vld.idx.msk [tilespmem:v3+s24+$0x0], $0xffff  }
0x2e1: {  	v8 =	vor.u32 $0x5, v5  }
0x2e2: {  	v4 =	vld.idx.msk [tilespmem:v4+s24+$0x0], $0xffff  }
0x2e3: {  	v9 =	vor.u32 $0x6, v5  }
0x2e4: {  	v2 =	vadd.f32 v2, v6;
	v6 =	vld.idx.msk [tilespmem:v7+s24+$0x0], $0xffff  }
0x2e5: {  	v7 =	vor.u32 $0x7, v5  }
0x2e6: {  	v2 =	vadd.f32 v3, v2;
	v3 =	vld.idx.msk [tilespmem:v8+s24+$0x0], $0xffff  }
0x2e7: {  	v8 =	vor.u32 $0x8, v5  }
0x2e8: {  	v2 =	vadd.f32 v4, v2;
	v4 =	vld.idx.msk [tilespmem:v9+s24+$0x0], $0xffff  }
0x2e9: {  	v9 =	vor.u32 $0x9, v5  }
0x2ea: {  	v2 =	vadd.f32 v6, v2;
	v6 =	vld.idx.msk [tilespmem:v7+s24+$0x0], $0xffff  }
0x2eb: {  	v7 =	vor.u32 $0xA, v5  }
0x2ec: {  	v2 =	vadd.f32 v3, v2;
	v3 =	vld.idx.msk [tilespmem:v8+s24+$0x0], $0xffff  }
0x2ed: {  	v8 =	vor.u32 $0xB, v5  }
0x2ee: {  	v2 =	vadd.f32 v4, v2;
	v4 =	vld.idx.msk [tilespmem:v9+s24+$0x0], $0xffff  }
0x2ef: {  	v9 =	vor.u32 $0xC, v5  }
0x2f0: {  	v2 =	vadd.f32 v6, v2;
	v6 =	vld.idx.msk [tilespmem:v7+s24+$0x0], $0xffff  }
0x2f1: {  	v7 =	vor.u32 $0xD, v5  }
0x2f2: {  	v2 =	vadd.f32 v3, v2;
	v3 =	vld.idx.msk [tilespmem:v8+s24+$0x0], $0xffff  }
0x2f3: {  	v8 =	vor.u32 $0xE, v5  }
0x2f4: {  	v2 =	vadd.f32 v4, v2;
	v4 =	vld.idx.msk [tilespmem:v9+s24+$0x0], $0xffff  }
0x2f5: {  	v5 =	vor.u32 $0xF, v5  }
0x2f6: {  	v2 =	vadd.f32 v6, v2;
	v6 =	vld.idx.msk [tilespmem:v7+s24+$0x0], $0xffff;
	_ =	sdelay $0x1  }
.Ltmp4:
0x2f7: {  	v3 =	vadd.f32 v3, v2;
	v2 =	vld.idx.msk [tilespmem:v8+s24+$0x0], $0xffff;
	(pc) =	sbr.rel @p1 .LBB2_11-.Ltmp4, $4  }
0x2f8: {  	_ = 	snop  }
0x2f9: {  	v4 =	vadd.f32 v4, v3;
	v3 =	vld.idx.msk [tilespmem:v5+s24+$0x0], $0xffff  }
0x2fa: {  	v5 =	vmov s21  }
0x2fb: {  	s21 =	sadd.s32 $0x10, s21;
	v5 =	vshll.u32 v5, $0x7;
	v4 =	vadd.f32 v6, v4  }
0x2fc: {  	v5 =	vor.u32 v1, v5  }
0x2fd: {  	v6 =	vor.u32 $0x1, v5;
	v2 =	vadd.f32 v2, v4;
	_ =	sdelay $0x1  }
0x2fe: {  	v2 =	vadd.f32 v3, v2  }
0x2ff: {  	s0 =	sadd.s32 $0x10, s20;
	v3 =	vor.u32 $0x2, v5  }
0x300: {  	[tilespmem:s0+$0x0] =	vst v2  }
0x301: {  	v46 =	vor.u32 $0x3, v5;
	v2 =	vld.idx.msk [tilespmem:v6+s24+$0x0], $0xffff  }
0x302: {  	v47 =	vld.idx.msk [tilespmem:v5+s24+$0x0], $0xffff  }
0x303: {  	v7 =	vor.u32 $0x4, v5  }
0x304: {  	v3 =	vld.idx.msk [tilespmem:v3+s24+$0x0], $0xffff  }
0x305: {  	v8 =	vor.u32 $0x5, v5  }
0x306: {  	v4 =	vld.idx.msk [tilespmem:v46+s24+$0x0], $0xffff  }
0x307: {  	v9 =	vor.u32 $0x6, v5;
	v2 =	vadd.f32 v2, v47  }
0x308: {  	v48 =	vld.idx.msk [tilespmem:v7+s24+$0x0], $0xffff  }
0x309: {  	v49 =	vor.u32 $0x7, v5;
	v2 =	vadd.f32 v3, v2  }
0x30a: {  	v3 =	vld.idx.msk [tilespmem:v8+s24+$0x0], $0xffff  }
0x30b: {  	v50 =	vor.u32 $0x8, v5;
	v2 =	vadd.f32 v4, v2  }
0x30c: {  	v51 =	vld.idx.msk [tilespmem:v9+s24+$0x0], $0xffff  }
0x30d: {  	v52 =	vor.u32 $0x9, v5;
	v2 =	vadd.f32 v48, v2  }
0x30e: {  	v53 =	vld.idx.msk [tilespmem:v49+s24+$0x0], $0xffff  }
0x30f: {  	v54 =	vor.u32 $0xA, v5;
	v2 =	vadd.f32 v3, v2  }
0x310: {  	v3 =	vld.idx.msk [tilespmem:v50+s24+$0x0], $0xffff  }
0x311: {  	v55 =	vor.u32 $0xB, v5;
	v2 =	vadd.f32 v51, v2  }
0x312: {  	v56 =	vld.idx.msk [tilespmem:v52+s24+$0x0], $0xffff  }
0x313: {  	v57 =	vor.u32 $0xC, v5;
	v2 =	vadd.f32 v53, v2  }
0x314: {  	v58 =	vld.idx.msk [tilespmem:v54+s24+$0x0], $0xffff  }
0x315: {  	v59 =	vor.u32 $0xD, v5;
	v2 =	vadd.f32 v3, v2  }
0x316: {  	v3 =	vld.idx.msk [tilespmem:v55+s24+$0x0], $0xffff  }
0x317: {  	v60 =	vor.u32 $0xE, v5;
	v2 =	vadd.f32 v56, v2  }
0x318: {  	v61 =	vld.idx.msk [tilespmem:v57+s24+$0x0], $0xffff  }
0x319: {  	v5 =	vor.u32 $0xF, v5;
	v2 =	vadd.f32 v58, v2  }
0x31a: {  	v62 =	vld.idx.msk [tilespmem:v59+s24+$0x0], $0xffff  }
0x31b: {  	v2 =	vadd.f32 v3, v2  }
0x31c: {  	v3 =	vld.idx.msk [tilespmem:v60+s24+$0x0], $0xffff  }
0x31d: {  	v2 =	vadd.f32 v61, v2  }
0x31e: {  	v63 =	vld.idx.msk [tilespmem:v5+s24+$0x0], $0xffff  }
0x31f: {  	s8 =	sadd.s32 s6, s8;
	v2 =	vadd.f32 v62, v2  }
0x320: {  	s8 =	smul.u32 $0x14, s8  }
0x321: {  	v2 =	vadd.f32 v3, v2  }
0x322: {  	p1 =	seq.s32 s18, $0x7;
	s8 =	sshrl.u32 s8, $0x3  }
0x323: {  	s31 =	sadd.s32 s5, s8;
	s8 =	smul.u32 @!p1 $0x500, s18;
	v2 =	vadd.f32 v63, v2  }
0x324: {  	s0 =	sadd.s32 $0x10, s0  }
0x325: {  	s14 =	simm.s32 $0x18800;
	[tilespmem:s0+$0x0] =	vst v2;
	s0 =	sshra.s32 @!p1 s8, $0x2  }
0x326: {  	[hbm4b:s31+s2] =	stream.linear.scatter [tilespmem:s14], [sflag:$0x6], $0xA0, $0x38;
	[tilespmem:$0x18A00] =	vst v63  }
0x327: {  	s16 =	simm.s32 @!p1 $0x9780;
	s8 =	sadd.s32 @!p1 $0x440, s0;
	s14 =	simm.s32 @!p1 $0x80  }
0x328: {  	[tilespmem:s16], [sflag:$0x4] =	stream.indirect.gather @!p1 [hbm4b:s4+s14], $0x80, s8, s14, $0xb8;
	[tilespmem:$0x18A00] =	vst v63  }
0x329: {  	s0 =	sadd.s32 @!p1 $0x4C0, s0;
	s8 =	simm.s32 @!p1 $0x20;
	s14 =	simm.s32 @!p1 $0xD780  }
0x32a: {  	[tilespmem:s14], [sflag:$0x4] =	stream.indirect.gather @!p1 [hbm4b:s4+s8], $0x80, s0, s8, $0xb8;
	[tilespmem:$0x18A00] =	vst v63  }
0x32b: {  	_ =	swait.ge [sflag:s1], $0x4000  }
0x32c: {  	[sflag:s1] =	ssyncset.done $0x0  }
0x32d: {  	[sflag:s1] =	ssyncadd.s32 $0xFFFFC000  }
0x32e: {  	_ =	swait.ge [sflag:s1], $0x1000  }
0x32f: {  	[sflag:s1] =	ssyncset.done $0x0  }
0x330: {  	s0 =	simm.s32 @!p0 $0x6;
	[sflag:s1] =	ssyncadd.s32 $0xFFFFF000  }
0x331: {  	s7 =	sshll.u32 s7, $0x3;
	s25 =	smov.u32 s3;
	_ =	swait.ge @!p0 [sflag:s0], $0xA0  }
0x332: {  	s21 =	smov.u32 s13;
	s20 =	smov.u32 s12;
	[sflag:s0] =	ssyncset.done @!p0 $0x0  }
0x333: {  	s22 =	simm.s32 $0x0;
	s8 =	simm.s32 $0x0;
	[sflag:s0] =	ssyncadd.s32 @!p0 $0xFFFFFF60  }
.LBB2_13:
0x334: {  	v2 =	vld [tilespmem:s25+$0x0];
	_ =	sdelay $0x4  }
0x335: {  	(v2sf) =	vpush v2, $0x0;
	_ =	sdelay $0x3  }
0x336: {  	v7 =	vld [tilespmem:s20+$0xFFFFFFF0];
	_ =	sdelay $0x4  }
0x337: {  	(v2sf) =	vpush v7, $0x0;
	_ =	sdelay $0x5  }
0x338: {  	s0 =	spop (v2sf)  }
0x339: {  	s14 =	sand.u32 $0x7F, s0;
	s16 =	sshll.u32 s0, $0x2  }
0x33a: {  	s23 =	sadd.s32 $0x10, s0;
	s16 =	sand.u32 $0xFFFFFE00, s16;
	s14 =	sshll.u32 s14, $0x2  }
0x33b: {  	s17 =	sand.u32 $0x7F, s23;
	s14 =	sor.u32 s14, s16  }
0x33c: {  	s16 =	sshll.u32 s23, $0x2;
	s17 =	sshll.u32 s17, $0x2;
	s23 =	sadd.s32 $0x20, s0  }
0x33d: {  	s0 =	sadd.s32 $0x30, s0;
	s14 =	sshra.s32 s14, $0x2;
	s16 =	sand.u32 $0xFFFFFE00, s16  }
0x33e: {  	s26 =	sand.u32 $0x7F, s23;
	s23 =	sshll.u32 s23, $0x2;
	s28 =	sand.u32 $0x7F, s0  }
0x33f: {  	s0 =	sshll.u32 s0, $0x2;
	s14 =	sadd.s32 s14, s21;
	s16 =	sor.u32 s17, s16  }
0x340: {  	s23 =	sand.u32 $0xFFFFFE00, s23;
	s17 =	sshll.u32 s26, $0x2;
	s0 =	sand.u32 $0xFFFFFE00, s0  }
0x341: {  	s26 =	spop (v2sf);
	s16 =	sshra.s32 s16, $0x2;
	s17 =	sor.u32 s17, s23  }
0x342: {  	s23 =	sshll.u32 s28, $0x2;
	s29 =	sshll.u32 s26, $0x2;
	s28 =	sand.u32 $0x7F, s26  }
0x343: {  	(v2sf) =	vpush v7, $0x1;
	s16 =	sadd.s32 s16, s21;
	s17 =	sshra.s32 s17, $0x2;
	s0 =	sor.u32 s23, s0  }
0x344: {  	s23 =	sand.u32 $0xFFFFFE00, s29;
	s29 =	sadd.s32 $0x10, s26;
	s28 =	sshll.u32 s28, $0x2  }
0x345: {  	s17 =	sadd.s32 s17, s21;
	s31 =	sand.u32 $0x7F, s29;
	s29 =	sshll.u32 s29, $0x2  }
0x346: {  	s23 =	sor.u32 s28, s23;
	s28 =	sand.u32 $0xFFFFFE00, s29;
	s29 =	sshll.u32 s31, $0x2  }
0x347: {  	s31 =	sshra.s32 s23, $0x2;
	s23 =	sshra.s32 s22, $0x2;
	s28 =	sor.u32 s29, s28  }
0x348: {  	s29 =	sadd.s32 s23, s31;
	s31 =	sadd.s32 $0x20, s26;
	s28 =	sshra.s32 s28, $0x2  }
0x349: {  	v2 =	vld [tilespmem:s14+$0x0];
	s14 =	sadd.s32 s23, s28;
	s28 =	sand.u32 $0x7F, s31;
	s31 =	sshll.u32 s31, $0x2  }
0x34a: {  	v3 =	vld [tilespmem:s16+$0x0];
	s26 =	sadd.s32 $0x30, s26;
	s31 =	sand.u32 $0xFFFFFE00, s31;
	s28 =	sshll.u32 s28, $0x2  }
0x34b: {  	v6 =	vld [tilespmem:s29+$0xE780];
	s16 =	sor.u32 s28, s31;
	s31 =	sand.u32 $0x7F, s26;
	s26 =	sshll.u32 s26, $0x2  }
0x34c: {  	v8 =	vld [tilespmem:s14+$0xE780];
	s16 =	sshra.s32 s16, $0x2;
	s29 =	sand.u32 $0xFFFFFE00, s26;
	s31 =	sshll.u32 s31, $0x2  }
0x34d: {  	s0 =	sshra.s32 s0, $0x2;
	v4 =	vld [tilespmem:s17+$0x0];
	s14 =	sadd.s32 s23, s16;
	s16 =	sor.u32 s31, s29  }
0x34e: {  	s0 =	sadd.s32 s0, s21;
	v9 =	vld [tilespmem:s14+$0xE780];
	s16 =	sshra.s32 s16, $0x2  }
0x34f: {  	v5 =	vld [tilespmem:s0+$0x0];
	s17 =	sadd.s32 s23, s16  }
0x350: {  	v10 =	vld [tilespmem:s17+$0xE780]  }
0x351: {  	v6 =	vmul.f32 v6, v2;
	v8 =	vmul.f32 v8, v3  }
0x352: {  	s0 =	spop (v2sf);
	(v2sf) =	vpush v7, $0x2  }
0x353: {  	v6 =	vadd.f32 v8, v6;
	s26 =	sshll.u32 s0, $0x2;
	s28 =	sand.u32 $0x7F, s0;
	s29 =	sadd.s32 $0x10, s0;
	v18 =	vmul.f32 v9, v4  }
0x354: {  	s14 =	sand.u32 $0xFFFFFE00, s26;
	s16 =	sshll.u32 s28, $0x2;
	s31 =	sand.u32 $0x7F, s29  }
0x355: {  	s17 =	sshll.u32 s29, $0x2;
	s29 =	sadd.s32 $0x20, s0;
	s0 =	sadd.s32 $0x30, s0;
	v6 =	vadd.f32 v18, v6;
	v19 =	vmul.f32 v10, v5  }
0x356: {  	s14 =	sor.u32 s16, s14;
	s17 =	sand.u32 $0xFFFFFE00, s17;
	s28 =	sshll.u32 s31, $0x2  }
0x357: {  	s31 =	sand.u32 $0x7F, s29;
	s14 =	sshra.s32 s14, $0x2;
	s16 =	sor.u32 s28, s17;
	v8 =	vadd.f32 v19, v6  }
0x358: {  	s17 =	sshll.u32 s29, $0x2;
	s26 =	sshll.u32 s31, $0x2;
	s29 =	sand.u32 $0x7F, s0  }
0x359: {  	s14 =	sadd.s32 s23, s14;
	s16 =	sshra.s32 s16, $0x2;
	s17 =	sand.u32 $0xFFFFFE00, s17;
	v6 =	vld [tilespmem:s20+$0x0];
	[tilespmem:s23+$0x13780] =	vst v8  }
0x35a: {  	s0 =	sshll.u32 s0, $0x2;
	s16 =	sadd.s32 s23, s16;
	s28 =	sor.u32 s26, s17;
	v8 =	vld [tilespmem:s14+$0xE800]  }
0x35b: {  	s0 =	sand.u32 $0xFFFFFE00, s0;
	s31 =	sshll.u32 s29, $0x2;
	v20 =	vld [tilespmem:s16+$0xE800];
	s14 =	sshra.s32 s28, $0x2  }
0x35c: {  	s0 =	sor.u32 s31, s0;
	s14 =	sadd.s32 s23, s14  }
0x35d: {  	s0 =	sshra.s32 s0, $0x2;
	v21 =	vld [tilespmem:s14+$0xE800]  }
0x35e: {  	s0 =	sadd.s32 s23, s0  }
0x35f: {  	v11 =	vld [tilespmem:s0+$0xE800]  }
0x360: {  	v8 =	vmul.f32 v8, v2;
	v9 =	vmul.f32 v20, v3  }
0x361: {  	s0 =	spop (v2sf);
	(v2sf) =	vpush v7, $0x3  }
0x362: {  	s16 =	sshll.u32 s0, $0x2;
	v8 =	vadd.f32 v9, v8;
	v22 =	vmul.f32 v21, v4;
	s17 =	sand.u32 $0x7F, s0;
	s26 =	sadd.s32 $0x10, s0  }
0x363: {  	s14 =	sand.u32 $0xFFFFFE00, s16;
	s16 =	sshll.u32 s17, $0x2;
	s28 =	sand.u32 $0x7F, s26  }
0x364: {  	v23 =	vmul.f32 v11, v5;
	s17 =	sshll.u32 s26, $0x2;
	s26 =	sadd.s32 $0x20, s0;
	s0 =	sadd.s32 $0x30, s0;
	v8 =	vadd.f32 v22, v8  }
0x365: {  	s14 =	sor.u32 s16, s14;
	s29 =	sand.u32 $0xFFFFFE00, s17;
	s31 =	sshll.u32 s28, $0x2  }
0x366: {  	s28 =	sand.u32 $0x7F, s26;
	s17 =	sshll.u32 s26, $0x2;
	s14 =	sshra.s32 s14, $0x2;
	v8 =	vadd.f32 v23, v8  }
0x367: {  	s16 =	sor.u32 s31, s29;
	s17 =	sand.u32 $0xFFFFFE00, s17;
	s26 =	sshll.u32 s28, $0x2  }
0x368: {  	s31 =	sand.u32 $0x7F, s0;
	s14 =	sadd.s32 s23, s14;
	s16 =	sshra.s32 s16, $0x2;
	[tilespmem:s23+$0x13800] =	vst v8  }
0x369: {  	s0 =	sshll.u32 s0, $0x2;
	s29 =	sor.u32 s26, s17;
	s16 =	sadd.s32 s23, s16;
	v8 =	vld [tilespmem:s14+$0xE880]  }
0x36a: {  	s0 =	sand.u32 $0xFFFFFE00, s0;
	s17 =	sshll.u32 s31, $0x2;
	v24 =	vld [tilespmem:s16+$0xE880];
	s14 =	sshra.s32 s29, $0x2  }
0x36b: {  	s0 =	sor.u32 s17, s0;
	s14 =	sadd.s32 s23, s14  }
0x36c: {  	s0 =	sshra.s32 s0, $0x2;
	v25 =	vld [tilespmem:s14+$0xE880]  }
0x36d: {  	s0 =	sadd.s32 s23, s0  }
0x36e: {  	v26 =	vld [tilespmem:s0+$0xE880]  }
0x36f: {  	v8 =	vmul.f32 v8, v2;
	v9 =	vmul.f32 v24, v3  }
0x370: {  	s0 =	spop (v2sf);
	(v2sf) =	vpush v7, $0x4  }
0x371: {  	v8 =	vadd.f32 v9, v8;
	v27 =	vmul.f32 v25, v4;
	s26 =	sshll.u32 s0, $0x2;
	s28 =	sand.u32 $0x7F, s0;
	s29 =	sadd.s32 $0x10, s0  }
0x372: {  	s14 =	sand.u32 $0xFFFFFE00, s26;
	s16 =	sshll.u32 s28, $0x2;
	s31 =	sand.u32 $0x7F, s29  }
0x373: {  	v28 =	vmul.f32 v26, v5;
	s17 =	sshll.u32 s29, $0x2;
	v8 =	vadd.f32 v27, v8;
	s29 =	sadd.s32 $0x20, s0;
	s0 =	sadd.s32 $0x30, s0  }
0x374: {  	s14 =	sor.u32 s16, s14;
	s17 =	sand.u32 $0xFFFFFE00, s17;
	s28 =	sshll.u32 s31, $0x2  }
0x375: {  	s31 =	sand.u32 $0x7F, s29;
	s14 =	sshra.s32 s14, $0x2;
	s16 =	sor.u32 s28, s17;
	v8 =	vadd.f32 v28, v8  }
0x376: {  	s17 =	sshll.u32 s29, $0x2;
	s26 =	sshll.u32 s31, $0x2;
	s29 =	sand.u32 $0x7F, s0  }
0x377: {  	s14 =	sadd.s32 s23, s14;
	s16 =	sshra.s32 s16, $0x2;
	s17 =	sand.u32 $0xFFFFFE00, s17;
	[tilespmem:s23+$0x13880] =	vst v8  }
0x378: {  	s0 =	sshll.u32 s0, $0x2;
	s16 =	sadd.s32 s23, s16;
	s28 =	sor.u32 s26, s17;
	v8 =	vld [tilespmem:s14+$0xE900]  }
0x379: {  	s0 =	sand.u32 $0xFFFFFE00, s0;
	s31 =	sshll.u32 s29, $0x2;
	v29 =	vld [tilespmem:s16+$0xE900];
	s14 =	sshra.s32 s28, $0x2  }
0x37a: {  	s0 =	sor.u32 s31, s0;
	s14 =	sadd.s32 s23, s14  }
0x37b: {  	s0 =	sshra.s32 s0, $0x2;
	v30 =	vld [tilespmem:s14+$0xE900]  }
0x37c: {  	s0 =	sadd.s32 s23, s0  }
0x37d: {  	v31 =	vld [tilespmem:s0+$0xE900]  }
0x37e: {  	v8 =	vmul.f32 v8, v2;
	v9 =	vmul.f32 v29, v3  }
0x37f: {  	s0 =	spop (v2sf);
	(v2sf) =	vpush v7, $0x5  }
0x380: {  	v8 =	vadd.f32 v9, v8;
	v32 =	vmul.f32 v30, v4;
	s16 =	sshll.u32 s0, $0x2;
	s17 =	sand.u32 $0x7F, s0;
	s26 =	sadd.s32 $0x10, s0  }
0x381: {  	s14 =	sand.u32 $0xFFFFFE00, s16;
	s16 =	sshll.u32 s17, $0x2;
	s28 =	sand.u32 $0x7F, s26  }
0x382: {  	v33 =	vmul.f32 v31, v5;
	v8 =	vadd.f32 v32, v8;
	s17 =	sshll.u32 s26, $0x2;
	s26 =	sadd.s32 $0x20, s0;
	s0 =	sadd.s32 $0x30, s0  }
0x383: {  	s14 =	sor.u32 s16, s14;
	s29 =	sand.u32 $0xFFFFFE00, s17;
	s31 =	sshll.u32 s28, $0x2  }
0x384: {  	v8 =	vadd.f32 v33, v8;
	s28 =	sand.u32 $0x7F, s26;
	s17 =	sshll.u32 s26, $0x2;
	s14 =	sshra.s32 s14, $0x2  }
0x385: {  	s16 =	sor.u32 s31, s29;
	s17 =	sand.u32 $0xFFFFFE00, s17;
	s26 =	sshll.u32 s28, $0x2  }
0x386: {  	s31 =	sand.u32 $0x7F, s0;
	s14 =	sadd.s32 s23, s14;
	s16 =	sshra.s32 s16, $0x2;
	[tilespmem:s23+$0x13900] =	vst v8  }
0x387: {  	s0 =	sshll.u32 s0, $0x2;
	s29 =	sor.u32 s26, s17;
	s16 =	sadd.s32 s23, s16;
	v8 =	vld [tilespmem:s14+$0xE980]  }
0x388: {  	s0 =	sand.u32 $0xFFFFFE00, s0;
	s17 =	sshll.u32 s31, $0x2;
	s14 =	sshra.s32 s29, $0x2;
	v34 =	vld [tilespmem:s16+$0xE980]  }
0x389: {  	s0 =	sor.u32 s17, s0;
	s14 =	sadd.s32 s23, s14  }
0x38a: {  	s0 =	sshra.s32 s0, $0x2;
	v35 =	vld [tilespmem:s14+$0xE980]  }
0x38b: {  	s0 =	sadd.s32 s23, s0  }
0x38c: {  	v36 =	vld [tilespmem:s0+$0xE980]  }
0x38d: {  	v8 =	vmul.f32 v8, v2;
	v9 =	vmul.f32 v34, v3  }
0x38e: {  	s0 =	spop (v2sf);
	(v2sf) =	vpush v7, $0x6  }
0x38f: {  	v37 =	vmul.f32 v35, v4;
	v8 =	vadd.f32 v9, v8;
	s26 =	sshll.u32 s0, $0x2;
	s28 =	sand.u32 $0x7F, s0;
	s29 =	sadd.s32 $0x10, s0  }
0x390: {  	s14 =	sand.u32 $0xFFFFFE00, s26;
	s16 =	sshll.u32 s28, $0x2;
	s31 =	sand.u32 $0x7F, s29  }
0x391: {  	v38 =	vmul.f32 v36, v5;
	v8 =	vadd.f32 v37, v8;
	s17 =	sshll.u32 s29, $0x2;
	s29 =	sadd.s32 $0x20, s0;
	s0 =	sadd.s32 $0x30, s0  }
0x392: {  	s14 =	sor.u32 s16, s14;
	s17 =	sand.u32 $0xFFFFFE00, s17;
	s28 =	sshll.u32 s31, $0x2  }
0x393: {  	v8 =	vadd.f32 v38, v8;
	s31 =	sand.u32 $0x7F, s29;
	s14 =	sshra.s32 s14, $0x2;
	s16 =	sor.u32 s28, s17  }
0x394: {  	s17 =	sshll.u32 s29, $0x2;
	s26 =	sshll.u32 s31, $0x2;
	s29 =	sand.u32 $0x7F, s0  }
0x395: {  	s14 =	sadd.s32 s23, s14;
	s16 =	sshra.s32 s16, $0x2;
	[tilespmem:s23+$0x13980] =	vst v8;
	s17 =	sand.u32 $0xFFFFFE00, s17  }
0x396: {  	s0 =	sshll.u32 s0, $0x2;
	s16 =	sadd.s32 s23, s16;
	v8 =	vld [tilespmem:s14+$0xEA00];
	s28 =	sor.u32 s26, s17  }
0x397: {  	s0 =	sand.u32 $0xFFFFFE00, s0;
	s31 =	sshll.u32 s29, $0x2;
	v39 =	vld [tilespmem:s16+$0xEA00];
	s14 =	sshra.s32 s28, $0x2  }
0x398: {  	s0 =	sor.u32 s31, s0;
	s14 =	sadd.s32 s23, s14  }
0x399: {  	s0 =	sshra.s32 s0, $0x2;
	v40 =	vld [tilespmem:s14+$0xEA00]  }
0x39a: {  	s0 =	sadd.s32 s23, s0  }
0x39b: {  	v41 =	vld [tilespmem:s0+$0xEA00]  }
0x39c: {  	v8 =	vmul.f32 v8, v2;
	v9 =	vmul.f32 v39, v3  }
0x39d: {  	s0 =	spop (v2sf);
	(v2sf) =	vpush v7, $0x7  }
0x39e: {  	v8 =	vadd.f32 v9, v8;
	v42 =	vmul.f32 v40, v4;
	s16 =	sshll.u32 s0, $0x2;
	s17 =	sand.u32 $0x7F, s0;
	s26 =	sadd.s32 $0x10, s0  }
0x39f: {  	s14 =	sand.u32 $0xFFFFFE00, s16;
	s16 =	sshll.u32 s17, $0x2;
	s28 =	sand.u32 $0x7F, s26  }
0x3a0: {  	v43 =	vmul.f32 v41, v5;
	v8 =	vadd.f32 v42, v8;
	s17 =	sshll.u32 s26, $0x2;
	s26 =	sadd.s32 $0x20, s0;
	s0 =	sadd.s32 $0x30, s0  }
0x3a1: {  	s14 =	sor.u32 s16, s14;
	s29 =	sand.u32 $0xFFFFFE00, s17;
	s31 =	sshll.u32 s28, $0x2  }
0x3a2: {  	v8 =	vadd.f32 v43, v8;
	s28 =	sand.u32 $0x7F, s26;
	s17 =	sshll.u32 s26, $0x2;
	s14 =	sshra.s32 s14, $0x2  }
0x3a3: {  	s16 =	sor.u32 s31, s29;
	s17 =	sand.u32 $0xFFFFFE00, s17;
	s26 =	sshll.u32 s28, $0x2  }
0x3a4: {  	s31 =	sand.u32 $0x7F, s0;
	s14 =	sadd.s32 s23, s14;
	s16 =	sshra.s32 s16, $0x2;
	[tilespmem:s23+$0x13A00] =	vst v8  }
0x3a5: {  	s0 =	sshll.u32 s0, $0x2;
	s29 =	sor.u32 s26, s17;
	s16 =	sadd.s32 s23, s16;
	v8 =	vld [tilespmem:s14+$0xEA80]  }
0x3a6: {  	s0 =	sand.u32 $0xFFFFFE00, s0;
	s17 =	sshll.u32 s31, $0x2;
	s14 =	sshra.s32 s29, $0x2;
	v44 =	vld [tilespmem:s16+$0xEA80]  }
0x3a7: {  	s0 =	sor.u32 s17, s0;
	s14 =	sadd.s32 s23, s14  }
0x3a8: {  	s0 =	sshra.s32 s0, $0x2;
	v45 =	vld [tilespmem:s14+$0xEA80]  }
0x3a9: {  	s0 =	sadd.s32 s23, s0  }
0x3aa: {  	v46 =	vld [tilespmem:s0+$0xEA80]  }
0x3ab: {  	v8 =	vmul.f32 v8, v2;
	v9 =	vmul.f32 v44, v3  }
0x3ac: {  	s0 =	spop (v2sf);
	(v2sf) =	vpush v7, $0x8  }
0x3ad: {  	v47 =	vmul.f32 v45, v4;
	v8 =	vadd.f32 v9, v8;
	s26 =	sshll.u32 s0, $0x2;
	s28 =	sand.u32 $0x7F, s0;
	s29 =	sadd.s32 $0x10, s0  }
0x3ae: {  	s14 =	sand.u32 $0xFFFFFE00, s26;
	s16 =	sshll.u32 s28, $0x2;
	s31 =	sand.u32 $0x7F, s29  }
0x3af: {  	v48 =	vmul.f32 v46, v5;
	v8 =	vadd.f32 v47, v8;
	s17 =	sshll.u32 s29, $0x2;
	s29 =	sadd.s32 $0x20, s0;
	s0 =	sadd.s32 $0x30, s0  }
0x3b0: {  	s14 =	sor.u32 s16, s14;
	s17 =	sand.u32 $0xFFFFFE00, s17;
	s28 =	sshll.u32 s31, $0x2  }
0x3b1: {  	v8 =	vadd.f32 v48, v8;
	s31 =	sand.u32 $0x7F, s29;
	s14 =	sshra.s32 s14, $0x2;
	s16 =	sor.u32 s28, s17  }
0x3b2: {  	s17 =	sshll.u32 s29, $0x2;
	s26 =	sshll.u32 s31, $0x2;
	s29 =	sand.u32 $0x7F, s0  }
0x3b3: {  	s14 =	sadd.s32 s23, s14;
	s16 =	sshra.s32 s16, $0x2;
	[tilespmem:s23+$0x13A80] =	vst v8;
	s17 =	sand.u32 $0xFFFFFE00, s17  }
0x3b4: {  	s0 =	sshll.u32 s0, $0x2;
	s16 =	sadd.s32 s23, s16;
	v8 =	vld [tilespmem:s14+$0xEB00];
	s28 =	sor.u32 s26, s17  }
0x3b5: {  	s0 =	sand.u32 $0xFFFFFE00, s0;
	s31 =	sshll.u32 s29, $0x2;
	v49 =	vld [tilespmem:s16+$0xEB00];
	s14 =	sshra.s32 s28, $0x2  }
0x3b6: {  	s0 =	sor.u32 s31, s0;
	s14 =	sadd.s32 s23, s14  }
0x3b7: {  	s0 =	sshra.s32 s0, $0x2;
	v50 =	vld [tilespmem:s14+$0xEB00]  }
0x3b8: {  	s0 =	sadd.s32 s23, s0  }
0x3b9: {  	v51 =	vld [tilespmem:s0+$0xEB00]  }
0x3ba: {  	v8 =	vmul.f32 v8, v2;
	v9 =	vmul.f32 v49, v3  }
0x3bb: {  	s0 =	spop (v2sf);
	(v2sf) =	vpush v7, $0x9  }
0x3bc: {  	v8 =	vadd.f32 v9, v8;
	v52 =	vmul.f32 v50, v4;
	s16 =	sshll.u32 s0, $0x2;
	s17 =	sand.u32 $0x7F, s0;
	s26 =	sadd.s32 $0x10, s0  }
0x3bd: {  	s14 =	sand.u32 $0xFFFFFE00, s16;
	s16 =	sshll.u32 s17, $0x2;
	s28 =	sand.u32 $0x7F, s26  }
0x3be: {  	v53 =	vmul.f32 v51, v5;
	v8 =	vadd.f32 v52, v8;
	s17 =	sshll.u32 s26, $0x2;
	s26 =	sadd.s32 $0x20, s0;
	s0 =	sadd.s32 $0x30, s0  }
0x3bf: {  	s14 =	sor.u32 s16, s14;
	s29 =	sand.u32 $0xFFFFFE00, s17;
	s31 =	sshll.u32 s28, $0x2  }
0x3c0: {  	v8 =	vadd.f32 v53, v8;
	s28 =	sand.u32 $0x7F, s26;
	s17 =	sshll.u32 s26, $0x2;
	s14 =	sshra.s32 s14, $0x2  }
0x3c1: {  	s16 =	sor.u32 s31, s29;
	s17 =	sand.u32 $0xFFFFFE00, s17;
	s26 =	sshll.u32 s28, $0x2  }
0x3c2: {  	s31 =	sand.u32 $0x7F, s0;
	s14 =	sadd.s32 s23, s14;
	s16 =	sshra.s32 s16, $0x2;
	[tilespmem:s23+$0x13B00] =	vst v8  }
0x3c3: {  	s0 =	sshll.u32 s0, $0x2;
	s29 =	sor.u32 s26, s17;
	s16 =	sadd.s32 s23, s16;
	v8 =	vld [tilespmem:s14+$0xEB80]  }
0x3c4: {  	s0 =	sand.u32 $0xFFFFFE00, s0;
	s17 =	sshll.u32 s31, $0x2;
	s14 =	sshra.s32 s29, $0x2;
	v54 =	vld [tilespmem:s16+$0xEB80]  }
0x3c5: {  	s0 =	sor.u32 s17, s0;
	s14 =	sadd.s32 s23, s14  }
0x3c6: {  	s0 =	sshra.s32 s0, $0x2;
	v55 =	vld [tilespmem:s14+$0xEB80]  }
0x3c7: {  	s0 =	sadd.s32 s23, s0  }
0x3c8: {  	v56 =	vld [tilespmem:s0+$0xEB80]  }
0x3c9: {  	v8 =	vmul.f32 v8, v2;
	v9 =	vmul.f32 v54, v3  }
0x3ca: {  	s0 =	spop (v2sf);
	(v2sf) =	vpush v7, $0xA  }
0x3cb: {  	v57 =	vmul.f32 v55, v4;
	v8 =	vadd.f32 v9, v8;
	s26 =	sshll.u32 s0, $0x2;
	s28 =	sand.u32 $0x7F, s0;
	s29 =	sadd.s32 $0x10, s0  }
0x3cc: {  	s14 =	sand.u32 $0xFFFFFE00, s26;
	s16 =	sshll.u32 s28, $0x2;
	s31 =	sand.u32 $0x7F, s29  }
0x3cd: {  	v58 =	vmul.f32 v56, v5;
	v8 =	vadd.f32 v57, v8;
	s17 =	sshll.u32 s29, $0x2;
	s29 =	sadd.s32 $0x20, s0;
	s0 =	sadd.s32 $0x30, s0  }
0x3ce: {  	s14 =	sor.u32 s16, s14;
	s17 =	sand.u32 $0xFFFFFE00, s17;
	s28 =	sshll.u32 s31, $0x2  }
0x3cf: {  	v8 =	vadd.f32 v58, v8;
	s31 =	sand.u32 $0x7F, s29;
	s14 =	sshra.s32 s14, $0x2;
	s16 =	sor.u32 s28, s17  }
0x3d0: {  	s17 =	sshll.u32 s29, $0x2;
	s26 =	sshll.u32 s31, $0x2;
	s29 =	sand.u32 $0x7F, s0  }
0x3d1: {  	s14 =	sadd.s32 s23, s14;
	s16 =	sshra.s32 s16, $0x2;
	[tilespmem:s23+$0x13B80] =	vst v8;
	s17 =	sand.u32 $0xFFFFFE00, s17  }
0x3d2: {  	s0 =	sshll.u32 s0, $0x2;
	s16 =	sadd.s32 s23, s16;
	v8 =	vld [tilespmem:s14+$0xEC00];
	s28 =	sor.u32 s26, s17  }
0x3d3: {  	s0 =	sand.u32 $0xFFFFFE00, s0;
	s31 =	sshll.u32 s29, $0x2;
	v59 =	vld [tilespmem:s16+$0xEC00];
	s14 =	sshra.s32 s28, $0x2  }
0x3d4: {  	s0 =	sor.u32 s31, s0;
	s14 =	sadd.s32 s23, s14  }
0x3d5: {  	s0 =	sshra.s32 s0, $0x2;
	v60 =	vld [tilespmem:s14+$0xEC00]  }
0x3d6: {  	s0 =	sadd.s32 s23, s0  }
0x3d7: {  	v61 =	vld [tilespmem:s0+$0xEC00]  }
0x3d8: {  	v8 =	vmul.f32 v8, v2;
	v9 =	vmul.f32 v59, v3  }
0x3d9: {  	s0 =	spop (v2sf);
	(v2sf) =	vpush v7, $0xB  }
0x3da: {  	v8 =	vadd.f32 v9, v8;
	v62 =	vmul.f32 v60, v4;
	s16 =	sshll.u32 s0, $0x2;
	s17 =	sand.u32 $0x7F, s0;
	s26 =	sadd.s32 $0x10, s0  }
0x3db: {  	s14 =	sand.u32 $0xFFFFFE00, s16;
	s16 =	sshll.u32 s17, $0x2;
	s28 =	sand.u32 $0x7F, s26  }
0x3dc: {  	v63 =	vmul.f32 v61, v5;
	v8 =	vadd.f32 v62, v8;
	s17 =	sshll.u32 s26, $0x2;
	s26 =	sadd.s32 $0x20, s0;
	s0 =	sadd.s32 $0x30, s0  }
0x3dd: {  	s14 =	sor.u32 s16, s14;
	s29 =	sand.u32 $0xFFFFFE00, s17;
	s31 =	sshll.u32 s28, $0x2  }
0x3de: {  	v8 =	vadd.f32 v63, v8;
	s28 =	sand.u32 $0x7F, s26;
	s17 =	sshll.u32 s26, $0x2;
	s14 =	sshra.s32 s14, $0x2  }
0x3df: {  	s16 =	sor.u32 s31, s29;
	s17 =	sand.u32 $0xFFFFFE00, s17;
	s26 =	sshll.u32 s28, $0x2  }
0x3e0: {  	s31 =	sand.u32 $0x7F, s0;
	s14 =	sadd.s32 s23, s14;
	s16 =	sshra.s32 s16, $0x2;
	[tilespmem:s23+$0x13C00] =	vst v8  }
0x3e1: {  	s0 =	sshll.u32 s0, $0x2;
	s29 =	sor.u32 s26, s17;
	s16 =	sadd.s32 s23, s16;
	v8 =	vld [tilespmem:s14+$0xEC80]  }
0x3e2: {  	s0 =	sand.u32 $0xFFFFFE00, s0;
	s17 =	sshll.u32 s31, $0x2;
	s14 =	sshra.s32 s29, $0x2;
	v12 =	vld [tilespmem:s16+$0xEC80]  }
0x3e3: {  	s0 =	sor.u32 s17, s0;
	s14 =	sadd.s32 s23, s14  }
0x3e4: {  	s0 =	sshra.s32 s0, $0x2;
	v13 =	vld [tilespmem:s14+$0xEC80]  }
0x3e5: {  	s0 =	sadd.s32 s23, s0  }
0x3e6: {  	v14 =	vld [tilespmem:s0+$0xEC80]  }
0x3e7: {  	v8 =	vmul.f32 v8, v2;
	v9 =	vmul.f32 v12, v3  }
0x3e8: {  	s0 =	spop (v2sf);
	(v2sf) =	vpush v7, $0xC  }
0x3e9: {  	v15 =	vmul.f32 v13, v4;
	v8 =	vadd.f32 v9, v8;
	s26 =	sshll.u32 s0, $0x2;
	s28 =	sand.u32 $0x7F, s0;
	s29 =	sadd.s32 $0x10, s0  }
0x3ea: {  	s14 =	sand.u32 $0xFFFFFE00, s26;
	s16 =	sshll.u32 s28, $0x2;
	s31 =	sand.u32 $0x7F, s29  }
0x3eb: {  	v16 =	vmul.f32 v14, v5;
	v8 =	vadd.f32 v15, v8;
	s17 =	sshll.u32 s29, $0x2;
	s29 =	sadd.s32 $0x20, s0;
	s0 =	sadd.s32 $0x30, s0  }
0x3ec: {  	s14 =	sor.u32 s16, s14;
	s17 =	sand.u32 $0xFFFFFE00, s17;
	s28 =	sshll.u32 s31, $0x2  }
0x3ed: {  	v8 =	vadd.f32 v16, v8;
	s31 =	sand.u32 $0x7F, s29;
	s14 =	sshra.s32 s14, $0x2;
	s16 =	sor.u32 s28, s17  }
0x3ee: {  	s17 =	sshll.u32 s29, $0x2;
	s26 =	sshll.u32 s31, $0x2;
	s29 =	sand.u32 $0x7F, s0  }
0x3ef: {  	s14 =	sadd.s32 s23, s14;
	s16 =	sshra.s32 s16, $0x2;
	[tilespmem:s23+$0x13C80] =	vst v8;
	s17 =	sand.u32 $0xFFFFFE00, s17  }
0x3f0: {  	s0 =	sshll.u32 s0, $0x2;
	s16 =	sadd.s32 s23, s16;
	v8 =	vld [tilespmem:s14+$0xED00];
	s28 =	sor.u32 s26, s17  }
0x3f1: {  	s0 =	sand.u32 $0xFFFFFE00, s0;
	s31 =	sshll.u32 s29, $0x2;
	v17 =	vld [tilespmem:s16+$0xED00];
	s14 =	sshra.s32 s28, $0x2  }
0x3f2: {  	s0 =	sor.u32 s31, s0;
	s14 =	sadd.s32 s23, s14  }
0x3f3: {  	s0 =	sshra.s32 s0, $0x2;
	v18 =	vld [tilespmem:s14+$0xED00]  }
0x3f4: {  	s0 =	sadd.s32 s23, s0  }
0x3f5: {  	v19 =	vld [tilespmem:s0+$0xED00]  }
0x3f6: {  	v8 =	vmul.f32 v8, v2;
	v9 =	vmul.f32 v17, v3  }
0x3f7: {  	s0 =	spop (v2sf);
	(v2sf) =	vpush v7, $0xD  }
0x3f8: {  	v8 =	vadd.f32 v9, v8;
	v20 =	vmul.f32 v18, v4;
	s16 =	sshll.u32 s0, $0x2;
	s17 =	sand.u32 $0x7F, s0;
	s26 =	sadd.s32 $0x10, s0  }
0x3f9: {  	s14 =	sand.u32 $0xFFFFFE00, s16;
	s16 =	sshll.u32 s17, $0x2;
	s28 =	sand.u32 $0x7F, s26  }
0x3fa: {  	v21 =	vmul.f32 v19, v5;
	v8 =	vadd.f32 v20, v8;
	s17 =	sshll.u32 s26, $0x2;
	s26 =	sadd.s32 $0x20, s0;
	s0 =	sadd.s32 $0x30, s0  }
0x3fb: {  	s14 =	sor.u32 s16, s14;
	s29 =	sand.u32 $0xFFFFFE00, s17;
	s31 =	sshll.u32 s28, $0x2  }
0x3fc: {  	v8 =	vadd.f32 v21, v8;
	s28 =	sand.u32 $0x7F, s26;
	s17 =	sshll.u32 s26, $0x2;
	s14 =	sshra.s32 s14, $0x2  }
0x3fd: {  	s16 =	sor.u32 s31, s29;
	s17 =	sand.u32 $0xFFFFFE00, s17;
	s26 =	sshll.u32 s28, $0x2  }
0x3fe: {  	s31 =	sand.u32 $0x7F, s0;
	s14 =	sadd.s32 s23, s14;
	s16 =	sshra.s32 s16, $0x2;
	[tilespmem:s23+$0x13D00] =	vst v8  }
0x3ff: {  	s0 =	sshll.u32 s0, $0x2;
	s29 =	sor.u32 s26, s17;
	s16 =	sadd.s32 s23, s16;
	v8 =	vld [tilespmem:s14+$0xED80]  }
0x400: {  	s0 =	sand.u32 $0xFFFFFE00, s0;
	s17 =	sshll.u32 s31, $0x2;
	s14 =	sshra.s32 s29, $0x2;
	v22 =	vld [tilespmem:s16+$0xED80]  }
0x401: {  	s0 =	sor.u32 s17, s0;
	s14 =	sadd.s32 s23, s14  }
0x402: {  	s0 =	sshra.s32 s0, $0x2;
	v23 =	vld [tilespmem:s14+$0xED80]  }
0x403: {  	s0 =	sadd.s32 s23, s0  }
0x404: {  	v24 =	vld [tilespmem:s0+$0xED80]  }
0x405: {  	v8 =	vmul.f32 v8, v2;
	v9 =	vmul.f32 v22, v3  }
0x406: {  	(v2sf) =	vpush v7, $0xE;
	s0 =	spop (v2sf)  }
0x407: {  	v25 =	vmul.f32 v23, v4;
	v8 =	vadd.f32 v9, v8;
	s26 =	sshll.u32 s0, $0x2;
	s28 =	sand.u32 $0x7F, s0;
	s29 =	sadd.s32 $0x10, s0  }
0x408: {  	s14 =	sand.u32 $0xFFFFFE00, s26;
	s16 =	sshll.u32 s28, $0x2;
	s31 =	sand.u32 $0x7F, s29  }
0x409: {  	v26 =	vmul.f32 v24, v5;
	v8 =	vadd.f32 v25, v8;
	s17 =	sshll.u32 s29, $0x2;
	s29 =	sadd.s32 $0x20, s0;
	s0 =	sadd.s32 $0x30, s0  }
0x40a: {  	s14 =	sor.u32 s16, s14;
	s17 =	sand.u32 $0xFFFFFE00, s17;
	s28 =	sshll.u32 s31, $0x2  }
0x40b: {  	v8 =	vadd.f32 v26, v8;
	s31 =	sand.u32 $0x7F, s29;
	s14 =	sshra.s32 s14, $0x2;
	s16 =	sor.u32 s28, s17  }
0x40c: {  	s17 =	sshll.u32 s29, $0x2;
	s26 =	sshll.u32 s31, $0x2;
	s29 =	sand.u32 $0x7F, s0  }
0x40d: {  	s14 =	sadd.s32 s23, s14;
	s16 =	sshra.s32 s16, $0x2;
	[tilespmem:s23+$0x13D80] =	vst v8;
	s17 =	sand.u32 $0xFFFFFE00, s17  }
0x40e: {  	s0 =	sshll.u32 s0, $0x2;
	s16 =	sadd.s32 s23, s16;
	v8 =	vld [tilespmem:s14+$0xEE00];
	s28 =	sor.u32 s26, s17  }
0x40f: {  	s0 =	sand.u32 $0xFFFFFE00, s0;
	s31 =	sshll.u32 s29, $0x2;
	v27 =	vld [tilespmem:s16+$0xEE00];
	s14 =	sshra.s32 s28, $0x2  }
0x410: {  	s0 =	sor.u32 s31, s0;
	s14 =	sadd.s32 s23, s14  }
0x411: {  	s0 =	sshra.s32 s0, $0x2;
	v28 =	vld [tilespmem:s14+$0xEE00]  }
0x412: {  	s0 =	sadd.s32 s23, s0  }
0x413: {  	v29 =	vld [tilespmem:s0+$0xEE00]  }
0x414: {  	v30 =	vmul.f32 v8, v2;
	v31 =	vmul.f32 v27, v3  }
0x415: {  	(v2sf) =	vpush v7, $0xF;
	s0 =	spop (v2sf)  }
0x416: {  	s16 =	sshll.u32 s0, $0x2;
	s17 =	sand.u32 $0x7F, s0;
	s26 =	sadd.s32 $0x10, s0;
	v7 =	vadd.f32 v31, v30;
	v32 =	vmul.f32 v28, v4  }
0x417: {  	s14 =	sand.u32 $0xFFFFFE00, s16;
	s16 =	sshll.u32 s17, $0x2;
	s28 =	sand.u32 $0x7F, s26  }
0x418: {  	s17 =	sshll.u32 s26, $0x2;
	s26 =	sadd.s32 $0x20, s0;
	s0 =	sadd.s32 $0x30, s0;
	v33 =	vmul.f32 v29, v5;
	v7 =	vadd.f32 v32, v7  }
0x419: {  	s14 =	sor.u32 s16, s14;
	s29 =	sand.u32 $0xFFFFFE00, s17;
	s31 =	sshll.u32 s28, $0x2  }
0x41a: {  	s28 =	sand.u32 $0x7F, s26;
	s17 =	sshll.u32 s26, $0x2;
	s14 =	sshra.s32 s14, $0x2;
	v7 =	vadd.f32 v33, v7  }
0x41b: {  	s16 =	sor.u32 s31, s29;
	s17 =	sand.u32 $0xFFFFFE00, s17;
	s26 =	sshll.u32 s28, $0x2  }
0x41c: {  	s31 =	sand.u32 $0x7F, s0;
	s14 =	sadd.s32 s23, s14;
	s16 =	sshra.s32 s16, $0x2;
	[tilespmem:s23+$0x13E00] =	vst v7  }
0x41d: {  	s0 =	sshll.u32 s0, $0x2;
	s29 =	sor.u32 s26, s17;
	s16 =	sadd.s32 s23, s16;
	v7 =	vld [tilespmem:s14+$0xEE80]  }
0x41e: {  	s0 =	sand.u32 $0xFFFFFE00, s0;
	s17 =	sshll.u32 s31, $0x2;
	v34 =	vld [tilespmem:s16+$0xEE80];
	s14 =	sshra.s32 s29, $0x2  }
0x41f: {  	s0 =	sor.u32 s17, s0;
	s14 =	sadd.s32 s23, s14  }
0x420: {  	s0 =	sshra.s32 s0, $0x2;
	v35 =	vld [tilespmem:s14+$0xEE80]  }
0x421: {  	s0 =	sadd.s32 s23, s0  }
0x422: {  	v36 =	vld [tilespmem:s0+$0xEE80]  }
0x423: {  	v7 =	vmul.f32 v7, v2;
	v8 =	vmul.f32 v34, v3  }
0x424: {  	s0 =	spop (v2sf);
	(v2sf) =	vpush v6, $0x0  }
0x425: {  	s26 =	sshll.u32 s0, $0x2;
	s28 =	sand.u32 $0x7F, s0;
	s29 =	sadd.s32 $0x10, s0;
	v7 =	vadd.f32 v8, v7;
	v37 =	vmul.f32 v35, v4  }
0x426: {  	s14 =	sand.u32 $0xFFFFFE00, s26;
	s16 =	sshll.u32 s28, $0x2;
	s31 =	sand.u32 $0x7F, s29  }
0x427: {  	s17 =	sshll.u32 s29, $0x2;
	s29 =	sadd.s32 $0x20, s0;
	s0 =	sadd.s32 $0x30, s0;
	v38 =	vmul.f32 v36, v5;
	v7 =	vadd.f32 v37, v7  }
0x428: {  	s14 =	sor.u32 s16, s14;
	s17 =	sand.u32 $0xFFFFFE00, s17;
	s28 =	sshll.u32 s31, $0x2  }
0x429: {  	s31 =	sand.u32 $0x7F, s29;
	s14 =	sshra.s32 s14, $0x2;
	s16 =	sor.u32 s28, s17;
	v7 =	vadd.f32 v38, v7  }
0x42a: {  	s17 =	sshll.u32 s29, $0x2;
	s26 =	sshll.u32 s31, $0x2;
	s29 =	sand.u32 $0x7F, s0  }
0x42b: {  	s14 =	sadd.s32 s23, s14;
	s16 =	sshra.s32 s16, $0x2;
	s17 =	sand.u32 $0xFFFFFE00, s17;
	[tilespmem:s23+$0x13E80] =	vst v7  }
0x42c: {  	s0 =	sshll.u32 s0, $0x2;
	s16 =	sadd.s32 s23, s16;
	s28 =	sor.u32 s26, s17;
	v7 =	vld [tilespmem:s14+$0xEF00]  }
0x42d: {  	s0 =	sand.u32 $0xFFFFFE00, s0;
	s31 =	sshll.u32 s29, $0x2;
	v39 =	vld [tilespmem:s16+$0xEF00];
	s14 =	sshra.s32 s28, $0x2  }
0x42e: {  	s0 =	sor.u32 s31, s0;
	s14 =	sadd.s32 s23, s14  }
0x42f: {  	s0 =	sshra.s32 s0, $0x2;
	v40 =	vld [tilespmem:s14+$0xEF00]  }
0x430: {  	s0 =	sadd.s32 s23, s0  }
0x431: {  	v41 =	vld [tilespmem:s0+$0xEF00]  }
0x432: {  	v7 =	vmul.f32 v7, v2;
	v8 =	vmul.f32 v39, v3  }
0x433: {  	s0 =	spop (v2sf);
	(v2sf) =	vpush v6, $0x1  }
0x434: {  	s16 =	sshll.u32 s0, $0x2;
	s17 =	sand.u32 $0x7F, s0;
	s26 =	sadd.s32 $0x10, s0;
	v7 =	vadd.f32 v8, v7;
	v42 =	vmul.f32 v40, v4  }
0x435: {  	s14 =	sand.u32 $0xFFFFFE00, s16;
	s16 =	sshll.u32 s17, $0x2;
	s28 =	sand.u32 $0x7F, s26  }
0x436: {  	s17 =	sshll.u32 s26, $0x2;
	s26 =	sadd.s32 $0x20, s0;
	s0 =	sadd.s32 $0x30, s0;
	v43 =	vmul.f32 v41, v5;
	v7 =	vadd.f32 v42, v7  }
0x437: {  	s14 =	sor.u32 s16, s14;
	s29 =	sand.u32 $0xFFFFFE00, s17;
	s31 =	sshll.u32 s28, $0x2  }
0x438: {  	s28 =	sand.u32 $0x7F, s26;
	s17 =	sshll.u32 s26, $0x2;
	s14 =	sshra.s32 s14, $0x2;
	v7 =	vadd.f32 v43, v7  }
0x439: {  	s16 =	sor.u32 s31, s29;
	s17 =	sand.u32 $0xFFFFFE00, s17;
	s26 =	sshll.u32 s28, $0x2  }
0x43a: {  	s31 =	sand.u32 $0x7F, s0;
	s14 =	sadd.s32 s23, s14;
	s16 =	sshra.s32 s16, $0x2;
	[tilespmem:s23+$0x13F00] =	vst v7  }
0x43b: {  	s0 =	sshll.u32 s0, $0x2;
	s29 =	sor.u32 s26, s17;
	s16 =	sadd.s32 s23, s16;
	v7 =	vld [tilespmem:s14+$0xEF80]  }
0x43c: {  	s0 =	sand.u32 $0xFFFFFE00, s0;
	s17 =	sshll.u32 s31, $0x2;
	v44 =	vld [tilespmem:s16+$0xEF80];
	s14 =	sshra.s32 s29, $0x2  }
0x43d: {  	s0 =	sor.u32 s17, s0;
	s14 =	sadd.s32 s23, s14  }
0x43e: {  	s0 =	sshra.s32 s0, $0x2;
	v45 =	vld [tilespmem:s14+$0xEF80]  }
0x43f: {  	s0 =	sadd.s32 s23, s0  }
0x440: {  	v46 =	vld [tilespmem:s0+$0xEF80]  }
0x441: {  	v7 =	vmul.f32 v7, v2;
	v8 =	vmul.f32 v44, v3  }
0x442: {  	(v2sf) =	vpush v6, $0x2;
	s0 =	spop (v2sf)  }
0x443: {  	s26 =	sshll.u32 s0, $0x2;
	s28 =	sand.u32 $0x7F, s0;
	s29 =	sadd.s32 $0x10, s0;
	v7 =	vadd.f32 v8, v7;
	v47 =	vmul.f32 v45, v4  }
0x444: {  	s14 =	sand.u32 $0xFFFFFE00, s26;
	s16 =	sshll.u32 s28, $0x2;
	s31 =	sand.u32 $0x7F, s29  }
0x445: {  	s17 =	sshll.u32 s29, $0x2;
	s29 =	sadd.s32 $0x20, s0;
	s0 =	sadd.s32 $0x30, s0;
	v48 =	vmul.f32 v46, v5;
	v7 =	vadd.f32 v47, v7  }
0x446: {  	s14 =	sor.u32 s16, s14;
	s17 =	sand.u32 $0xFFFFFE00, s17;
	s28 =	sshll.u32 s31, $0x2  }
0x447: {  	s31 =	sand.u32 $0x7F, s29;
	s14 =	sshra.s32 s14, $0x2;
	s16 =	sor.u32 s28, s17;
	v7 =	vadd.f32 v48, v7  }
0x448: {  	s17 =	sshll.u32 s29, $0x2;
	s26 =	sshll.u32 s31, $0x2;
	s29 =	sand.u32 $0x7F, s0  }
0x449: {  	s14 =	sadd.s32 s23, s14;
	s16 =	sshra.s32 s16, $0x2;
	s17 =	sand.u32 $0xFFFFFE00, s17;
	[tilespmem:s23+$0x13F80] =	vst v7  }
0x44a: {  	s0 =	sshll.u32 s0, $0x2;
	s16 =	sadd.s32 s23, s16;
	s28 =	sor.u32 s26, s17;
	v7 =	vld [tilespmem:s14+$0xF000]  }
0x44b: {  	s0 =	sand.u32 $0xFFFFFE00, s0;
	s31 =	sshll.u32 s29, $0x2;
	v49 =	vld [tilespmem:s16+$0xF000];
	s14 =	sshra.s32 s28, $0x2  }
0x44c: {  	s0 =	sor.u32 s31, s0;
	s14 =	sadd.s32 s23, s14  }
0x44d: {  	s0 =	sshra.s32 s0, $0x2;
	v50 =	vld [tilespmem:s14+$0xF000]  }
0x44e: {  	s0 =	sadd.s32 s23, s0  }
0x44f: {  	v51 =	vld [tilespmem:s0+$0xF000]  }
0x450: {  	v52 =	vmul.f32 v7, v2;
	v53 =	vmul.f32 v49, v3  }
0x451: {  	(v2sf) =	vpush v6, $0x3;
	s0 =	spop (v2sf)  }
0x452: {  	s16 =	sshll.u32 s0, $0x2;
	s17 =	sand.u32 $0x7F, s0;
	s26 =	sadd.s32 $0x10, s0;
	v6 =	vadd.f32 v53, v52;
	v54 =	vmul.f32 v50, v4  }
0x453: {  	s14 =	sand.u32 $0xFFFFFE00, s16;
	s16 =	sshll.u32 s17, $0x2;
	s28 =	sand.u32 $0x7F, s26  }
0x454: {  	s17 =	sshll.u32 s26, $0x2;
	s26 =	sadd.s32 $0x20, s0;
	s0 =	sadd.s32 $0x30, s0;
	v55 =	vmul.f32 v51, v5;
	v6 =	vadd.f32 v54, v6  }
0x455: {  	s14 =	sor.u32 s16, s14;
	s29 =	sand.u32 $0xFFFFFE00, s17;
	s31 =	sshll.u32 s28, $0x2  }
0x456: {  	s28 =	sand.u32 $0x7F, s26;
	s17 =	sshll.u32 s26, $0x2;
	s14 =	sshra.s32 s14, $0x2;
	v6 =	vadd.f32 v55, v6  }
0x457: {  	s16 =	sor.u32 s31, s29;
	s17 =	sand.u32 $0xFFFFFE00, s17;
	s26 =	sshll.u32 s28, $0x2  }
0x458: {  	s31 =	sand.u32 $0x7F, s0;
	s14 =	sadd.s32 s23, s14;
	s16 =	sshra.s32 s16, $0x2;
	[tilespmem:s23+$0x14000] =	vst v6  }
0x459: {  	s0 =	sshll.u32 s0, $0x2;
	s29 =	sor.u32 s26, s17;
	s16 =	sadd.s32 s23, s16;
	v6 =	vld [tilespmem:s14+$0xF080]  }
0x45a: {  	s0 =	sand.u32 $0xFFFFFE00, s0;
	s17 =	sshll.u32 s31, $0x2;
	v56 =	vld [tilespmem:s16+$0xF080];
	s14 =	sshra.s32 s29, $0x2  }
0x45b: {  	s0 =	sor.u32 s17, s0;
	s14 =	sadd.s32 s23, s14  }
0x45c: {  	s0 =	sshra.s32 s0, $0x2;
	v57 =	vld [tilespmem:s14+$0xF080]  }
0x45d: {  	s0 =	sadd.s32 s23, s0  }
0x45e: {  	v58 =	vld [tilespmem:s0+$0xF080]  }
0x45f: {  	v6 =	vmul.f32 v6, v2;
	v7 =	vmul.f32 v56, v3  }
0x460: {  	s0 =	spop (v2sf)  }
0x461: {  	s26 =	sshll.u32 s0, $0x2;
	s28 =	sand.u32 $0x7F, s0;
	s29 =	sadd.s32 $0x10, s0;
	v6 =	vadd.f32 v7, v6;
	v59 =	vmul.f32 v57, v4  }
0x462: {  	s14 =	sand.u32 $0xFFFFFE00, s26;
	s16 =	sshll.u32 s28, $0x2;
	s31 =	sand.u32 $0x7F, s29  }
0x463: {  	s17 =	sshll.u32 s29, $0x2;
	s29 =	sadd.s32 $0x20, s0;
	s0 =	sadd.s32 $0x30, s0;
	v60 =	vmul.f32 v58, v5;
	v6 =	vadd.f32 v59, v6  }
0x464: {  	s14 =	sor.u32 s16, s14;
	s17 =	sand.u32 $0xFFFFFE00, s17;
	s28 =	sshll.u32 s31, $0x2  }
0x465: {  	s31 =	sand.u32 $0x7F, s29;
	s14 =	sshra.s32 s14, $0x2;
	s16 =	sor.u32 s28, s17;
	v6 =	vadd.f32 v60, v6  }
0x466: {  	s17 =	sshll.u32 s29, $0x2;
	s26 =	sshll.u32 s31, $0x2;
	s29 =	sand.u32 $0x7F, s0  }
0x467: {  	s14 =	sadd.s32 s23, s14;
	s16 =	sshra.s32 s16, $0x2;
	s17 =	sand.u32 $0xFFFFFE00, s17;
	[tilespmem:s23+$0x14080] =	vst v6  }
0x468: {  	s0 =	sshll.u32 s0, $0x2;
	s16 =	sadd.s32 s23, s16;
	s28 =	sor.u32 s26, s17;
	v6 =	vld [tilespmem:s14+$0xF100]  }
0x469: {  	s0 =	sand.u32 $0xFFFFFE00, s0;
	s31 =	sshll.u32 s29, $0x2;
	v61 =	vld [tilespmem:s16+$0xF100];
	s14 =	sshra.s32 s28, $0x2  }
0x46a: {  	s0 =	sor.u32 s31, s0;
	s14 =	sadd.s32 s23, s14  }
0x46b: {  	s0 =	sshra.s32 s0, $0x2;
	v62 =	vld [tilespmem:s14+$0xF100]  }
0x46c: {  	s0 =	sadd.s32 s23, s0  }
0x46d: {  	v63 =	vld [tilespmem:s0+$0xF100]  }
0x46e: {  	v2 =	vmul.f32 v6, v2;
	v3 =	vmul.f32 v61, v3;
	_ =	sdelay $0x1  }
0x46f: {  	v2 =	vadd.f32 v3, v2;
	v3 =	vmul.f32 v62, v4  }
0x470: {  	p0 =	sne.s32 s22, $0x11800  }
.Ltmp5:
0x471: {  	v2 =	vadd.f32 v3, v2;
	v3 =	vmul.f32 v63, v5;
	(pc) =	sbr.rel @p0 .LBB2_13-.Ltmp5, $4  }
0x472: {  	_ = 	snop  }
0x473: {  	v2 =	vadd.f32 v3, v2  }
0x474: {  	s25 =	sadd.s32 $0x1, s25  }
0x475: {  	s21 =	sadd.s32 $0x80, s21;
	s22 =	sadd.s32 $0x2800, s22;
	s20 =	sadd.s32 $0x14, s20;
	[tilespmem:s23+$0x14100] =	vst v2  }
0x476: {  	v2 =	vmov s8  }
0x477: {  	v2 =	vshll.u32 v2, $0x7  }
0x478: {  	v2 =	vor.u32 v1, v2  }
0x479: {  	v3 =	vor.u32 $0x1, v2;
	_ =	sdelay $0x1  }
0x47a: {  	v4 =	vor.u32 $0x2, v2;
	_ =	sdelay $0x1  }
0x47b: {  	v5 =	vor.u32 $0x3, v2;
	v6 =	vld.idx.msk [tilespmem:v2+s24+$0x0], $0xffff  }
0x47c: {  	v3 =	vld.idx.msk [tilespmem:v3+s24+$0x0], $0xffff  }
0x47d: {  	v7 =	vor.u32 $0x4, v2  }
0x47e: {  	v4 =	vld.idx.msk [tilespmem:v4+s24+$0x0], $0xffff  }
0x47f: {  	v8 =	vor.u32 $0x5, v2  }
0x480: {  	v5 =	vld.idx.msk [tilespmem:v5+s24+$0x0], $0xffff  }
0x481: {  	v9 =	vor.u32 $0x6, v2;
	v3 =	vadd.f32 v3, v6  }
0x482: {  	v6 =	vld.idx.msk [tilespmem:v7+s24+$0x0], $0xffff  }
0x483: {  	v7 =	vor.u32 $0x7, v2;
	v3 =	vadd.f32 v4, v3  }
0x484: {  	v4 =	vld.idx.msk [tilespmem:v8+s24+$0x0], $0xffff  }
0x485: {  	v52 =	vor.u32 $0x8, v2;
	v3 =	vadd.f32 v5, v3  }
0x486: {  	v5 =	vld.idx.msk [tilespmem:v9+s24+$0x0], $0xffff  }
0x487: {  	v53 =	vor.u32 $0x9, v2;
	v3 =	vadd.f32 v6, v3  }
0x488: {  	v6 =	vld.idx.msk [tilespmem:v7+s24+$0x0], $0xffff  }
0x489: {  	v7 =	vor.u32 $0xA, v2;
	v3 =	vadd.f32 v4, v3  }
0x48a: {  	v4 =	vld.idx.msk [tilespmem:v52+s24+$0x0], $0xffff  }
0x48b: {  	v54 =	vor.u32 $0xB, v2;
	v3 =	vadd.f32 v5, v3  }
0x48c: {  	v5 =	vld.idx.msk [tilespmem:v53+s24+$0x0], $0xffff  }
0x48d: {  	v55 =	vor.u32 $0xC, v2;
	v3 =	vadd.f32 v6, v3  }
0x48e: {  	v6 =	vld.idx.msk [tilespmem:v7+s24+$0x0], $0xffff  }
0x48f: {  	v7 =	vor.u32 $0xD, v2;
	v3 =	vadd.f32 v4, v3  }
0x490: {  	v4 =	vld.idx.msk [tilespmem:v54+s24+$0x0], $0xffff  }
0x491: {  	v56 =	vor.u32 $0xE, v2;
	v3 =	vadd.f32 v5, v3  }
0x492: {  	v5 =	vld.idx.msk [tilespmem:v55+s24+$0x0], $0xffff  }
0x493: {  	v2 =	vor.u32 $0xF, v2;
	v3 =	vadd.f32 v6, v3  }
0x494: {  	v6 =	vld.idx.msk [tilespmem:v7+s24+$0x0], $0xffff  }
0x495: {  	v3 =	vadd.f32 v4, v3  }
0x496: {  	v4 =	vld.idx.msk [tilespmem:v56+s24+$0x0], $0xffff  }
0x497: {  	s0 =	simm.s32 $0x10;
	v3 =	vadd.f32 v5, v3  }
0x498: {  	v2 =	vld.idx.msk [tilespmem:v2+s24+$0x0], $0xffff;
	v5 =	vmov s0  }
0x499: {  	v5 =	vshll.u32 v5, $0x7;
	v3 =	vadd.f32 v6, v3  }
0x49a: {  	v5 =	vor.u32 v1, v5  }
0x49b: {  	v6 =	vor.u32 $0x1, v5;
	v3 =	vadd.f32 v4, v3;
	_ =	sdelay $0x1  }
0x49c: {  	v2 =	vadd.f32 v2, v3  }
0x49d: {  	s8 =	simm.s32 $0x18900;
	v3 =	vor.u32 $0x2, v5  }
0x49e: {  	[tilespmem:s8+$0x0] =	vst v2  }
0x49f: {  	v4 =	vor.u32 $0x3, v5;
	v2 =	vld.idx.msk [tilespmem:v6+s24+$0x0], $0xffff  }
0x4a0: {  	v6 =	vld.idx.msk [tilespmem:v5+s24+$0x0], $0xffff  }
0x4a1: {  	v7 =	vor.u32 $0x4, v5  }
0x4a2: {  	v3 =	vld.idx.msk [tilespmem:v3+s24+$0x0], $0xffff  }
0x4a3: {  	v57 =	vor.u32 $0x5, v5  }
0x4a4: {  	v4 =	vld.idx.msk [tilespmem:v4+s24+$0x0], $0xffff  }
0x4a5: {  	v58 =	vor.u32 $0x6, v5;
	v2 =	vadd.f32 v2, v6  }
0x4a6: {  	v6 =	vld.idx.msk [tilespmem:v7+s24+$0x0], $0xffff  }
0x4a7: {  	v7 =	vor.u32 $0x7, v5;
	v2 =	vadd.f32 v3, v2  }
0x4a8: {  	v3 =	vld.idx.msk [tilespmem:v57+s24+$0x0], $0xffff  }
0x4a9: {  	v59 =	vor.u32 $0x8, v5;
	v2 =	vadd.f32 v4, v2  }
0x4aa: {  	v4 =	vld.idx.msk [tilespmem:v58+s24+$0x0], $0xffff  }
0x4ab: {  	v60 =	vor.u32 $0x9, v5;
	v2 =	vadd.f32 v6, v2  }
0x4ac: {  	v6 =	vld.idx.msk [tilespmem:v7+s24+$0x0], $0xffff  }
0x4ad: {  	v7 =	vor.u32 $0xA, v5;
	v2 =	vadd.f32 v3, v2  }
0x4ae: {  	v3 =	vld.idx.msk [tilespmem:v59+s24+$0x0], $0xffff  }
0x4af: {  	v61 =	vor.u32 $0xB, v5;
	v2 =	vadd.f32 v4, v2  }
0x4b0: {  	v4 =	vld.idx.msk [tilespmem:v60+s24+$0x0], $0xffff  }
0x4b1: {  	v62 =	vor.u32 $0xC, v5;
	v2 =	vadd.f32 v6, v2  }
0x4b2: {  	v6 =	vld.idx.msk [tilespmem:v7+s24+$0x0], $0xffff  }
0x4b3: {  	v2 =	vadd.f32 v3, v2  }
0x4b4: {  	v7 =	vor.u32 $0xD, v5;
	v3 =	vld.idx.msk [tilespmem:v61+s24+$0x0], $0xffff  }
0x4b5: {  	v2 =	vadd.f32 v4, v2  }
0x4b6: {  	v63 =	vor.u32 $0xE, v5;
	v4 =	vld.idx.msk [tilespmem:v62+s24+$0x0], $0xffff  }
0x4b7: {  	v2 =	vadd.f32 v6, v2  }
0x4b8: {  	v5 =	vor.u32 $0xF, v5  }
0x4b9: {  	v6 =	vld.idx.msk [tilespmem:v7+s24+$0x0], $0xffff;
	v2 =	vadd.f32 v3, v2;
	_ =	sdelay $0x1  }
0x4ba: {  	v4 =	vadd.f32 v4, v2;
	v2 =	vld.idx.msk [tilespmem:v63+s24+$0x0], $0xffff  }
0x4bb: {  	s31 =	simm.s32 $0x20  }
0x4bc: {  	v7 =	vmov s31;
	v3 =	vld.idx.msk [tilespmem:v5+s24+$0x0], $0xffff  }
0x4bd: {  	s20 =	simm.s32 $0x30;
	v5 =	vshll.u32 v7, $0x7;
	v4 =	vadd.f32 v6, v4  }
.LBB2_15:
0x4be: {  	p0 =	sne.s32 s20, $0x90;
	v5 =	vor.u32 v1, v5  }
0x4bf: {  	v6 =	vor.u32 $0x1, v5;
	v2 =	vadd.f32 v2, v4;
	_ =	sdelay $0x1  }
0x4c0: {  	v2 =	vadd.f32 v3, v2  }
0x4c1: {  	s8 =	sadd.s32 $0x10, s8;
	v3 =	vor.u32 $0x2, v5  }
0x4c2: {  	[tilespmem:s8+$0x0] =	vst v2  }
0x4c3: {  	v4 =	vor.u32 $0x3, v5;
	v2 =	vld.idx.msk [tilespmem:v6+s24+$0x0], $0xffff  }
0x4c4: {  	v6 =	vld.idx.msk [tilespmem:v5+s24+$0x0], $0xffff  }
0x4c5: {  	v7 =	vor.u32 $0x4, v5  }
0x4c6: {  	v3 =	vld.idx.msk [tilespmem:v3+s24+$0x0], $0xffff  }
0x4c7: {  	v8 =	vor.u32 $0x5, v5  }
0x4c8: {  	v4 =	vld.idx.msk [tilespmem:v4+s24+$0x0], $0xffff  }
0x4c9: {  	v9 =	vor.u32 $0x6, v5  }
0x4ca: {  	v2 =	vadd.f32 v2, v6;
	v6 =	vld.idx.msk [tilespmem:v7+s24+$0x0], $0xffff  }
0x4cb: {  	v7 =	vor.u32 $0x7, v5  }
0x4cc: {  	v2 =	vadd.f32 v3, v2;
	v3 =	vld.idx.msk [tilespmem:v8+s24+$0x0], $0xffff  }
0x4cd: {  	v8 =	vor.u32 $0x8, v5  }
0x4ce: {  	v2 =	vadd.f32 v4, v2;
	v4 =	vld.idx.msk [tilespmem:v9+s24+$0x0], $0xffff  }
0x4cf: {  	v9 =	vor.u32 $0x9, v5  }
0x4d0: {  	v2 =	vadd.f32 v6, v2;
	v6 =	vld.idx.msk [tilespmem:v7+s24+$0x0], $0xffff  }
0x4d1: {  	v7 =	vor.u32 $0xA, v5  }
0x4d2: {  	v2 =	vadd.f32 v3, v2;
	v3 =	vld.idx.msk [tilespmem:v8+s24+$0x0], $0xffff  }
0x4d3: {  	v8 =	vor.u32 $0xB, v5  }
0x4d4: {  	v2 =	vadd.f32 v4, v2;
	v4 =	vld.idx.msk [tilespmem:v9+s24+$0x0], $0xffff  }
0x4d5: {  	v9 =	vor.u32 $0xC, v5  }
0x4d6: {  	v2 =	vadd.f32 v6, v2;
	v6 =	vld.idx.msk [tilespmem:v7+s24+$0x0], $0xffff  }
0x4d7: {  	v7 =	vor.u32 $0xD, v5  }
0x4d8: {  	v2 =	vadd.f32 v3, v2;
	v3 =	vld.idx.msk [tilespmem:v8+s24+$0x0], $0xffff  }
0x4d9: {  	v8 =	vor.u32 $0xE, v5  }
0x4da: {  	v2 =	vadd.f32 v4, v2;
	v4 =	vld.idx.msk [tilespmem:v9+s24+$0x0], $0xffff  }
0x4db: {  	v5 =	vor.u32 $0xF, v5  }
0x4dc: {  	v2 =	vadd.f32 v6, v2;
	v6 =	vld.idx.msk [tilespmem:v7+s24+$0x0], $0xffff;
	_ =	sdelay $0x1  }
.Ltmp6:
0x4dd: {  	v3 =	vadd.f32 v3, v2;
	v2 =	vld.idx.msk [tilespmem:v8+s24+$0x0], $0xffff;
	(pc) =	sbr.rel @p0 .LBB2_15-.Ltmp6, $4  }
0x4de: {  	_ = 	snop  }
0x4df: {  	v4 =	vadd.f32 v4, v3;
	v3 =	vld.idx.msk [tilespmem:v5+s24+$0x0], $0xffff  }
0x4e0: {  	v5 =	vmov s20  }
0x4e1: {  	s20 =	sadd.s32 $0x10, s20;
	v5 =	vshll.u32 v5, $0x7;
	v4 =	vadd.f32 v6, v4  }
0x4e2: {  	v5 =	vor.u32 v1, v5  }
0x4e3: {  	v6 =	vor.u32 $0x1, v5;
	v2 =	vadd.f32 v2, v4;
	_ =	sdelay $0x1  }
0x4e4: {  	v2 =	vadd.f32 v3, v2  }
0x4e5: {  	s0 =	sadd.s32 $0x10, s8;
	v3 =	vor.u32 $0x2, v5  }
0x4e6: {  	[tilespmem:s0+$0x0] =	vst v2  }
0x4e7: {  	v46 =	vor.u32 $0x3, v5;
	v2 =	vld.idx.msk [tilespmem:v6+s24+$0x0], $0xffff  }
0x4e8: {  	v47 =	vld.idx.msk [tilespmem:v5+s24+$0x0], $0xffff  }
0x4e9: {  	v7 =	vor.u32 $0x4, v5  }
0x4ea: {  	v3 =	vld.idx.msk [tilespmem:v3+s24+$0x0], $0xffff  }
0x4eb: {  	v8 =	vor.u32 $0x5, v5  }
0x4ec: {  	v4 =	vld.idx.msk [tilespmem:v46+s24+$0x0], $0xffff  }
0x4ed: {  	v9 =	vor.u32 $0x6, v5;
	v2 =	vadd.f32 v2, v47  }
0x4ee: {  	v48 =	vld.idx.msk [tilespmem:v7+s24+$0x0], $0xffff  }
0x4ef: {  	v49 =	vor.u32 $0x7, v5;
	v2 =	vadd.f32 v3, v2  }
0x4f0: {  	v3 =	vld.idx.msk [tilespmem:v8+s24+$0x0], $0xffff  }
0x4f1: {  	v50 =	vor.u32 $0x8, v5;
	v2 =	vadd.f32 v4, v2  }
0x4f2: {  	v51 =	vld.idx.msk [tilespmem:v9+s24+$0x0], $0xffff  }
0x4f3: {  	v52 =	vor.u32 $0x9, v5;
	v2 =	vadd.f32 v48, v2  }
0x4f4: {  	v53 =	vld.idx.msk [tilespmem:v49+s24+$0x0], $0xffff  }
0x4f5: {  	v54 =	vor.u32 $0xA, v5;
	v2 =	vadd.f32 v3, v2  }
0x4f6: {  	v3 =	vld.idx.msk [tilespmem:v50+s24+$0x0], $0xffff  }
0x4f7: {  	v55 =	vor.u32 $0xB, v5;
	v2 =	vadd.f32 v51, v2  }
0x4f8: {  	v56 =	vld.idx.msk [tilespmem:v52+s24+$0x0], $0xffff  }
0x4f9: {  	v57 =	vor.u32 $0xC, v5;
	v2 =	vadd.f32 v53, v2  }
0x4fa: {  	v58 =	vld.idx.msk [tilespmem:v54+s24+$0x0], $0xffff  }
0x4fb: {  	v59 =	vor.u32 $0xD, v5;
	v2 =	vadd.f32 v3, v2  }
0x4fc: {  	v3 =	vld.idx.msk [tilespmem:v55+s24+$0x0], $0xffff  }
0x4fd: {  	v60 =	vor.u32 $0xE, v5;
	v2 =	vadd.f32 v56, v2  }
0x4fe: {  	v61 =	vld.idx.msk [tilespmem:v57+s24+$0x0], $0xffff  }
0x4ff: {  	v5 =	vor.u32 $0xF, v5;
	v2 =	vadd.f32 v58, v2  }
0x500: {  	v62 =	vld.idx.msk [tilespmem:v59+s24+$0x0], $0xffff  }
0x501: {  	v2 =	vadd.f32 v3, v2  }
0x502: {  	v3 =	vld.idx.msk [tilespmem:v60+s24+$0x0], $0xffff  }
0x503: {  	v2 =	vadd.f32 v61, v2  }
0x504: {  	v63 =	vld.idx.msk [tilespmem:v5+s24+$0x0], $0xffff  }
0x505: {  	v2 =	vadd.f32 v62, v2  }
0x506: {  	s7 =	sadd.s32 s6, s7;
	s18 =	sadd.s32 $0x1, s18  }
0x507: {  	s7 =	smul.u32 $0x14, s7;
	p0 =	sne.s32 s18, $0x8;
	v2 =	vadd.f32 v3, v2  }
.Ltmp7:
0x508: {  	s31 =	simm.s32 $0x18900;
	(pc) =	sbr.rel @p0 .LBB2_8-.Ltmp7, $4  }
0x509: {  	s11 =	sadd.s32 $0x140, s11;
	s10 =	sadd.s32 $0x800, s10;
	s9 =	sadd.s32 $0x10, s9;
	v2 =	vadd.f32 v63, v2  }
0x50a: {  	s12 =	sadd.s32 $0x140, s12;
	s7 =	sshrl.u32 s7, $0x3;
	s0 =	sadd.s32 $0x10, s0  }
0x50b: {  	s13 =	sadd.s32 $0x800, s13;
	s3 =	sadd.s32 $0x10, s3;
	s29 =	sadd.s32 s5, s7;
	[tilespmem:s0+$0x0] =	vst v2  }
0x50c: {  	[hbm4b:s29+s2] =	stream.linear.scatter [tilespmem:s31], [sflag:$0x6], $0xA0, $0x38;
	[tilespmem:$0x18A00] =	vst v63  }
0x50d: {  	s3 =	simm.s32 $0x6  }
0x50e: {  	_ =	swait.ge [sflag:s3], $0xA0  }
0x50f: {  	[sflag:s3] =	ssyncset.done $0x0  }
0x510: {  	[sflag:s3] =	ssyncadd.s32 $0xFFFFFF60  }
0x511: {  	_ =	swait.ge [sflag:s3], $0xA0  }
0x512: {  	s7 =	rddreg [dreg:$0xa]  }
0x513: {  	s0 =	rddreg [dreg:$0x9];
	s7 =	sadd.s32 $0x1, s7  }
0x514: {  	p0 =	sne.s32 s7, s0  }
.Ltmp8:
0x515: {  	_ = 	snop;
	(pc) =	sbr.rel @p0 .LBB2_1-.Ltmp8, $3  }
0x516: {  	_ =	sdelay $0x1  }
0x517: {  	[sflag:s3] =	ssyncset.done $0x0  }
0x518: {  	s9 =	simm.s32 $0x300;
	[sflag:s3] =	ssyncadd.s32 $0xFFFFFF60  }
0x519: {  	_ =	sfence.sel $0x180000  }
0x51a: {  	[bflag:$0x0] =	sbarrier.arrive $0xFFFF  }
0x51b: {  	_ =	strace $0x90000047  }
0x51c: {  	s0 =	stileid.u32;
	[bflag:$0x2] =	sbarrier.arrive $0xFFFF  }
0x51d: {  	p0 =	sne.s32 s0, $0x0;
	s0 =	rddreg [dreg:$0x3]  }
0x51e: {  	s0 =	sadd.s32 @!p0 $0x100000, s0  }
0x51f: {  	[sflag:s0] =	ssyncadd.tile.s32 @!p0 $0x1;
	_ =	shalt  }
.Lfunc_end2:
_tile_overlayer_lowered:
.L_overlay_start_2:
0x520: {  	(tag) =	ssettag $0x2  }
0x521: {  	s0 =	rddreg [dreg:$0x0];
	s2 =	stileid.u32  }
0x522: {  	s1 =	rddreg [dreg:$0x1];
	p0 =	sne.s32 s2, $0x0  }
0x523: {  	s3 =	rddreg [dreg:$0x2];
	[bflag:$0x3] =	sbarrier.arrive $0xFFFF;
	s2 =	simm.s32 @!p0 $0x1C07  }
0x524: {  	[timem:s3], [sflag:s2] =	dma.local @!p0 [hbm:s0], s1  }
0x525: {  	s0 =	simm.s32 @!p0 $0x7  }
0x526: {  	_ =	swait.ge @!p0 [sflag:s0], s1  }
0x527: {  	s1 =	ssub.s32 @!p0 $0x0, s1;
	[sflag:s0] =	ssyncset.done @!p0 $0x0  }
0x528: {  	[sflag:s0] =	ssyncadd.s32 @!p0 s1  }
0x529: {  	[bflag:$0x3] =	sbarrier.arrive $0xFFFF  }
0x52a: {  	_ =	shalt  }

</sc_bundles>
